<compile_context>
chip_gen: v7x
topology: tpu7x:2x2x1
jax: 0.10.2.dev20260603
libtpu: 0.0.44.dev20260713+nightly
codegen_flags: <defaults>
</compile_context>

<pallas_src>
import functools

import jax
import jax.numpy as jnp
from jax import lax
from jax.experimental import pallas as pl
from jax.experimental.pallas import tpu as pltpu
from jax.experimental.pallas import tpu_sc as plsc

_B = 4096
_DC = 128
_D = 64
_K = 200
_KP = 208
_G = _KP // 16
_CH = 100
_NC = 2
_NS = 16
_NW = _NC * _NS
_BPW = _B // _NW
_NBUF = 4


def _ctx_body(x_ref, w_ref, b_ref, o_ref):
    o_ref[...] = jnp.maximum(
        jnp.dot(x_ref[...], w_ref[...], preferred_element_type=jnp.float32)
        + b_ref[...],
        0.0,
    )


def _context_mlp(x, W, b):
    blk = 512
    return pl.pallas_call(
        _ctx_body,
        grid=(_B // blk,),
        in_specs=[
            pl.BlockSpec((blk, _DC), lambda i: (i, 0)),
            pl.BlockSpec((_DC, _D), lambda i: (0, 0)),
            pl.BlockSpec((1, _D), lambda i: (0, 0)),
        ],
        out_specs=pl.BlockSpec((blk, _D), lambda i: (i, 0)),
        out_shape=jax.ShapeDtypeStruct((_B, _D), jnp.float32),
    )(x, W, b.reshape(1, _D))


def _sc_body(table_hbm, ak_hbm, ctx_hbm, out_hbm,
             idx_v, ctx_v, rows_v, scores_v,
             out_v0, out_v1, out_v2, out_v3,
             gsem0, gsem1, gsem2, gsem3, osem0, osem1, osem2, osem3):
    out_vs = (out_v0, out_v1, out_v2, out_v3)
    wid = lax.axis_index("s") * _NC + lax.axis_index("c")
    base = wid * _BPW

    pltpu.sync_copy(ak_hbm.at[pl.ds(base, _BPW)], idx_v)
    pltpu.sync_copy(ctx_hbm.at[pl.ds(base, _BPW)], ctx_v)

    gsems = (gsem0, gsem1, gsem2, gsem3)
    osems = (osem0, osem1, osem2, osem3)
    lane = lax.iota(jnp.int32, 16)

    def issue_gather(b, p):
        for j in range(2):
            pltpu.async_copy(
                table_hbm.at[idx_v.at[b, j]],
                rows_v.at[p, pl.ds(j * _CH, _CH)],
                gsems[p],
            )

    def wait_gather(b, p):
        for j in range(2):
            pltpu.make_async_copy(
                table_hbm.at[idx_v.at[b, j]],
                rows_v.at[p, pl.ds(j * _CH, _CH)],
                gsems[p],
            ).wait()

    for p in range(_NBUF):
        issue_gather(p, p)

    @pl.loop(0, _BPW // _NBUF)
    def _outer(b2):
        for p in range(_NBUF):
            b = b2 * _NBUF + p
            wait_gather(b, p)

            c0 = ctx_v[b, pl.ds(0, 16)]
            c1 = ctx_v[b, pl.ds(16, 16)]
            c2 = ctx_v[b, pl.ds(32, 16)]
            c3 = ctx_v[b, pl.ds(48, 16)]

            @pl.loop(0, _G, init_carry=jnp.full((16,), -1e30, jnp.float32))
            def _groups(g, m):
                v = jnp.zeros((16,), jnp.float32)
                for kk in range(16):
                    k = g * 16 + kk
                    acc = rows_v[p, k, pl.ds(0, 16)] * c0
                    acc = acc + rows_v[p, k, pl.ds(16, 16)] * c1
                    acc = acc + rows_v[p, k, pl.ds(32, 16)] * c2
                    acc = acc + rows_v[p, k, pl.ds(48, 16)] * c3
                    v = jnp.where(lane == kk, jnp.sum(acc), v)
                v = jnp.where(g * 16 + lane < _K, v, -1e30)
                scores_v[pl.ds(g * 16, 16)] = v
                return jnp.maximum(m, v)

            m = _groups
            mx = jnp.max(m)

            @pl.when(b + _NBUF < _BPW)
            def _():
                issue_gather(b + _NBUF, p)

            @pl.when(b2 > 0)
            def _():
                pltpu.make_async_copy(
                    out_vs[p].at[pl.ds(0, _K)],
                    out_hbm.at[base + b - _NBUF],
                    osems[p],
                ).wait()

            @pl.loop(0, _G, init_carry=jnp.zeros((16,), jnp.float32))
            def _expsum(g, tot):
                e = jnp.exp(scores_v[pl.ds(g * 16, 16)] - mx)
                out_vs[p][pl.ds(g * 16, 16)] = e
                return tot + e

            tvec = jnp.zeros((16,), jnp.float32) + jnp.sum(_expsum)

            @pl.loop(0, _G)
            def _scale(g):
                out_vs[p][pl.ds(g * 16, 16)] = out_vs[p][pl.ds(g * 16, 16)] / tvec

            pltpu.async_copy(
                out_vs[p].at[pl.ds(0, _K)],
                out_hbm.at[base + b],
                osems[p],
            )

    for p in range(_NBUF):
        pltpu.make_async_copy(
            out_vs[p].at[pl.ds(0, _K)],
            out_hbm.at[base + _BPW - _NBUF + p],
            osems[p],
        ).wait()


_sc_kernel = functools.partial(
    pl.kernel,
    out_type=jax.ShapeDtypeStruct((_B, _K), jnp.float32),
    mesh=plsc.VectorSubcoreMesh(core_axis_name="c", subcore_axis_name="s"),
    compiler_params=pltpu.CompilerParams(
        needs_layout_passes=False, use_tc_tiling_on_sc=False
    ),
    scratch_types=[
        pltpu.VMEM((_BPW, 2, _CH), jnp.int32),
        pltpu.VMEM((_BPW, _D), jnp.float32),
        pltpu.VMEM((_NBUF, _KP, _D), jnp.float32),
        pltpu.VMEM((_KP,), jnp.float32),
        pltpu.VMEM((_KP,), jnp.float32),
        pltpu.VMEM((_KP,), jnp.float32),
        pltpu.VMEM((_KP,), jnp.float32),
        pltpu.VMEM((_KP,), jnp.float32),
    ] + [pltpu.SemaphoreType.DMA] * 8,
)(_sc_body)


def kernel(x, A_k, W, b, table):
    ctx = _context_mlp(x, W, b)
    ak = (A_k.astype(jnp.int32) * 2).reshape(_B, 2, _CH)
    tp = jnp.pad(table, ((0, 0), (0, _D))).reshape(2 * 1000000, _D)
    return _sc_kernel(tp, ak, ctx)

# --- scband reference (transcript-rebuilt; emitter-appended) ---
"""Pipeline reference for scband-softmax-second-stage-policy-24670292149143 (READ-ONLY COPY).

The authoritative reference and input builder live on the scoring server;
editing this copy changes nothing except your own understanding.
"""

import jax, jax.numpy as jnp
import numpy as np

B = 4096
DIM_CONTEXT = 128
EMB_DIM = 64
VOCAB = 1000000
K = 200

def setup_inputs(seed: int = 0) -> dict:
    key = jax.random.key(seed)
    k1, k2, k3, k4, k5 = jax.random.split(key, 5)
    x = jax.random.normal(k1, (B, DIM_CONTEXT), dtype=jnp.float32)
    A_k = jax.random.randint(k2, (B, K), 0, VOCAB, dtype=jnp.int64)
    # learned params: fc = Linear(dim_context, emb_dim) + ReLU; embedding table from first_stage_policy
    W = jax.random.normal(k3, (DIM_CONTEXT, EMB_DIM), dtype=jnp.float32) * (1.0 / np.sqrt(DIM_CONTEXT))
    b = jnp.zeros((EMB_DIM,), dtype=jnp.float32)
    table = jax.random.normal(k4, (VOCAB, EMB_DIM), dtype=jnp.float32) * 0.02
    return {"x": x, "A_k": A_k, "W": W, "b": b, "table": table}

def reference(x, A_k, W, b, table):
    # context_repr = ReLU(Linear(x))
    context_repr = jnp.maximum(jnp.dot(x, W) + b, 0.0)  # [B, emb_dim]
    # item_embs = first_stage_policy.item_embeddings(A_k)  -> gather (SparseCore embedding lookup)
    item_embs = jnp.take(table, A_k, axis=0)  # [B, K, emb_dim]
    # scores = matmul(item_embs, context_repr.unsqueeze(-1)).squeeze(-1)
    scores = jnp.squeeze(jnp.matmul(item_embs, context_repr[:, :, None]), axis=-1)  # [B, K]
    probs = jax.nn.softmax(scores, axis=1)
    return probs

if __name__ == "__main__":
    import jax
    _d = setup_inputs()
    print(jax.jit(kernel)(*tuple(_d.values())))

</pallas_src>

<mosaic_0001>
#map = affine_map<(d0, d1) -> (0, 0)>
#map1 = affine_map<(d0, d1) -> (0, 0, 0)>
module attributes {stable_mosaic.version = 14 : i64} {
  func.func @_sc_body(%arg0: i32, %arg1: i32, %arg2: memref<2000000x64xf32, #tpu.memory_space<hbm>>, %arg3: memref<4096x2x100xi32, #tpu.memory_space<hbm>>, %arg4: memref<4096x64xf32, #tpu.memory_space<hbm>>, %arg5: memref<4096x200xf32, #tpu.memory_space<hbm>>, %arg6: memref<128x2x100xi32, #tpu.memory_space<vmem>>, %arg7: memref<128x64xf32, #tpu.memory_space<vmem>>, %arg8: memref<4x208x64xf32, #tpu.memory_space<vmem>>, %arg9: memref<208xf32, #tpu.memory_space<vmem>>, %arg10: memref<208xf32, #tpu.memory_space<vmem>>, %arg11: memref<208xf32, #tpu.memory_space<vmem>>, %arg12: memref<208xf32, #tpu.memory_space<vmem>>, %arg13: memref<208xf32, #tpu.memory_space<vmem>>, %arg14: memref<!tpu.dma_semaphore, #tpu.memory_space<semaphore_mem>>, %arg15: memref<!tpu.dma_semaphore, #tpu.memory_space<semaphore_mem>>, %arg16: memref<!tpu.dma_semaphore, #tpu.memory_space<semaphore_mem>>, %arg17: memref<!tpu.dma_semaphore, #tpu.memory_space<semaphore_mem>>, %arg18: memref<!tpu.dma_semaphore, #tpu.memory_space<semaphore_mem>>, %arg19: memref<!tpu.dma_semaphore, #tpu.memory_space<semaphore_mem>>, %arg20: memref<!tpu.dma_semaphore, #tpu.memory_space<semaphore_mem>>, %arg21: memref<!tpu.dma_semaphore, #tpu.memory_space<semaphore_mem>>) attributes {dimension_semantics = [#tpu.dimension_semantics<core_parallel>, #tpu.dimension_semantics<subcore_parallel>], iteration_bounds = array<i64: 2, 16>, scalar_prefetch = 0 : i64, scratch_operands = 16 : i64, tpu.core_type = #tpu.core_type<sc_vector_subcore>, window_params = [{transform_indices = #map}, {transform_indices = #map1}, {transform_indices = #map}, {transform_indices = #map}]} {
    %mul3A = arith.constant 2 : i32
    %mul3A_0 = arith.muli %arg1, %mul3A : i32
    %add3A = arith.addi %mul3A_0, %arg0 : i32
    %mul3A_1 = arith.constant 128 : i32
    %mul3A_2 = arith.muli %add3A, %mul3A_1 : i32
    "tpu.region"() ({
      %run_scoped3A = tpu.sem_alloc : memref<!tpu.dma_semaphore, #tpu.memory_space<semaphore_mem>>
      %dma_start3A_172 = arith.constant 0 : i32
      %dma_start3A_173 = arith.constant 0 : i32
      %dma_start3A_174 = tpu.memref_slice %arg3[%mul3A_2, %dma_start3A_172, %dma_start3A_173] : memref<4096x2x100xi32, #tpu.memory_space<hbm>> -> memref<128x2x100xi32, #tpu.memory_space<hbm>>
      %dma_start3A_175 = arith.constant 0 : i32
      %dma_start3A_176 = arith.constant 0 : i32
      %dma_start3A_177 = tpu.memref_slice %arg3[%mul3A_2, %dma_start3A_175, %dma_start3A_176] : memref<4096x2x100xi32, #tpu.memory_space<hbm>> -> memref<128x2x100xi32, #tpu.memory_space<hbm>>
      tpu.enqueue_dma source(%dma_start3A_177 : memref<128x2x100xi32, #tpu.memory_space<hbm>>) target(%arg6 : memref<128x2x100xi32, #tpu.memory_space<vmem>>) target_semaphore(%run_scoped3A : memref<!tpu.dma_semaphore, #tpu.memory_space<semaphore_mem>>)
      %dma_wait3A_178 = arith.constant 0 : i32
      %dma_wait3A_179 = arith.constant 0 : i32
      %dma_wait3A_180 = tpu.memref_slice %arg3[%mul3A_2, %dma_wait3A_178, %dma_wait3A_179] : memref<4096x2x100xi32, #tpu.memory_space<hbm>> -> memref<128x2x100xi32, #tpu.memory_space<hbm>>
      %dma_wait3A_181 = arith.constant 0 : i32
      %dma_wait3A_182 = arith.constant 0 : i32
      %dma_wait3A_183 = tpu.memref_slice %arg3[%mul3A_2, %dma_wait3A_181, %dma_wait3A_182] : memref<4096x2x100xi32, #tpu.memory_space<hbm>> -> memref<128x2x100xi32, #tpu.memory_space<hbm>>
      tpu.wait_dma2 semaphore(%run_scoped3A : memref<!tpu.dma_semaphore, #tpu.memory_space<semaphore_mem>>) src(%dma_wait3A_183 : memref<128x2x100xi32, #tpu.memory_space<hbm>>) dst(%arg6 : memref<128x2x100xi32, #tpu.memory_space<vmem>>)
      tpu.yield
    }) : () -> ()
    "tpu.region"() ({
      %run_scoped3A = tpu.sem_alloc : memref<!tpu.dma_semaphore, #tpu.memory_space<semaphore_mem>>
      %dma_start3A_172 = arith.constant 0 : i32
      %dma_start3A_173 = tpu.memref_slice %arg4[%mul3A_2, %dma_start3A_172] : memref<4096x64xf32, #tpu.memory_space<hbm>> -> memref<128x64xf32, #tpu.memory_space<hbm>>
      %dma_start3A_174 = arith.constant 0 : i32
      %dma_start3A_175 = tpu.memref_slice %arg4[%mul3A_2, %dma_start3A_174] : memref<4096x64xf32, #tpu.memory_space<hbm>> -> memref<128x64xf32, #tpu.memory_space<hbm>>
      tpu.enqueue_dma source(%dma_start3A_175 : memref<128x64xf32, #tpu.memory_space<hbm>>) target(%arg7 : memref<128x64xf32, #tpu.memory_space<vmem>>) target_semaphore(%run_scoped3A : memref<!tpu.dma_semaphore, #tpu.memory_space<semaphore_mem>>)
      %dma_wait3A_176 = arith.constant 0 : i32
      %dma_wait3A_177 = tpu.memref_slice %arg4[%mul3A_2, %dma_wait3A_176] : memref<4096x64xf32, #tpu.memory_space<hbm>> -> memref<128x64xf32, #tpu.memory_space<hbm>>
      %dma_wait3A_178 = arith.constant 0 : i32
      %dma_wait3A_179 = tpu.memref_slice %arg4[%mul3A_2, %dma_wait3A_178] : memref<4096x64xf32, #tpu.memory_space<hbm>> -> memref<128x64xf32, #tpu.memory_space<hbm>>
      tpu.wait_dma2 semaphore(%run_scoped3A : memref<!tpu.dma_semaphore, #tpu.memory_space<semaphore_mem>>) src(%dma_wait3A_179 : memref<128x64xf32, #tpu.memory_space<hbm>>) dst(%arg7 : memref<128x64xf32, #tpu.memory_space<vmem>>)
      tpu.yield
    }) : () -> ()
    %iota3A = tpu.iota {dimensions = array<i32: 0>} : vector<16xi32>
    %dma_start3A = arith.constant 0 : i32
    %dma_start3A_3 = arith.constant 0 : i32
    %dma_start3A_4 = arith.constant 0 : i32
    %dma_start3A_5 = arith.constant 0 : i32
    %dma_start3A_6 = arith.constant 0 : i32
    %dma_start3A_7 = tpu.memref_slice %arg8[%dma_start3A_4, %dma_start3A_5, %dma_start3A_6] : memref<4x208x64xf32, #tpu.memory_space<vmem>> -> memref<1x100x64xf32, #tpu.memory_space<vmem>>
    %dma_start3A_8 = tpu.memref_squeeze %dma_start3A_7 : memref<1x100x64xf32, #tpu.memory_space<vmem>> -> memref<100x64xf32, #tpu.memory_space<vmem>>
    %dma_start3A_9 = arith.constant 0 : i32
    %dma_start3A_10 = tpu.memref_slice %arg6[%dma_start3A, %dma_start3A_3, %dma_start3A_9] : memref<128x2x100xi32, #tpu.memory_space<vmem>> -> memref<1x1x100xi32, #tpu.memory_space<vmem>>
    %dma_start3A_11 = tpu.memref_squeeze %dma_start3A_10 : memref<1x1x100xi32, #tpu.memory_space<vmem>> -> memref<100xi32, #tpu.memory_space<vmem>>
    %dma_start3A_12 = arith.constant 0 : i32
    %dma_start3A_13 = arith.constant 0 : i32
    %dma_start3A_14 = tpu.memref_slice %arg2[%dma_start3A_12, %dma_start3A_13] : memref<2000000x64xf32, #tpu.memory_space<hbm>> -> memref<2000000x64xf32, #tpu.memory_space<hbm>>
    tpu.enqueue_indirect_dma source(%dma_start3A_14 : memref<2000000x64xf32, #tpu.memory_space<hbm>>) target(%dma_start3A_8 : memref<100x64xf32, #tpu.memory_space<vmem>>) offsets(%dma_start3A_11 : memref<100xi32, #tpu.memory_space<vmem>>) semaphore(%arg14 : memref<!tpu.dma_semaphore, #tpu.memory_space<semaphore_mem>>)
    %dma_start3A_15 = arith.constant 0 : i32
    %dma_start3A_16 = arith.constant 1 : i32
    %dma_start3A_17 = arith.constant 0 : i32
    %dma_start3A_18 = arith.constant 100 : i32
    %dma_start3A_19 = arith.constant 0 : i32
    %dma_start3A_20 = tpu.memref_slice %arg8[%dma_start3A_17, %dma_start3A_18, %dma_start3A_19] : memref<4x208x64xf32, #tpu.memory_space<vmem>> -> memref<1x100x64xf32, #tpu.memory_space<vmem>>
    %dma_start3A_21 = tpu.memref_squeeze %dma_start3A_20 : memref<1x100x64xf32, #tpu.memory_space<vmem>> -> memref<100x64xf32, #tpu.memory_space<vmem>>
    %dma_start3A_22 = arith.constant 0 : i32
    %dma_start3A_23 = tpu.memref_slice %arg6[%dma_start3A_15, %dma_start3A_16, %dma_start3A_22] : memref<128x2x100xi32, #tpu.memory_space<vmem>> -> memref<1x1x100xi32, #tpu.memory_space<vmem>>
    %dma_start3A_24 = tpu.memref_squeeze %dma_start3A_23 : memref<1x1x100xi32, #tpu.memory_space<vmem>> -> memref<100xi32, #tpu.memory_space<vmem>>
    %dma_start3A_25 = arith.constant 0 : i32
    %dma_start3A_26 = arith.constant 0 : i32
    %dma_start3A_27 = tpu.memref_slice %arg2[%dma_start3A_25, %dma_start3A_26] : memref<2000000x64xf32, #tpu.memory_space<hbm>> -> memref<2000000x64xf32, #tpu.memory_space<hbm>>
    tpu.enqueue_indirect_dma source(%dma_start3A_27 : memref<2000000x64xf32, #tpu.memory_space<hbm>>) target(%dma_start3A_21 : memref<100x64xf32, #tpu.memory_space<vmem>>) offsets(%dma_start3A_24 : memref<100xi32, #tpu.memory_space<vmem>>) semaphore(%arg14 : memref<!tpu.dma_semaphore, #tpu.memory_space<semaphore_mem>>)
    %dma_start3A_28 = arith.constant 1 : i32
    %dma_start3A_29 = arith.constant 0 : i32
    %dma_start3A_30 = arith.constant 1 : i32
    %dma_start3A_31 = arith.constant 0 : i32
    %dma_start3A_32 = arith.constant 0 : i32
    %dma_start3A_33 = tpu.memref_slice %arg8[%dma_start3A_30, %dma_start3A_31, %dma_start3A_32] : memref<4x208x64xf32, #tpu.memory_space<vmem>> -> memref<1x100x64xf32, #tpu.memory_space<vmem>>
    %dma_start3A_34 = tpu.memref_squeeze %dma_start3A_33 : memref<1x100x64xf32, #tpu.memory_space<vmem>> -> memref<100x64xf32, #tpu.memory_space<vmem>>
    %dma_start3A_35 = arith.constant 0 : i32
    %dma_start3A_36 = tpu.memref_slice %arg6[%dma_start3A_28, %dma_start3A_29, %dma_start3A_35] : memref<128x2x100xi32, #tpu.memory_space<vmem>> -> memref<1x1x100xi32, #tpu.memory_space<vmem>>
    %dma_start3A_37 = tpu.memref_squeeze %dma_start3A_36 : memref<1x1x100xi32, #tpu.memory_space<vmem>> -> memref<100xi32, #tpu.memory_space<vmem>>
    %dma_start3A_38 = arith.constant 0 : i32
    %dma_start3A_39 = arith.constant 0 : i32
    %dma_start3A_40 = tpu.memref_slice %arg2[%dma_start3A_38, %dma_start3A_39] : memref<2000000x64xf32, #tpu.memory_space<hbm>> -> memref<2000000x64xf32, #tpu.memory_space<hbm>>
    tpu.enqueue_indirect_dma source(%dma_start3A_40 : memref<2000000x64xf32, #tpu.memory_space<hbm>>) target(%dma_start3A_34 : memref<100x64xf32, #tpu.memory_space<vmem>>) offsets(%dma_start3A_37 : memref<100xi32, #tpu.memory_space<vmem>>) semaphore(%arg15 : memref<!tpu.dma_semaphore, #tpu.memory_space<semaphore_mem>>)
    %dma_start3A_41 = arith.constant 1 : i32
    %dma_start3A_42 = arith.constant 1 : i32
    %dma_start3A_43 = arith.constant 1 : i32
    %dma_start3A_44 = arith.constant 100 : i32
    %dma_start3A_45 = arith.constant 0 : i32
    %dma_start3A_46 = tpu.memref_slice %arg8[%dma_start3A_43, %dma_start3A_44, %dma_start3A_45] : memref<4x208x64xf32, #tpu.memory_space<vmem>> -> memref<1x100x64xf32, #tpu.memory_space<vmem>>
    %dma_start3A_47 = tpu.memref_squeeze %dma_start3A_46 : memref<1x100x64xf32, #tpu.memory_space<vmem>> -> memref<100x64xf32, #tpu.memory_space<vmem>>
    %dma_start3A_48 = arith.constant 0 : i32
    %dma_start3A_49 = tpu.memref_slice %arg6[%dma_start3A_41, %dma_start3A_42, %dma_start3A_48] : memref<128x2x100xi32, #tpu.memory_space<vmem>> -> memref<1x1x100xi32, #tpu.memory_space<vmem>>
    %dma_start3A_50 = tpu.memref_squeeze %dma_start3A_49 : memref<1x1x100xi32, #tpu.memory_space<vmem>> -> memref<100xi32, #tpu.memory_space<vmem>>
    %dma_start3A_51 = arith.constant 0 : i32
    %dma_start3A_52 = arith.constant 0 : i32
    %dma_start3A_53 = tpu.memref_slice %arg2[%dma_start3A_51, %dma_start3A_52] : memref<2000000x64xf32, #tpu.memory_space<hbm>> -> memref<2000000x64xf32, #tpu.memory_space<hbm>>
    tpu.enqueue_indirect_dma source(%dma_start3A_53 : memref<2000000x64xf32, #tpu.memory_space<hbm>>) target(%dma_start3A_47 : memref<100x64xf32, #tpu.memory_space<vmem>>) offsets(%dma_start3A_50 : memref<100xi32, #tpu.memory_space<vmem>>) semaphore(%arg15 : memref<!tpu.dma_semaphore, #tpu.memory_space<semaphore_mem>>)
    %dma_start3A_54 = arith.constant 2 : i32
    %dma_start3A_55 = arith.constant 0 : i32
    %dma_start3A_56 = arith.constant 2 : i32
    %dma_start3A_57 = arith.constant 0 : i32
    %dma_start3A_58 = arith.constant 0 : i32
    %dma_start3A_59 = tpu.memref_slice %arg8[%dma_start3A_56, %dma_start3A_57, %dma_start3A_58] : memref<4x208x64xf32, #tpu.memory_space<vmem>> -> memref<1x100x64xf32, #tpu.memory_space<vmem>>
    %dma_start3A_60 = tpu.memref_squeeze %dma_start3A_59 : memref<1x100x64xf32, #tpu.memory_space<vmem>> -> memref<100x64xf32, #tpu.memory_space<vmem>>
    %dma_start3A_61 = arith.constant 0 : i32
    %dma_start3A_62 = tpu.memref_slice %arg6[%dma_start3A_54, %dma_start3A_55, %dma_start3A_61] : memref<128x2x100xi32, #tpu.memory_space<vmem>> -> memref<1x1x100xi32, #tpu.memory_space<vmem>>
    %dma_start3A_63 = tpu.memref_squeeze %dma_start3A_62 : memref<1x1x100xi32, #tpu.memory_space<vmem>> -> memref<100xi32, #tpu.memory_space<vmem>>
    %dma_start3A_64 = arith.constant 0 : i32
    %dma_start3A_65 = arith.constant 0 : i32
    %dma_start3A_66 = tpu.memref_slice %arg2[%dma_start3A_64, %dma_start3A_65] : memref<2000000x64xf32, #tpu.memory_space<hbm>> -> memref<2000000x64xf32, #tpu.memory_space<hbm>>
    tpu.enqueue_indirect_dma source(%dma_start3A_66 : memref<2000000x64xf32, #tpu.memory_space<hbm>>) target(%dma_start3A_60 : memref<100x64xf32, #tpu.memory_space<vmem>>) offsets(%dma_start3A_63 : memref<100xi32, #tpu.memory_space<vmem>>) semaphore(%arg16 : memref<!tpu.dma_semaphore, #tpu.memory_space<semaphore_mem>>)
    %dma_start3A_67 = arith.constant 2 : i32
    %dma_start3A_68 = arith.constant 1 : i32
    %dma_start3A_69 = arith.constant 2 : i32
    %dma_start3A_70 = arith.constant 100 : i32
    %dma_start3A_71 = arith.constant 0 : i32
    %dma_start3A_72 = tpu.memref_slice %arg8[%dma_start3A_69, %dma_start3A_70, %dma_start3A_71] : memref<4x208x64xf32, #tpu.memory_space<vmem>> -> memref<1x100x64xf32, #tpu.memory_space<vmem>>
    %dma_start3A_73 = tpu.memref_squeeze %dma_start3A_72 : memref<1x100x64xf32, #tpu.memory_space<vmem>> -> memref<100x64xf32, #tpu.memory_space<vmem>>
    %dma_start3A_74 = arith.constant 0 : i32
    %dma_start3A_75 = tpu.memref_slice %arg6[%dma_start3A_67, %dma_start3A_68, %dma_start3A_74] : memref<128x2x100xi32, #tpu.memory_space<vmem>> -> memref<1x1x100xi32, #tpu.memory_space<vmem>>
    %dma_start3A_76 = tpu.memref_squeeze %dma_start3A_75 : memref<1x1x100xi32, #tpu.memory_space<vmem>> -> memref<100xi32, #tpu.memory_space<vmem>>
    %dma_start3A_77 = arith.constant 0 : i32
    %dma_start3A_78 = arith.constant 0 : i32
    %dma_start3A_79 = tpu.memref_slice %arg2[%dma_start3A_77, %dma_start3A_78] : memref<2000000x64xf32, #tpu.memory_space<hbm>> -> memref<2000000x64xf32, #tpu.memory_space<hbm>>
    tpu.enqueue_indirect_dma source(%dma_start3A_79 : memref<2000000x64xf32, #tpu.memory_space<hbm>>) target(%dma_start3A_73 : memref<100x64xf32, #tpu.memory_space<vmem>>) offsets(%dma_start3A_76 : memref<100xi32, #tpu.memory_space<vmem>>) semaphore(%arg16 : memref<!tpu.dma_semaphore, #tpu.memory_space<semaphore_mem>>)
    %dma_start3A_80 = arith.constant 3 : i32
    %dma_start3A_81 = arith.constant 0 : i32
    %dma_start3A_82 = arith.constant 3 : i32
    %dma_start3A_83 = arith.constant 0 : i32
    %dma_start3A_84 = arith.constant 0 : i32
    %dma_start3A_85 = tpu.memref_slice %arg8[%dma_start3A_82, %dma_start3A_83, %dma_start3A_84] : memref<4x208x64xf32, #tpu.memory_space<vmem>> -> memref<1x100x64xf32, #tpu.memory_space<vmem>>
    %dma_start3A_86 = tpu.memref_squeeze %dma_start3A_85 : memref<1x100x64xf32, #tpu.memory_space<vmem>> -> memref<100x64xf32, #tpu.memory_space<vmem>>
    %dma_start3A_87 = arith.constant 0 : i32
    %dma_start3A_88 = tpu.memref_slice %arg6[%dma_start3A_80, %dma_start3A_81, %dma_start3A_87] : memref<128x2x100xi32, #tpu.memory_space<vmem>> -> memref<1x1x100xi32, #tpu.memory_space<vmem>>
    %dma_start3A_89 = tpu.memref_squeeze %dma_start3A_88 : memref<1x1x100xi32, #tpu.memory_space<vmem>> -> memref<100xi32, #tpu.memory_space<vmem>>
    %dma_start3A_90 = arith.constant 0 : i32
    %dma_start3A_91 = arith.constant 0 : i32
    %dma_start3A_92 = tpu.memref_slice %arg2[%dma_start3A_90, %dma_start3A_91] : memref<2000000x64xf32, #tpu.memory_space<hbm>> -> memref<2000000x64xf32, #tpu.memory_space<hbm>>
    tpu.enqueue_indirect_dma source(%dma_start3A_92 : memref<2000000x64xf32, #tpu.memory_space<hbm>>) target(%dma_start3A_86 : memref<100x64xf32, #tpu.memory_space<vmem>>) offsets(%dma_start3A_89 : memref<100xi32, #tpu.memory_space<vmem>>) semaphore(%arg17 : memref<!tpu.dma_semaphore, #tpu.memory_space<semaphore_mem>>)
    %dma_start3A_93 = arith.constant 3 : i32
    %dma_start3A_94 = arith.constant 1 : i32
    %dma_start3A_95 = arith.constant 3 : i32
    %dma_start3A_96 = arith.constant 100 : i32
    %dma_start3A_97 = arith.constant 0 : i32
    %dma_start3A_98 = tpu.memref_slice %arg8[%dma_start3A_95, %dma_start3A_96, %dma_start3A_97] : memref<4x208x64xf32, #tpu.memory_space<vmem>> -> memref<1x100x64xf32, #tpu.memory_space<vmem>>
    %dma_start3A_99 = tpu.memref_squeeze %dma_start3A_98 : memref<1x100x64xf32, #tpu.memory_space<vmem>> -> memref<100x64xf32, #tpu.memory_space<vmem>>
    %dma_start3A_100 = arith.constant 0 : i32
    %dma_start3A_101 = tpu.memref_slice %arg6[%dma_start3A_93, %dma_start3A_94, %dma_start3A_100] : memref<128x2x100xi32, #tpu.memory_space<vmem>> -> memref<1x1x100xi32, #tpu.memory_space<vmem>>
    %dma_start3A_102 = tpu.memref_squeeze %dma_start3A_101 : memref<1x1x100xi32, #tpu.memory_space<vmem>> -> memref<100xi32, #tpu.memory_space<vmem>>
    %dma_start3A_103 = arith.constant 0 : i32
    %dma_start3A_104 = arith.constant 0 : i32
    %dma_start3A_105 = tpu.memref_slice %arg2[%dma_start3A_103, %dma_start3A_104] : memref<2000000x64xf32, #tpu.memory_space<hbm>> -> memref<2000000x64xf32, #tpu.memory_space<hbm>>
    tpu.enqueue_indirect_dma source(%dma_start3A_105 : memref<2000000x64xf32, #tpu.memory_space<hbm>>) target(%dma_start3A_99 : memref<100x64xf32, #tpu.memory_space<vmem>>) offsets(%dma_start3A_102 : memref<100xi32, #tpu.memory_space<vmem>>) semaphore(%arg17 : memref<!tpu.dma_semaphore, #tpu.memory_space<semaphore_mem>>)
    %scan3A = arith.constant 0 : i32
    %scan3A_106 = arith.constant 32 : i32
    %scan3A_107 = arith.addi %scan3A, %scan3A_106 : i32
    %scan3A_108 = arith.constant 1 : i32
    scf.for %scan3A_172 = %scan3A to %scan3A_107 step %scan3A_108  : i32 {
      %mul3A_173 = arith.constant 1 : i32
      %mul3A_174 = arith.muli %scan3A_172, %mul3A_173 : i32
      %add3A_175 = arith.constant 0 : i32
      %add3A_176 = arith.addi %add3A_175, %mul3A_174 : i32
      %mul3A_177 = arith.constant 4 : i32
      %mul3A_178 = arith.muli %add3A_176, %mul3A_177 : i32
      %add3A_179 = arith.constant 0 : i32
      %add3A_180 = arith.addi %mul3A_178, %add3A_179 : i32
      %dma_wait3A_181 = arith.constant 0 : i32
      %dma_wait3A_182 = arith.constant 0 : i32
      %dma_wait3A_183 = arith.constant 0 : i32
      %dma_wait3A_184 = arith.constant 0 : i32
      %dma_wait3A_185 = tpu.memref_slice %arg8[%dma_wait3A_182, %dma_wait3A_183, %dma_wait3A_184] : memref<4x208x64xf32, #tpu.memory_space<vmem>> -> memref<1x100x64xf32, #tpu.memory_space<vmem>>
      %dma_wait3A_186 = tpu.memref_squeeze %dma_wait3A_185 : memref<1x100x64xf32, #tpu.memory_space<vmem>> -> memref<100x64xf32, #tpu.memory_space<vmem>>
      %dma_wait3A_187 = arith.constant 0 : i32
      %dma_wait3A_188 = tpu.memref_slice %arg6[%add3A_180, %dma_wait3A_181, %dma_wait3A_187] : memref<128x2x100xi32, #tpu.memory_space<vmem>> -> memref<1x1x100xi32, #tpu.memory_space<vmem>>
      %dma_wait3A_189 = tpu.memref_squeeze %dma_wait3A_188 : memref<1x1x100xi32, #tpu.memory_space<vmem>> -> memref<100xi32, #tpu.memory_space<vmem>>
      %dma_wait3A_190 = arith.constant 0 : i32
      %dma_wait3A_191 = arith.constant 0 : i32
      %dma_wait3A_192 = tpu.memref_slice %arg2[%dma_wait3A_190, %dma_wait3A_191] : memref<2000000x64xf32, #tpu.memory_space<hbm>> -> memref<2000000x64xf32, #tpu.memory_space<hbm>>
      tpu.wait_indirect_dma semaphore(%arg14 : memref<!tpu.dma_semaphore, #tpu.memory_space<semaphore_mem>>) src(%dma_wait3A_192 : memref<2000000x64xf32, #tpu.memory_space<hbm>>) dst(%dma_wait3A_186 : memref<100x64xf32, #tpu.memory_space<vmem>>)
      %dma_wait3A_193 = arith.constant 1 : i32
      %dma_wait3A_194 = arith.constant 0 : i32
      %dma_wait3A_195 = arith.constant 100 : i32
      %dma_wait3A_196 = arith.constant 0 : i32
      %dma_wait3A_197 = tpu.memref_slice %arg8[%dma_wait3A_194, %dma_wait3A_195, %dma_wait3A_196] : memref<4x208x64xf32, #tpu.memory_space<vmem>> -> memref<1x100x64xf32, #tpu.memory_space<vmem>>
      %dma_wait3A_198 = tpu.memref_squeeze %dma_wait3A_197 : memref<1x100x64xf32, #tpu.memory_space<vmem>> -> memref<100x64xf32, #tpu.memory_space<vmem>>
      %dma_wait3A_199 = arith.constant 0 : i32
      %dma_wait3A_200 = tpu.memref_slice %arg6[%add3A_180, %dma_wait3A_193, %dma_wait3A_199] : memref<128x2x100xi32, #tpu.memory_space<vmem>> -> memref<1x1x100xi32, #tpu.memory_space<vmem>>
      %dma_wait3A_201 = tpu.memref_squeeze %dma_wait3A_200 : memref<1x1x100xi32, #tpu.memory_space<vmem>> -> memref<100xi32, #tpu.memory_space<vmem>>
      %dma_wait3A_202 = arith.constant 0 : i32
      %dma_wait3A_203 = arith.constant 0 : i32
      %dma_wait3A_204 = tpu.memref_slice %arg2[%dma_wait3A_202, %dma_wait3A_203] : memref<2000000x64xf32, #tpu.memory_space<hbm>> -> memref<2000000x64xf32, #tpu.memory_space<hbm>>
      tpu.wait_indirect_dma semaphore(%arg14 : memref<!tpu.dma_semaphore, #tpu.memory_space<semaphore_mem>>) src(%dma_wait3A_204 : memref<2000000x64xf32, #tpu.memory_space<hbm>>) dst(%dma_wait3A_198 : memref<100x64xf32, #tpu.memory_space<vmem>>)
      %get3A = arith.index_cast %add3A_180 : i32 to index
      %get3A_205 = arith.constant 0 : index
      %get3A_206 = tpu.vector_load %arg7[%get3A, %get3A_205] {strides = array<i32>} : memref<128x64xf32, #tpu.memory_space<vmem>>, vector<16xf32>,
      %get3A_207 = arith.index_cast %add3A_180 : i32 to index
      %get3A_208 = arith.constant 16 : index
      %get3A_209 = tpu.vector_load %arg7[%get3A_207, %get3A_208] {strides = array<i32>} : memref<128x64xf32, #tpu.memory_space<vmem>>, vector<16xf32>,
      %get3A_210 = arith.index_cast %add3A_180 : i32 to index
      %get3A_211 = arith.constant 32 : index
      %get3A_212 = tpu.vector_load %arg7[%get3A_210, %get3A_211] {strides = array<i32>} : memref<128x64xf32, #tpu.memory_space<vmem>>, vector<16xf32>,
      %get3A_213 = arith.index_cast %add3A_180 : i32 to index
      %get3A_214 = arith.constant 48 : index
      %get3A_215 = tpu.vector_load %arg7[%get3A_213, %get3A_214] {strides = array<i32>} : memref<128x64xf32, #tpu.memory_space<vmem>>, vector<16xf32>,
      %broadcast_in_dim3A = arith.constant -1.000000e+30 : f32
      %broadcast_in_dim3A_216 = vector.broadcast %broadcast_in_dim3A : f32 to vector<16xf32>
      %scan3A_217 = arith.constant 0 : i32
      %scan3A_218 = arith.constant 13 : i32
      %scan3A_219 = arith.addi %scan3A_217, %scan3A_218 : i32
      %scan3A_220 = arith.constant 1 : i32
      %scan3A_221 = scf.for %scan3A_553 = %scan3A_217 to %scan3A_219 step %scan3A_220 iter_args(%scan3A_554 = %broadcast_in_dim3A_216) -> (vector<16xf32>)  : i32 {
        %mul3A_555 = arith.constant 1 : i32
        %mul3A_556 = arith.muli %scan3A_553, %mul3A_555 : i32
        %add3A_557 = arith.constant 0 : i32
        %add3A_558 = arith.addi %add3A_557, %mul3A_556 : i32
        %broadcast_in_dim3A_559 = arith.constant 0.000000e+00 : f32
        %broadcast_in_dim3A_560 = vector.broadcast %broadcast_in_dim3A_559 : f32 to vector<16xf32>
        %mul3A_561 = arith.constant 16 : i32
        %mul3A_562 = arith.muli %add3A_558, %mul3A_561 : i32
        %add3A_563 = arith.constant 0 : i32
        %add3A_564 = arith.addi %mul3A_562, %add3A_563 : i32
        %get3A_565 = arith.constant 0 : i32
        %get3A_566 = arith.index_cast %get3A_565 : i32 to index
        %get3A_567 = arith.index_cast %add3A_564 : i32 to index
        %get3A_568 = arith.constant 0 : index
        %get3A_569 = tpu.vector_load %arg8[%get3A_566, %get3A_567, %get3A_568] {strides = array<i32>} : memref<4x208x64xf32, #tpu.memory_space<vmem>>, vector<16xf32>,
        %mul3A_570 = arith.mulf %get3A_569, %get3A_206 : vector<16xf32>
        %get3A_571 = arith.constant 0 : i32
        %get3A_572 = arith.index_cast %get3A_571 : i32 to index
        %get3A_573 = arith.index_cast %add3A_564 : i32 to index
        %get3A_574 = arith.constant 16 : index
        %get3A_575 = tpu.vector_load %arg8[%get3A_572, %get3A_573, %get3A_574] {strides = array<i32>} : memref<4x208x64xf32, #tpu.memory_space<vmem>>, vector<16xf32>,
        %mul3A_576 = arith.mulf %get3A_575, %get3A_209 : vector<16xf32>
        %add3A_577 = arith.addf %mul3A_570, %mul3A_576 : vector<16xf32>
        %get3A_578 = arith.constant 0 : i32
        %get3A_579 = arith.index_cast %get3A_578 : i32 to index
        %get3A_580 = arith.index_cast %add3A_564 : i32 to index
        %get3A_581 = arith.constant 32 : index
        %get3A_582 = tpu.vector_load %arg8[%get3A_579, %get3A_580, %get3A_581] {strides = array<i32>} : memref<4x208x64xf32, #tpu.memory_space<vmem>>, vector<16xf32>,
        %mul3A_583 = arith.mulf %get3A_582, %get3A_212 : vector<16xf32>
        %add3A_584 = arith.addf %add3A_577, %mul3A_583 : vector<16xf32>
        %get3A_585 = arith.constant 0 : i32
        %get3A_586 = arith.index_cast %get3A_585 : i32 to index
        %get3A_587 = arith.index_cast %add3A_564 : i32 to index
        %get3A_588 = arith.constant 48 : index
        %get3A_589 = tpu.vector_load %arg8[%get3A_586, %get3A_587, %get3A_588] {strides = array<i32>} : memref<4x208x64xf32, #tpu.memory_space<vmem>>, vector<16xf32>,
        %mul3A_590 = arith.mulf %get3A_589, %get3A_215 : vector<16xf32>
        %add3A_591 = arith.addf %add3A_584, %mul3A_590 : vector<16xf32>
        %eq3A = arith.constant 0 : i32
        %eq3A_592 = vector.broadcast %eq3A : i32 to vector<16xi32>
        %eq3A_593 = arith.cmpi eq, %iota3A, %eq3A_592 : vector<16xi32>
        %reduce_sum3A_594 = arith.constant true
        %reduce_sum3A_595 = vector.broadcast %reduce_sum3A_594 : i1 to vector<16xi1>
        %reduce_sum3A_596 = tpu.scan <sum>, %add3A_591 masked %reduce_sum3A_595 : vector<16xf32>, vector<16xi1> -> vector<16xf32>
        %reduce_sum3A_597 = vector.extract %reduce_sum3A_596[15] : f32 from vector<16xf32>
        %broadcast_in_dim3A_598 = vector.broadcast %reduce_sum3A_597 : f32 to vector<16xf32>
        %select_n3A = arith.select %eq3A_593, %broadcast_in_dim3A_598, %broadcast_in_dim3A_560 : vector<16xi1>, vector<16xf32>
        %mul3A_599 = arith.constant 16 : i32
        %mul3A_600 = arith.muli %add3A_558, %mul3A_599 : i32
        %add3A_601 = arith.constant 1 : i32
        %add3A_602 = arith.addi %mul3A_600, %add3A_601 : i32
        %get3A_603 = arith.constant 0 : i32
        %get3A_604 = arith.index_cast %get3A_603 : i32 to index
        %get3A_605 = arith.index_cast %add3A_602 : i32 to index
        %get3A_606 = arith.constant 0 : index
        %get3A_607 = tpu.vector_load %arg8[%get3A_604, %get3A_605, %get3A_606] {strides = array<i32>} : memref<4x208x64xf32, #tpu.memory_space<vmem>>, vector<16xf32>,
        %mul3A_608 = arith.mulf %get3A_607, %get3A_206 : vector<16xf32>
        %get3A_609 = arith.constant 0 : i32
        %get3A_610 = arith.index_cast %get3A_609 : i32 to index
        %get3A_611 = arith.index_cast %add3A_602 : i32 to index
        %get3A_612 = arith.constant 16 : index
        %get3A_613 = tpu.vector_load %arg8[%get3A_610, %get3A_611, %get3A_612] {strides = array<i32>} : memref<4x208x64xf32, #tpu.memory_space<vmem>>, vector<16xf32>,
        %mul3A_614 = arith.mulf %get3A_613, %get3A_209 : vector<16xf32>
        %add3A_615 = arith.addf %mul3A_608, %mul3A_614 : vector<16xf32>
        %get3A_616 = arith.constant 0 : i32
        %get3A_617 = arith.index_cast %get3A_616 : i32 to index
        %get3A_618 = arith.index_cast %add3A_602 : i32 to index
        %get3A_619 = arith.constant 32 : index
        %get3A_620 = tpu.vector_load %arg8[%get3A_617, %get3A_618, %get3A_619] {strides = array<i32>} : memref<4x208x64xf32, #tpu.memory_space<vmem>>, vector<16xf32>,
        %mul3A_621 = arith.mulf %get3A_620, %get3A_212 : vector<16xf32>
        %add3A_622 = arith.addf %add3A_615, %mul3A_621 : vector<16xf32>
        %get3A_623 = arith.constant 0 : i32
        %get3A_624 = arith.index_cast %get3A_623 : i32 to index
        %get3A_625 = arith.index_cast %add3A_602 : i32 to index
        %get3A_626 = arith.constant 48 : index
        %get3A_627 = tpu.vector_load %arg8[%get3A_624, %get3A_625, %get3A_626] {strides = array<i32>} : memref<4x208x64xf32, #tpu.memory_space<vmem>>, vector<16xf32>,
        %mul3A_628 = arith.mulf %get3A_627, %get3A_215 : vector<16xf32>
        %add3A_629 = arith.addf %add3A_622, %mul3A_628 : vector<16xf32>
        %eq3A_630 = arith.constant 1 : i32
        %eq3A_631 = vector.broadcast %eq3A_630 : i32 to vector<16xi32>
        %eq3A_632 = arith.cmpi eq, %iota3A, %eq3A_631 : vector<16xi32>
        %reduce_sum3A_633 = arith.constant true
        %reduce_sum3A_634 = vector.broadcast %reduce_sum3A_633 : i1 to vector<16xi1>
        %reduce_sum3A_635 = tpu.scan <sum>, %add3A_629 masked %reduce_sum3A_634 : vector<16xf32>, vector<16xi1> -> vector<16xf32>
        %reduce_sum3A_636 = vector.extract %reduce_sum3A_635[15] : f32 from vector<16xf32>
        %broadcast_in_dim3A_637 = vector.broadcast %reduce_sum3A_636 : f32 to vector<16xf32>
        %select_n3A_638 = arith.select %eq3A_632, %broadcast_in_dim3A_637, %select_n3A : vector<16xi1>, vector<16xf32>
        %mul3A_639 = arith.constant 16 : i32
        %mul3A_640 = arith.muli %add3A_558, %mul3A_639 : i32
        %add3A_641 = arith.constant 2 : i32
        %add3A_642 = arith.addi %mul3A_640, %add3A_641 : i32
        %get3A_643 = arith.constant 0 : i32
        %get3A_644 = arith.index_cast %get3A_643 : i32 to index
        %get3A_645 = arith.index_cast %add3A_642 : i32 to index
        %get3A_646 = arith.constant 0 : index
        %get3A_647 = tpu.vector_load %arg8[%get3A_644, %get3A_645, %get3A_646] {strides = array<i32>} : memref<4x208x64xf32, #tpu.memory_space<vmem>>, vector<16xf32>,
        %mul3A_648 = arith.mulf %get3A_647, %get3A_206 : vector<16xf32>
        %get3A_649 = arith.constant 0 : i32
        %get3A_650 = arith.index_cast %get3A_649 : i32 to index
        %get3A_651 = arith.index_cast %add3A_642 : i32 to index
        %get3A_652 = arith.constant 16 : index
        %get3A_653 = tpu.vector_load %arg8[%get3A_650, %get3A_651, %get3A_652] {strides = array<i32>} : memref<4x208x64xf32, #tpu.memory_space<vmem>>, vector<16xf32>,
        %mul3A_654 = arith.mulf %get3A_653, %get3A_209 : vector<16xf32>
        %add3A_655 = arith.addf %mul3A_648, %mul3A_654 : vector<16xf32>
        %get3A_656 = arith.constant 0 : i32
        %get3A_657 = arith.index_cast %get3A_656 : i32 to index
        %get3A_658 = arith.index_cast %add3A_642 : i32 to index
        %get3A_659 = arith.constant 32 : index
        %get3A_660 = tpu.vector_load %arg8[%get3A_657, %get3A_658, %get3A_659] {strides = array<i32>} : memref<4x208x64xf32, #tpu.memory_space<vmem>>, vector<16xf32>,
        %mul3A_661 = arith.mulf %get3A_660, %get3A_212 : vector<16xf32>
        %add3A_662 = arith.addf %add3A_655, %mul3A_661 : vector<16xf32>
        %get3A_663 = arith.constant 0 : i32
        %get3A_664 = arith.index_cast %get3A_663 : i32 to index
        %get3A_665 = arith.index_cast %add3A_642 : i32 to index
        %get3A_666 = arith.constant 48 : index
        %get3A_667 = tpu.vector_load %arg8[%get3A_664, %get3A_665, %get3A_666] {strides = array<i32>} : memref<4x208x64xf32, #tpu.memory_space<vmem>>, vector<16xf32>,
        %mul3A_668 = arith.mulf %get3A_667, %get3A_215 : vector<16xf32>
        %add3A_669 = arith.addf %add3A_662, %mul3A_668 : vector<16xf32>
        %eq3A_670 = arith.constant 2 : i32
        %eq3A_671 = vector.broadcast %eq3A_670 : i32 to vector<16xi32>
        %eq3A_672 = arith.cmpi eq, %iota3A, %eq3A_671 : vector<16xi32>
        %reduce_sum3A_673 = arith.constant true
        %reduce_sum3A_674 = vector.broadcast %reduce_sum3A_673 : i1 to vector<16xi1>
        %reduce_sum3A_675 = tpu.scan <sum>, %add3A_669 masked %reduce_sum3A_674 : vector<16xf32>, vector<16xi1> -> vector<16xf32>
        %reduce_sum3A_676 = vector.extract %reduce_sum3A_675[15] : f32 from vector<16xf32>
        %broadcast_in_dim3A_677 = vector.broadcast %reduce_sum3A_676 : f32 to vector<16xf32>
        %select_n3A_678 = arith.select %eq3A_672, %broadcast_in_dim3A_677, %select_n3A_638 : vector<16xi1>, vector<16xf32>
        %mul3A_679 = arith.constant 16 : i32
        %mul3A_680 = arith.muli %add3A_558, %mul3A_679 : i32
        %add3A_681 = arith.constant 3 : i32
        %add3A_682 = arith.addi %mul3A_680, %add3A_681 : i32
        %get3A_683 = arith.constant 0 : i32
        %get3A_684 = arith.index_cast %get3A_683 : i32 to index
        %get3A_685 = arith.index_cast %add3A_682 : i32 to index
        %get3A_686 = arith.constant 0 : index
        %get3A_687 = tpu.vector_load %arg8[%get3A_684, %get3A_685, %get3A_686] {strides = array<i32>} : memref<4x208x64xf32, #tpu.memory_space<vmem>>, vector<16xf32>,
        %mul3A_688 = arith.mulf %get3A_687, %get3A_206 : vector<16xf32>
        %get3A_689 = arith.constant 0 : i32
        %get3A_690 = arith.index_cast %get3A_689 : i32 to index
        %get3A_691 = arith.index_cast %add3A_682 : i32 to index
        %get3A_692 = arith.constant 16 : index
        %get3A_693 = tpu.vector_load %arg8[%get3A_690, %get3A_691, %get3A_692] {strides = array<i32>} : memref<4x208x64xf32, #tpu.memory_space<vmem>>, vector<16xf32>,
        %mul3A_694 = arith.mulf %get3A_693, %get3A_209 : vector<16xf32>
        %add3A_695 = arith.addf %mul3A_688, %mul3A_694 : vector<16xf32>
        %get3A_696 = arith.constant 0 : i32
        %get3A_697 = arith.index_cast %get3A_696 : i32 to index
        %get3A_698 = arith.index_cast %add3A_682 : i32 to index
        %get3A_699 = arith.constant 32 : index
        %get3A_700 = tpu.vector_load %arg8[%get3A_697, %get3A_698, %get3A_699] {strides = array<i32>} : memref<4x208x64xf32, #tpu.memory_space<vmem>>, vector<16xf32>,
        %mul3A_701 = arith.mulf %get3A_700, %get3A_212 : vector<16xf32>
        %add3A_702 = arith.addf %add3A_695, %mul3A_701 : vector<16xf32>
        %get3A_703 = arith.constant 0 : i32
        %get3A_704 = arith.index_cast %get3A_703 : i32 to index
        %get3A_705 = arith.index_cast %add3A_682 : i32 to index
        %get3A_706 = arith.constant 48 : index
        %get3A_707 = tpu.vector_load %arg8[%get3A_704, %get3A_705, %get3A_706] {strides = array<i32>} : memref<4x208x64xf32, #tpu.memory_space<vmem>>, vector<16xf32>,
        %mul3A_708 = arith.mulf %get3A_707, %get3A_215 : vector<16xf32>
        %add3A_709 = arith.addf %add3A_702, %mul3A_708 : vector<16xf32>
        %eq3A_710 = arith.constant 3 : i32
        %eq3A_711 = vector.broadcast %eq3A_710 : i32 to vector<16xi32>
        %eq3A_712 = arith.cmpi eq, %iota3A, %eq3A_711 : vector<16xi32>
        %reduce_sum3A_713 = arith.constant true
        %reduce_sum3A_714 = vector.broadcast %reduce_sum3A_713 : i1 to vector<16xi1>
        %reduce_sum3A_715 = tpu.scan <sum>, %add3A_709 masked %reduce_sum3A_714 : vector<16xf32>, vector<16xi1> -> vector<16xf32>
        %reduce_sum3A_716 = vector.extract %reduce_sum3A_715[15] : f32 from vector<16xf32>
        %broadcast_in_dim3A_717 = vector.broadcast %reduce_sum3A_716 : f32 to vector<16xf32>
        %select_n3A_718 = arith.select %eq3A_712, %broadcast_in_dim3A_717, %select_n3A_678 : vector<16xi1>, vector<16xf32>
        %mul3A_719 = arith.constant 16 : i32
        %mul3A_720 = arith.muli %add3A_558, %mul3A_719 : i32
        %add3A_721 = arith.constant 4 : i32
        %add3A_722 = arith.addi %mul3A_720, %add3A_721 : i32
        %get3A_723 = arith.constant 0 : i32
        %get3A_724 = arith.index_cast %get3A_723 : i32 to index
        %get3A_725 = arith.index_cast %add3A_722 : i32 to index
        %get3A_726 = arith.constant 0 : index
        %get3A_727 = tpu.vector_load %arg8[%get3A_724, %get3A_725, %get3A_726] {strides = array<i32>} : memref<4x208x64xf32, #tpu.memory_space<vmem>>, vector<16xf32>,
        %mul3A_728 = arith.mulf %get3A_727, %get3A_206 : vector<16xf32>
        %get3A_729 = arith.constant 0 : i32
        %get3A_730 = arith.index_cast %get3A_729 : i32 to index
        %get3A_731 = arith.index_cast %add3A_722 : i32 to index
        %get3A_732 = arith.constant 16 : index
        %get3A_733 = tpu.vector_load %arg8[%get3A_730, %get3A_731, %get3A_732] {strides = array<i32>} : memref<4x208x64xf32, #tpu.memory_space<vmem>>, vector<16xf32>,
        %mul3A_734 = arith.mulf %get3A_733, %get3A_209 : vector<16xf32>
        %add3A_735 = arith.addf %mul3A_728, %mul3A_734 : vector<16xf32>
        %get3A_736 = arith.constant 0 : i32
        %get3A_737 = arith.index_cast %get3A_736 : i32 to index
        %get3A_738 = arith.index_cast %add3A_722 : i32 to index
        %get3A_739 = arith.constant 32 : index
        %get3A_740 = tpu.vector_load %arg8[%get3A_737, %get3A_738, %get3A_739] {strides = array<i32>} : memref<4x208x64xf32, #tpu.memory_space<vmem>>, vector<16xf32>,
        %mul3A_741 = arith.mulf %get3A_740, %get3A_212 : vector<16xf32>
        %add3A_742 = arith.addf %add3A_735, %mul3A_741 : vector<16xf32>
        %get3A_743 = arith.constant 0 : i32
        %get3A_744 = arith.index_cast %get3A_743 : i32 to index
        %get3A_745 = arith.index_cast %add3A_722 : i32 to index
        %get3A_746 = arith.constant 48 : index
        %get3A_747 = tpu.vector_load %arg8[%get3A_744, %get3A_745, %get3A_746] {strides = array<i32>} : memref<4x208x64xf32, #tpu.memory_space<vmem>>, vector<16xf32>,
        %mul3A_748 = arith.mulf %get3A_747, %get3A_215 : vector<16xf32>
        %add3A_749 = arith.addf %add3A_742, %mul3A_748 : vector<16xf32>
        %eq3A_750 = arith.constant 4 : i32
        %eq3A_751 = vector.broadcast %eq3A_750 : i32 to vector<16xi32>
        %eq3A_752 = arith.cmpi eq, %iota3A, %eq3A_751 : vector<16xi32>
        %reduce_sum3A_753 = arith.constant true
        %reduce_sum3A_754 = vector.broadcast %reduce_sum3A_753 : i1 to vector<16xi1>
        %reduce_sum3A_755 = tpu.scan <sum>, %add3A_749 masked %reduce_sum3A_754 : vector<16xf32>, vector<16xi1> -> vector<16xf32>
        %reduce_sum3A_756 = vector.extract %reduce_sum3A_755[15] : f32 from vector<16xf32>
        %broadcast_in_dim3A_757 = vector.broadcast %reduce_sum3A_756 : f32 to vector<16xf32>
        %select_n3A_758 = arith.select %eq3A_752, %broadcast_in_dim3A_757, %select_n3A_718 : vector<16xi1>, vector<16xf32>
        %mul3A_759 = arith.constant 16 : i32
        %mul3A_760 = arith.muli %add3A_558, %mul3A_759 : i32
        %add3A_761 = arith.constant 5 : i32
        %add3A_762 = arith.addi %mul3A_760, %add3A_761 : i32
        %get3A_763 = arith.constant 0 : i32
        %get3A_764 = arith.index_cast %get3A_763 : i32 to index
        %get3A_765 = arith.index_cast %add3A_762 : i32 to index
        %get3A_766 = arith.constant 0 : index
        %get3A_767 = tpu.vector_load %arg8[%get3A_764, %get3A_765, %get3A_766] {strides = array<i32>} : memref<4x208x64xf32, #tpu.memory_space<vmem>>, vector<16xf32>,
        %mul3A_768 = arith.mulf %get3A_767, %get3A_206 : vector<16xf32>
        %get3A_769 = arith.constant 0 : i32
        %get3A_770 = arith.index_cast %get3A_769 : i32 to index
        %get3A_771 = arith.index_cast %add3A_762 : i32 to index
        %get3A_772 = arith.constant 16 : index
        %get3A_773 = tpu.vector_load %arg8[%get3A_770, %get3A_771, %get3A_772] {strides = array<i32>} : memref<4x208x64xf32, #tpu.memory_space<vmem>>, vector<16xf32>,
        %mul3A_774 = arith.mulf %get3A_773, %get3A_209 : vector<16xf32>
        %add3A_775 = arith.addf %mul3A_768, %mul3A_774 : vector<16xf32>
        %get3A_776 = arith.constant 0 : i32
        %get3A_777 = arith.index_cast %get3A_776 : i32 to index
        %get3A_778 = arith.index_cast %add3A_762 : i32 to index
        %get3A_779 = arith.constant 32 : index
        %get3A_780 = tpu.vector_load %arg8[%get3A_777, %get3A_778, %get3A_779] {strides = array<i32>} : memref<4x208x64xf32, #tpu.memory_space<vmem>>, vector<16xf32>,
        %mul3A_781 = arith.mulf %get3A_780, %get3A_212 : vector<16xf32>
        %add3A_782 = arith.addf %add3A_775, %mul3A_781 : vector<16xf32>
        %get3A_783 = arith.constant 0 : i32
        %get3A_784 = arith.index_cast %get3A_783 : i32 to index
        %get3A_785 = arith.index_cast %add3A_762 : i32 to index
        %get3A_786 = arith.constant 48 : index
        %get3A_787 = tpu.vector_load %arg8[%get3A_784, %get3A_785, %get3A_786] {strides = array<i32>} : memref<4x208x64xf32, #tpu.memory_space<vmem>>, vector<16xf32>,
        %mul3A_788 = arith.mulf %get3A_787, %get3A_215 : vector<16xf32>
        %add3A_789 = arith.addf %add3A_782, %mul3A_788 : vector<16xf32>
        %eq3A_790 = arith.constant 5 : i32
        %eq3A_791 = vector.broadcast %eq3A_790 : i32 to vector<16xi32>
        %eq3A_792 = arith.cmpi eq, %iota3A, %eq3A_791 : vector<16xi32>
        %reduce_sum3A_793 = arith.constant true
        %reduce_sum3A_794 = vector.broadcast %reduce_sum3A_793 : i1 to vector<16xi1>
        %reduce_sum3A_795 = tpu.scan <sum>, %add3A_789 masked %reduce_sum3A_794 : vector<16xf32>, vector<16xi1> -> vector<16xf32>
        %reduce_sum3A_796 = vector.extract %reduce_sum3A_795[15] : f32 from vector<16xf32>
        %broadcast_in_dim3A_797 = vector.broadcast %reduce_sum3A_796 : f32 to vector<16xf32>
        %select_n3A_798 = arith.select %eq3A_792, %broadcast_in_dim3A_797, %select_n3A_758 : vector<16xi1>, vector<16xf32>
        %mul3A_799 = arith.constant 16 : i32
        %mul3A_800 = arith.muli %add3A_558, %mul3A_799 : i32
        %add3A_801 = arith.constant 6 : i32
        %add3A_802 = arith.addi %mul3A_800, %add3A_801 : i32
        %get3A_803 = arith.constant 0 : i32
        %get3A_804 = arith.index_cast %get3A_803 : i32 to index
        %get3A_805 = arith.index_cast %add3A_802 : i32 to index
        %get3A_806 = arith.constant 0 : index
        %get3A_807 = tpu.vector_load %arg8[%get3A_804, %get3A_805, %get3A_806] {strides = array<i32>} : memref<4x208x64xf32, #tpu.memory_space<vmem>>, vector<16xf32>,
        %mul3A_808 = arith.mulf %get3A_807, %get3A_206 : vector<16xf32>
        %get3A_809 = arith.constant 0 : i32
        %get3A_810 = arith.index_cast %get3A_809 : i32 to index
        %get3A_811 = arith.index_cast %add3A_802 : i32 to index
        %get3A_812 = arith.constant 16 : index
        %get3A_813 = tpu.vector_load %arg8[%get3A_810, %get3A_811, %get3A_812] {strides = array<i32>} : memref<4x208x64xf32, #tpu.memory_space<vmem>>, vector<16xf32>,
        %mul3A_814 = arith.mulf %get3A_813, %get3A_209 : vector<16xf32>
        %add3A_815 = arith.addf %mul3A_808, %mul3A_814 : vector<16xf32>
        %get3A_816 = arith.constant 0 : i32
        %get3A_817 = arith.index_cast %get3A_816 : i32 to index
        %get3A_818 = arith.index_cast %add3A_802 : i32 to index
        %get3A_819 = arith.constant 32 : index
        %get3A_820 = tpu.vector_load %arg8[%get3A_817, %get3A_818, %get3A_819] {strides = array<i32>} : memref<4x208x64xf32, #tpu.memory_space<vmem>>, vector<16xf32>,
        %mul3A_821 = arith.mulf %get3A_820, %get3A_212 : vector<16xf32>
        %add3A_822 = arith.addf %add3A_815, %mul3A_821 : vector<16xf32>
        %get3A_823 = arith.constant 0 : i32
        %get3A_824 = arith.index_cast %get3A_823 : i32 to index
        %get3A_825 = arith.index_cast %add3A_802 : i32 to index
        %get3A_826 = arith.constant 48 : index
        %get3A_827 = tpu.vector_load %arg8[%get3A_824, %get3A_825, %get3A_826] {strides = array<i32>} : memref<4x208x64xf32, #tpu.memory_space<vmem>>, vector<16xf32>,
        %mul3A_828 = arith.mulf %get3A_827, %get3A_215 : vector<16xf32>
        %add3A_829 = arith.addf %add3A_822, %mul3A_828 : vector<16xf32>
        %eq3A_830 = arith.constant 6 : i32
        %eq3A_831 = vector.broadcast %eq3A_830 : i32 to vector<16xi32>
        %eq3A_832 = arith.cmpi eq, %iota3A, %eq3A_831 : vector<16xi32>
        %reduce_sum3A_833 = arith.constant true
        %reduce_sum3A_834 = vector.broadcast %reduce_sum3A_833 : i1 to vector<16xi1>
        %reduce_sum3A_835 = tpu.scan <sum>, %add3A_829 masked %reduce_sum3A_834 : vector<16xf32>, vector<16xi1> -> vector<16xf32>
        %reduce_sum3A_836 = vector.extract %reduce_sum3A_835[15] : f32 from vector<16xf32>
        %broadcast_in_dim3A_837 = vector.broadcast %reduce_sum3A_836 : f32 to vector<16xf32>
        %select_n3A_838 = arith.select %eq3A_832, %broadcast_in_dim3A_837, %select_n3A_798 : vector<16xi1>, vector<16xf32>
        %mul3A_839 = arith.constant 16 : i32
        %mul3A_840 = arith.muli %add3A_558, %mul3A_839 : i32
        %add3A_841 = arith.constant 7 : i32
        %add3A_842 = arith.addi %mul3A_840, %add3A_841 : i32
        %get3A_843 = arith.constant 0 : i32
        %get3A_844 = arith.index_cast %get3A_843 : i32 to index
        %get3A_845 = arith.index_cast %add3A_842 : i32 to index
        %get3A_846 = arith.constant 0 : index
        %get3A_847 = tpu.vector_load %arg8[%get3A_844, %get3A_845, %get3A_846] {strides = array<i32>} : memref<4x208x64xf32, #tpu.memory_space<vmem>>, vector<16xf32>,
        %mul3A_848 = arith.mulf %get3A_847, %get3A_206 : vector<16xf32>
        %get3A_849 = arith.constant 0 : i32
        %get3A_850 = arith.index_cast %get3A_849 : i32 to index
        %get3A_851 = arith.index_cast %add3A_842 : i32 to index
        %get3A_852 = arith.constant 16 : index
        %get3A_853 = tpu.vector_load %arg8[%get3A_850, %get3A_851, %get3A_852] {strides = array<i32>} : memref<4x208x64xf32, #tpu.memory_space<vmem>>, vector<16xf32>,
        %mul3A_854 = arith.mulf %get3A_853, %get3A_209 : vector<16xf32>
        %add3A_855 = arith.addf %mul3A_848, %mul3A_854 : vector<16xf32>
        %get3A_856 = arith.constant 0 : i32
        %get3A_857 = arith.index_cast %get3A_856 : i32 to index
        %get3A_858 = arith.index_cast %add3A_842 : i32 to index
        %get3A_859 = arith.constant 32 : index
        %get3A_860 = tpu.vector_load %arg8[%get3A_857, %get3A_858, %get3A_859] {strides = array<i32>} : memref<4x208x64xf32, #tpu.memory_space<vmem>>, vector<16xf32>,
        %mul3A_861 = arith.mulf %get3A_860, %get3A_212 : vector<16xf32>
        %add3A_862 = arith.addf %add3A_855, %mul3A_861 : vector<16xf32>
        %get3A_863 = arith.constant 0 : i32
        %get3A_864 = arith.index_cast %get3A_863 : i32 to index
        %get3A_865 = arith.index_cast %add3A_842 : i32 to index
        %get3A_866 = arith.constant 48 : index
        %get3A_867 = tpu.vector_load %arg8[%get3A_864, %get3A_865, %get3A_866] {strides = array<i32>} : memref<4x208x64xf32, #tpu.memory_space<vmem>>, vector<16xf32>,
        %mul3A_868 = arith.mulf %get3A_867, %get3A_215 : vector<16xf32>
        %add3A_869 = arith.addf %add3A_862, %mul3A_868 : vector<16xf32>
        %eq3A_870 = arith.constant 7 : i32
        %eq3A_871 = vector.broadcast %eq3A_870 : i32 to vector<16xi32>
        %eq3A_872 = arith.cmpi eq, %iota3A, %eq3A_871 : vector<16xi32>
        %reduce_sum3A_873 = arith.constant true
        %reduce_sum3A_874 = vector.broadcast %reduce_sum3A_873 : i1 to vector<16xi1>
        %reduce_sum3A_875 = tpu.scan <sum>, %add3A_869 masked %reduce_sum3A_874 : vector<16xf32>, vector<16xi1> -> vector<16xf32>
        %reduce_sum3A_876 = vector.extract %reduce_sum3A_875[15] : f32 from vector<16xf32>
        %broadcast_in_dim3A_877 = vector.broadcast %reduce_sum3A_876 : f32 to vector<16xf32>
        %select_n3A_878 = arith.select %eq3A_872, %broadcast_in_dim3A_877, %select_n3A_838 : vector<16xi1>, vector<16xf32>
        %mul3A_879 = arith.constant 16 : i32
        %mul3A_880 = arith.muli %add3A_558, %mul3A_879 : i32
        %add3A_881 = arith.constant 8 : i32
        %add3A_882 = arith.addi %mul3A_880, %add3A_881 : i32
        %get3A_883 = arith.constant 0 : i32
        %get3A_884 = arith.index_cast %get3A_883 : i32 to index
        %get3A_885 = arith.index_cast %add3A_882 : i32 to index
        %get3A_886 = arith.constant 0 : index
        %get3A_887 = tpu.vector_load %arg8[%get3A_884, %get3A_885, %get3A_886] {strides = array<i32>} : memref<4x208x64xf32, #tpu.memory_space<vmem>>, vector<16xf32>,
        %mul3A_888 = arith.mulf %get3A_887, %get3A_206 : vector<16xf32>
        %get3A_889 = arith.constant 0 : i32
        %get3A_890 = arith.index_cast %get3A_889 : i32 to index
        %get3A_891 = arith.index_cast %add3A_882 : i32 to index
        %get3A_892 = arith.constant 16 : index
        %get3A_893 = tpu.vector_load %arg8[%get3A_890, %get3A_891, %get3A_892] {strides = array<i32>} : memref<4x208x64xf32, #tpu.memory_space<vmem>>, vector<16xf32>,
        %mul3A_894 = arith.mulf %get3A_893, %get3A_209 : vector<16xf32>
        %add3A_895 = arith.addf %mul3A_888, %mul3A_894 : vector<16xf32>
        %get3A_896 = arith.constant 0 : i32
        %get3A_897 = arith.index_cast %get3A_896 : i32 to index
        %get3A_898 = arith.index_cast %add3A_882 : i32 to index
        %get3A_899 = arith.constant 32 : index
        %get3A_900 = tpu.vector_load %arg8[%get3A_897, %get3A_898, %get3A_899] {strides = array<i32>} : memref<4x208x64xf32, #tpu.memory_space<vmem>>, vector<16xf32>,
        %mul3A_901 = arith.mulf %get3A_900, %get3A_212 : vector<16xf32>
        %add3A_902 = arith.addf %add3A_895, %mul3A_901 : vector<16xf32>
        %get3A_903 = arith.constant 0 : i32
        %get3A_904 = arith.index_cast %get3A_903 : i32 to index
        %get3A_905 = arith.index_cast %add3A_882 : i32 to index
        %get3A_906 = arith.constant 48 : index
        %get3A_907 = tpu.vector_load %arg8[%get3A_904, %get3A_905, %get3A_906] {strides = array<i32>} : memref<4x208x64xf32, #tpu.memory_space<vmem>>, vector<16xf32>,
        %mul3A_908 = arith.mulf %get3A_907, %get3A_215 : vector<16xf32>
        %add3A_909 = arith.addf %add3A_902, %mul3A_908 : vector<16xf32>
        %eq3A_910 = arith.constant 8 : i32
        %eq3A_911 = vector.broadcast %eq3A_910 : i32 to vector<16xi32>
        %eq3A_912 = arith.cmpi eq, %iota3A, %eq3A_911 : vector<16xi32>
        %reduce_sum3A_913 = arith.constant true
        %reduce_sum3A_914 = vector.broadcast %reduce_sum3A_913 : i1 to vector<16xi1>
        %reduce_sum3A_915 = tpu.scan <sum>, %add3A_909 masked %reduce_sum3A_914 : vector<16xf32>, vector<16xi1> -> vector<16xf32>
        %reduce_sum3A_916 = vector.extract %reduce_sum3A_915[15] : f32 from vector<16xf32>
        %broadcast_in_dim3A_917 = vector.broadcast %reduce_sum3A_916 : f32 to vector<16xf32>
        %select_n3A_918 = arith.select %eq3A_912, %broadcast_in_dim3A_917, %select_n3A_878 : vector<16xi1>, vector<16xf32>
        %mul3A_919 = arith.constant 16 : i32
        %mul3A_920 = arith.muli %add3A_558, %mul3A_919 : i32
        %add3A_921 = arith.constant 9 : i32
        %add3A_922 = arith.addi %mul3A_920, %add3A_921 : i32
        %get3A_923 = arith.constant 0 : i32
        %get3A_924 = arith.index_cast %get3A_923 : i32 to index
        %get3A_925 = arith.index_cast %add3A_922 : i32 to index
        %get3A_926 = arith.constant 0 : index
        %get3A_927 = tpu.vector_load %arg8[%get3A_924, %get3A_925, %get3A_926] {strides = array<i32>} : memref<4x208x64xf32, #tpu.memory_space<vmem>>, vector<16xf32>,
        %mul3A_928 = arith.mulf %get3A_927, %get3A_206 : vector<16xf32>
        %get3A_929 = arith.constant 0 : i32
        %get3A_930 = arith.index_cast %get3A_929 : i32 to index
        %get3A_931 = arith.index_cast %add3A_922 : i32 to index
        %get3A_932 = arith.constant 16 : index
        %get3A_933 = tpu.vector_load %arg8[%get3A_930, %get3A_931, %get3A_932] {strides = array<i32>} : memref<4x208x64xf32, #tpu.memory_space<vmem>>, vector<16xf32>,
        %mul3A_934 = arith.mulf %get3A_933, %get3A_209 : vector<16xf32>
        %add3A_935 = arith.addf %mul3A_928, %mul3A_934 : vector<16xf32>
        %get3A_936 = arith.constant 0 : i32
        %get3A_937 = arith.index_cast %get3A_936 : i32 to index
        %get3A_938 = arith.index_cast %add3A_922 : i32 to index
        %get3A_939 = arith.constant 32 : index
        %get3A_940 = tpu.vector_load %arg8[%get3A_937, %get3A_938, %get3A_939] {strides = array<i32>} : memref<4x208x64xf32, #tpu.memory_space<vmem>>, vector<16xf32>,
        %mul3A_941 = arith.mulf %get3A_940, %get3A_212 : vector<16xf32>
        %add3A_942 = arith.addf %add3A_935, %mul3A_941 : vector<16xf32>
        %get3A_943 = arith.constant 0 : i32
        %get3A_944 = arith.index_cast %get3A_943 : i32 to index
        %get3A_945 = arith.index_cast %add3A_922 : i32 to index
        %get3A_946 = arith.constant 48 : index
        %get3A_947 = tpu.vector_load %arg8[%get3A_944, %get3A_945, %get3A_946] {strides = array<i32>} : memref<4x208x64xf32, #tpu.memory_space<vmem>>, vector<16xf32>,
        %mul3A_948 = arith.mulf %get3A_947, %get3A_215 : vector<16xf32>
        %add3A_949 = arith.addf %add3A_942, %mul3A_948 : vector<16xf32>
        %eq3A_950 = arith.constant 9 : i32
        %eq3A_951 = vector.broadcast %eq3A_950 : i32 to vector<16xi32>
        %eq3A_952 = arith.cmpi eq, %iota3A, %eq3A_951 : vector<16xi32>
        %reduce_sum3A_953 = arith.constant true
        %reduce_sum3A_954 = vector.broadcast %reduce_sum3A_953 : i1 to vector<16xi1>
        %reduce_sum3A_955 = tpu.scan <sum>, %add3A_949 masked %reduce_sum3A_954 : vector<16xf32>, vector<16xi1> -> vector<16xf32>
        %reduce_sum3A_956 = vector.extract %reduce_sum3A_955[15] : f32 from vector<16xf32>
        %broadcast_in_dim3A_957 = vector.broadcast %reduce_sum3A_956 : f32 to vector<16xf32>
        %select_n3A_958 = arith.select %eq3A_952, %broadcast_in_dim3A_957, %select_n3A_918 : vector<16xi1>, vector<16xf32>
        %mul3A_959 = arith.constant 16 : i32
        %mul3A_960 = arith.muli %add3A_558, %mul3A_959 : i32
        %add3A_961 = arith.constant 10 : i32
        %add3A_962 = arith.addi %mul3A_960, %add3A_961 : i32
        %get3A_963 = arith.constant 0 : i32
        %get3A_964 = arith.index_cast %get3A_963 : i32 to index
        %get3A_965 = arith.index_cast %add3A_962 : i32 to index
        %get3A_966 = arith.constant 0 : index
        %get3A_967 = tpu.vector_load %arg8[%get3A_964, %get3A_965, %get3A_966] {strides = array<i32>} : memref<4x208x64xf32, #tpu.memory_space<vmem>>, vector<16xf32>,
        %mul3A_968 = arith.mulf %get3A_967, %get3A_206 : vector<16xf32>
        %get3A_969 = arith.constant 0 : i32
        %get3A_970 = arith.index_cast %get3A_969 : i32 to index
        %get3A_971 = arith.index_cast %add3A_962 : i32 to index
        %get3A_972 = arith.constant 16 : index
        %get3A_973 = tpu.vector_load %arg8[%get3A_970, %get3A_971, %get3A_972] {strides = array<i32>} : memref<4x208x64xf32, #tpu.memory_space<vmem>>, vector<16xf32>,
        %mul3A_974 = arith.mulf %get3A_973, %get3A_209 : vector<16xf32>
        %add3A_975 = arith.addf %mul3A_968, %mul3A_974 : vector<16xf32>
        %get3A_976 = arith.constant 0 : i32
        %get3A_977 = arith.index_cast %get3A_976 : i32 to index
        %get3A_978 = arith.index_cast %add3A_962 : i32 to index
        %get3A_979 = arith.constant 32 : index
        %get3A_980 = tpu.vector_load %arg8[%get3A_977, %get3A_978, %get3A_979] {strides = array<i32>} : memref<4x208x64xf32, #tpu.memory_space<vmem>>, vector<16xf32>,
        %mul3A_981 = arith.mulf %get3A_980, %get3A_212 : vector<16xf32>
        %add3A_982 = arith.addf %add3A_975, %mul3A_981 : vector<16xf32>
        %get3A_983 = arith.constant 0 : i32
        %get3A_984 = arith.index_cast %get3A_983 : i32 to index
        %get3A_985 = arith.index_cast %add3A_962 : i32 to index
        %get3A_986 = arith.constant 48 : index
        %get3A_987 = tpu.vector_load %arg8[%get3A_984, %get3A_985, %get3A_986] {strides = array<i32>} : memref<4x208x64xf32, #tpu.memory_space<vmem>>, vector<16xf32>,
        %mul3A_988 = arith.mulf %get3A_987, %get3A_215 : vector<16xf32>
        %add3A_989 = arith.addf %add3A_982, %mul3A_988 : vector<16xf32>
        %eq3A_990 = arith.constant 10 : i32
        %eq3A_991 = vector.broadcast %eq3A_990 : i32 to vector<16xi32>
        %eq3A_992 = arith.cmpi eq, %iota3A, %eq3A_991 : vector<16xi32>
        %reduce_sum3A_993 = arith.constant true
        %reduce_sum3A_994 = vector.broadcast %reduce_sum3A_993 : i1 to vector<16xi1>
        %reduce_sum3A_995 = tpu.scan <sum>, %add3A_989 masked %reduce_sum3A_994 : vector<16xf32>, vector<16xi1> -> vector<16xf32>
        %reduce_sum3A_996 = vector.extract %reduce_sum3A_995[15] : f32 from vector<16xf32>
        %broadcast_in_dim3A_997 = vector.broadcast %reduce_sum3A_996 : f32 to vector<16xf32>
        %select_n3A_998 = arith.select %eq3A_992, %broadcast_in_dim3A_997, %select_n3A_958 : vector<16xi1>, vector<16xf32>
        %mul3A_999 = arith.constant 16 : i32
        %mul3A_1000 = arith.muli %add3A_558, %mul3A_999 : i32
        %add3A_1001 = arith.constant 11 : i32
        %add3A_1002 = arith.addi %mul3A_1000, %add3A_1001 : i32
        %get3A_1003 = arith.constant 0 : i32
        %get3A_1004 = arith.index_cast %get3A_1003 : i32 to index
        %get3A_1005 = arith.index_cast %add3A_1002 : i32 to index
        %get3A_1006 = arith.constant 0 : index
        %get3A_1007 = tpu.vector_load %arg8[%get3A_1004, %get3A_1005, %get3A_1006] {strides = array<i32>} : memref<4x208x64xf32, #tpu.memory_space<vmem>>, vector<16xf32>,
        %mul3A_1008 = arith.mulf %get3A_1007, %get3A_206 : vector<16xf32>
        %get3A_1009 = arith.constant 0 : i32
        %get3A_1010 = arith.index_cast %get3A_1009 : i32 to index
        %get3A_1011 = arith.index_cast %add3A_1002 : i32 to index
        %get3A_1012 = arith.constant 16 : index
        %get3A_1013 = tpu.vector_load %arg8[%get3A_1010, %get3A_1011, %get3A_1012] {strides = array<i32>} : memref<4x208x64xf32, #tpu.memory_space<vmem>>, vector<16xf32>,
        %mul3A_1014 = arith.mulf %get3A_1013, %get3A_209 : vector<16xf32>
        %add3A_1015 = arith.addf %mul3A_1008, %mul3A_1014 : vector<16xf32>
        %get3A_1016 = arith.constant 0 : i32
        %get3A_1017 = arith.index_cast %get3A_1016 : i32 to index
        %get3A_1018 = arith.index_cast %add3A_1002 : i32 to index
        %get3A_1019 = arith.constant 32 : index
        %get3A_1020 = tpu.vector_load %arg8[%get3A_1017, %get3A_1018, %get3A_1019] {strides = array<i32>} : memref<4x208x64xf32, #tpu.memory_space<vmem>>, vector<16xf32>,
        %mul3A_1021 = arith.mulf %get3A_1020, %get3A_212 : vector<16xf32>
        %add3A_1022 = arith.addf %add3A_1015, %mul3A_1021 : vector<16xf32>
        %get3A_1023 = arith.constant 0 : i32
        %get3A_1024 = arith.index_cast %get3A_1023 : i32 to index
        %get3A_1025 = arith.index_cast %add3A_1002 : i32 to index
        %get3A_1026 = arith.constant 48 : index
        %get3A_1027 = tpu.vector_load %arg8[%get3A_1024, %get3A_1025, %get3A_1026] {strides = array<i32>} : memref<4x208x64xf32, #tpu.memory_space<vmem>>, vector<16xf32>,
        %mul3A_1028 = arith.mulf %get3A_1027, %get3A_215 : vector<16xf32>
        %add3A_1029 = arith.addf %add3A_1022, %mul3A_1028 : vector<16xf32>
        %eq3A_1030 = arith.constant 11 : i32
        %eq3A_1031 = vector.broadcast %eq3A_1030 : i32 to vector<16xi32>
        %eq3A_1032 = arith.cmpi eq, %iota3A, %eq3A_1031 : vector<16xi32>
        %reduce_sum3A_1033 = arith.constant true
        %reduce_sum3A_1034 = vector.broadcast %reduce_sum3A_1033 : i1 to vector<16xi1>
        %reduce_sum3A_1035 = tpu.scan <sum>, %add3A_1029 masked %reduce_sum3A_1034 : vector<16xf32>, vector<16xi1> -> vector<16xf32>
        %reduce_sum3A_1036 = vector.extract %reduce_sum3A_1035[15] : f32 from vector<16xf32>
        %broadcast_in_dim3A_1037 = vector.broadcast %reduce_sum3A_1036 : f32 to vector<16xf32>
        %select_n3A_1038 = arith.select %eq3A_1032, %broadcast_in_dim3A_1037, %select_n3A_998 : vector<16xi1>, vector<16xf32>
        %mul3A_1039 = arith.constant 16 : i32
        %mul3A_1040 = arith.muli %add3A_558, %mul3A_1039 : i32
        %add3A_1041 = arith.constant 12 : i32
        %add3A_1042 = arith.addi %mul3A_1040, %add3A_1041 : i32
        %get3A_1043 = arith.constant 0 : i32
        %get3A_1044 = arith.index_cast %get3A_1043 : i32 to index
        %get3A_1045 = arith.index_cast %add3A_1042 : i32 to index
        %get3A_1046 = arith.constant 0 : index
        %get3A_1047 = tpu.vector_load %arg8[%get3A_1044, %get3A_1045, %get3A_1046] {strides = array<i32>} : memref<4x208x64xf32, #tpu.memory_space<vmem>>, vector<16xf32>,
        %mul3A_1048 = arith.mulf %get3A_1047, %get3A_206 : vector<16xf32>
        %get3A_1049 = arith.constant 0 : i32
        %get3A_1050 = arith.index_cast %get3A_1049 : i32 to index
        %get3A_1051 = arith.index_cast %add3A_1042 : i32 to index
        %get3A_1052 = arith.constant 16 : index
        %get3A_1053 = tpu.vector_load %arg8[%get3A_1050, %get3A_1051, %get3A_1052] {strides = array<i32>} : memref<4x208x64xf32, #tpu.memory_space<vmem>>, vector<16xf32>,
        %mul3A_1054 = arith.mulf %get3A_1053, %get3A_209 : vector<16xf32>
        %add3A_1055 = arith.addf %mul3A_1048, %mul3A_1054 : vector<16xf32>
        %get3A_1056 = arith.constant 0 : i32
        %get3A_1057 = arith.index_cast %get3A_1056 : i32 to index
        %get3A_1058 = arith.index_cast %add3A_1042 : i32 to index
        %get3A_1059 = arith.constant 32 : index
        %get3A_1060 = tpu.vector_load %arg8[%get3A_1057, %get3A_1058, %get3A_1059] {strides = array<i32>} : memref<4x208x64xf32, #tpu.memory_space<vmem>>, vector<16xf32>,
        %mul3A_1061 = arith.mulf %get3A_1060, %get3A_212 : vector<16xf32>
        %add3A_1062 = arith.addf %add3A_1055, %mul3A_1061 : vector<16xf32>
        %get3A_1063 = arith.constant 0 : i32
        %get3A_1064 = arith.index_cast %get3A_1063 : i32 to index
        %get3A_1065 = arith.index_cast %add3A_1042 : i32 to index
        %get3A_1066 = arith.constant 48 : index
        %get3A_1067 = tpu.vector_load %arg8[%get3A_1064, %get3A_1065, %get3A_1066] {strides = array<i32>} : memref<4x208x64xf32, #tpu.memory_space<vmem>>, vector<16xf32>,
        %mul3A_1068 = arith.mulf %get3A_1067, %get3A_215 : vector<16xf32>
        %add3A_1069 = arith.addf %add3A_1062, %mul3A_1068 : vector<16xf32>
        %eq3A_1070 = arith.constant 12 : i32
        %eq3A_1071 = vector.broadcast %eq3A_1070 : i32 to vector<16xi32>
        %eq3A_1072 = arith.cmpi eq, %iota3A, %eq3A_1071 : vector<16xi32>
        %reduce_sum3A_1073 = arith.constant true
        %reduce_sum3A_1074 = vector.broadcast %reduce_sum3A_1073 : i1 to vector<16xi1>
        %reduce_sum3A_1075 = tpu.scan <sum>, %add3A_1069 masked %reduce_sum3A_1074 : vector<16xf32>, vector<16xi1> -> vector<16xf32>
        %reduce_sum3A_1076 = vector.extract %reduce_sum3A_1075[15] : f32 from vector<16xf32>
        %broadcast_in_dim3A_1077 = vector.broadcast %reduce_sum3A_1076 : f32 to vector<16xf32>
        %select_n3A_1078 = arith.select %eq3A_1072, %broadcast_in_dim3A_1077, %select_n3A_1038 : vector<16xi1>, vector<16xf32>
        %mul3A_1079 = arith.constant 16 : i32
        %mul3A_1080 = arith.muli %add3A_558, %mul3A_1079 : i32
        %add3A_1081 = arith.constant 13 : i32
        %add3A_1082 = arith.addi %mul3A_1080, %add3A_1081 : i32
        %get3A_1083 = arith.constant 0 : i32
        %get3A_1084 = arith.index_cast %get3A_1083 : i32 to index
        %get3A_1085 = arith.index_cast %add3A_1082 : i32 to index
        %get3A_1086 = arith.constant 0 : index
        %get3A_1087 = tpu.vector_load %arg8[%get3A_1084, %get3A_1085, %get3A_1086] {strides = array<i32>} : memref<4x208x64xf32, #tpu.memory_space<vmem>>, vector<16xf32>,
        %mul3A_1088 = arith.mulf %get3A_1087, %get3A_206 : vector<16xf32>
        %get3A_1089 = arith.constant 0 : i32
        %get3A_1090 = arith.index_cast %get3A_1089 : i32 to index
        %get3A_1091 = arith.index_cast %add3A_1082 : i32 to index
        %get3A_1092 = arith.constant 16 : index
        %get3A_1093 = tpu.vector_load %arg8[%get3A_1090, %get3A_1091, %get3A_1092] {strides = array<i32>} : memref<4x208x64xf32, #tpu.memory_space<vmem>>, vector<16xf32>,
        %mul3A_1094 = arith.mulf %get3A_1093, %get3A_209 : vector<16xf32>
        %add3A_1095 = arith.addf %mul3A_1088, %mul3A_1094 : vector<16xf32>
        %get3A_1096 = arith.constant 0 : i32
        %get3A_1097 = arith.index_cast %get3A_1096 : i32 to index
        %get3A_1098 = arith.index_cast %add3A_1082 : i32 to index
        %get3A_1099 = arith.constant 32 : index
        %get3A_1100 = tpu.vector_load %arg8[%get3A_1097, %get3A_1098, %get3A_1099] {strides = array<i32>} : memref<4x208x64xf32, #tpu.memory_space<vmem>>, vector<16xf32>,
        %mul3A_1101 = arith.mulf %get3A_1100, %get3A_212 : vector<16xf32>
        %add3A_1102 = arith.addf %add3A_1095, %mul3A_1101 : vector<16xf32>
        %get3A_1103 = arith.constant 0 : i32
        %get3A_1104 = arith.index_cast %get3A_1103 : i32 to index
        %get3A_1105 = arith.index_cast %add3A_1082 : i32 to index
        %get3A_1106 = arith.constant 48 : index
        %get3A_1107 = tpu.vector_load %arg8[%get3A_1104, %get3A_1105, %get3A_1106] {strides = array<i32>} : memref<4x208x64xf32, #tpu.memory_space<vmem>>, vector<16xf32>,
        %mul3A_1108 = arith.mulf %get3A_1107, %get3A_215 : vector<16xf32>
        %add3A_1109 = arith.addf %add3A_1102, %mul3A_1108 : vector<16xf32>
        %eq3A_1110 = arith.constant 13 : i32
        %eq3A_1111 = vector.broadcast %eq3A_1110 : i32 to vector<16xi32>
        %eq3A_1112 = arith.cmpi eq, %iota3A, %eq3A_1111 : vector<16xi32>
        %reduce_sum3A_1113 = arith.constant true
        %reduce_sum3A_1114 = vector.broadcast %reduce_sum3A_1113 : i1 to vector<16xi1>
        %reduce_sum3A_1115 = tpu.scan <sum>, %add3A_1109 masked %reduce_sum3A_1114 : vector<16xf32>, vector<16xi1> -> vector<16xf32>
        %reduce_sum3A_1116 = vector.extract %reduce_sum3A_1115[15] : f32 from vector<16xf32>
        %broadcast_in_dim3A_1117 = vector.broadcast %reduce_sum3A_1116 : f32 to vector<16xf32>
        %select_n3A_1118 = arith.select %eq3A_1112, %broadcast_in_dim3A_1117, %select_n3A_1078 : vector<16xi1>, vector<16xf32>
        %mul3A_1119 = arith.constant 16 : i32
        %mul3A_1120 = arith.muli %add3A_558, %mul3A_1119 : i32
        %add3A_1121 = arith.constant 14 : i32
        %add3A_1122 = arith.addi %mul3A_1120, %add3A_1121 : i32
        %get3A_1123 = arith.constant 0 : i32
        %get3A_1124 = arith.index_cast %get3A_1123 : i32 to index
        %get3A_1125 = arith.index_cast %add3A_1122 : i32 to index
        %get3A_1126 = arith.constant 0 : index
        %get3A_1127 = tpu.vector_load %arg8[%get3A_1124, %get3A_1125, %get3A_1126] {strides = array<i32>} : memref<4x208x64xf32, #tpu.memory_space<vmem>>, vector<16xf32>,
        %mul3A_1128 = arith.mulf %get3A_1127, %get3A_206 : vector<16xf32>
        %get3A_1129 = arith.constant 0 : i32
        %get3A_1130 = arith.index_cast %get3A_1129 : i32 to index
        %get3A_1131 = arith.index_cast %add3A_1122 : i32 to index
        %get3A_1132 = arith.constant 16 : index
        %get3A_1133 = tpu.vector_load %arg8[%get3A_1130, %get3A_1131, %get3A_1132] {strides = array<i32>} : memref<4x208x64xf32, #tpu.memory_space<vmem>>, vector<16xf32>,
        %mul3A_1134 = arith.mulf %get3A_1133, %get3A_209 : vector<16xf32>
        %add3A_1135 = arith.addf %mul3A_1128, %mul3A_1134 : vector<16xf32>
        %get3A_1136 = arith.constant 0 : i32
        %get3A_1137 = arith.index_cast %get3A_1136 : i32 to index
        %get3A_1138 = arith.index_cast %add3A_1122 : i32 to index
        %get3A_1139 = arith.constant 32 : index
        %get3A_1140 = tpu.vector_load %arg8[%get3A_1137, %get3A_1138, %get3A_1139] {strides = array<i32>} : memref<4x208x64xf32, #tpu.memory_space<vmem>>, vector<16xf32>,
        %mul3A_1141 = arith.mulf %get3A_1140, %get3A_212 : vector<16xf32>
        %add3A_1142 = arith.addf %add3A_1135, %mul3A_1141 : vector<16xf32>
        %get3A_1143 = arith.constant 0 : i32
        %get3A_1144 = arith.index_cast %get3A_1143 : i32 to index
        %get3A_1145 = arith.index_cast %add3A_1122 : i32 to index
        %get3A_1146 = arith.constant 48 : index
        %get3A_1147 = tpu.vector_load %arg8[%get3A_1144, %get3A_1145, %get3A_1146] {strides = array<i32>} : memref<4x208x64xf32, #tpu.memory_space<vmem>>, vector<16xf32>,
        %mul3A_1148 = arith.mulf %get3A_1147, %get3A_215 : vector<16xf32>
        %add3A_1149 = arith.addf %add3A_1142, %mul3A_1148 : vector<16xf32>
        %eq3A_1150 = arith.constant 14 : i32
        %eq3A_1151 = vector.broadcast %eq3A_1150 : i32 to vector<16xi32>
        %eq3A_1152 = arith.cmpi eq, %iota3A, %eq3A_1151 : vector<16xi32>
        %reduce_sum3A_1153 = arith.constant true
        %reduce_sum3A_1154 = vector.broadcast %reduce_sum3A_1153 : i1 to vector<16xi1>
        %reduce_sum3A_1155 = tpu.scan <sum>, %add3A_1149 masked %reduce_sum3A_1154 : vector<16xf32>, vector<16xi1> -> vector<16xf32>
        %reduce_sum3A_1156 = vector.extract %reduce_sum3A_1155[15] : f32 from vector<16xf32>
        %broadcast_in_dim3A_1157 = vector.broadcast %reduce_sum3A_1156 : f32 to vector<16xf32>
        %select_n3A_1158 = arith.select %eq3A_1152, %broadcast_in_dim3A_1157, %select_n3A_1118 : vector<16xi1>, vector<16xf32>
        %mul3A_1159 = arith.constant 16 : i32
        %mul3A_1160 = arith.muli %add3A_558, %mul3A_1159 : i32
        %add3A_1161 = arith.constant 15 : i32
        %add3A_1162 = arith.addi %mul3A_1160, %add3A_1161 : i32
        %get3A_1163 = arith.constant 0 : i32
        %get3A_1164 = arith.index_cast %get3A_1163 : i32 to index
        %get3A_1165 = arith.index_cast %add3A_1162 : i32 to index
        %get3A_1166 = arith.constant 0 : index
        %get3A_1167 = tpu.vector_load %arg8[%get3A_1164, %get3A_1165, %get3A_1166] {strides = array<i32>} : memref<4x208x64xf32, #tpu.memory_space<vmem>>, vector<16xf32>,
        %mul3A_1168 = arith.mulf %get3A_1167, %get3A_206 : vector<16xf32>
        %get3A_1169 = arith.constant 0 : i32
        %get3A_1170 = arith.index_cast %get3A_1169 : i32 to index
        %get3A_1171 = arith.index_cast %add3A_1162 : i32 to index
        %get3A_1172 = arith.constant 16 : index
        %get3A_1173 = tpu.vector_load %arg8[%get3A_1170, %get3A_1171, %get3A_1172] {strides = array<i32>} : memref<4x208x64xf32, #tpu.memory_space<vmem>>, vector<16xf32>,
        %mul3A_1174 = arith.mulf %get3A_1173, %get3A_209 : vector<16xf32>
        %add3A_1175 = arith.addf %mul3A_1168, %mul3A_1174 : vector<16xf32>
        %get3A_1176 = arith.constant 0 : i32
        %get3A_1177 = arith.index_cast %get3A_1176 : i32 to index
        %get3A_1178 = arith.index_cast %add3A_1162 : i32 to index
        %get3A_1179 = arith.constant 32 : index
        %get3A_1180 = tpu.vector_load %arg8[%get3A_1177, %get3A_1178, %get3A_1179] {strides = array<i32>} : memref<4x208x64xf32, #tpu.memory_space<vmem>>, vector<16xf32>,
        %mul3A_1181 = arith.mulf %get3A_1180, %get3A_212 : vector<16xf32>
        %add3A_1182 = arith.addf %add3A_1175, %mul3A_1181 : vector<16xf32>
        %get3A_1183 = arith.constant 0 : i32
        %get3A_1184 = arith.index_cast %get3A_1183 : i32 to index
        %get3A_1185 = arith.index_cast %add3A_1162 : i32 to index
        %get3A_1186 = arith.constant 48 : index
        %get3A_1187 = tpu.vector_load %arg8[%get3A_1184, %get3A_1185, %get3A_1186] {strides = array<i32>} : memref<4x208x64xf32, #tpu.memory_space<vmem>>, vector<16xf32>,
        %mul3A_1188 = arith.mulf %get3A_1187, %get3A_215 : vector<16xf32>
        %add3A_1189 = arith.addf %add3A_1182, %mul3A_1188 : vector<16xf32>
        %eq3A_1190 = arith.constant 15 : i32
        %eq3A_1191 = vector.broadcast %eq3A_1190 : i32 to vector<16xi32>
        %eq3A_1192 = arith.cmpi eq, %iota3A, %eq3A_1191 : vector<16xi32>
        %reduce_sum3A_1193 = arith.constant true
        %reduce_sum3A_1194 = vector.broadcast %reduce_sum3A_1193 : i1 to vector<16xi1>
        %reduce_sum3A_1195 = tpu.scan <sum>, %add3A_1189 masked %reduce_sum3A_1194 : vector<16xf32>, vector<16xi1> -> vector<16xf32>
        %reduce_sum3A_1196 = vector.extract %reduce_sum3A_1195[15] : f32 from vector<16xf32>
        %broadcast_in_dim3A_1197 = vector.broadcast %reduce_sum3A_1196 : f32 to vector<16xf32>
        %select_n3A_1198 = arith.select %eq3A_1192, %broadcast_in_dim3A_1197, %select_n3A_1158 : vector<16xi1>, vector<16xf32>
        %mul3A_1199 = arith.constant 16 : i32
        %mul3A_1200 = arith.muli %add3A_558, %mul3A_1199 : i32
        %add3A_1201 = vector.broadcast %mul3A_1200 : i32 to vector<16xi32>
        %add3A_1202 = arith.addi %add3A_1201, %iota3A : vector<16xi32>
        %lt3A_1203 = arith.constant 200 : i32
        %lt3A_1204 = vector.broadcast %lt3A_1203 : i32 to vector<16xi32>
        %lt3A_1205 = arith.cmpi slt, %add3A_1202, %lt3A_1204 : vector<16xi32>
        %jit3A = arith.constant -1.000000e+30 : f32
        %broadcast_in_dim3A_1206 = vector.broadcast %jit3A : f32 to vector<16xf32>
        %select_n3A_1207 = arith.select %lt3A_1205, %select_n3A_1198, %broadcast_in_dim3A_1206 : vector<16xi1>, vector<16xf32>
        %mul3A_1208 = arith.constant 16 : i32
        %mul3A_1209 = arith.muli %add3A_558, %mul3A_1208 : i32
        %swap3A = arith.index_cast %mul3A_1209 : i32 to index
        %swap3A_1210 = tpu.vector_load %arg9[%swap3A] {strides = array<i32>} : memref<208xf32, #tpu.memory_space<vmem>>, vector<16xf32>,
        tpu.vector_store %arg9[%swap3A], %select_n3A_1207 {strides = array<i32>} : memref<208xf32, #tpu.memory_space<vmem>>, vector<16xf32>,
        %max3A = arith.maximumf %scan3A_554, %select_n3A_1207 : vector<16xf32>
        scf.yield %max3A : vector<16xf32>
      }
      %scan3A_222 = arith.constant 13 : i32
      %reduce_max3A = arith.constant true
      %reduce_max3A_223 = vector.broadcast %reduce_max3A : i1 to vector<16xi1>
      %reduce_max3A_224 = tpu.scan <max>, %scan3A_221 masked %reduce_max3A_223 : vector<16xf32>, vector<16xi1> -> vector<16xf32>
      %reduce_max3A_225 = vector.extract %reduce_max3A_224[15] : f32 from vector<16xf32>
      %add3A_226 = arith.constant 4 : i32
      %add3A_227 = arith.addi %add3A_180, %add3A_226 : i32
      %lt3A = arith.constant 128 : i32
      %lt3A_228 = arith.cmpi slt, %add3A_227, %lt3A : i32
      %convert_element_type3A = arith.extui %lt3A_228 : i1 to i32
      %cond3A = arith.constant 0 : i32
      %cond3A_229 = arith.cmpi ne, %convert_element_type3A, %cond3A : i32
      scf.if %cond3A_229 {
        %add3A_553 = arith.constant 4 : i32
        %add3A_554 = arith.addi %add3A_180, %add3A_553 : i32
        %dma_start3A_555 = arith.constant 0 : i32
        %dma_start3A_556 = arith.constant 0 : i32
        %dma_start3A_557 = arith.constant 0 : i32
        %dma_start3A_558 = arith.constant 0 : i32
        %dma_start3A_559 = tpu.memref_slice %arg8[%dma_start3A_556, %dma_start3A_557, %dma_start3A_558] : memref<4x208x64xf32, #tpu.memory_space<vmem>> -> memref<1x100x64xf32, #tpu.memory_space<vmem>>
        %dma_start3A_560 = tpu.memref_squeeze %dma_start3A_559 : memref<1x100x64xf32, #tpu.memory_space<vmem>> -> memref<100x64xf32, #tpu.memory_space<vmem>>
        %dma_start3A_561 = arith.constant 0 : i32
        %dma_start3A_562 = tpu.memref_slice %arg6[%add3A_554, %dma_start3A_555, %dma_start3A_561] : memref<128x2x100xi32, #tpu.memory_space<vmem>> -> memref<1x1x100xi32, #tpu.memory_space<vmem>>
        %dma_start3A_563 = tpu.memref_squeeze %dma_start3A_562 : memref<1x1x100xi32, #tpu.memory_space<vmem>> -> memref<100xi32, #tpu.memory_space<vmem>>
        %dma_start3A_564 = arith.constant 0 : i32
        %dma_start3A_565 = arith.constant 0 : i32
        %dma_start3A_566 = tpu.memref_slice %arg2[%dma_start3A_564, %dma_start3A_565] : memref<2000000x64xf32, #tpu.memory_space<hbm>> -> memref<2000000x64xf32, #tpu.memory_space<hbm>>
        tpu.enqueue_indirect_dma source(%dma_start3A_566 : memref<2000000x64xf32, #tpu.memory_space<hbm>>) target(%dma_start3A_560 : memref<100x64xf32, #tpu.memory_space<vmem>>) offsets(%dma_start3A_563 : memref<100xi32, #tpu.memory_space<vmem>>) semaphore(%arg14 : memref<!tpu.dma_semaphore, #tpu.memory_space<semaphore_mem>>)
        %dma_start3A_567 = arith.constant 1 : i32
        %dma_start3A_568 = arith.constant 0 : i32
        %dma_start3A_569 = arith.constant 100 : i32
        %dma_start3A_570 = arith.constant 0 : i32
        %dma_start3A_571 = tpu.memref_slice %arg8[%dma_start3A_568, %dma_start3A_569, %dma_start3A_570] : memref<4x208x64xf32, #tpu.memory_space<vmem>> -> memref<1x100x64xf32, #tpu.memory_space<vmem>>
        %dma_start3A_572 = tpu.memref_squeeze %dma_start3A_571 : memref<1x100x64xf32, #tpu.memory_space<vmem>> -> memref<100x64xf32, #tpu.memory_space<vmem>>
        %dma_start3A_573 = arith.constant 0 : i32
        %dma_start3A_574 = tpu.memref_slice %arg6[%add3A_554, %dma_start3A_567, %dma_start3A_573] : memref<128x2x100xi32, #tpu.memory_space<vmem>> -> memref<1x1x100xi32, #tpu.memory_space<vmem>>
        %dma_start3A_575 = tpu.memref_squeeze %dma_start3A_574 : memref<1x1x100xi32, #tpu.memory_space<vmem>> -> memref<100xi32, #tpu.memory_space<vmem>>
        %dma_start3A_576 = arith.constant 0 : i32
        %dma_start3A_577 = arith.constant 0 : i32
        %dma_start3A_578 = tpu.memref_slice %arg2[%dma_start3A_576, %dma_start3A_577] : memref<2000000x64xf32, #tpu.memory_space<hbm>> -> memref<2000000x64xf32, #tpu.memory_space<hbm>>
        tpu.enqueue_indirect_dma source(%dma_start3A_578 : memref<2000000x64xf32, #tpu.memory_space<hbm>>) target(%dma_start3A_572 : memref<100x64xf32, #tpu.memory_space<vmem>>) offsets(%dma_start3A_575 : memref<100xi32, #tpu.memory_space<vmem>>) semaphore(%arg14 : memref<!tpu.dma_semaphore, #tpu.memory_space<semaphore_mem>>)
      } else {
      }
      %gt3A = arith.constant 0 : i32
      %gt3A_230 = arith.cmpi sgt, %add3A_176, %gt3A : i32
      %convert_element_type3A_231 = arith.extui %gt3A_230 : i1 to i32
      %cond3A_232 = arith.constant 0 : i32
      %cond3A_233 = arith.cmpi ne, %convert_element_type3A_231, %cond3A_232 : i32
      scf.if %cond3A_233 {
        %add3A_553 = arith.addi %mul3A_2, %add3A_180 : i32
        %sub3A_554 = arith.constant 4 : i32
        %sub3A_555 = arith.subi %add3A_553, %sub3A_554 : i32
        %dma_wait3A_556 = arith.constant 0 : i32
        %dma_wait3A_557 = tpu.memref_slice %arg10[%dma_wait3A_556] : memref<208xf32, #tpu.memory_space<vmem>> -> memref<200xf32, #tpu.memory_space<vmem>>
        %dma_wait3A_558 = arith.constant 0 : i32
        %dma_wait3A_559 = tpu.memref_slice %arg5[%sub3A_555, %dma_wait3A_558] : memref<4096x200xf32, #tpu.memory_space<hbm>> -> memref<1x200xf32, #tpu.memory_space<hbm>>
        %dma_wait3A_560 = tpu.memref_squeeze %dma_wait3A_559 : memref<1x200xf32, #tpu.memory_space<hbm>> -> memref<200xf32, #tpu.memory_space<hbm>>
        %dma_wait3A_561 = arith.constant 0 : i32
        %dma_wait3A_562 = tpu.memref_slice %arg5[%sub3A_555, %dma_wait3A_561] : memref<4096x200xf32, #tpu.memory_space<hbm>> -> memref<1x200xf32, #tpu.memory_space<hbm>>
        %dma_wait3A_563 = tpu.memref_squeeze %dma_wait3A_562 : memref<1x200xf32, #tpu.memory_space<hbm>> -> memref<200xf32, #tpu.memory_space<hbm>>
        %dma_wait3A_564 = arith.constant 0 : i32
        %dma_wait3A_565 = tpu.memref_slice %arg10[%dma_wait3A_564] : memref<208xf32, #tpu.memory_space<vmem>> -> memref<200xf32, #tpu.memory_space<vmem>>
        tpu.wait_dma2 semaphore(%arg18 : memref<!tpu.dma_semaphore, #tpu.memory_space<semaphore_mem>>) src(%dma_wait3A_565 : memref<200xf32, #tpu.memory_space<vmem>>) dst(%dma_wait3A_563 : memref<200xf32, #tpu.memory_space<hbm>>)
      } else {
      }
      %broadcast_in_dim3A_234 = arith.constant 0.000000e+00 : f32
      %broadcast_in_dim3A_235 = vector.broadcast %broadcast_in_dim3A_234 : f32 to vector<16xf32>
      %scan3A_236 = arith.constant 0 : i32
      %scan3A_237 = arith.constant 13 : i32
      %scan3A_238 = arith.addi %scan3A_236, %scan3A_237 : i32
      %scan3A_239 = arith.constant 1 : i32
      %scan3A_240 = scf.for %scan3A_553 = %scan3A_236 to %scan3A_238 step %scan3A_239 iter_args(%scan3A_554 = %broadcast_in_dim3A_235) -> (vector<16xf32>)  : i32 {
        %mul3A_555 = arith.constant 1 : i32
        %mul3A_556 = arith.muli %scan3A_553, %mul3A_555 : i32
        %add3A_557 = arith.constant 0 : i32
        %add3A_558 = arith.addi %add3A_557, %mul3A_556 : i32
        %mul3A_559 = arith.constant 16 : i32
        %mul3A_560 = arith.muli %add3A_558, %mul3A_559 : i32
        %get3A_561 = arith.index_cast %mul3A_560 : i32 to index
        %get3A_562 = tpu.vector_load %arg9[%get3A_561] {strides = array<i32>} : memref<208xf32, #tpu.memory_space<vmem>>, vector<16xf32>,
        %sub3A_563 = vector.broadcast %reduce_max3A_225 : f32 to vector<16xf32>
        %sub3A_564 = arith.subf %get3A_562, %sub3A_563 : vector<16xf32>
        %exp3A = math.exp %sub3A_564 : vector<16xf32>
        %mul3A_565 = arith.constant 16 : i32
        %mul3A_566 = arith.muli %add3A_558, %mul3A_565 : i32
        %swap3A = arith.index_cast %mul3A_566 : i32 to index
        %swap3A_567 = tpu.vector_load %arg10[%swap3A] {strides = array<i32>} : memref<208xf32, #tpu.memory_space<vmem>>, vector<16xf32>,
        tpu.vector_store %arg10[%swap3A], %exp3A {strides = array<i32>} : memref<208xf32, #tpu.memory_space<vmem>>, vector<16xf32>,
        %add3A_568 = arith.addf %scan3A_554, %exp3A : vector<16xf32>
        scf.yield %add3A_568 : vector<16xf32>
      }
      %scan3A_241 = arith.constant 13 : i32
      %broadcast_in_dim3A_242 = arith.constant 0.000000e+00 : f32
      %broadcast_in_dim3A_243 = vector.broadcast %broadcast_in_dim3A_242 : f32 to vector<16xf32>
      %reduce_sum3A = arith.constant true
      %reduce_sum3A_244 = vector.broadcast %reduce_sum3A : i1 to vector<16xi1>
      %reduce_sum3A_245 = tpu.scan <sum>, %scan3A_240 masked %reduce_sum3A_244 : vector<16xf32>, vector<16xi1> -> vector<16xf32>
      %reduce_sum3A_246 = vector.extract %reduce_sum3A_245[15] : f32 from vector<16xf32>
      %add3A_247 = vector.broadcast %reduce_sum3A_246 : f32 to vector<16xf32>
      %add3A_248 = arith.addf %broadcast_in_dim3A_243, %add3A_247 : vector<16xf32>
      %scan3A_249 = arith.constant 0 : i32
      %scan3A_250 = arith.constant 13 : i32
      %scan3A_251 = arith.addi %scan3A_249, %scan3A_250 : i32
      %scan3A_252 = arith.constant 1 : i32
      scf.for %scan3A_553 = %scan3A_249 to %scan3A_251 step %scan3A_252  : i32 {
        %mul3A_554 = arith.constant 1 : i32
        %mul3A_555 = arith.muli %scan3A_553, %mul3A_554 : i32
        %add3A_556 = arith.constant 0 : i32
        %add3A_557 = arith.addi %add3A_556, %mul3A_555 : i32
        %mul3A_558 = arith.constant 16 : i32
        %mul3A_559 = arith.muli %add3A_557, %mul3A_558 : i32
        %get3A_560 = arith.index_cast %mul3A_559 : i32 to index
        %get3A_561 = tpu.vector_load %arg10[%get3A_560] {strides = array<i32>} : memref<208xf32, #tpu.memory_space<vmem>>, vector<16xf32>,
        %div3A = arith.divf %get3A_561, %add3A_248 : vector<16xf32>
        %mul3A_562 = arith.constant 16 : i32
        %mul3A_563 = arith.muli %add3A_557, %mul3A_562 : i32
        %swap3A = arith.index_cast %mul3A_563 : i32 to index
        %swap3A_564 = tpu.vector_load %arg10[%swap3A] {strides = array<i32>} : memref<208xf32, #tpu.memory_space<vmem>>, vector<16xf32>,
        tpu.vector_store %arg10[%swap3A], %div3A {strides = array<i32>} : memref<208xf32, #tpu.memory_space<vmem>>, vector<16xf32>,
      }
      %scan3A_253 = arith.constant 13 : i32
      %add3A_254 = arith.addi %mul3A_2, %add3A_180 : i32
      %dma_start3A_255 = arith.constant 0 : i32
      %dma_start3A_256 = tpu.memref_slice %arg10[%dma_start3A_255] : memref<208xf32, #tpu.memory_space<vmem>> -> memref<200xf32, #tpu.memory_space<vmem>>
      %dma_start3A_257 = arith.constant 0 : i32
      %dma_start3A_258 = tpu.memref_slice %arg5[%add3A_254, %dma_start3A_257] : memref<4096x200xf32, #tpu.memory_space<hbm>> -> memref<1x200xf32, #tpu.memory_space<hbm>>
      %dma_start3A_259 = tpu.memref_squeeze %dma_start3A_258 : memref<1x200xf32, #tpu.memory_space<hbm>> -> memref<200xf32, #tpu.memory_space<hbm>>
      %dma_start3A_260 = arith.constant 0 : i32
      %dma_start3A_261 = tpu.memref_slice %arg5[%add3A_254, %dma_start3A_260] : memref<4096x200xf32, #tpu.memory_space<hbm>> -> memref<1x200xf32, #tpu.memory_space<hbm>>
      %dma_start3A_262 = tpu.memref_squeeze %dma_start3A_261 : memref<1x200xf32, #tpu.memory_space<hbm>> -> memref<200xf32, #tpu.memory_space<hbm>>
      %dma_start3A_263 = arith.constant 0 : i32
      %dma_start3A_264 = tpu.memref_slice %arg10[%dma_start3A_263] : memref<208xf32, #tpu.memory_space<vmem>> -> memref<200xf32, #tpu.memory_space<vmem>>
      tpu.enqueue_dma source(%dma_start3A_264 : memref<200xf32, #tpu.memory_space<vmem>>) target(%dma_start3A_262 : memref<200xf32, #tpu.memory_space<hbm>>) target_semaphore(%arg18 : memref<!tpu.dma_semaphore, #tpu.memory_space<semaphore_mem>>)
      %mul3A_265 = arith.constant 4 : i32
      %mul3A_266 = arith.muli %add3A_176, %mul3A_265 : i32
      %add3A_267 = arith.constant 1 : i32
      %add3A_268 = arith.addi %mul3A_266, %add3A_267 : i32
      %dma_wait3A_269 = arith.constant 0 : i32
      %dma_wait3A_270 = arith.constant 1 : i32
      %dma_wait3A_271 = arith.constant 0 : i32
      %dma_wait3A_272 = arith.constant 0 : i32
      %dma_wait3A_273 = tpu.memref_slice %arg8[%dma_wait3A_270, %dma_wait3A_271, %dma_wait3A_272] : memref<4x208x64xf32, #tpu.memory_space<vmem>> -> memref<1x100x64xf32, #tpu.memory_space<vmem>>
      %dma_wait3A_274 = tpu.memref_squeeze %dma_wait3A_273 : memref<1x100x64xf32, #tpu.memory_space<vmem>> -> memref<100x64xf32, #tpu.memory_space<vmem>>
      %dma_wait3A_275 = arith.constant 0 : i32
      %dma_wait3A_276 = tpu.memref_slice %arg6[%add3A_268, %dma_wait3A_269, %dma_wait3A_275] : memref<128x2x100xi32, #tpu.memory_space<vmem>> -> memref<1x1x100xi32, #tpu.memory_space<vmem>>
      %dma_wait3A_277 = tpu.memref_squeeze %dma_wait3A_276 : memref<1x1x100xi32, #tpu.memory_space<vmem>> -> memref<100xi32, #tpu.memory_space<vmem>>
      %dma_wait3A_278 = arith.constant 0 : i32
      %dma_wait3A_279 = arith.constant 0 : i32
      %dma_wait3A_280 = tpu.memref_slice %arg2[%dma_wait3A_278, %dma_wait3A_279] : memref<2000000x64xf32, #tpu.memory_space<hbm>> -> memref<2000000x64xf32, #tpu.memory_space<hbm>>
      tpu.wait_indirect_dma semaphore(%arg15 : memref<!tpu.dma_semaphore, #tpu.memory_space<semaphore_mem>>) src(%dma_wait3A_280 : memref<2000000x64xf32, #tpu.memory_space<hbm>>) dst(%dma_wait3A_274 : memref<100x64xf32, #tpu.memory_space<vmem>>)
      %dma_wait3A_281 = arith.constant 1 : i32
      %dma_wait3A_282 = arith.constant 1 : i32
      %dma_wait3A_283 = arith.constant 100 : i32
      %dma_wait3A_284 = arith.constant 0 : i32
      %dma_wait3A_285 = tpu.memref_slice %arg8[%dma_wait3A_282, %dma_wait3A_283, %dma_wait3A_284] : memref<4x208x64xf32, #tpu.memory_space<vmem>> -> memref<1x100x64xf32, #tpu.memory_space<vmem>>
      %dma_wait3A_286 = tpu.memref_squeeze %dma_wait3A_285 : memref<1x100x64xf32, #tpu.memory_space<vmem>> -> memref<100x64xf32, #tpu.memory_space<vmem>>
      %dma_wait3A_287 = arith.constant 0 : i32
      %dma_wait3A_288 = tpu.memref_slice %arg6[%add3A_268, %dma_wait3A_281, %dma_wait3A_287] : memref<128x2x100xi32, #tpu.memory_space<vmem>> -> memref<1x1x100xi32, #tpu.memory_space<vmem>>
      %dma_wait3A_289 = tpu.memref_squeeze %dma_wait3A_288 : memref<1x1x100xi32, #tpu.memory_space<vmem>> -> memref<100xi32, #tpu.memory_space<vmem>>
      %dma_wait3A_290 = arith.constant 0 : i32
      %dma_wait3A_291 = arith.constant 0 : i32
      %dma_wait3A_292 = tpu.memref_slice %arg2[%dma_wait3A_290, %dma_wait3A_291] : memref<2000000x64xf32, #tpu.memory_space<hbm>> -> memref<2000000x64xf32, #tpu.memory_space<hbm>>
      tpu.wait_indirect_dma semaphore(%arg15 : memref<!tpu.dma_semaphore, #tpu.memory_space<semaphore_mem>>) src(%dma_wait3A_292 : memref<2000000x64xf32, #tpu.memory_space<hbm>>) dst(%dma_wait3A_286 : memref<100x64xf32, #tpu.memory_space<vmem>>)
      %get3A_293 = arith.index_cast %add3A_268 : i32 to index
      %get3A_294 = arith.constant 0 : index
      %get3A_295 = tpu.vector_load %arg7[%get3A_293, %get3A_294] {strides = array<i32>} : memref<128x64xf32, #tpu.memory_space<vmem>>, vector<16xf32>,
      %get3A_296 = arith.index_cast %add3A_268 : i32 to index
      %get3A_297 = arith.constant 16 : index
      %get3A_298 = tpu.vector_load %arg7[%get3A_296, %get3A_297] {strides = array<i32>} : memref<128x64xf32, #tpu.memory_space<vmem>>, vector<16xf32>,
      %get3A_299 = arith.index_cast %add3A_268 : i32 to index
      %get3A_300 = arith.constant 32 : index
      %get3A_301 = tpu.vector_load %arg7[%get3A_299, %get3A_300] {strides = array<i32>} : memref<128x64xf32, #tpu.memory_space<vmem>>, vector<16xf32>,
      %get3A_302 = arith.index_cast %add3A_268 : i32 to index
      %get3A_303 = arith.constant 48 : index
      %get3A_304 = tpu.vector_load %arg7[%get3A_302, %get3A_303] {strides = array<i32>} : memref<128x64xf32, #tpu.memory_space<vmem>>, vector<16xf32>,
      %broadcast_in_dim3A_305 = arith.constant -1.000000e+30 : f32
      %broadcast_in_dim3A_306 = vector.broadcast %broadcast_in_dim3A_305 : f32 to vector<16xf32>
      %scan3A_307 = arith.constant 0 : i32
      %scan3A_308 = arith.constant 13 : i32
      %scan3A_309 = arith.addi %scan3A_307, %scan3A_308 : i32
      %scan3A_310 = arith.constant 1 : i32
      %scan3A_311 = scf.for %scan3A_553 = %scan3A_307 to %scan3A_309 step %scan3A_310 iter_args(%scan3A_554 = %broadcast_in_dim3A_306) -> (vector<16xf32>)  : i32 {
        %mul3A_555 = arith.constant 1 : i32
        %mul3A_556 = arith.muli %scan3A_553, %mul3A_555 : i32
        %add3A_557 = arith.constant 0 : i32
        %add3A_558 = arith.addi %add3A_557, %mul3A_556 : i32
        %broadcast_in_dim3A_559 = arith.constant 0.000000e+00 : f32
        %broadcast_in_dim3A_560 = vector.broadcast %broadcast_in_dim3A_559 : f32 to vector<16xf32>
        %mul3A_561 = arith.constant 16 : i32
        %mul3A_562 = arith.muli %add3A_558, %mul3A_561 : i32
        %add3A_563 = arith.constant 0 : i32
        %add3A_564 = arith.addi %mul3A_562, %add3A_563 : i32
        %get3A_565 = arith.constant 1 : i32
        %get3A_566 = arith.index_cast %get3A_565 : i32 to index
        %get3A_567 = arith.index_cast %add3A_564 : i32 to index
        %get3A_568 = arith.constant 0 : index
        %get3A_569 = tpu.vector_load %arg8[%get3A_566, %get3A_567, %get3A_568] {strides = array<i32>} : memref<4x208x64xf32, #tpu.memory_space<vmem>>, vector<16xf32>,
        %mul3A_570 = arith.mulf %get3A_569, %get3A_295 : vector<16xf32>
        %get3A_571 = arith.constant 1 : i32
        %get3A_572 = arith.index_cast %get3A_571 : i32 to index
        %get3A_573 = arith.index_cast %add3A_564 : i32 to index
        %get3A_574 = arith.constant 16 : index
        %get3A_575 = tpu.vector_load %arg8[%get3A_572, %get3A_573, %get3A_574] {strides = array<i32>} : memref<4x208x64xf32, #tpu.memory_space<vmem>>, vector<16xf32>,
        %mul3A_576 = arith.mulf %get3A_575, %get3A_298 : vector<16xf32>
        %add3A_577 = arith.addf %mul3A_570, %mul3A_576 : vector<16xf32>
        %get3A_578 = arith.constant 1 : i32
        %get3A_579 = arith.index_cast %get3A_578 : i32 to index
        %get3A_580 = arith.index_cast %add3A_564 : i32 to index
        %get3A_581 = arith.constant 32 : index
        %get3A_582 = tpu.vector_load %arg8[%get3A_579, %get3A_580, %get3A_581] {strides = array<i32>} : memref<4x208x64xf32, #tpu.memory_space<vmem>>, vector<16xf32>,
        %mul3A_583 = arith.mulf %get3A_582, %get3A_301 : vector<16xf32>
        %add3A_584 = arith.addf %add3A_577, %mul3A_583 : vector<16xf32>
        %get3A_585 = arith.constant 1 : i32
        %get3A_586 = arith.index_cast %get3A_585 : i32 to index
        %get3A_587 = arith.index_cast %add3A_564 : i32 to index
        %get3A_588 = arith.constant 48 : index
        %get3A_589 = tpu.vector_load %arg8[%get3A_586, %get3A_587, %get3A_588] {strides = array<i32>} : memref<4x208x64xf32, #tpu.memory_space<vmem>>, vector<16xf32>,
        %mul3A_590 = arith.mulf %get3A_589, %get3A_304 : vector<16xf32>
        %add3A_591 = arith.addf %add3A_584, %mul3A_590 : vector<16xf32>
        %eq3A = arith.constant 0 : i32
        %eq3A_592 = vector.broadcast %eq3A : i32 to vector<16xi32>
        %eq3A_593 = arith.cmpi eq, %iota3A, %eq3A_592 : vector<16xi32>
        %reduce_sum3A_594 = arith.constant true
        %reduce_sum3A_595 = vector.broadcast %reduce_sum3A_594 : i1 to vector<16xi1>
        %reduce_sum3A_596 = tpu.scan <sum>, %add3A_591 masked %reduce_sum3A_595 : vector<16xf32>, vector<16xi1> -> vector<16xf32>
        %reduce_sum3A_597 = vector.extract %reduce_sum3A_596[15] : f32 from vector<16xf32>
        %broadcast_in_dim3A_598 = vector.broadcast %reduce_sum3A_597 : f32 to vector<16xf32>
        %select_n3A = arith.select %eq3A_593, %broadcast_in_dim3A_598, %broadcast_in_dim3A_560 : vector<16xi1>, vector<16xf32>
        %mul3A_599 = arith.constant 16 : i32
        %mul3A_600 = arith.muli %add3A_558, %mul3A_599 : i32
        %add3A_601 = arith.constant 1 : i32
        %add3A_602 = arith.addi %mul3A_600, %add3A_601 : i32
        %get3A_603 = arith.constant 1 : i32
        %get3A_604 = arith.index_cast %get3A_603 : i32 to index
        %get3A_605 = arith.index_cast %add3A_602 : i32 to index
        %get3A_606 = arith.constant 0 : index
        %get3A_607 = tpu.vector_load %arg8[%get3A_604, %get3A_605, %get3A_606] {strides = array<i32>} : memref<4x208x64xf32, #tpu.memory_space<vmem>>, vector<16xf32>,
        %mul3A_608 = arith.mulf %get3A_607, %get3A_295 : vector<16xf32>
        %get3A_609 = arith.constant 1 : i32
        %get3A_610 = arith.index_cast %get3A_609 : i32 to index
        %get3A_611 = arith.index_cast %add3A_602 : i32 to index
        %get3A_612 = arith.constant 16 : index
        %get3A_613 = tpu.vector_load %arg8[%get3A_610, %get3A_611, %get3A_612] {strides = array<i32>} : memref<4x208x64xf32, #tpu.memory_space<vmem>>, vector<16xf32>,
        %mul3A_614 = arith.mulf %get3A_613, %get3A_298 : vector<16xf32>
        %add3A_615 = arith.addf %mul3A_608, %mul3A_614 : vector<16xf32>
        %get3A_616 = arith.constant 1 : i32
        %get3A_617 = arith.index_cast %get3A_616 : i32 to index
        %get3A_618 = arith.index_cast %add3A_602 : i32 to index
        %get3A_619 = arith.constant 32 : index
        %get3A_620 = tpu.vector_load %arg8[%get3A_617, %get3A_618, %get3A_619] {strides = array<i32>} : memref<4x208x64xf32, #tpu.memory_space<vmem>>, vector<16xf32>,
        %mul3A_621 = arith.mulf %get3A_620, %get3A_301 : vector<16xf32>
        %add3A_622 = arith.addf %add3A_615, %mul3A_621 : vector<16xf32>
        %get3A_623 = arith.constant 1 : i32
        %get3A_624 = arith.index_cast %get3A_623 : i32 to index
        %get3A_625 = arith.index_cast %add3A_602 : i32 to index
        %get3A_626 = arith.constant 48 : index
        %get3A_627 = tpu.vector_load %arg8[%get3A_624, %get3A_625, %get3A_626] {strides = array<i32>} : memref<4x208x64xf32, #tpu.memory_space<vmem>>, vector<16xf32>,
        %mul3A_628 = arith.mulf %get3A_627, %get3A_304 : vector<16xf32>
        %add3A_629 = arith.addf %add3A_622, %mul3A_628 : vector<16xf32>
        %eq3A_630 = arith.constant 1 : i32
        %eq3A_631 = vector.broadcast %eq3A_630 : i32 to vector<16xi32>
        %eq3A_632 = arith.cmpi eq, %iota3A, %eq3A_631 : vector<16xi32>
        %reduce_sum3A_633 = arith.constant true
        %reduce_sum3A_634 = vector.broadcast %reduce_sum3A_633 : i1 to vector<16xi1>
        %reduce_sum3A_635 = tpu.scan <sum>, %add3A_629 masked %reduce_sum3A_634 : vector<16xf32>, vector<16xi1> -> vector<16xf32>
        %reduce_sum3A_636 = vector.extract %reduce_sum3A_635[15] : f32 from vector<16xf32>
        %broadcast_in_dim3A_637 = vector.broadcast %reduce_sum3A_636 : f32 to vector<16xf32>
        %select_n3A_638 = arith.select %eq3A_632, %broadcast_in_dim3A_637, %select_n3A : vector<16xi1>, vector<16xf32>
        %mul3A_639 = arith.constant 16 : i32
        %mul3A_640 = arith.muli %add3A_558, %mul3A_639 : i32
        %add3A_641 = arith.constant 2 : i32
        %add3A_642 = arith.addi %mul3A_640, %add3A_641 : i32
        %get3A_643 = arith.constant 1 : i32
        %get3A_644 = arith.index_cast %get3A_643 : i32 to index
        %get3A_645 = arith.index_cast %add3A_642 : i32 to index
        %get3A_646 = arith.constant 0 : index
        %get3A_647 = tpu.vector_load %arg8[%get3A_644, %get3A_645, %get3A_646] {strides = array<i32>} : memref<4x208x64xf32, #tpu.memory_space<vmem>>, vector<16xf32>,
        %mul3A_648 = arith.mulf %get3A_647, %get3A_295 : vector<16xf32>
        %get3A_649 = arith.constant 1 : i32
        %get3A_650 = arith.index_cast %get3A_649 : i32 to index
        %get3A_651 = arith.index_cast %add3A_642 : i32 to index
        %get3A_652 = arith.constant 16 : index
        %get3A_653 = tpu.vector_load %arg8[%get3A_650, %get3A_651, %get3A_652] {strides = array<i32>} : memref<4x208x64xf32, #tpu.memory_space<vmem>>, vector<16xf32>,
        %mul3A_654 = arith.mulf %get3A_653, %get3A_298 : vector<16xf32>
        %add3A_655 = arith.addf %mul3A_648, %mul3A_654 : vector<16xf32>
        %get3A_656 = arith.constant 1 : i32
        %get3A_657 = arith.index_cast %get3A_656 : i32 to index
        %get3A_658 = arith.index_cast %add3A_642 : i32 to index
        %get3A_659 = arith.constant 32 : index
        %get3A_660 = tpu.vector_load %arg8[%get3A_657, %get3A_658, %get3A_659] {strides = array<i32>} : memref<4x208x64xf32, #tpu.memory_space<vmem>>, vector<16xf32>,
        %mul3A_661 = arith.mulf %get3A_660, %get3A_301 : vector<16xf32>
        %add3A_662 = arith.addf %add3A_655, %mul3A_661 : vector<16xf32>
        %get3A_663 = arith.constant 1 : i32
        %get3A_664 = arith.index_cast %get3A_663 : i32 to index
        %get3A_665 = arith.index_cast %add3A_642 : i32 to index
        %get3A_666 = arith.constant 48 : index
        %get3A_667 = tpu.vector_load %arg8[%get3A_664, %get3A_665, %get3A_666] {strides = array<i32>} : memref<4x208x64xf32, #tpu.memory_space<vmem>>, vector<16xf32>,
        %mul3A_668 = arith.mulf %get3A_667, %get3A_304 : vector<16xf32>
        %add3A_669 = arith.addf %add3A_662, %mul3A_668 : vector<16xf32>
        %eq3A_670 = arith.constant 2 : i32
        %eq3A_671 = vector.broadcast %eq3A_670 : i32 to vector<16xi32>
        %eq3A_672 = arith.cmpi eq, %iota3A, %eq3A_671 : vector<16xi32>
        %reduce_sum3A_673 = arith.constant true
        %reduce_sum3A_674 = vector.broadcast %reduce_sum3A_673 : i1 to vector<16xi1>
        %reduce_sum3A_675 = tpu.scan <sum>, %add3A_669 masked %reduce_sum3A_674 : vector<16xf32>, vector<16xi1> -> vector<16xf32>
        %reduce_sum3A_676 = vector.extract %reduce_sum3A_675[15] : f32 from vector<16xf32>
        %broadcast_in_dim3A_677 = vector.broadcast %reduce_sum3A_676 : f32 to vector<16xf32>
        %select_n3A_678 = arith.select %eq3A_672, %broadcast_in_dim3A_677, %select_n3A_638 : vector<16xi1>, vector<16xf32>
        %mul3A_679 = arith.constant 16 : i32
        %mul3A_680 = arith.muli %add3A_558, %mul3A_679 : i32
        %add3A_681 = arith.constant 3 : i32
        %add3A_682 = arith.addi %mul3A_680, %add3A_681 : i32
        %get3A_683 = arith.constant 1 : i32
        %get3A_684 = arith.index_cast %get3A_683 : i32 to index
        %get3A_685 = arith.index_cast %add3A_682 : i32 to index
        %get3A_686 = arith.constant 0 : index
        %get3A_687 = tpu.vector_load %arg8[%get3A_684, %get3A_685, %get3A_686] {strides = array<i32>} : memref<4x208x64xf32, #tpu.memory_space<vmem>>, vector<16xf32>,
        %mul3A_688 = arith.mulf %get3A_687, %get3A_295 : vector<16xf32>
        %get3A_689 = arith.constant 1 : i32
        %get3A_690 = arith.index_cast %get3A_689 : i32 to index
        %get3A_691 = arith.index_cast %add3A_682 : i32 to index
        %get3A_692 = arith.constant 16 : index
        %get3A_693 = tpu.vector_load %arg8[%get3A_690, %get3A_691, %get3A_692] {strides = array<i32>} : memref<4x208x64xf32, #tpu.memory_space<vmem>>, vector<16xf32>,
        %mul3A_694 = arith.mulf %get3A_693, %get3A_298 : vector<16xf32>
        %add3A_695 = arith.addf %mul3A_688, %mul3A_694 : vector<16xf32>
        %get3A_696 = arith.constant 1 : i32
        %get3A_697 = arith.index_cast %get3A_696 : i32 to index
        %get3A_698 = arith.index_cast %add3A_682 : i32 to index
        %get3A_699 = arith.constant 32 : index
        %get3A_700 = tpu.vector_load %arg8[%get3A_697, %get3A_698, %get3A_699] {strides = array<i32>} : memref<4x208x64xf32, #tpu.memory_space<vmem>>, vector<16xf32>,
        %mul3A_701 = arith.mulf %get3A_700, %get3A_301 : vector<16xf32>
        %add3A_702 = arith.addf %add3A_695, %mul3A_701 : vector<16xf32>
        %get3A_703 = arith.constant 1 : i32
        %get3A_704 = arith.index_cast %get3A_703 : i32 to index
        %get3A_705 = arith.index_cast %add3A_682 : i32 to index
        %get3A_706 = arith.constant 48 : index
        %get3A_707 = tpu.vector_load %arg8[%get3A_704, %get3A_705, %get3A_706] {strides = array<i32>} : memref<4x208x64xf32, #tpu.memory_space<vmem>>, vector<16xf32>,
        %mul3A_708 = arith.mulf %get3A_707, %get3A_304 : vector<16xf32>
        %add3A_709 = arith.addf %add3A_702, %mul3A_708 : vector<16xf32>
        %eq3A_710 = arith.constant 3 : i32
        %eq3A_711 = vector.broadcast %eq3A_710 : i32 to vector<16xi32>
        %eq3A_712 = arith.cmpi eq, %iota3A, %eq3A_711 : vector<16xi32>
        %reduce_sum3A_713 = arith.constant true
        %reduce_sum3A_714 = vector.broadcast %reduce_sum3A_713 : i1 to vector<16xi1>
        %reduce_sum3A_715 = tpu.scan <sum>, %add3A_709 masked %reduce_sum3A_714 : vector<16xf32>, vector<16xi1> -> vector<16xf32>
        %reduce_sum3A_716 = vector.extract %reduce_sum3A_715[15] : f32 from vector<16xf32>
        %broadcast_in_dim3A_717 = vector.broadcast %reduce_sum3A_716 : f32 to vector<16xf32>
        %select_n3A_718 = arith.select %eq3A_712, %broadcast_in_dim3A_717, %select_n3A_678 : vector<16xi1>, vector<16xf32>
        %mul3A_719 = arith.constant 16 : i32
        %mul3A_720 = arith.muli %add3A_558, %mul3A_719 : i32
        %add3A_721 = arith.constant 4 : i32
        %add3A_722 = arith.addi %mul3A_720, %add3A_721 : i32
        %get3A_723 = arith.constant 1 : i32
        %get3A_724 = arith.index_cast %get3A_723 : i32 to index
        %get3A_725 = arith.index_cast %add3A_722 : i32 to index
        %get3A_726 = arith.constant 0 : index
        %get3A_727 = tpu.vector_load %arg8[%get3A_724, %get3A_725, %get3A_726] {strides = array<i32>} : memref<4x208x64xf32, #tpu.memory_space<vmem>>, vector<16xf32>,
        %mul3A_728 = arith.mulf %get3A_727, %get3A_295 : vector<16xf32>
        %get3A_729 = arith.constant 1 : i32
        %get3A_730 = arith.index_cast %get3A_729 : i32 to index
        %get3A_731 = arith.index_cast %add3A_722 : i32 to index
        %get3A_732 = arith.constant 16 : index
        %get3A_733 = tpu.vector_load %arg8[%get3A_730, %get3A_731, %get3A_732] {strides = array<i32>} : memref<4x208x64xf32, #tpu.memory_space<vmem>>, vector<16xf32>,
        %mul3A_734 = arith.mulf %get3A_733, %get3A_298 : vector<16xf32>
        %add3A_735 = arith.addf %mul3A_728, %mul3A_734 : vector<16xf32>
        %get3A_736 = arith.constant 1 : i32
        %get3A_737 = arith.index_cast %get3A_736 : i32 to index
        %get3A_738 = arith.index_cast %add3A_722 : i32 to index
        %get3A_739 = arith.constant 32 : index
        %get3A_740 = tpu.vector_load %arg8[%get3A_737, %get3A_738, %get3A_739] {strides = array<i32>} : memref<4x208x64xf32, #tpu.memory_space<vmem>>, vector<16xf32>,
        %mul3A_741 = arith.mulf %get3A_740, %get3A_301 : vector<16xf32>
        %add3A_742 = arith.addf %add3A_735, %mul3A_741 : vector<16xf32>
        %get3A_743 = arith.constant 1 : i32
        %get3A_744 = arith.index_cast %get3A_743 : i32 to index
        %get3A_745 = arith.index_cast %add3A_722 : i32 to index
        %get3A_746 = arith.constant 48 : index
        %get3A_747 = tpu.vector_load %arg8[%get3A_744, %get3A_745, %get3A_746] {strides = array<i32>} : memref<4x208x64xf32, #tpu.memory_space<vmem>>, vector<16xf32>,
        %mul3A_748 = arith.mulf %get3A_747, %get3A_304 : vector<16xf32>
        %add3A_749 = arith.addf %add3A_742, %mul3A_748 : vector<16xf32>
        %eq3A_750 = arith.constant 4 : i32
        %eq3A_751 = vector.broadcast %eq3A_750 : i32 to vector<16xi32>
        %eq3A_752 = arith.cmpi eq, %iota3A, %eq3A_751 : vector<16xi32>
        %reduce_sum3A_753 = arith.constant true
        %reduce_sum3A_754 = vector.broadcast %reduce_sum3A_753 : i1 to vector<16xi1>
        %reduce_sum3A_755 = tpu.scan <sum>, %add3A_749 masked %reduce_sum3A_754 : vector<16xf32>, vector<16xi1> -> vector<16xf32>
        %reduce_sum3A_756 = vector.extract %reduce_sum3A_755[15] : f32 from vector<16xf32>
        %broadcast_in_dim3A_757 = vector.broadcast %reduce_sum3A_756 : f32 to vector<16xf32>
        %select_n3A_758 = arith.select %eq3A_752, %broadcast_in_dim3A_757, %select_n3A_718 : vector<16xi1>, vector<16xf32>
        %mul3A_759 = arith.constant 16 : i32
        %mul3A_760 = arith.muli %add3A_558, %mul3A_759 : i32
        %add3A_761 = arith.constant 5 : i32
        %add3A_762 = arith.addi %mul3A_760, %add3A_761 : i32
        %get3A_763 = arith.constant 1 : i32
        %get3A_764 = arith.index_cast %get3A_763 : i32 to index
        %get3A_765 = arith.index_cast %add3A_762 : i32 to index
        %get3A_766 = arith.constant 0 : index
        %get3A_767 = tpu.vector_load %arg8[%get3A_764, %get3A_765, %get3A_766] {strides = array<i32>} : memref<4x208x64xf32, #tpu.memory_space<vmem>>, vector<16xf32>,
        %mul3A_768 = arith.mulf %get3A_767, %get3A_295 : vector<16xf32>
        %get3A_769 = arith.constant 1 : i32
        %get3A_770 = arith.index_cast %get3A_769 : i32 to index
        %get3A_771 = arith.index_cast %add3A_762 : i32 to index
        %get3A_772 = arith.constant 16 : index
        %get3A_773 = tpu.vector_load %arg8[%get3A_770, %get3A_771, %get3A_772] {strides = array<i32>} : memref<4x208x64xf32, #tpu.memory_space<vmem>>, vector<16xf32>,
        %mul3A_774 = arith.mulf %get3A_773, %get3A_298 : vector<16xf32>
        %add3A_775 = arith.addf %mul3A_768, %mul3A_774 : vector<16xf32>
        %get3A_776 = arith.constant 1 : i32
        %get3A_777 = arith.index_cast %get3A_776 : i32 to index
        %get3A_778 = arith.index_cast %add3A_762 : i32 to index
        %get3A_779 = arith.constant 32 : index
        %get3A_780 = tpu.vector_load %arg8[%get3A_777, %get3A_778, %get3A_779] {strides = array<i32>} : memref<4x208x64xf32, #tpu.memory_space<vmem>>, vector<16xf32>,
        %mul3A_781 = arith.mulf %get3A_780, %get3A_301 : vector<16xf32>
        %add3A_782 = arith.addf %add3A_775, %mul3A_781 : vector<16xf32>
        %get3A_783 = arith.constant 1 : i32
        %get3A_784 = arith.index_cast %get3A_783 : i32 to index
        %get3A_785 = arith.index_cast %add3A_762 : i32 to index
        %get3A_786 = arith.constant 48 : index
        %get3A_787 = tpu.vector_load %arg8[%get3A_784, %get3A_785, %get3A_786] {strides = array<i32>} : memref<4x208x64xf32, #tpu.memory_space<vmem>>, vector<16xf32>,
        %mul3A_788 = arith.mulf %get3A_787, %get3A_304 : vector<16xf32>
        %add3A_789 = arith.addf %add3A_782, %mul3A_788 : vector<16xf32>
        %eq3A_790 = arith.constant 5 : i32
        %eq3A_791 = vector.broadcast %eq3A_790 : i32 to vector<16xi32>
        %eq3A_792 = arith.cmpi eq, %iota3A, %eq3A_791 : vector<16xi32>
        %reduce_sum3A_793 = arith.constant true
        %reduce_sum3A_794 = vector.broadcast %reduce_sum3A_793 : i1 to vector<16xi1>
        %reduce_sum3A_795 = tpu.scan <sum>, %add3A_789 masked %reduce_sum3A_794 : vector<16xf32>, vector<16xi1> -> vector<16xf32>
        %reduce_sum3A_796 = vector.extract %reduce_sum3A_795[15] : f32 from vector<16xf32>
        %broadcast_in_dim3A_797 = vector.broadcast %reduce_sum3A_796 : f32 to vector<16xf32>
        %select_n3A_798 = arith.select %eq3A_792, %broadcast_in_dim3A_797, %select_n3A_758 : vector<16xi1>, vector<16xf32>
        %mul3A_799 = arith.constant 16 : i32
        %mul3A_800 = arith.muli %add3A_558, %mul3A_799 : i32
        %add3A_801 = arith.constant 6 : i32
        %add3A_802 = arith.addi %mul3A_800, %add3A_801 : i32
        %get3A_803 = arith.constant 1 : i32
        %get3A_804 = arith.index_cast %get3A_803 : i32 to index
        %get3A_805 = arith.index_cast %add3A_802 : i32 to index
        %get3A_806 = arith.constant 0 : index
        %get3A_807 = tpu.vector_load %arg8[%get3A_804, %get3A_805, %get3A_806] {strides = array<i32>} : memref<4x208x64xf32, #tpu.memory_space<vmem>>, vector<16xf32>,
        %mul3A_808 = arith.mulf %get3A_807, %get3A_295 : vector<16xf32>
        %get3A_809 = arith.constant 1 : i32
        %get3A_810 = arith.index_cast %get3A_809 : i32 to index
        %get3A_811 = arith.index_cast %add3A_802 : i32 to index
        %get3A_812 = arith.constant 16 : index
        %get3A_813 = tpu.vector_load %arg8[%get3A_810, %get3A_811, %get3A_812] {strides = array<i32>} : memref<4x208x64xf32, #tpu.memory_space<vmem>>, vector<16xf32>,
        %mul3A_814 = arith.mulf %get3A_813, %get3A_298 : vector<16xf32>
        %add3A_815 = arith.addf %mul3A_808, %mul3A_814 : vector<16xf32>
        %get3A_816 = arith.constant 1 : i32
        %get3A_817 = arith.index_cast %get3A_816 : i32 to index
        %get3A_818 = arith.index_cast %add3A_802 : i32 to index
        %get3A_819 = arith.constant 32 : index
        %get3A_820 = tpu.vector_load %arg8[%get3A_817, %get3A_818, %get3A_819] {strides = array<i32>} : memref<4x208x64xf32, #tpu.memory_space<vmem>>, vector<16xf32>,
        %mul3A_821 = arith.mulf %get3A_820, %get3A_301 : vector<16xf32>
        %add3A_822 = arith.addf %add3A_815, %mul3A_821 : vector<16xf32>
        %get3A_823 = arith.constant 1 : i32
        %get3A_824 = arith.index_cast %get3A_823 : i32 to index
        %get3A_825 = arith.index_cast %add3A_802 : i32 to index
        %get3A_826 = arith.constant 48 : index
        %get3A_827 = tpu.vector_load %arg8[%get3A_824, %get3A_825, %get3A_826] {strides = array<i32>} : memref<4x208x64xf32, #tpu.memory_space<vmem>>, vector<16xf32>,
        %mul3A_828 = arith.mulf %get3A_827, %get3A_304 : vector<16xf32>
        %add3A_829 = arith.addf %add3A_822, %mul3A_828 : vector<16xf32>
        %eq3A_830 = arith.constant 6 : i32
        %eq3A_831 = vector.broadcast %eq3A_830 : i32 to vector<16xi32>
        %eq3A_832 = arith.cmpi eq, %iota3A, %eq3A_831 : vector<16xi32>
        %reduce_sum3A_833 = arith.constant true
        %reduce_sum3A_834 = vector.broadcast %reduce_sum3A_833 : i1 to vector<16xi1>
        %reduce_sum3A_835 = tpu.scan <sum>, %add3A_829 masked %reduce_sum3A_834 : vector<16xf32>, vector<16xi1> -> vector<16xf32>
        %reduce_sum3A_836 = vector.extract %reduce_sum3A_835[15] : f32 from vector<16xf32>
        %broadcast_in_dim3A_837 = vector.broadcast %reduce_sum3A_836 : f32 to vector<16xf32>
        %select_n3A_838 = arith.select %eq3A_832, %broadcast_in_dim3A_837, %select_n3A_798 : vector<16xi1>, vector<16xf32>
        %mul3A_839 = arith.constant 16 : i32
        %mul3A_840 = arith.muli %add3A_558, %mul3A_839 : i32
        %add3A_841 = arith.constant 7 : i32
        %add3A_842 = arith.addi %mul3A_840, %add3A_841 : i32
        %get3A_843 = arith.constant 1 : i32
        %get3A_844 = arith.index_cast %get3A_843 : i32 to index
        %get3A_845 = arith.index_cast %add3A_842 : i32 to index
        %get3A_846 = arith.constant 0 : index
        %get3A_847 = tpu.vector_load %arg8[%get3A_844, %get3A_845, %get3A_846] {strides = array<i32>} : memref<4x208x64xf32, #tpu.memory_space<vmem>>, vector<16xf32>,
        %mul3A_848 = arith.mulf %get3A_847, %get3A_295 : vector<16xf32>
        %get3A_849 = arith.constant 1 : i32
        %get3A_850 = arith.index_cast %get3A_849 : i32 to index
        %get3A_851 = arith.index_cast %add3A_842 : i32 to index
        %get3A_852 = arith.constant 16 : index
        %get3A_853 = tpu.vector_load %arg8[%get3A_850, %get3A_851, %get3A_852] {strides = array<i32>} : memref<4x208x64xf32, #tpu.memory_space<vmem>>, vector<16xf32>,
        %mul3A_854 = arith.mulf %get3A_853, %get3A_298 : vector<16xf32>
        %add3A_855 = arith.addf %mul3A_848, %mul3A_854 : vector<16xf32>
        %get3A_856 = arith.constant 1 : i32
        %get3A_857 = arith.index_cast %get3A_856 : i32 to index
        %get3A_858 = arith.index_cast %add3A_842 : i32 to index
        %get3A_859 = arith.constant 32 : index
        %get3A_860 = tpu.vector_load %arg8[%get3A_857, %get3A_858, %get3A_859] {strides = array<i32>} : memref<4x208x64xf32, #tpu.memory_space<vmem>>, vector<16xf32>,
        %mul3A_861 = arith.mulf %get3A_860, %get3A_301 : vector<16xf32>
        %add3A_862 = arith.addf %add3A_855, %mul3A_861 : vector<16xf32>
        %get3A_863 = arith.constant 1 : i32
        %get3A_864 = arith.index_cast %get3A_863 : i32 to index
        %get3A_865 = arith.index_cast %add3A_842 : i32 to index
        %get3A_866 = arith.constant 48 : index
        %get3A_867 = tpu.vector_load %arg8[%get3A_864, %get3A_865, %get3A_866] {strides = array<i32>} : memref<4x208x64xf32, #tpu.memory_space<vmem>>, vector<16xf32>,
        %mul3A_868 = arith.mulf %get3A_867, %get3A_304 : vector<16xf32>
        %add3A_869 = arith.addf %add3A_862, %mul3A_868 : vector<16xf32>
        %eq3A_870 = arith.constant 7 : i32
        %eq3A_871 = vector.broadcast %eq3A_870 : i32 to vector<16xi32>
        %eq3A_872 = arith.cmpi eq, %iota3A, %eq3A_871 : vector<16xi32>
        %reduce_sum3A_873 = arith.constant true
        %reduce_sum3A_874 = vector.broadcast %reduce_sum3A_873 : i1 to vector<16xi1>
        %reduce_sum3A_875 = tpu.scan <sum>, %add3A_869 masked %reduce_sum3A_874 : vector<16xf32>, vector<16xi1> -> vector<16xf32>
        %reduce_sum3A_876 = vector.extract %reduce_sum3A_875[15] : f32 from vector<16xf32>
        %broadcast_in_dim3A_877 = vector.broadcast %reduce_sum3A_876 : f32 to vector<16xf32>
        %select_n3A_878 = arith.select %eq3A_872, %broadcast_in_dim3A_877, %select_n3A_838 : vector<16xi1>, vector<16xf32>
        %mul3A_879 = arith.constant 16 : i32
        %mul3A_880 = arith.muli %add3A_558, %mul3A_879 : i32
        %add3A_881 = arith.constant 8 : i32
        %add3A_882 = arith.addi %mul3A_880, %add3A_881 : i32
        %get3A_883 = arith.constant 1 : i32
        %get3A_884 = arith.index_cast %get3A_883 : i32 to index
        %get3A_885 = arith.index_cast %add3A_882 : i32 to index
        %get3A_886 = arith.constant 0 : index
        %get3A_887 = tpu.vector_load %arg8[%get3A_884, %get3A_885, %get3A_886] {strides = array<i32>} : memref<4x208x64xf32, #tpu.memory_space<vmem>>, vector<16xf32>,
        %mul3A_888 = arith.mulf %get3A_887, %get3A_295 : vector<16xf32>
        %get3A_889 = arith.constant 1 : i32
        %get3A_890 = arith.index_cast %get3A_889 : i32 to index
        %get3A_891 = arith.index_cast %add3A_882 : i32 to index
        %get3A_892 = arith.constant 16 : index
        %get3A_893 = tpu.vector_load %arg8[%get3A_890, %get3A_891, %get3A_892] {strides = array<i32>} : memref<4x208x64xf32, #tpu.memory_space<vmem>>, vector<16xf32>,
        %mul3A_894 = arith.mulf %get3A_893, %get3A_298 : vector<16xf32>
        %add3A_895 = arith.addf %mul3A_888, %mul3A_894 : vector<16xf32>
        %get3A_896 = arith.constant 1 : i32
        %get3A_897 = arith.index_cast %get3A_896 : i32 to index
        %get3A_898 = arith.index_cast %add3A_882 : i32 to index
        %get3A_899 = arith.constant 32 : index
        %get3A_900 = tpu.vector_load %arg8[%get3A_897, %get3A_898, %get3A_899] {strides = array<i32>} : memref<4x208x64xf32, #tpu.memory_space<vmem>>, vector<16xf32>,
        %mul3A_901 = arith.mulf %get3A_900, %get3A_301 : vector<16xf32>
        %add3A_902 = arith.addf %add3A_895, %mul3A_901 : vector<16xf32>
        %get3A_903 = arith.constant 1 : i32
        %get3A_904 = arith.index_cast %get3A_903 : i32 to index
        %get3A_905 = arith.index_cast %add3A_882 : i32 to index
        %get3A_906 = arith.constant 48 : index
        %get3A_907 = tpu.vector_load %arg8[%get3A_904, %get3A_905, %get3A_906] {strides = array<i32>} : memref<4x208x64xf32, #tpu.memory_space<vmem>>, vector<16xf32>,
        %mul3A_908 = arith.mulf %get3A_907, %get3A_304 : vector<16xf32>
        %add3A_909 = arith.addf %add3A_902, %mul3A_908 : vector<16xf32>
        %eq3A_910 = arith.constant 8 : i32
        %eq3A_911 = vector.broadcast %eq3A_910 : i32 to vector<16xi32>
        %eq3A_912 = arith.cmpi eq, %iota3A, %eq3A_911 : vector<16xi32>
        %reduce_sum3A_913 = arith.constant true
        %reduce_sum3A_914 = vector.broadcast %reduce_sum3A_913 : i1 to vector<16xi1>
        %reduce_sum3A_915 = tpu.scan <sum>, %add3A_909 masked %reduce_sum3A_914 : vector<16xf32>, vector<16xi1> -> vector<16xf32>
        %reduce_sum3A_916 = vector.extract %reduce_sum3A_915[15] : f32 from vector<16xf32>
        %broadcast_in_dim3A_917 = vector.broadcast %reduce_sum3A_916 : f32 to vector<16xf32>
        %select_n3A_918 = arith.select %eq3A_912, %broadcast_in_dim3A_917, %select_n3A_878 : vector<16xi1>, vector<16xf32>
        %mul3A_919 = arith.constant 16 : i32
        %mul3A_920 = arith.muli %add3A_558, %mul3A_919 : i32
        %add3A_921 = arith.constant 9 : i32
        %add3A_922 = arith.addi %mul3A_920, %add3A_921 : i32
        %get3A_923 = arith.constant 1 : i32
        %get3A_924 = arith.index_cast %get3A_923 : i32 to index
        %get3A_925 = arith.index_cast %add3A_922 : i32 to index
        %get3A_926 = arith.constant 0 : index
        %get3A_927 = tpu.vector_load %arg8[%get3A_924, %get3A_925, %get3A_926] {strides = array<i32>} : memref<4x208x64xf32, #tpu.memory_space<vmem>>, vector<16xf32>,
        %mul3A_928 = arith.mulf %get3A_927, %get3A_295 : vector<16xf32>
        %get3A_929 = arith.constant 1 : i32
        %get3A_930 = arith.index_cast %get3A_929 : i32 to index
        %get3A_931 = arith.index_cast %add3A_922 : i32 to index
        %get3A_932 = arith.constant 16 : index
        %get3A_933 = tpu.vector_load %arg8[%get3A_930, %get3A_931, %get3A_932] {strides = array<i32>} : memref<4x208x64xf32, #tpu.memory_space<vmem>>, vector<16xf32>,
        %mul3A_934 = arith.mulf %get3A_933, %get3A_298 : vector<16xf32>
        %add3A_935 = arith.addf %mul3A_928, %mul3A_934 : vector<16xf32>
        %get3A_936 = arith.constant 1 : i32
        %get3A_937 = arith.index_cast %get3A_936 : i32 to index
        %get3A_938 = arith.index_cast %add3A_922 : i32 to index
        %get3A_939 = arith.constant 32 : index
        %get3A_940 = tpu.vector_load %arg8[%get3A_937, %get3A_938, %get3A_939] {strides = array<i32>} : memref<4x208x64xf32, #tpu.memory_space<vmem>>, vector<16xf32>,
        %mul3A_941 = arith.mulf %get3A_940, %get3A_301 : vector<16xf32>
        %add3A_942 = arith.addf %add3A_935, %mul3A_941 : vector<16xf32>
        %get3A_943 = arith.constant 1 : i32
        %get3A_944 = arith.index_cast %get3A_943 : i32 to index
        %get3A_945 = arith.index_cast %add3A_922 : i32 to index
        %get3A_946 = arith.constant 48 : index
        %get3A_947 = tpu.vector_load %arg8[%get3A_944, %get3A_945, %get3A_946] {strides = array<i32>} : memref<4x208x64xf32, #tpu.memory_space<vmem>>, vector<16xf32>,
        %mul3A_948 = arith.mulf %get3A_947, %get3A_304 : vector<16xf32>
        %add3A_949 = arith.addf %add3A_942, %mul3A_948 : vector<16xf32>
        %eq3A_950 = arith.constant 9 : i32
        %eq3A_951 = vector.broadcast %eq3A_950 : i32 to vector<16xi32>
        %eq3A_952 = arith.cmpi eq, %iota3A, %eq3A_951 : vector<16xi32>
        %reduce_sum3A_953 = arith.constant true
        %reduce_sum3A_954 = vector.broadcast %reduce_sum3A_953 : i1 to vector<16xi1>
        %reduce_sum3A_955 = tpu.scan <sum>, %add3A_949 masked %reduce_sum3A_954 : vector<16xf32>, vector<16xi1> -> vector<16xf32>
        %reduce_sum3A_956 = vector.extract %reduce_sum3A_955[15] : f32 from vector<16xf32>
        %broadcast_in_dim3A_957 = vector.broadcast %reduce_sum3A_956 : f32 to vector<16xf32>
        %select_n3A_958 = arith.select %eq3A_952, %broadcast_in_dim3A_957, %select_n3A_918 : vector<16xi1>, vector<16xf32>
        %mul3A_959 = arith.constant 16 : i32
        %mul3A_960 = arith.muli %add3A_558, %mul3A_959 : i32
        %add3A_961 = arith.constant 10 : i32
        %add3A_962 = arith.addi %mul3A_960, %add3A_961 : i32
        %get3A_963 = arith.constant 1 : i32
        %get3A_964 = arith.index_cast %get3A_963 : i32 to index
        %get3A_965 = arith.index_cast %add3A_962 : i32 to index
        %get3A_966 = arith.constant 0 : index
        %get3A_967 = tpu.vector_load %arg8[%get3A_964, %get3A_965, %get3A_966] {strides = array<i32>} : memref<4x208x64xf32, #tpu.memory_space<vmem>>, vector<16xf32>,
        %mul3A_968 = arith.mulf %get3A_967, %get3A_295 : vector<16xf32>
        %get3A_969 = arith.constant 1 : i32
        %get3A_970 = arith.index_cast %get3A_969 : i32 to index
        %get3A_971 = arith.index_cast %add3A_962 : i32 to index
        %get3A_972 = arith.constant 16 : index
        %get3A_973 = tpu.vector_load %arg8[%get3A_970, %get3A_971, %get3A_972] {strides = array<i32>} : memref<4x208x64xf32, #tpu.memory_space<vmem>>, vector<16xf32>,
        %mul3A_974 = arith.mulf %get3A_973, %get3A_298 : vector<16xf32>
        %add3A_975 = arith.addf %mul3A_968, %mul3A_974 : vector<16xf32>
        %get3A_976 = arith.constant 1 : i32
        %get3A_977 = arith.index_cast %get3A_976 : i32 to index
        %get3A_978 = arith.index_cast %add3A_962 : i32 to index
        %get3A_979 = arith.constant 32 : index
        %get3A_980 = tpu.vector_load %arg8[%get3A_977, %get3A_978, %get3A_979] {strides = array<i32>} : memref<4x208x64xf32, #tpu.memory_space<vmem>>, vector<16xf32>,
        %mul3A_981 = arith.mulf %get3A_980, %get3A_301 : vector<16xf32>
        %add3A_982 = arith.addf %add3A_975, %mul3A_981 : vector<16xf32>
        %get3A_983 = arith.constant 1 : i32
        %get3A_984 = arith.index_cast %get3A_983 : i32 to index
        %get3A_985 = arith.index_cast %add3A_962 : i32 to index
        %get3A_986 = arith.constant 48 : index
        %get3A_987 = tpu.vector_load %arg8[%get3A_984, %get3A_985, %get3A_986] {strides = array<i32>} : memref<4x208x64xf32, #tpu.memory_space<vmem>>, vector<16xf32>,
        %mul3A_988 = arith.mulf %get3A_987, %get3A_304 : vector<16xf32>
        %add3A_989 = arith.addf %add3A_982, %mul3A_988 : vector<16xf32>
        %eq3A_990 = arith.constant 10 : i32
        %eq3A_991 = vector.broadcast %eq3A_990 : i32 to vector<16xi32>
        %eq3A_992 = arith.cmpi eq, %iota3A, %eq3A_991 : vector<16xi32>
        %reduce_sum3A_993 = arith.constant true
        %reduce_sum3A_994 = vector.broadcast %reduce_sum3A_993 : i1 to vector<16xi1>
        %reduce_sum3A_995 = tpu.scan <sum>, %add3A_989 masked %reduce_sum3A_994 : vector<16xf32>, vector<16xi1> -> vector<16xf32>
        %reduce_sum3A_996 = vector.extract %reduce_sum3A_995[15] : f32 from vector<16xf32>
        %broadcast_in_dim3A_997 = vector.broadcast %reduce_sum3A_996 : f32 to vector<16xf32>
        %select_n3A_998 = arith.select %eq3A_992, %broadcast_in_dim3A_997, %select_n3A_958 : vector<16xi1>, vector<16xf32>
        %mul3A_999 = arith.constant 16 : i32
        %mul3A_1000 = arith.muli %add3A_558, %mul3A_999 : i32
        %add3A_1001 = arith.constant 11 : i32
        %add3A_1002 = arith.addi %mul3A_1000, %add3A_1001 : i32
        %get3A_1003 = arith.constant 1 : i32
        %get3A_1004 = arith.index_cast %get3A_1003 : i32 to index
        %get3A_1005 = arith.index_cast %add3A_1002 : i32 to index
        %get3A_1006 = arith.constant 0 : index
        %get3A_1007 = tpu.vector_load %arg8[%get3A_1004, %get3A_1005, %get3A_1006] {strides = array<i32>} : memref<4x208x64xf32, #tpu.memory_space<vmem>>, vector<16xf32>,
        %mul3A_1008 = arith.mulf %get3A_1007, %get3A_295 : vector<16xf32>
        %get3A_1009 = arith.constant 1 : i32
        %get3A_1010 = arith.index_cast %get3A_1009 : i32 to index
        %get3A_1011 = arith.index_cast %add3A_1002 : i32 to index
        %get3A_1012 = arith.constant 16 : index
        %get3A_1013 = tpu.vector_load %arg8[%get3A_1010, %get3A_1011, %get3A_1012] {strides = array<i32>} : memref<4x208x64xf32, #tpu.memory_space<vmem>>, vector<16xf32>,
        %mul3A_1014 = arith.mulf %get3A_1013, %get3A_298 : vector<16xf32>
        %add3A_1015 = arith.addf %mul3A_1008, %mul3A_1014 : vector<16xf32>
        %get3A_1016 = arith.constant 1 : i32
        %get3A_1017 = arith.index_cast %get3A_1016 : i32 to index
        %get3A_1018 = arith.index_cast %add3A_1002 : i32 to index
        %get3A_1019 = arith.constant 32 : index
        %get3A_1020 = tpu.vector_load %arg8[%get3A_1017, %get3A_1018, %get3A_1019] {strides = array<i32>} : memref<4x208x64xf32, #tpu.memory_space<vmem>>, vector<16xf32>,
        %mul3A_1021 = arith.mulf %get3A_1020, %get3A_301 : vector<16xf32>
        %add3A_1022 = arith.addf %add3A_1015, %mul3A_1021 : vector<16xf32>
        %get3A_1023 = arith.constant 1 : i32
        %get3A_1024 = arith.index_cast %get3A_1023 : i32 to index
        %get3A_1025 = arith.index_cast %add3A_1002 : i32 to index
        %get3A_1026 = arith.constant 48 : index
        %get3A_1027 = tpu.vector_load %arg8[%get3A_1024, %get3A_1025, %get3A_1026] {strides = array<i32>} : memref<4x208x64xf32, #tpu.memory_space<vmem>>, vector<16xf32>,
        %mul3A_1028 = arith.mulf %get3A_1027, %get3A_304 : vector<16xf32>
        %add3A_1029 = arith.addf %add3A_1022, %mul3A_1028 : vector<16xf32>
        %eq3A_1030 = arith.constant 11 : i32
        %eq3A_1031 = vector.broadcast %eq3A_1030 : i32 to vector<16xi32>
        %eq3A_1032 = arith.cmpi eq, %iota3A, %eq3A_1031 : vector<16xi32>
        %reduce_sum3A_1033 = arith.constant true
        %reduce_sum3A_1034 = vector.broadcast %reduce_sum3A_1033 : i1 to vector<16xi1>
        %reduce_sum3A_1035 = tpu.scan <sum>, %add3A_1029 masked %reduce_sum3A_1034 : vector<16xf32>, vector<16xi1> -> vector<16xf32>
        %reduce_sum3A_1036 = vector.extract %reduce_sum3A_1035[15] : f32 from vector<16xf32>
        %broadcast_in_dim3A_1037 = vector.broadcast %reduce_sum3A_1036 : f32 to vector<16xf32>
        %select_n3A_1038 = arith.select %eq3A_1032, %broadcast_in_dim3A_1037, %select_n3A_998 : vector<16xi1>, vector<16xf32>
        %mul3A_1039 = arith.constant 16 : i32
        %mul3A_1040 = arith.muli %add3A_558, %mul3A_1039 : i32
        %add3A_1041 = arith.constant 12 : i32
        %add3A_1042 = arith.addi %mul3A_1040, %add3A_1041 : i32
        %get3A_1043 = arith.constant 1 : i32
        %get3A_1044 = arith.index_cast %get3A_1043 : i32 to index
        %get3A_1045 = arith.index_cast %add3A_1042 : i32 to index
        %get3A_1046 = arith.constant 0 : index
        %get3A_1047 = tpu.vector_load %arg8[%get3A_1044, %get3A_1045, %get3A_1046] {strides = array<i32>} : memref<4x208x64xf32, #tpu.memory_space<vmem>>, vector<16xf32>,
        %mul3A_1048 = arith.mulf %get3A_1047, %get3A_295 : vector<16xf32>
        %get3A_1049 = arith.constant 1 : i32
        %get3A_1050 = arith.index_cast %get3A_1049 : i32 to index
        %get3A_1051 = arith.index_cast %add3A_1042 : i32 to index
        %get3A_1052 = arith.constant 16 : index
        %get3A_1053 = tpu.vector_load %arg8[%get3A_1050, %get3A_1051, %get3A_1052] {strides = array<i32>} : memref<4x208x64xf32, #tpu.memory_space<vmem>>, vector<16xf32>,
        %mul3A_1054 = arith.mulf %get3A_1053, %get3A_298 : vector<16xf32>
        %add3A_1055 = arith.addf %mul3A_1048, %mul3A_1054 : vector<16xf32>
        %get3A_1056 = arith.constant 1 : i32
        %get3A_1057 = arith.index_cast %get3A_1056 : i32 to index
        %get3A_1058 = arith.index_cast %add3A_1042 : i32 to index
        %get3A_1059 = arith.constant 32 : index
        %get3A_1060 = tpu.vector_load %arg8[%get3A_1057, %get3A_1058, %get3A_1059] {strides = array<i32>} : memref<4x208x64xf32, #tpu.memory_space<vmem>>, vector<16xf32>,
        %mul3A_1061 = arith.mulf %get3A_1060, %get3A_301 : vector<16xf32>
        %add3A_1062 = arith.addf %add3A_1055, %mul3A_1061 : vector<16xf32>
        %get3A_1063 = arith.constant 1 : i32
        %get3A_1064 = arith.index_cast %get3A_1063 : i32 to index
        %get3A_1065 = arith.index_cast %add3A_1042 : i32 to index
        %get3A_1066 = arith.constant 48 : index
        %get3A_1067 = tpu.vector_load %arg8[%get3A_1064, %get3A_1065, %get3A_1066] {strides = array<i32>} : memref<4x208x64xf32, #tpu.memory_space<vmem>>, vector<16xf32>,
        %mul3A_1068 = arith.mulf %get3A_1067, %get3A_304 : vector<16xf32>
        %add3A_1069 = arith.addf %add3A_1062, %mul3A_1068 : vector<16xf32>
        %eq3A_1070 = arith.constant 12 : i32
        %eq3A_1071 = vector.broadcast %eq3A_1070 : i32 to vector<16xi32>
        %eq3A_1072 = arith.cmpi eq, %iota3A, %eq3A_1071 : vector<16xi32>
        %reduce_sum3A_1073 = arith.constant true
        %reduce_sum3A_1074 = vector.broadcast %reduce_sum3A_1073 : i1 to vector<16xi1>
        %reduce_sum3A_1075 = tpu.scan <sum>, %add3A_1069 masked %reduce_sum3A_1074 : vector<16xf32>, vector<16xi1> -> vector<16xf32>
        %reduce_sum3A_1076 = vector.extract %reduce_sum3A_1075[15] : f32 from vector<16xf32>
        %broadcast_in_dim3A_1077 = vector.broadcast %reduce_sum3A_1076 : f32 to vector<16xf32>
        %select_n3A_1078 = arith.select %eq3A_1072, %broadcast_in_dim3A_1077, %select_n3A_1038 : vector<16xi1>, vector<16xf32>
        %mul3A_1079 = arith.constant 16 : i32
        %mul3A_1080 = arith.muli %add3A_558, %mul3A_1079 : i32
        %add3A_1081 = arith.constant 13 : i32
        %add3A_1082 = arith.addi %mul3A_1080, %add3A_1081 : i32
        %get3A_1083 = arith.constant 1 : i32
        %get3A_1084 = arith.index_cast %get3A_1083 : i32 to index
        %get3A_1085 = arith.index_cast %add3A_1082 : i32 to index
        %get3A_1086 = arith.constant 0 : index
        %get3A_1087 = tpu.vector_load %arg8[%get3A_1084, %get3A_1085, %get3A_1086] {strides = array<i32>} : memref<4x208x64xf32, #tpu.memory_space<vmem>>, vector<16xf32>,
        %mul3A_1088 = arith.mulf %get3A_1087, %get3A_295 : vector<16xf32>
        %get3A_1089 = arith.constant 1 : i32
        %get3A_1090 = arith.index_cast %get3A_1089 : i32 to index
        %get3A_1091 = arith.index_cast %add3A_1082 : i32 to index
        %get3A_1092 = arith.constant 16 : index
        %get3A_1093 = tpu.vector_load %arg8[%get3A_1090, %get3A_1091, %get3A_1092] {strides = array<i32>} : memref<4x208x64xf32, #tpu.memory_space<vmem>>, vector<16xf32>,
        %mul3A_1094 = arith.mulf %get3A_1093, %get3A_298 : vector<16xf32>
        %add3A_1095 = arith.addf %mul3A_1088, %mul3A_1094 : vector<16xf32>
        %get3A_1096 = arith.constant 1 : i32
        %get3A_1097 = arith.index_cast %get3A_1096 : i32 to index
        %get3A_1098 = arith.index_cast %add3A_1082 : i32 to index
        %get3A_1099 = arith.constant 32 : index
        %get3A_1100 = tpu.vector_load %arg8[%get3A_1097, %get3A_1098, %get3A_1099] {strides = array<i32>} : memref<4x208x64xf32, #tpu.memory_space<vmem>>, vector<16xf32>,
        %mul3A_1101 = arith.mulf %get3A_1100, %get3A_301 : vector<16xf32>
        %add3A_1102 = arith.addf %add3A_1095, %mul3A_1101 : vector<16xf32>
        %get3A_1103 = arith.constant 1 : i32
        %get3A_1104 = arith.index_cast %get3A_1103 : i32 to index
        %get3A_1105 = arith.index_cast %add3A_1082 : i32 to index
        %get3A_1106 = arith.constant 48 : index
        %get3A_1107 = tpu.vector_load %arg8[%get3A_1104, %get3A_1105, %get3A_1106] {strides = array<i32>} : memref<4x208x64xf32, #tpu.memory_space<vmem>>, vector<16xf32>,
        %mul3A_1108 = arith.mulf %get3A_1107, %get3A_304 : vector<16xf32>
        %add3A_1109 = arith.addf %add3A_1102, %mul3A_1108 : vector<16xf32>
        %eq3A_1110 = arith.constant 13 : i32
        %eq3A_1111 = vector.broadcast %eq3A_1110 : i32 to vector<16xi32>
        %eq3A_1112 = arith.cmpi eq, %iota3A, %eq3A_1111 : vector<16xi32>
        %reduce_sum3A_1113 = arith.constant true
        %reduce_sum3A_1114 = vector.broadcast %reduce_sum3A_1113 : i1 to vector<16xi1>
        %reduce_sum3A_1115 = tpu.scan <sum>, %add3A_1109 masked %reduce_sum3A_1114 : vector<16xf32>, vector<16xi1> -> vector<16xf32>
        %reduce_sum3A_1116 = vector.extract %reduce_sum3A_1115[15] : f32 from vector<16xf32>
        %broadcast_in_dim3A_1117 = vector.broadcast %reduce_sum3A_1116 : f32 to vector<16xf32>
        %select_n3A_1118 = arith.select %eq3A_1112, %broadcast_in_dim3A_1117, %select_n3A_1078 : vector<16xi1>, vector<16xf32>
        %mul3A_1119 = arith.constant 16 : i32
        %mul3A_1120 = arith.muli %add3A_558, %mul3A_1119 : i32
        %add3A_1121 = arith.constant 14 : i32
        %add3A_1122 = arith.addi %mul3A_1120, %add3A_1121 : i32
        %get3A_1123 = arith.constant 1 : i32
        %get3A_1124 = arith.index_cast %get3A_1123 : i32 to index
        %get3A_1125 = arith.index_cast %add3A_1122 : i32 to index
        %get3A_1126 = arith.constant 0 : index
        %get3A_1127 = tpu.vector_load %arg8[%get3A_1124, %get3A_1125, %get3A_1126] {strides = array<i32>} : memref<4x208x64xf32, #tpu.memory_space<vmem>>, vector<16xf32>,
        %mul3A_1128 = arith.mulf %get3A_1127, %get3A_295 : vector<16xf32>
        %get3A_1129 = arith.constant 1 : i32
        %get3A_1130 = arith.index_cast %get3A_1129 : i32 to index
        %get3A_1131 = arith.index_cast %add3A_1122 : i32 to index
        %get3A_1132 = arith.constant 16 : index
        %get3A_1133 = tpu.vector_load %arg8[%get3A_1130, %get3A_1131, %get3A_1132] {strides = array<i32>} : memref<4x208x64xf32, #tpu.memory_space<vmem>>, vector<16xf32>,
        %mul3A_1134 = arith.mulf %get3A_1133, %get3A_298 : vector<16xf32>
        %add3A_1135 = arith.addf %mul3A_1128, %mul3A_1134 : vector<16xf32>
        %get3A_1136 = arith.constant 1 : i32
        %get3A_1137 = arith.index_cast %get3A_1136 : i32 to index
        %get3A_1138 = arith.index_cast %add3A_1122 : i32 to index
        %get3A_1139 = arith.constant 32 : index
        %get3A_1140 = tpu.vector_load %arg8[%get3A_1137, %get3A_1138, %get3A_1139] {strides = array<i32>} : memref<4x208x64xf32, #tpu.memory_space<vmem>>, vector<16xf32>,
        %mul3A_1141 = arith.mulf %get3A_1140, %get3A_301 : vector<16xf32>
        %add3A_1142 = arith.addf %add3A_1135, %mul3A_1141 : vector<16xf32>
        %get3A_1143 = arith.constant 1 : i32
        %get3A_1144 = arith.index_cast %get3A_1143 : i32 to index
        %get3A_1145 = arith.index_cast %add3A_1122 : i32 to index
        %get3A_1146 = arith.constant 48 : index
        %get3A_1147 = tpu.vector_load %arg8[%get3A_1144, %get3A_1145, %get3A_1146] {strides = array<i32>} : memref<4x208x64xf32, #tpu.memory_space<vmem>>, vector<16xf32>,
        %mul3A_1148 = arith.mulf %get3A_1147, %get3A_304 : vector<16xf32>
        %add3A_1149 = arith.addf %add3A_1142, %mul3A_1148 : vector<16xf32>
        %eq3A_1150 = arith.constant 14 : i32
        %eq3A_1151 = vector.broadcast %eq3A_1150 : i32 to vector<16xi32>
        %eq3A_1152 = arith.cmpi eq, %iota3A, %eq3A_1151 : vector<16xi32>
        %reduce_sum3A_1153 = arith.constant true
        %reduce_sum3A_1154 = vector.broadcast %reduce_sum3A_1153 : i1 to vector<16xi1>
        %reduce_sum3A_1155 = tpu.scan <sum>, %add3A_1149 masked %reduce_sum3A_1154 : vector<16xf32>, vector<16xi1> -> vector<16xf32>
        %reduce_sum3A_1156 = vector.extract %reduce_sum3A_1155[15] : f32 from vector<16xf32>
        %broadcast_in_dim3A_1157 = vector.broadcast %reduce_sum3A_1156 : f32 to vector<16xf32>
        %select_n3A_1158 = arith.select %eq3A_1152, %broadcast_in_dim3A_1157, %select_n3A_1118 : vector<16xi1>, vector<16xf32>
        %mul3A_1159 = arith.constant 16 : i32
        %mul3A_1160 = arith.muli %add3A_558, %mul3A_1159 : i32
        %add3A_1161 = arith.constant 15 : i32
        %add3A_1162 = arith.addi %mul3A_1160, %add3A_1161 : i32
        %get3A_1163 = arith.constant 1 : i32
        %get3A_1164 = arith.index_cast %get3A_1163 : i32 to index
        %get3A_1165 = arith.index_cast %add3A_1162 : i32 to index
        %get3A_1166 = arith.constant 0 : index
        %get3A_1167 = tpu.vector_load %arg8[%get3A_1164, %get3A_1165, %get3A_1166] {strides = array<i32>} : memref<4x208x64xf32, #tpu.memory_space<vmem>>, vector<16xf32>,
        %mul3A_1168 = arith.mulf %get3A_1167, %get3A_295 : vector<16xf32>
        %get3A_1169 = arith.constant 1 : i32
        %get3A_1170 = arith.index_cast %get3A_1169 : i32 to index
        %get3A_1171 = arith.index_cast %add3A_1162 : i32 to index
        %get3A_1172 = arith.constant 16 : index
        %get3A_1173 = tpu.vector_load %arg8[%get3A_1170, %get3A_1171, %get3A_1172] {strides = array<i32>} : memref<4x208x64xf32, #tpu.memory_space<vmem>>, vector<16xf32>,
        %mul3A_1174 = arith.mulf %get3A_1173, %get3A_298 : vector<16xf32>
        %add3A_1175 = arith.addf %mul3A_1168, %mul3A_1174 : vector<16xf32>
        %get3A_1176 = arith.constant 1 : i32
        %get3A_1177 = arith.index_cast %get3A_1176 : i32 to index
        %get3A_1178 = arith.index_cast %add3A_1162 : i32 to index
        %get3A_1179 = arith.constant 32 : index
        %get3A_1180 = tpu.vector_load %arg8[%get3A_1177, %get3A_1178, %get3A_1179] {strides = array<i32>} : memref<4x208x64xf32, #tpu.memory_space<vmem>>, vector<16xf32>,
        %mul3A_1181 = arith.mulf %get3A_1180, %get3A_301 : vector<16xf32>
        %add3A_1182 = arith.addf %add3A_1175, %mul3A_1181 : vector<16xf32>
        %get3A_1183 = arith.constant 1 : i32
        %get3A_1184 = arith.index_cast %get3A_1183 : i32 to index
        %get3A_1185 = arith.index_cast %add3A_1162 : i32 to index
        %get3A_1186 = arith.constant 48 : index
        %get3A_1187 = tpu.vector_load %arg8[%get3A_1184, %get3A_1185, %get3A_1186] {strides = array<i32>} : memref<4x208x64xf32, #tpu.memory_space<vmem>>, vector<16xf32>,
        %mul3A_1188 = arith.mulf %get3A_1187, %get3A_304 : vector<16xf32>
        %add3A_1189 = arith.addf %add3A_1182, %mul3A_1188 : vector<16xf32>
        %eq3A_1190 = arith.constant 15 : i32
        %eq3A_1191 = vector.broadcast %eq3A_1190 : i32 to vector<16xi32>
        %eq3A_1192 = arith.cmpi eq, %iota3A, %eq3A_1191 : vector<16xi32>
        %reduce_sum3A_1193 = arith.constant true
        %reduce_sum3A_1194 = vector.broadcast %reduce_sum3A_1193 : i1 to vector<16xi1>
        %reduce_sum3A_1195 = tpu.scan <sum>, %add3A_1189 masked %reduce_sum3A_1194 : vector<16xf32>, vector<16xi1> -> vector<16xf32>
        %reduce_sum3A_1196 = vector.extract %reduce_sum3A_1195[15] : f32 from vector<16xf32>
        %broadcast_in_dim3A_1197 = vector.broadcast %reduce_sum3A_1196 : f32 to vector<16xf32>
        %select_n3A_1198 = arith.select %eq3A_1192, %broadcast_in_dim3A_1197, %select_n3A_1158 : vector<16xi1>, vector<16xf32>
        %mul3A_1199 = arith.constant 16 : i32
        %mul3A_1200 = arith.muli %add3A_558, %mul3A_1199 : i32
        %add3A_1201 = vector.broadcast %mul3A_1200 : i32 to vector<16xi32>
        %add3A_1202 = arith.addi %add3A_1201, %iota3A : vector<16xi32>
        %lt3A_1203 = arith.constant 200 : i32
        %lt3A_1204 = vector.broadcast %lt3A_1203 : i32 to vector<16xi32>
        %lt3A_1205 = arith.cmpi slt, %add3A_1202, %lt3A_1204 : vector<16xi32>
        %jit3A = arith.constant -1.000000e+30 : f32
        %broadcast_in_dim3A_1206 = vector.broadcast %jit3A : f32 to vector<16xf32>
        %select_n3A_1207 = arith.select %lt3A_1205, %select_n3A_1198, %broadcast_in_dim3A_1206 : vector<16xi1>, vector<16xf32>
        %mul3A_1208 = arith.constant 16 : i32
        %mul3A_1209 = arith.muli %add3A_558, %mul3A_1208 : i32
        %swap3A = arith.index_cast %mul3A_1209 : i32 to index
        %swap3A_1210 = tpu.vector_load %arg9[%swap3A] {strides = array<i32>} : memref<208xf32, #tpu.memory_space<vmem>>, vector<16xf32>,
        tpu.vector_store %arg9[%swap3A], %select_n3A_1207 {strides = array<i32>} : memref<208xf32, #tpu.memory_space<vmem>>, vector<16xf32>,
        %max3A = arith.maximumf %scan3A_554, %select_n3A_1207 : vector<16xf32>
        scf.yield %max3A : vector<16xf32>
      }
      %scan3A_312 = arith.constant 13 : i32
      %reduce_max3A_313 = arith.constant true
      %reduce_max3A_314 = vector.broadcast %reduce_max3A_313 : i1 to vector<16xi1>
      %reduce_max3A_315 = tpu.scan <max>, %scan3A_311 masked %reduce_max3A_314 : vector<16xf32>, vector<16xi1> -> vector<16xf32>
      %reduce_max3A_316 = vector.extract %reduce_max3A_315[15] : f32 from vector<16xf32>
      %add3A_317 = arith.constant 4 : i32
      %add3A_318 = arith.addi %add3A_268, %add3A_317 : i32
      %lt3A_319 = arith.constant 128 : i32
      %lt3A_320 = arith.cmpi slt, %add3A_318, %lt3A_319 : i32
      %convert_element_type3A_321 = arith.extui %lt3A_320 : i1 to i32
      %cond3A_322 = arith.constant 0 : i32
      %cond3A_323 = arith.cmpi ne, %convert_element_type3A_321, %cond3A_322 : i32
      scf.if %cond3A_323 {
        %add3A_553 = arith.constant 4 : i32
        %add3A_554 = arith.addi %add3A_268, %add3A_553 : i32
        %dma_start3A_555 = arith.constant 0 : i32
        %dma_start3A_556 = arith.constant 1 : i32
        %dma_start3A_557 = arith.constant 0 : i32
        %dma_start3A_558 = arith.constant 0 : i32
        %dma_start3A_559 = tpu.memref_slice %arg8[%dma_start3A_556, %dma_start3A_557, %dma_start3A_558] : memref<4x208x64xf32, #tpu.memory_space<vmem>> -> memref<1x100x64xf32, #tpu.memory_space<vmem>>
        %dma_start3A_560 = tpu.memref_squeeze %dma_start3A_559 : memref<1x100x64xf32, #tpu.memory_space<vmem>> -> memref<100x64xf32, #tpu.memory_space<vmem>>
        %dma_start3A_561 = arith.constant 0 : i32
        %dma_start3A_562 = tpu.memref_slice %arg6[%add3A_554, %dma_start3A_555, %dma_start3A_561] : memref<128x2x100xi32, #tpu.memory_space<vmem>> -> memref<1x1x100xi32, #tpu.memory_space<vmem>>
        %dma_start3A_563 = tpu.memref_squeeze %dma_start3A_562 : memref<1x1x100xi32, #tpu.memory_space<vmem>> -> memref<100xi32, #tpu.memory_space<vmem>>
        %dma_start3A_564 = arith.constant 0 : i32
        %dma_start3A_565 = arith.constant 0 : i32
        %dma_start3A_566 = tpu.memref_slice %arg2[%dma_start3A_564, %dma_start3A_565] : memref<2000000x64xf32, #tpu.memory_space<hbm>> -> memref<2000000x64xf32, #tpu.memory_space<hbm>>
        tpu.enqueue_indirect_dma source(%dma_start3A_566 : memref<2000000x64xf32, #tpu.memory_space<hbm>>) target(%dma_start3A_560 : memref<100x64xf32, #tpu.memory_space<vmem>>) offsets(%dma_start3A_563 : memref<100xi32, #tpu.memory_space<vmem>>) semaphore(%arg15 : memref<!tpu.dma_semaphore, #tpu.memory_space<semaphore_mem>>)
        %dma_start3A_567 = arith.constant 1 : i32
        %dma_start3A_568 = arith.constant 1 : i32
        %dma_start3A_569 = arith.constant 100 : i32
        %dma_start3A_570 = arith.constant 0 : i32
        %dma_start3A_571 = tpu.memref_slice %arg8[%dma_start3A_568, %dma_start3A_569, %dma_start3A_570] : memref<4x208x64xf32, #tpu.memory_space<vmem>> -> memref<1x100x64xf32, #tpu.memory_space<vmem>>
        %dma_start3A_572 = tpu.memref_squeeze %dma_start3A_571 : memref<1x100x64xf32, #tpu.memory_space<vmem>> -> memref<100x64xf32, #tpu.memory_space<vmem>>
        %dma_start3A_573 = arith.constant 0 : i32
        %dma_start3A_574 = tpu.memref_slice %arg6[%add3A_554, %dma_start3A_567, %dma_start3A_573] : memref<128x2x100xi32, #tpu.memory_space<vmem>> -> memref<1x1x100xi32, #tpu.memory_space<vmem>>
        %dma_start3A_575 = tpu.memref_squeeze %dma_start3A_574 : memref<1x1x100xi32, #tpu.memory_space<vmem>> -> memref<100xi32, #tpu.memory_space<vmem>>
        %dma_start3A_576 = arith.constant 0 : i32
        %dma_start3A_577 = arith.constant 0 : i32
        %dma_start3A_578 = tpu.memref_slice %arg2[%dma_start3A_576, %dma_start3A_577] : memref<2000000x64xf32, #tpu.memory_space<hbm>> -> memref<2000000x64xf32, #tpu.memory_space<hbm>>
        tpu.enqueue_indirect_dma source(%dma_start3A_578 : memref<2000000x64xf32, #tpu.memory_space<hbm>>) target(%dma_start3A_572 : memref<100x64xf32, #tpu.memory_space<vmem>>) offsets(%dma_start3A_575 : memref<100xi32, #tpu.memory_space<vmem>>) semaphore(%arg15 : memref<!tpu.dma_semaphore, #tpu.memory_space<semaphore_mem>>)
      } else {
      }
      %gt3A_324 = arith.constant 0 : i32
      %gt3A_325 = arith.cmpi sgt, %add3A_176, %gt3A_324 : i32
      %convert_element_type3A_326 = arith.extui %gt3A_325 : i1 to i32
      %cond3A_327 = arith.constant 0 : i32
      %cond3A_328 = arith.cmpi ne, %convert_element_type3A_326, %cond3A_327 : i32
      scf.if %cond3A_328 {
        %add3A_553 = arith.addi %mul3A_2, %add3A_268 : i32
        %sub3A_554 = arith.constant 4 : i32
        %sub3A_555 = arith.subi %add3A_553, %sub3A_554 : i32
        %dma_wait3A_556 = arith.constant 0 : i32
        %dma_wait3A_557 = tpu.memref_slice %arg11[%dma_wait3A_556] : memref<208xf32, #tpu.memory_space<vmem>> -> memref<200xf32, #tpu.memory_space<vmem>>
        %dma_wait3A_558 = arith.constant 0 : i32
        %dma_wait3A_559 = tpu.memref_slice %arg5[%sub3A_555, %dma_wait3A_558] : memref<4096x200xf32, #tpu.memory_space<hbm>> -> memref<1x200xf32, #tpu.memory_space<hbm>>
        %dma_wait3A_560 = tpu.memref_squeeze %dma_wait3A_559 : memref<1x200xf32, #tpu.memory_space<hbm>> -> memref<200xf32, #tpu.memory_space<hbm>>
        %dma_wait3A_561 = arith.constant 0 : i32
        %dma_wait3A_562 = tpu.memref_slice %arg5[%sub3A_555, %dma_wait3A_561] : memref<4096x200xf32, #tpu.memory_space<hbm>> -> memref<1x200xf32, #tpu.memory_space<hbm>>
        %dma_wait3A_563 = tpu.memref_squeeze %dma_wait3A_562 : memref<1x200xf32, #tpu.memory_space<hbm>> -> memref<200xf32, #tpu.memory_space<hbm>>
        %dma_wait3A_564 = arith.constant 0 : i32
        %dma_wait3A_565 = tpu.memref_slice %arg11[%dma_wait3A_564] : memref<208xf32, #tpu.memory_space<vmem>> -> memref<200xf32, #tpu.memory_space<vmem>>
        tpu.wait_dma2 semaphore(%arg19 : memref<!tpu.dma_semaphore, #tpu.memory_space<semaphore_mem>>) src(%dma_wait3A_565 : memref<200xf32, #tpu.memory_space<vmem>>) dst(%dma_wait3A_563 : memref<200xf32, #tpu.memory_space<hbm>>)
      } else {
      }
      %broadcast_in_dim3A_329 = arith.constant 0.000000e+00 : f32
      %broadcast_in_dim3A_330 = vector.broadcast %broadcast_in_dim3A_329 : f32 to vector<16xf32>
      %scan3A_331 = arith.constant 0 : i32
      %scan3A_332 = arith.constant 13 : i32
      %scan3A_333 = arith.addi %scan3A_331, %scan3A_332 : i32
      %scan3A_334 = arith.constant 1 : i32
      %scan3A_335 = scf.for %scan3A_553 = %scan3A_331 to %scan3A_333 step %scan3A_334 iter_args(%scan3A_554 = %broadcast_in_dim3A_330) -> (vector<16xf32>)  : i32 {
        %mul3A_555 = arith.constant 1 : i32
        %mul3A_556 = arith.muli %scan3A_553, %mul3A_555 : i32
        %add3A_557 = arith.constant 0 : i32
        %add3A_558 = arith.addi %add3A_557, %mul3A_556 : i32
        %mul3A_559 = arith.constant 16 : i32
        %mul3A_560 = arith.muli %add3A_558, %mul3A_559 : i32
        %get3A_561 = arith.index_cast %mul3A_560 : i32 to index
        %get3A_562 = tpu.vector_load %arg9[%get3A_561] {strides = array<i32>} : memref<208xf32, #tpu.memory_space<vmem>>, vector<16xf32>,
        %sub3A_563 = vector.broadcast %reduce_max3A_316 : f32 to vector<16xf32>
        %sub3A_564 = arith.subf %get3A_562, %sub3A_563 : vector<16xf32>
        %exp3A = math.exp %sub3A_564 : vector<16xf32>
        %mul3A_565 = arith.constant 16 : i32
        %mul3A_566 = arith.muli %add3A_558, %mul3A_565 : i32
        %swap3A = arith.index_cast %mul3A_566 : i32 to index
        %swap3A_567 = tpu.vector_load %arg11[%swap3A] {strides = array<i32>} : memref<208xf32, #tpu.memory_space<vmem>>, vector<16xf32>,
        tpu.vector_store %arg11[%swap3A], %exp3A {strides = array<i32>} : memref<208xf32, #tpu.memory_space<vmem>>, vector<16xf32>,
        %add3A_568 = arith.addf %scan3A_554, %exp3A : vector<16xf32>
        scf.yield %add3A_568 : vector<16xf32>
      }
      %scan3A_336 = arith.constant 13 : i32
      %broadcast_in_dim3A_337 = arith.constant 0.000000e+00 : f32
      %broadcast_in_dim3A_338 = vector.broadcast %broadcast_in_dim3A_337 : f32 to vector<16xf32>
      %reduce_sum3A_339 = arith.constant true
      %reduce_sum3A_340 = vector.broadcast %reduce_sum3A_339 : i1 to vector<16xi1>
      %reduce_sum3A_341 = tpu.scan <sum>, %scan3A_335 masked %reduce_sum3A_340 : vector<16xf32>, vector<16xi1> -> vector<16xf32>
      %reduce_sum3A_342 = vector.extract %reduce_sum3A_341[15] : f32 from vector<16xf32>
      %add3A_343 = vector.broadcast %reduce_sum3A_342 : f32 to vector<16xf32>
      %add3A_344 = arith.addf %broadcast_in_dim3A_338, %add3A_343 : vector<16xf32>
      %scan3A_345 = arith.constant 0 : i32
      %scan3A_346 = arith.constant 13 : i32
      %scan3A_347 = arith.addi %scan3A_345, %scan3A_346 : i32
      %scan3A_348 = arith.constant 1 : i32
      scf.for %scan3A_553 = %scan3A_345 to %scan3A_347 step %scan3A_348  : i32 {
        %mul3A_554 = arith.constant 1 : i32
        %mul3A_555 = arith.muli %scan3A_553, %mul3A_554 : i32
        %add3A_556 = arith.constant 0 : i32
        %add3A_557 = arith.addi %add3A_556, %mul3A_555 : i32
        %mul3A_558 = arith.constant 16 : i32
        %mul3A_559 = arith.muli %add3A_557, %mul3A_558 : i32
        %get3A_560 = arith.index_cast %mul3A_559 : i32 to index
        %get3A_561 = tpu.vector_load %arg11[%get3A_560] {strides = array<i32>} : memref<208xf32, #tpu.memory_space<vmem>>, vector<16xf32>,
        %div3A = arith.divf %get3A_561, %add3A_344 : vector<16xf32>
        %mul3A_562 = arith.constant 16 : i32
        %mul3A_563 = arith.muli %add3A_557, %mul3A_562 : i32
        %swap3A = arith.index_cast %mul3A_563 : i32 to index
        %swap3A_564 = tpu.vector_load %arg11[%swap3A] {strides = array<i32>} : memref<208xf32, #tpu.memory_space<vmem>>, vector<16xf32>,
        tpu.vector_store %arg11[%swap3A], %div3A {strides = array<i32>} : memref<208xf32, #tpu.memory_space<vmem>>, vector<16xf32>,
      }
      %scan3A_349 = arith.constant 13 : i32
      %add3A_350 = arith.addi %mul3A_2, %add3A_268 : i32
      %dma_start3A_351 = arith.constant 0 : i32
      %dma_start3A_352 = tpu.memref_slice %arg11[%dma_start3A_351] : memref<208xf32, #tpu.memory_space<vmem>> -> memref<200xf32, #tpu.memory_space<vmem>>
      %dma_start3A_353 = arith.constant 0 : i32
      %dma_start3A_354 = tpu.memref_slice %arg5[%add3A_350, %dma_start3A_353] : memref<4096x200xf32, #tpu.memory_space<hbm>> -> memref<1x200xf32, #tpu.memory_space<hbm>>
      %dma_start3A_355 = tpu.memref_squeeze %dma_start3A_354 : memref<1x200xf32, #tpu.memory_space<hbm>> -> memref<200xf32, #tpu.memory_space<hbm>>
      %dma_start3A_356 = arith.constant 0 : i32
      %dma_start3A_357 = tpu.memref_slice %arg5[%add3A_350, %dma_start3A_356] : memref<4096x200xf32, #tpu.memory_space<hbm>> -> memref<1x200xf32, #tpu.memory_space<hbm>>
      %dma_start3A_358 = tpu.memref_squeeze %dma_start3A_357 : memref<1x200xf32, #tpu.memory_space<hbm>> -> memref<200xf32, #tpu.memory_space<hbm>>
      %dma_start3A_359 = arith.constant 0 : i32
      %dma_start3A_360 = tpu.memref_slice %arg11[%dma_start3A_359] : memref<208xf32, #tpu.memory_space<vmem>> -> memref<200xf32, #tpu.memory_space<vmem>>
      tpu.enqueue_dma source(%dma_start3A_360 : memref<200xf32, #tpu.memory_space<vmem>>) target(%dma_start3A_358 : memref<200xf32, #tpu.memory_space<hbm>>) target_semaphore(%arg19 : memref<!tpu.dma_semaphore, #tpu.memory_space<semaphore_mem>>)
      %mul3A_361 = arith.constant 4 : i32
      %mul3A_362 = arith.muli %add3A_176, %mul3A_361 : i32
      %add3A_363 = arith.constant 2 : i32
      %add3A_364 = arith.addi %mul3A_362, %add3A_363 : i32
      %dma_wait3A_365 = arith.constant 0 : i32
      %dma_wait3A_366 = arith.constant 2 : i32
      %dma_wait3A_367 = arith.constant 0 : i32
      %dma_wait3A_368 = arith.constant 0 : i32
      %dma_wait3A_369 = tpu.memref_slice %arg8[%dma_wait3A_366, %dma_wait3A_367, %dma_wait3A_368] : memref<4x208x64xf32, #tpu.memory_space<vmem>> -> memref<1x100x64xf32, #tpu.memory_space<vmem>>
      %dma_wait3A_370 = tpu.memref_squeeze %dma_wait3A_369 : memref<1x100x64xf32, #tpu.memory_space<vmem>> -> memref<100x64xf32, #tpu.memory_space<vmem>>
      %dma_wait3A_371 = arith.constant 0 : i32
      %dma_wait3A_372 = tpu.memref_slice %arg6[%add3A_364, %dma_wait3A_365, %dma_wait3A_371] : memref<128x2x100xi32, #tpu.memory_space<vmem>> -> memref<1x1x100xi32, #tpu.memory_space<vmem>>
      %dma_wait3A_373 = tpu.memref_squeeze %dma_wait3A_372 : memref<1x1x100xi32, #tpu.memory_space<vmem>> -> memref<100xi32, #tpu.memory_space<vmem>>
      %dma_wait3A_374 = arith.constant 0 : i32
      %dma_wait3A_375 = arith.constant 0 : i32
      %dma_wait3A_376 = tpu.memref_slice %arg2[%dma_wait3A_374, %dma_wait3A_375] : memref<2000000x64xf32, #tpu.memory_space<hbm>> -> memref<2000000x64xf32, #tpu.memory_space<hbm>>
      tpu.wait_indirect_dma semaphore(%arg16 : memref<!tpu.dma_semaphore, #tpu.memory_space<semaphore_mem>>) src(%dma_wait3A_376 : memref<2000000x64xf32, #tpu.memory_space<hbm>>) dst(%dma_wait3A_370 : memref<100x64xf32, #tpu.memory_space<vmem>>)
      %dma_wait3A_377 = arith.constant 1 : i32
      %dma_wait3A_378 = arith.constant 2 : i32
      %dma_wait3A_379 = arith.constant 100 : i32
      %dma_wait3A_380 = arith.constant 0 : i32
      %dma_wait3A_381 = tpu.memref_slice %arg8[%dma_wait3A_378, %dma_wait3A_379, %dma_wait3A_380] : memref<4x208x64xf32, #tpu.memory_space<vmem>> -> memref<1x100x64xf32, #tpu.memory_space<vmem>>
      %dma_wait3A_382 = tpu.memref_squeeze %dma_wait3A_381 : memref<1x100x64xf32, #tpu.memory_space<vmem>> -> memref<100x64xf32, #tpu.memory_space<vmem>>
      %dma_wait3A_383 = arith.constant 0 : i32
      %dma_wait3A_384 = tpu.memref_slice %arg6[%add3A_364, %dma_wait3A_377, %dma_wait3A_383] : memref<128x2x100xi32, #tpu.memory_space<vmem>> -> memref<1x1x100xi32, #tpu.memory_space<vmem>>
      %dma_wait3A_385 = tpu.memref_squeeze %dma_wait3A_384 : memref<1x1x100xi32, #tpu.memory_space<vmem>> -> memref<100xi32, #tpu.memory_space<vmem>>
      %dma_wait3A_386 = arith.constant 0 : i32
      %dma_wait3A_387 = arith.constant 0 : i32
      %dma_wait3A_388 = tpu.memref_slice %arg2[%dma_wait3A_386, %dma_wait3A_387] : memref<2000000x64xf32, #tpu.memory_space<hbm>> -> memref<2000000x64xf32, #tpu.memory_space<hbm>>
      tpu.wait_indirect_dma semaphore(%arg16 : memref<!tpu.dma_semaphore, #tpu.memory_space<semaphore_mem>>) src(%dma_wait3A_388 : memref<2000000x64xf32, #tpu.memory_space<hbm>>) dst(%dma_wait3A_382 : memref<100x64xf32, #tpu.memory_space<vmem>>)
      %get3A_389 = arith.index_cast %add3A_364 : i32 to index
      %get3A_390 = arith.constant 0 : index
      %get3A_391 = tpu.vector_load %arg7[%get3A_389, %get3A_390] {strides = array<i32>} : memref<128x64xf32, #tpu.memory_space<vmem>>, vector<16xf32>,
      %get3A_392 = arith.index_cast %add3A_364 : i32 to index
      %get3A_393 = arith.constant 16 : index
      %get3A_394 = tpu.vector_load %arg7[%get3A_392, %get3A_393] {strides = array<i32>} : memref<128x64xf32, #tpu.memory_space<vmem>>, vector<16xf32>,
      %get3A_395 = arith.index_cast %add3A_364 : i32 to index
      %get3A_396 = arith.constant 32 : index
      %get3A_397 = tpu.vector_load %arg7[%get3A_395, %get3A_396] {strides = array<i32>} : memref<128x64xf32, #tpu.memory_space<vmem>>, vector<16xf32>,
      %get3A_398 = arith.index_cast %add3A_364 : i32 to index
      %get3A_399 = arith.constant 48 : index
      %get3A_400 = tpu.vector_load %arg7[%get3A_398, %get3A_399] {strides = array<i32>} : memref<128x64xf32, #tpu.memory_space<vmem>>, vector<16xf32>,
      %broadcast_in_dim3A_401 = arith.constant -1.000000e+30 : f32
      %broadcast_in_dim3A_402 = vector.broadcast %broadcast_in_dim3A_401 : f32 to vector<16xf32>
      %scan3A_403 = arith.constant 0 : i32
      %scan3A_404 = arith.constant 13 : i32
      %scan3A_405 = arith.addi %scan3A_403, %scan3A_404 : i32
      %scan3A_406 = arith.constant 1 : i32
      %scan3A_407 = scf.for %scan3A_553 = %scan3A_403 to %scan3A_405 step %scan3A_406 iter_args(%scan3A_554 = %broadcast_in_dim3A_402) -> (vector<16xf32>)  : i32 {
        %mul3A_555 = arith.constant 1 : i32
        %mul3A_556 = arith.muli %scan3A_553, %mul3A_555 : i32
        %add3A_557 = arith.constant 0 : i32
        %add3A_558 = arith.addi %add3A_557, %mul3A_556 : i32
        %broadcast_in_dim3A_559 = arith.constant 0.000000e+00 : f32
        %broadcast_in_dim3A_560 = vector.broadcast %broadcast_in_dim3A_559 : f32 to vector<16xf32>
        %mul3A_561 = arith.constant 16 : i32
        %mul3A_562 = arith.muli %add3A_558, %mul3A_561 : i32
        %add3A_563 = arith.constant 0 : i32
        %add3A_564 = arith.addi %mul3A_562, %add3A_563 : i32
        %get3A_565 = arith.constant 2 : i32
        %get3A_566 = arith.index_cast %get3A_565 : i32 to index
        %get3A_567 = arith.index_cast %add3A_564 : i32 to index
        %get3A_568 = arith.constant 0 : index
        %get3A_569 = tpu.vector_load %arg8[%get3A_566, %get3A_567, %get3A_568] {strides = array<i32>} : memref<4x208x64xf32, #tpu.memory_space<vmem>>, vector<16xf32>,
        %mul3A_570 = arith.mulf %get3A_569, %get3A_391 : vector<16xf32>
        %get3A_571 = arith.constant 2 : i32
        %get3A_572 = arith.index_cast %get3A_571 : i32 to index
        %get3A_573 = arith.index_cast %add3A_564 : i32 to index
        %get3A_574 = arith.constant 16 : index
        %get3A_575 = tpu.vector_load %arg8[%get3A_572, %get3A_573, %get3A_574] {strides = array<i32>} : memref<4x208x64xf32, #tpu.memory_space<vmem>>, vector<16xf32>,
        %mul3A_576 = arith.mulf %get3A_575, %get3A_394 : vector<16xf32>
        %add3A_577 = arith.addf %mul3A_570, %mul3A_576 : vector<16xf32>
        %get3A_578 = arith.constant 2 : i32
        %get3A_579 = arith.index_cast %get3A_578 : i32 to index
        %get3A_580 = arith.index_cast %add3A_564 : i32 to index
        %get3A_581 = arith.constant 32 : index
        %get3A_582 = tpu.vector_load %arg8[%get3A_579, %get3A_580, %get3A_581] {strides = array<i32>} : memref<4x208x64xf32, #tpu.memory_space<vmem>>, vector<16xf32>,
        %mul3A_583 = arith.mulf %get3A_582, %get3A_397 : vector<16xf32>
        %add3A_584 = arith.addf %add3A_577, %mul3A_583 : vector<16xf32>
        %get3A_585 = arith.constant 2 : i32
        %get3A_586 = arith.index_cast %get3A_585 : i32 to index
        %get3A_587 = arith.index_cast %add3A_564 : i32 to index
        %get3A_588 = arith.constant 48 : index
        %get3A_589 = tpu.vector_load %arg8[%get3A_586, %get3A_587, %get3A_588] {strides = array<i32>} : memref<4x208x64xf32, #tpu.memory_space<vmem>>, vector<16xf32>,
        %mul3A_590 = arith.mulf %get3A_589, %get3A_400 : vector<16xf32>
        %add3A_591 = arith.addf %add3A_584, %mul3A_590 : vector<16xf32>
        %eq3A = arith.constant 0 : i32
        %eq3A_592 = vector.broadcast %eq3A : i32 to vector<16xi32>
        %eq3A_593 = arith.cmpi eq, %iota3A, %eq3A_592 : vector<16xi32>
        %reduce_sum3A_594 = arith.constant true
        %reduce_sum3A_595 = vector.broadcast %reduce_sum3A_594 : i1 to vector<16xi1>
        %reduce_sum3A_596 = tpu.scan <sum>, %add3A_591 masked %reduce_sum3A_595 : vector<16xf32>, vector<16xi1> -> vector<16xf32>
        %reduce_sum3A_597 = vector.extract %reduce_sum3A_596[15] : f32 from vector<16xf32>
        %broadcast_in_dim3A_598 = vector.broadcast %reduce_sum3A_597 : f32 to vector<16xf32>
        %select_n3A = arith.select %eq3A_593, %broadcast_in_dim3A_598, %broadcast_in_dim3A_560 : vector<16xi1>, vector<16xf32>
        %mul3A_599 = arith.constant 16 : i32
        %mul3A_600 = arith.muli %add3A_558, %mul3A_599 : i32
        %add3A_601 = arith.constant 1 : i32
        %add3A_602 = arith.addi %mul3A_600, %add3A_601 : i32
        %get3A_603 = arith.constant 2 : i32
        %get3A_604 = arith.index_cast %get3A_603 : i32 to index
        %get3A_605 = arith.index_cast %add3A_602 : i32 to index
        %get3A_606 = arith.constant 0 : index
        %get3A_607 = tpu.vector_load %arg8[%get3A_604, %get3A_605, %get3A_606] {strides = array<i32>} : memref<4x208x64xf32, #tpu.memory_space<vmem>>, vector<16xf32>,
        %mul3A_608 = arith.mulf %get3A_607, %get3A_391 : vector<16xf32>
        %get3A_609 = arith.constant 2 : i32
        %get3A_610 = arith.index_cast %get3A_609 : i32 to index
        %get3A_611 = arith.index_cast %add3A_602 : i32 to index
        %get3A_612 = arith.constant 16 : index
        %get3A_613 = tpu.vector_load %arg8[%get3A_610, %get3A_611, %get3A_612] {strides = array<i32>} : memref<4x208x64xf32, #tpu.memory_space<vmem>>, vector<16xf32>,
        %mul3A_614 = arith.mulf %get3A_613, %get3A_394 : vector<16xf32>
        %add3A_615 = arith.addf %mul3A_608, %mul3A_614 : vector<16xf32>
        %get3A_616 = arith.constant 2 : i32
        %get3A_617 = arith.index_cast %get3A_616 : i32 to index
        %get3A_618 = arith.index_cast %add3A_602 : i32 to index
        %get3A_619 = arith.constant 32 : index
        %get3A_620 = tpu.vector_load %arg8[%get3A_617, %get3A_618, %get3A_619] {strides = array<i32>} : memref<4x208x64xf32, #tpu.memory_space<vmem>>, vector<16xf32>,
        %mul3A_621 = arith.mulf %get3A_620, %get3A_397 : vector<16xf32>
        %add3A_622 = arith.addf %add3A_615, %mul3A_621 : vector<16xf32>
        %get3A_623 = arith.constant 2 : i32
        %get3A_624 = arith.index_cast %get3A_623 : i32 to index
        %get3A_625 = arith.index_cast %add3A_602 : i32 to index
        %get3A_626 = arith.constant 48 : index
        %get3A_627 = tpu.vector_load %arg8[%get3A_624, %get3A_625, %get3A_626] {strides = array<i32>} : memref<4x208x64xf32, #tpu.memory_space<vmem>>, vector<16xf32>,
        %mul3A_628 = arith.mulf %get3A_627, %get3A_400 : vector<16xf32>
        %add3A_629 = arith.addf %add3A_622, %mul3A_628 : vector<16xf32>
        %eq3A_630 = arith.constant 1 : i32
        %eq3A_631 = vector.broadcast %eq3A_630 : i32 to vector<16xi32>
        %eq3A_632 = arith.cmpi eq, %iota3A, %eq3A_631 : vector<16xi32>
        %reduce_sum3A_633 = arith.constant true
        %reduce_sum3A_634 = vector.broadcast %reduce_sum3A_633 : i1 to vector<16xi1>
        %reduce_sum3A_635 = tpu.scan <sum>, %add3A_629 masked %reduce_sum3A_634 : vector<16xf32>, vector<16xi1> -> vector<16xf32>
        %reduce_sum3A_636 = vector.extract %reduce_sum3A_635[15] : f32 from vector<16xf32>
        %broadcast_in_dim3A_637 = vector.broadcast %reduce_sum3A_636 : f32 to vector<16xf32>
        %select_n3A_638 = arith.select %eq3A_632, %broadcast_in_dim3A_637, %select_n3A : vector<16xi1>, vector<16xf32>
        %mul3A_639 = arith.constant 16 : i32
        %mul3A_640 = arith.muli %add3A_558, %mul3A_639 : i32
        %add3A_641 = arith.constant 2 : i32
        %add3A_642 = arith.addi %mul3A_640, %add3A_641 : i32
        %get3A_643 = arith.constant 2 : i32
        %get3A_644 = arith.index_cast %get3A_643 : i32 to index
        %get3A_645 = arith.index_cast %add3A_642 : i32 to index
        %get3A_646 = arith.constant 0 : index
        %get3A_647 = tpu.vector_load %arg8[%get3A_644, %get3A_645, %get3A_646] {strides = array<i32>} : memref<4x208x64xf32, #tpu.memory_space<vmem>>, vector<16xf32>,
        %mul3A_648 = arith.mulf %get3A_647, %get3A_391 : vector<16xf32>
        %get3A_649 = arith.constant 2 : i32
        %get3A_650 = arith.index_cast %get3A_649 : i32 to index
        %get3A_651 = arith.index_cast %add3A_642 : i32 to index
        %get3A_652 = arith.constant 16 : index
        %get3A_653 = tpu.vector_load %arg8[%get3A_650, %get3A_651, %get3A_652] {strides = array<i32>} : memref<4x208x64xf32, #tpu.memory_space<vmem>>, vector<16xf32>,
        %mul3A_654 = arith.mulf %get3A_653, %get3A_394 : vector<16xf32>
        %add3A_655 = arith.addf %mul3A_648, %mul3A_654 : vector<16xf32>
        %get3A_656 = arith.constant 2 : i32
        %get3A_657 = arith.index_cast %get3A_656 : i32 to index
        %get3A_658 = arith.index_cast %add3A_642 : i32 to index
        %get3A_659 = arith.constant 32 : index
        %get3A_660 = tpu.vector_load %arg8[%get3A_657, %get3A_658, %get3A_659] {strides = array<i32>} : memref<4x208x64xf32, #tpu.memory_space<vmem>>, vector<16xf32>,
        %mul3A_661 = arith.mulf %get3A_660, %get3A_397 : vector<16xf32>
        %add3A_662 = arith.addf %add3A_655, %mul3A_661 : vector<16xf32>
        %get3A_663 = arith.constant 2 : i32
        %get3A_664 = arith.index_cast %get3A_663 : i32 to index
        %get3A_665 = arith.index_cast %add3A_642 : i32 to index
        %get3A_666 = arith.constant 48 : index
        %get3A_667 = tpu.vector_load %arg8[%get3A_664, %get3A_665, %get3A_666] {strides = array<i32>} : memref<4x208x64xf32, #tpu.memory_space<vmem>>, vector<16xf32>,
        %mul3A_668 = arith.mulf %get3A_667, %get3A_400 : vector<16xf32>
        %add3A_669 = arith.addf %add3A_662, %mul3A_668 : vector<16xf32>
        %eq3A_670 = arith.constant 2 : i32
        %eq3A_671 = vector.broadcast %eq3A_670 : i32 to vector<16xi32>
        %eq3A_672 = arith.cmpi eq, %iota3A, %eq3A_671 : vector<16xi32>
        %reduce_sum3A_673 = arith.constant true
        %reduce_sum3A_674 = vector.broadcast %reduce_sum3A_673 : i1 to vector<16xi1>
        %reduce_sum3A_675 = tpu.scan <sum>, %add3A_669 masked %reduce_sum3A_674 : vector<16xf32>, vector<16xi1> -> vector<16xf32>
        %reduce_sum3A_676 = vector.extract %reduce_sum3A_675[15] : f32 from vector<16xf32>
        %broadcast_in_dim3A_677 = vector.broadcast %reduce_sum3A_676 : f32 to vector<16xf32>
        %select_n3A_678 = arith.select %eq3A_672, %broadcast_in_dim3A_677, %select_n3A_638 : vector<16xi1>, vector<16xf32>
        %mul3A_679 = arith.constant 16 : i32
        %mul3A_680 = arith.muli %add3A_558, %mul3A_679 : i32
        %add3A_681 = arith.constant 3 : i32
        %add3A_682 = arith.addi %mul3A_680, %add3A_681 : i32
        %get3A_683 = arith.constant 2 : i32
        %get3A_684 = arith.index_cast %get3A_683 : i32 to index
        %get3A_685 = arith.index_cast %add3A_682 : i32 to index
        %get3A_686 = arith.constant 0 : index
        %get3A_687 = tpu.vector_load %arg8[%get3A_684, %get3A_685, %get3A_686] {strides = array<i32>} : memref<4x208x64xf32, #tpu.memory_space<vmem>>, vector<16xf32>,
        %mul3A_688 = arith.mulf %get3A_687, %get3A_391 : vector<16xf32>
        %get3A_689 = arith.constant 2 : i32
        %get3A_690 = arith.index_cast %get3A_689 : i32 to index
        %get3A_691 = arith.index_cast %add3A_682 : i32 to index
        %get3A_692 = arith.constant 16 : index
        %get3A_693 = tpu.vector_load %arg8[%get3A_690, %get3A_691, %get3A_692] {strides = array<i32>} : memref<4x208x64xf32, #tpu.memory_space<vmem>>, vector<16xf32>,
        %mul3A_694 = arith.mulf %get3A_693, %get3A_394 : vector<16xf32>
        %add3A_695 = arith.addf %mul3A_688, %mul3A_694 : vector<16xf32>
        %get3A_696 = arith.constant 2 : i32
        %get3A_697 = arith.index_cast %get3A_696 : i32 to index
        %get3A_698 = arith.index_cast %add3A_682 : i32 to index
        %get3A_699 = arith.constant 32 : index
        %get3A_700 = tpu.vector_load %arg8[%get3A_697, %get3A_698, %get3A_699] {strides = array<i32>} : memref<4x208x64xf32, #tpu.memory_space<vmem>>, vector<16xf32>,
        %mul3A_701 = arith.mulf %get3A_700, %get3A_397 : vector<16xf32>
        %add3A_702 = arith.addf %add3A_695, %mul3A_701 : vector<16xf32>
        %get3A_703 = arith.constant 2 : i32
        %get3A_704 = arith.index_cast %get3A_703 : i32 to index
        %get3A_705 = arith.index_cast %add3A_682 : i32 to index
        %get3A_706 = arith.constant 48 : index
        %get3A_707 = tpu.vector_load %arg8[%get3A_704, %get3A_705, %get3A_706] {strides = array<i32>} : memref<4x208x64xf32, #tpu.memory_space<vmem>>, vector<16xf32>,
        %mul3A_708 = arith.mulf %get3A_707, %get3A_400 : vector<16xf32>
        %add3A_709 = arith.addf %add3A_702, %mul3A_708 : vector<16xf32>
        %eq3A_710 = arith.constant 3 : i32
        %eq3A_711 = vector.broadcast %eq3A_710 : i32 to vector<16xi32>
        %eq3A_712 = arith.cmpi eq, %iota3A, %eq3A_711 : vector<16xi32>
        %reduce_sum3A_713 = arith.constant true
        %reduce_sum3A_714 = vector.broadcast %reduce_sum3A_713 : i1 to vector<16xi1>
        %reduce_sum3A_715 = tpu.scan <sum>, %add3A_709 masked %reduce_sum3A_714 : vector<16xf32>, vector<16xi1> -> vector<16xf32>
        %reduce_sum3A_716 = vector.extract %reduce_sum3A_715[15] : f32 from vector<16xf32>
        %broadcast_in_dim3A_717 = vector.broadcast %reduce_sum3A_716 : f32 to vector<16xf32>
        %select_n3A_718 = arith.select %eq3A_712, %broadcast_in_dim3A_717, %select_n3A_678 : vector<16xi1>, vector<16xf32>
        %mul3A_719 = arith.constant 16 : i32
        %mul3A_720 = arith.muli %add3A_558, %mul3A_719 : i32
        %add3A_721 = arith.constant 4 : i32
        %add3A_722 = arith.addi %mul3A_720, %add3A_721 : i32
        %get3A_723 = arith.constant 2 : i32
        %get3A_724 = arith.index_cast %get3A_723 : i32 to index
        %get3A_725 = arith.index_cast %add3A_722 : i32 to index
        %get3A_726 = arith.constant 0 : index
        %get3A_727 = tpu.vector_load %arg8[%get3A_724, %get3A_725, %get3A_726] {strides = array<i32>} : memref<4x208x64xf32, #tpu.memory_space<vmem>>, vector<16xf32>,
        %mul3A_728 = arith.mulf %get3A_727, %get3A_391 : vector<16xf32>
        %get3A_729 = arith.constant 2 : i32
        %get3A_730 = arith.index_cast %get3A_729 : i32 to index
        %get3A_731 = arith.index_cast %add3A_722 : i32 to index
        %get3A_732 = arith.constant 16 : index
        %get3A_733 = tpu.vector_load %arg8[%get3A_730, %get3A_731, %get3A_732] {strides = array<i32>} : memref<4x208x64xf32, #tpu.memory_space<vmem>>, vector<16xf32>,
        %mul3A_734 = arith.mulf %get3A_733, %get3A_394 : vector<16xf32>
        %add3A_735 = arith.addf %mul3A_728, %mul3A_734 : vector<16xf32>
        %get3A_736 = arith.constant 2 : i32
        %get3A_737 = arith.index_cast %get3A_736 : i32 to index
        %get3A_738 = arith.index_cast %add3A_722 : i32 to index
        %get3A_739 = arith.constant 32 : index
        %get3A_740 = tpu.vector_load %arg8[%get3A_737, %get3A_738, %get3A_739] {strides = array<i32>} : memref<4x208x64xf32, #tpu.memory_space<vmem>>, vector<16xf32>,
        %mul3A_741 = arith.mulf %get3A_740, %get3A_397 : vector<16xf32>
        %add3A_742 = arith.addf %add3A_735, %mul3A_741 : vector<16xf32>
        %get3A_743 = arith.constant 2 : i32
        %get3A_744 = arith.index_cast %get3A_743 : i32 to index
        %get3A_745 = arith.index_cast %add3A_722 : i32 to index
        %get3A_746 = arith.constant 48 : index
        %get3A_747 = tpu.vector_load %arg8[%get3A_744, %get3A_745, %get3A_746] {strides = array<i32>} : memref<4x208x64xf32, #tpu.memory_space<vmem>>, vector<16xf32>,
        %mul3A_748 = arith.mulf %get3A_747, %get3A_400 : vector<16xf32>
        %add3A_749 = arith.addf %add3A_742, %mul3A_748 : vector<16xf32>
        %eq3A_750 = arith.constant 4 : i32
        %eq3A_751 = vector.broadcast %eq3A_750 : i32 to vector<16xi32>
        %eq3A_752 = arith.cmpi eq, %iota3A, %eq3A_751 : vector<16xi32>
        %reduce_sum3A_753 = arith.constant true
        %reduce_sum3A_754 = vector.broadcast %reduce_sum3A_753 : i1 to vector<16xi1>
        %reduce_sum3A_755 = tpu.scan <sum>, %add3A_749 masked %reduce_sum3A_754 : vector<16xf32>, vector<16xi1> -> vector<16xf32>
        %reduce_sum3A_756 = vector.extract %reduce_sum3A_755[15] : f32 from vector<16xf32>
        %broadcast_in_dim3A_757 = vector.broadcast %reduce_sum3A_756 : f32 to vector<16xf32>
        %select_n3A_758 = arith.select %eq3A_752, %broadcast_in_dim3A_757, %select_n3A_718 : vector<16xi1>, vector<16xf32>
        %mul3A_759 = arith.constant 16 : i32
        %mul3A_760 = arith.muli %add3A_558, %mul3A_759 : i32
        %add3A_761 = arith.constant 5 : i32
        %add3A_762 = arith.addi %mul3A_760, %add3A_761 : i32
        %get3A_763 = arith.constant 2 : i32
        %get3A_764 = arith.index_cast %get3A_763 : i32 to index
        %get3A_765 = arith.index_cast %add3A_762 : i32 to index
        %get3A_766 = arith.constant 0 : index
        %get3A_767 = tpu.vector_load %arg8[%get3A_764, %get3A_765, %get3A_766] {strides = array<i32>} : memref<4x208x64xf32, #tpu.memory_space<vmem>>, vector<16xf32>,
        %mul3A_768 = arith.mulf %get3A_767, %get3A_391 : vector<16xf32>
        %get3A_769 = arith.constant 2 : i32
        %get3A_770 = arith.index_cast %get3A_769 : i32 to index
        %get3A_771 = arith.index_cast %add3A_762 : i32 to index
        %get3A_772 = arith.constant 16 : index
        %get3A_773 = tpu.vector_load %arg8[%get3A_770, %get3A_771, %get3A_772] {strides = array<i32>} : memref<4x208x64xf32, #tpu.memory_space<vmem>>, vector<16xf32>,
        %mul3A_774 = arith.mulf %get3A_773, %get3A_394 : vector<16xf32>
        %add3A_775 = arith.addf %mul3A_768, %mul3A_774 : vector<16xf32>
        %get3A_776 = arith.constant 2 : i32
        %get3A_777 = arith.index_cast %get3A_776 : i32 to index
        %get3A_778 = arith.index_cast %add3A_762 : i32 to index
        %get3A_779 = arith.constant 32 : index
        %get3A_780 = tpu.vector_load %arg8[%get3A_777, %get3A_778, %get3A_779] {strides = array<i32>} : memref<4x208x64xf32, #tpu.memory_space<vmem>>, vector<16xf32>,
        %mul3A_781 = arith.mulf %get3A_780, %get3A_397 : vector<16xf32>
        %add3A_782 = arith.addf %add3A_775, %mul3A_781 : vector<16xf32>
        %get3A_783 = arith.constant 2 : i32
        %get3A_784 = arith.index_cast %get3A_783 : i32 to index
        %get3A_785 = arith.index_cast %add3A_762 : i32 to index
        %get3A_786 = arith.constant 48 : index
        %get3A_787 = tpu.vector_load %arg8[%get3A_784, %get3A_785, %get3A_786] {strides = array<i32>} : memref<4x208x64xf32, #tpu.memory_space<vmem>>, vector<16xf32>,
        %mul3A_788 = arith.mulf %get3A_787, %get3A_400 : vector<16xf32>
        %add3A_789 = arith.addf %add3A_782, %mul3A_788 : vector<16xf32>
        %eq3A_790 = arith.constant 5 : i32
        %eq3A_791 = vector.broadcast %eq3A_790 : i32 to vector<16xi32>
        %eq3A_792 = arith.cmpi eq, %iota3A, %eq3A_791 : vector<16xi32>
        %reduce_sum3A_793 = arith.constant true
        %reduce_sum3A_794 = vector.broadcast %reduce_sum3A_793 : i1 to vector<16xi1>
        %reduce_sum3A_795 = tpu.scan <sum>, %add3A_789 masked %reduce_sum3A_794 : vector<16xf32>, vector<16xi1> -> vector<16xf32>
        %reduce_sum3A_796 = vector.extract %reduce_sum3A_795[15] : f32 from vector<16xf32>
        %broadcast_in_dim3A_797 = vector.broadcast %reduce_sum3A_796 : f32 to vector<16xf32>
        %select_n3A_798 = arith.select %eq3A_792, %broadcast_in_dim3A_797, %select_n3A_758 : vector<16xi1>, vector<16xf32>
        %mul3A_799 = arith.constant 16 : i32
        %mul3A_800 = arith.muli %add3A_558, %mul3A_799 : i32
        %add3A_801 = arith.constant 6 : i32
        %add3A_802 = arith.addi %mul3A_800, %add3A_801 : i32
        %get3A_803 = arith.constant 2 : i32
        %get3A_804 = arith.index_cast %get3A_803 : i32 to index
        %get3A_805 = arith.index_cast %add3A_802 : i32 to index
        %get3A_806 = arith.constant 0 : index
        %get3A_807 = tpu.vector_load %arg8[%get3A_804, %get3A_805, %get3A_806] {strides = array<i32>} : memref<4x208x64xf32, #tpu.memory_space<vmem>>, vector<16xf32>,
        %mul3A_808 = arith.mulf %get3A_807, %get3A_391 : vector<16xf32>
        %get3A_809 = arith.constant 2 : i32
        %get3A_810 = arith.index_cast %get3A_809 : i32 to index
        %get3A_811 = arith.index_cast %add3A_802 : i32 to index
        %get3A_812 = arith.constant 16 : index
        %get3A_813 = tpu.vector_load %arg8[%get3A_810, %get3A_811, %get3A_812] {strides = array<i32>} : memref<4x208x64xf32, #tpu.memory_space<vmem>>, vector<16xf32>,
        %mul3A_814 = arith.mulf %get3A_813, %get3A_394 : vector<16xf32>
        %add3A_815 = arith.addf %mul3A_808, %mul3A_814 : vector<16xf32>
        %get3A_816 = arith.constant 2 : i32
        %get3A_817 = arith.index_cast %get3A_816 : i32 to index
        %get3A_818 = arith.index_cast %add3A_802 : i32 to index
        %get3A_819 = arith.constant 32 : index
        %get3A_820 = tpu.vector_load %arg8[%get3A_817, %get3A_818, %get3A_819] {strides = array<i32>} : memref<4x208x64xf32, #tpu.memory_space<vmem>>, vector<16xf32>,
        %mul3A_821 = arith.mulf %get3A_820, %get3A_397 : vector<16xf32>
        %add3A_822 = arith.addf %add3A_815, %mul3A_821 : vector<16xf32>
        %get3A_823 = arith.constant 2 : i32
        %get3A_824 = arith.index_cast %get3A_823 : i32 to index
        %get3A_825 = arith.index_cast %add3A_802 : i32 to index
        %get3A_826 = arith.constant 48 : index
        %get3A_827 = tpu.vector_load %arg8[%get3A_824, %get3A_825, %get3A_826] {strides = array<i32>} : memref<4x208x64xf32, #tpu.memory_space<vmem>>, vector<16xf32>,
        %mul3A_828 = arith.mulf %get3A_827, %get3A_400 : vector<16xf32>
        %add3A_829 = arith.addf %add3A_822, %mul3A_828 : vector<16xf32>
        %eq3A_830 = arith.constant 6 : i32
        %eq3A_831 = vector.broadcast %eq3A_830 : i32 to vector<16xi32>
        %eq3A_832 = arith.cmpi eq, %iota3A, %eq3A_831 : vector<16xi32>
        %reduce_sum3A_833 = arith.constant true
        %reduce_sum3A_834 = vector.broadcast %reduce_sum3A_833 : i1 to vector<16xi1>
        %reduce_sum3A_835 = tpu.scan <sum>, %add3A_829 masked %reduce_sum3A_834 : vector<16xf32>, vector<16xi1> -> vector<16xf32>
        %reduce_sum3A_836 = vector.extract %reduce_sum3A_835[15] : f32 from vector<16xf32>
        %broadcast_in_dim3A_837 = vector.broadcast %reduce_sum3A_836 : f32 to vector<16xf32>
        %select_n3A_838 = arith.select %eq3A_832, %broadcast_in_dim3A_837, %select_n3A_798 : vector<16xi1>, vector<16xf32>
        %mul3A_839 = arith.constant 16 : i32
        %mul3A_840 = arith.muli %add3A_558, %mul3A_839 : i32
        %add3A_841 = arith.constant 7 : i32
        %add3A_842 = arith.addi %mul3A_840, %add3A_841 : i32
        %get3A_843 = arith.constant 2 : i32
        %get3A_844 = arith.index_cast %get3A_843 : i32 to index
        %get3A_845 = arith.index_cast %add3A_842 : i32 to index
        %get3A_846 = arith.constant 0 : index
        %get3A_847 = tpu.vector_load %arg8[%get3A_844, %get3A_845, %get3A_846] {strides = array<i32>} : memref<4x208x64xf32, #tpu.memory_space<vmem>>, vector<16xf32>,
        %mul3A_848 = arith.mulf %get3A_847, %get3A_391 : vector<16xf32>
        %get3A_849 = arith.constant 2 : i32
        %get3A_850 = arith.index_cast %get3A_849 : i32 to index
        %get3A_851 = arith.index_cast %add3A_842 : i32 to index
        %get3A_852 = arith.constant 16 : index
        %get3A_853 = tpu.vector_load %arg8[%get3A_850, %get3A_851, %get3A_852] {strides = array<i32>} : memref<4x208x64xf32, #tpu.memory_space<vmem>>, vector<16xf32>,
        %mul3A_854 = arith.mulf %get3A_853, %get3A_394 : vector<16xf32>
        %add3A_855 = arith.addf %mul3A_848, %mul3A_854 : vector<16xf32>
        %get3A_856 = arith.constant 2 : i32
        %get3A_857 = arith.index_cast %get3A_856 : i32 to index
        %get3A_858 = arith.index_cast %add3A_842 : i32 to index
        %get3A_859 = arith.constant 32 : index
        %get3A_860 = tpu.vector_load %arg8[%get3A_857, %get3A_858, %get3A_859] {strides = array<i32>} : memref<4x208x64xf32, #tpu.memory_space<vmem>>, vector<16xf32>,
        %mul3A_861 = arith.mulf %get3A_860, %get3A_397 : vector<16xf32>
        %add3A_862 = arith.addf %add3A_855, %mul3A_861 : vector<16xf32>
        %get3A_863 = arith.constant 2 : i32
        %get3A_864 = arith.index_cast %get3A_863 : i32 to index
        %get3A_865 = arith.index_cast %add3A_842 : i32 to index
        %get3A_866 = arith.constant 48 : index
        %get3A_867 = tpu.vector_load %arg8[%get3A_864, %get3A_865, %get3A_866] {strides = array<i32>} : memref<4x208x64xf32, #tpu.memory_space<vmem>>, vector<16xf32>,
        %mul3A_868 = arith.mulf %get3A_867, %get3A_400 : vector<16xf32>
        %add3A_869 = arith.addf %add3A_862, %mul3A_868 : vector<16xf32>
        %eq3A_870 = arith.constant 7 : i32
        %eq3A_871 = vector.broadcast %eq3A_870 : i32 to vector<16xi32>
        %eq3A_872 = arith.cmpi eq, %iota3A, %eq3A_871 : vector<16xi32>
        %reduce_sum3A_873 = arith.constant true
        %reduce_sum3A_874 = vector.broadcast %reduce_sum3A_873 : i1 to vector<16xi1>
        %reduce_sum3A_875 = tpu.scan <sum>, %add3A_869 masked %reduce_sum3A_874 : vector<16xf32>, vector<16xi1> -> vector<16xf32>
        %reduce_sum3A_876 = vector.extract %reduce_sum3A_875[15] : f32 from vector<16xf32>
        %broadcast_in_dim3A_877 = vector.broadcast %reduce_sum3A_876 : f32 to vector<16xf32>
        %select_n3A_878 = arith.select %eq3A_872, %broadcast_in_dim3A_877, %select_n3A_838 : vector<16xi1>, vector<16xf32>
        %mul3A_879 = arith.constant 16 : i32
        %mul3A_880 = arith.muli %add3A_558, %mul3A_879 : i32
        %add3A_881 = arith.constant 8 : i32
        %add3A_882 = arith.addi %mul3A_880, %add3A_881 : i32
        %get3A_883 = arith.constant 2 : i32
        %get3A_884 = arith.index_cast %get3A_883 : i32 to index
        %get3A_885 = arith.index_cast %add3A_882 : i32 to index
        %get3A_886 = arith.constant 0 : index
        %get3A_887 = tpu.vector_load %arg8[%get3A_884, %get3A_885, %get3A_886] {strides = array<i32>} : memref<4x208x64xf32, #tpu.memory_space<vmem>>, vector<16xf32>,
        %mul3A_888 = arith.mulf %get3A_887, %get3A_391 : vector<16xf32>
        %get3A_889 = arith.constant 2 : i32
        %get3A_890 = arith.index_cast %get3A_889 : i32 to index
        %get3A_891 = arith.index_cast %add3A_882 : i32 to index
        %get3A_892 = arith.constant 16 : index
        %get3A_893 = tpu.vector_load %arg8[%get3A_890, %get3A_891, %get3A_892] {strides = array<i32>} : memref<4x208x64xf32, #tpu.memory_space<vmem>>, vector<16xf32>,
        %mul3A_894 = arith.mulf %get3A_893, %get3A_394 : vector<16xf32>
        %add3A_895 = arith.addf %mul3A_888, %mul3A_894 : vector<16xf32>
        %get3A_896 = arith.constant 2 : i32
        %get3A_897 = arith.index_cast %get3A_896 : i32 to index
        %get3A_898 = arith.index_cast %add3A_882 : i32 to index
        %get3A_899 = arith.constant 32 : index
        %get3A_900 = tpu.vector_load %arg8[%get3A_897, %get3A_898, %get3A_899] {strides = array<i32>} : memref<4x208x64xf32, #tpu.memory_space<vmem>>, vector<16xf32>,
        %mul3A_901 = arith.mulf %get3A_900, %get3A_397 : vector<16xf32>
        %add3A_902 = arith.addf %add3A_895, %mul3A_901 : vector<16xf32>
        %get3A_903 = arith.constant 2 : i32
        %get3A_904 = arith.index_cast %get3A_903 : i32 to index
        %get3A_905 = arith.index_cast %add3A_882 : i32 to index
        %get3A_906 = arith.constant 48 : index
        %get3A_907 = tpu.vector_load %arg8[%get3A_904, %get3A_905, %get3A_906] {strides = array<i32>} : memref<4x208x64xf32, #tpu.memory_space<vmem>>, vector<16xf32>,
        %mul3A_908 = arith.mulf %get3A_907, %get3A_400 : vector<16xf32>
        %add3A_909 = arith.addf %add3A_902, %mul3A_908 : vector<16xf32>
        %eq3A_910 = arith.constant 8 : i32
        %eq3A_911 = vector.broadcast %eq3A_910 : i32 to vector<16xi32>
        %eq3A_912 = arith.cmpi eq, %iota3A, %eq3A_911 : vector<16xi32>
        %reduce_sum3A_913 = arith.constant true
        %reduce_sum3A_914 = vector.broadcast %reduce_sum3A_913 : i1 to vector<16xi1>
        %reduce_sum3A_915 = tpu.scan <sum>, %add3A_909 masked %reduce_sum3A_914 : vector<16xf32>, vector<16xi1> -> vector<16xf32>
        %reduce_sum3A_916 = vector.extract %reduce_sum3A_915[15] : f32 from vector<16xf32>
        %broadcast_in_dim3A_917 = vector.broadcast %reduce_sum3A_916 : f32 to vector<16xf32>
        %select_n3A_918 = arith.select %eq3A_912, %broadcast_in_dim3A_917, %select_n3A_878 : vector<16xi1>, vector<16xf32>
        %mul3A_919 = arith.constant 16 : i32
        %mul3A_920 = arith.muli %add3A_558, %mul3A_919 : i32
        %add3A_921 = arith.constant 9 : i32
        %add3A_922 = arith.addi %mul3A_920, %add3A_921 : i32
        %get3A_923 = arith.constant 2 : i32
        %get3A_924 = arith.index_cast %get3A_923 : i32 to index
        %get3A_925 = arith.index_cast %add3A_922 : i32 to index
        %get3A_926 = arith.constant 0 : index
        %get3A_927 = tpu.vector_load %arg8[%get3A_924, %get3A_925, %get3A_926] {strides = array<i32>} : memref<4x208x64xf32, #tpu.memory_space<vmem>>, vector<16xf32>,
        %mul3A_928 = arith.mulf %get3A_927, %get3A_391 : vector<16xf32>
        %get3A_929 = arith.constant 2 : i32
        %get3A_930 = arith.index_cast %get3A_929 : i32 to index
        %get3A_931 = arith.index_cast %add3A_922 : i32 to index
        %get3A_932 = arith.constant 16 : index
        %get3A_933 = tpu.vector_load %arg8[%get3A_930, %get3A_931, %get3A_932] {strides = array<i32>} : memref<4x208x64xf32, #tpu.memory_space<vmem>>, vector<16xf32>,
        %mul3A_934 = arith.mulf %get3A_933, %get3A_394 : vector<16xf32>
        %add3A_935 = arith.addf %mul3A_928, %mul3A_934 : vector<16xf32>
        %get3A_936 = arith.constant 2 : i32
        %get3A_937 = arith.index_cast %get3A_936 : i32 to index
        %get3A_938 = arith.index_cast %add3A_922 : i32 to index
        %get3A_939 = arith.constant 32 : index
        %get3A_940 = tpu.vector_load %arg8[%get3A_937, %get3A_938, %get3A_939] {strides = array<i32>} : memref<4x208x64xf32, #tpu.memory_space<vmem>>, vector<16xf32>,
        %mul3A_941 = arith.mulf %get3A_940, %get3A_397 : vector<16xf32>
        %add3A_942 = arith.addf %add3A_935, %mul3A_941 : vector<16xf32>
        %get3A_943 = arith.constant 2 : i32
        %get3A_944 = arith.index_cast %get3A_943 : i32 to index
        %get3A_945 = arith.index_cast %add3A_922 : i32 to index
        %get3A_946 = arith.constant 48 : index
        %get3A_947 = tpu.vector_load %arg8[%get3A_944, %get3A_945, %get3A_946] {strides = array<i32>} : memref<4x208x64xf32, #tpu.memory_space<vmem>>, vector<16xf32>,
        %mul3A_948 = arith.mulf %get3A_947, %get3A_400 : vector<16xf32>
        %add3A_949 = arith.addf %add3A_942, %mul3A_948 : vector<16xf32>
        %eq3A_950 = arith.constant 9 : i32
        %eq3A_951 = vector.broadcast %eq3A_950 : i32 to vector<16xi32>
        %eq3A_952 = arith.cmpi eq, %iota3A, %eq3A_951 : vector<16xi32>
        %reduce_sum3A_953 = arith.constant true
        %reduce_sum3A_954 = vector.broadcast %reduce_sum3A_953 : i1 to vector<16xi1>
        %reduce_sum3A_955 = tpu.scan <sum>, %add3A_949 masked %reduce_sum3A_954 : vector<16xf32>, vector<16xi1> -> vector<16xf32>
        %reduce_sum3A_956 = vector.extract %reduce_sum3A_955[15] : f32 from vector<16xf32>
        %broadcast_in_dim3A_957 = vector.broadcast %reduce_sum3A_956 : f32 to vector<16xf32>
        %select_n3A_958 = arith.select %eq3A_952, %broadcast_in_dim3A_957, %select_n3A_918 : vector<16xi1>, vector<16xf32>
        %mul3A_959 = arith.constant 16 : i32
        %mul3A_960 = arith.muli %add3A_558, %mul3A_959 : i32
        %add3A_961 = arith.constant 10 : i32
        %add3A_962 = arith.addi %mul3A_960, %add3A_961 : i32
        %get3A_963 = arith.constant 2 : i32
        %get3A_964 = arith.index_cast %get3A_963 : i32 to index
        %get3A_965 = arith.index_cast %add3A_962 : i32 to index
        %get3A_966 = arith.constant 0 : index
        %get3A_967 = tpu.vector_load %arg8[%get3A_964, %get3A_965, %get3A_966] {strides = array<i32>} : memref<4x208x64xf32, #tpu.memory_space<vmem>>, vector<16xf32>,
        %mul3A_968 = arith.mulf %get3A_967, %get3A_391 : vector<16xf32>
        %get3A_969 = arith.constant 2 : i32
        %get3A_970 = arith.index_cast %get3A_969 : i32 to index
        %get3A_971 = arith.index_cast %add3A_962 : i32 to index
        %get3A_972 = arith.constant 16 : index
        %get3A_973 = tpu.vector_load %arg8[%get3A_970, %get3A_971, %get3A_972] {strides = array<i32>} : memref<4x208x64xf32, #tpu.memory_space<vmem>>, vector<16xf32>,
        %mul3A_974 = arith.mulf %get3A_973, %get3A_394 : vector<16xf32>
        %add3A_975 = arith.addf %mul3A_968, %mul3A_974 : vector<16xf32>
        %get3A_976 = arith.constant 2 : i32
        %get3A_977 = arith.index_cast %get3A_976 : i32 to index
        %get3A_978 = arith.index_cast %add3A_962 : i32 to index
        %get3A_979 = arith.constant 32 : index
        %get3A_980 = tpu.vector_load %arg8[%get3A_977, %get3A_978, %get3A_979] {strides = array<i32>} : memref<4x208x64xf32, #tpu.memory_space<vmem>>, vector<16xf32>,
        %mul3A_981 = arith.mulf %get3A_980, %get3A_397 : vector<16xf32>
        %add3A_982 = arith.addf %add3A_975, %mul3A_981 : vector<16xf32>
        %get3A_983 = arith.constant 2 : i32
        %get3A_984 = arith.index_cast %get3A_983 : i32 to index
        %get3A_985 = arith.index_cast %add3A_962 : i32 to index
        %get3A_986 = arith.constant 48 : index
        %get3A_987 = tpu.vector_load %arg8[%get3A_984, %get3A_985, %get3A_986] {strides = array<i32>} : memref<4x208x64xf32, #tpu.memory_space<vmem>>, vector<16xf32>,
        %mul3A_988 = arith.mulf %get3A_987, %get3A_400 : vector<16xf32>
        %add3A_989 = arith.addf %add3A_982, %mul3A_988 : vector<16xf32>
        %eq3A_990 = arith.constant 10 : i32
        %eq3A_991 = vector.broadcast %eq3A_990 : i32 to vector<16xi32>
        %eq3A_992 = arith.cmpi eq, %iota3A, %eq3A_991 : vector<16xi32>
        %reduce_sum3A_993 = arith.constant true
        %reduce_sum3A_994 = vector.broadcast %reduce_sum3A_993 : i1 to vector<16xi1>
        %reduce_sum3A_995 = tpu.scan <sum>, %add3A_989 masked %reduce_sum3A_994 : vector<16xf32>, vector<16xi1> -> vector<16xf32>
        %reduce_sum3A_996 = vector.extract %reduce_sum3A_995[15] : f32 from vector<16xf32>
        %broadcast_in_dim3A_997 = vector.broadcast %reduce_sum3A_996 : f32 to vector<16xf32>
        %select_n3A_998 = arith.select %eq3A_992, %broadcast_in_dim3A_997, %select_n3A_958 : vector<16xi1>, vector<16xf32>
        %mul3A_999 = arith.constant 16 : i32
        %mul3A_1000 = arith.muli %add3A_558, %mul3A_999 : i32
        %add3A_1001 = arith.constant 11 : i32
        %add3A_1002 = arith.addi %mul3A_1000, %add3A_1001 : i32
        %get3A_1003 = arith.constant 2 : i32
        %get3A_1004 = arith.index_cast %get3A_1003 : i32 to index
        %get3A_1005 = arith.index_cast %add3A_1002 : i32 to index
        %get3A_1006 = arith.constant 0 : index
        %get3A_1007 = tpu.vector_load %arg8[%get3A_1004, %get3A_1005, %get3A_1006] {strides = array<i32>} : memref<4x208x64xf32, #tpu.memory_space<vmem>>, vector<16xf32>,
        %mul3A_1008 = arith.mulf %get3A_1007, %get3A_391 : vector<16xf32>
        %get3A_1009 = arith.constant 2 : i32
        %get3A_1010 = arith.index_cast %get3A_1009 : i32 to index
        %get3A_1011 = arith.index_cast %add3A_1002 : i32 to index
        %get3A_1012 = arith.constant 16 : index
        %get3A_1013 = tpu.vector_load %arg8[%get3A_1010, %get3A_1011, %get3A_1012] {strides = array<i32>} : memref<4x208x64xf32, #tpu.memory_space<vmem>>, vector<16xf32>,
        %mul3A_1014 = arith.mulf %get3A_1013, %get3A_394 : vector<16xf32>
        %add3A_1015 = arith.addf %mul3A_1008, %mul3A_1014 : vector<16xf32>
        %get3A_1016 = arith.constant 2 : i32
        %get3A_1017 = arith.index_cast %get3A_1016 : i32 to index
        %get3A_1018 = arith.index_cast %add3A_1002 : i32 to index
        %get3A_1019 = arith.constant 32 : index
        %get3A_1020 = tpu.vector_load %arg8[%get3A_1017, %get3A_1018, %get3A_1019] {strides = array<i32>} : memref<4x208x64xf32, #tpu.memory_space<vmem>>, vector<16xf32>,
        %mul3A_1021 = arith.mulf %get3A_1020, %get3A_397 : vector<16xf32>
        %add3A_1022 = arith.addf %add3A_1015, %mul3A_1021 : vector<16xf32>
        %get3A_1023 = arith.constant 2 : i32
        %get3A_1024 = arith.index_cast %get3A_1023 : i32 to index
        %get3A_1025 = arith.index_cast %add3A_1002 : i32 to index
        %get3A_1026 = arith.constant 48 : index
        %get3A_1027 = tpu.vector_load %arg8[%get3A_1024, %get3A_1025, %get3A_1026] {strides = array<i32>} : memref<4x208x64xf32, #tpu.memory_space<vmem>>, vector<16xf32>,
        %mul3A_1028 = arith.mulf %get3A_1027, %get3A_400 : vector<16xf32>
        %add3A_1029 = arith.addf %add3A_1022, %mul3A_1028 : vector<16xf32>
        %eq3A_1030 = arith.constant 11 : i32
        %eq3A_1031 = vector.broadcast %eq3A_1030 : i32 to vector<16xi32>
        %eq3A_1032 = arith.cmpi eq, %iota3A, %eq3A_1031 : vector<16xi32>
        %reduce_sum3A_1033 = arith.constant true
        %reduce_sum3A_1034 = vector.broadcast %reduce_sum3A_1033 : i1 to vector<16xi1>
        %reduce_sum3A_1035 = tpu.scan <sum>, %add3A_1029 masked %reduce_sum3A_1034 : vector<16xf32>, vector<16xi1> -> vector<16xf32>
        %reduce_sum3A_1036 = vector.extract %reduce_sum3A_1035[15] : f32 from vector<16xf32>
        %broadcast_in_dim3A_1037 = vector.broadcast %reduce_sum3A_1036 : f32 to vector<16xf32>
        %select_n3A_1038 = arith.select %eq3A_1032, %broadcast_in_dim3A_1037, %select_n3A_998 : vector<16xi1>, vector<16xf32>
        %mul3A_1039 = arith.constant 16 : i32
        %mul3A_1040 = arith.muli %add3A_558, %mul3A_1039 : i32
        %add3A_1041 = arith.constant 12 : i32
        %add3A_1042 = arith.addi %mul3A_1040, %add3A_1041 : i32
        %get3A_1043 = arith.constant 2 : i32
        %get3A_1044 = arith.index_cast %get3A_1043 : i32 to index
        %get3A_1045 = arith.index_cast %add3A_1042 : i32 to index
        %get3A_1046 = arith.constant 0 : index
        %get3A_1047 = tpu.vector_load %arg8[%get3A_1044, %get3A_1045, %get3A_1046] {strides = array<i32>} : memref<4x208x64xf32, #tpu.memory_space<vmem>>, vector<16xf32>,
        %mul3A_1048 = arith.mulf %get3A_1047, %get3A_391 : vector<16xf32>
        %get3A_1049 = arith.constant 2 : i32
        %get3A_1050 = arith.index_cast %get3A_1049 : i32 to index
        %get3A_1051 = arith.index_cast %add3A_1042 : i32 to index
        %get3A_1052 = arith.constant 16 : index
        %get3A_1053 = tpu.vector_load %arg8[%get3A_1050, %get3A_1051, %get3A_1052] {strides = array<i32>} : memref<4x208x64xf32, #tpu.memory_space<vmem>>, vector<16xf32>,
        %mul3A_1054 = arith.mulf %get3A_1053, %get3A_394 : vector<16xf32>
        %add3A_1055 = arith.addf %mul3A_1048, %mul3A_1054 : vector<16xf32>
        %get3A_1056 = arith.constant 2 : i32
        %get3A_1057 = arith.index_cast %get3A_1056 : i32 to index
        %get3A_1058 = arith.index_cast %add3A_1042 : i32 to index
        %get3A_1059 = arith.constant 32 : index
        %get3A_1060 = tpu.vector_load %arg8[%get3A_1057, %get3A_1058, %get3A_1059] {strides = array<i32>} : memref<4x208x64xf32, #tpu.memory_space<vmem>>, vector<16xf32>,
        %mul3A_1061 = arith.mulf %get3A_1060, %get3A_397 : vector<16xf32>
        %add3A_1062 = arith.addf %add3A_1055, %mul3A_1061 : vector<16xf32>
        %get3A_1063 = arith.constant 2 : i32
        %get3A_1064 = arith.index_cast %get3A_1063 : i32 to index
        %get3A_1065 = arith.index_cast %add3A_1042 : i32 to index
        %get3A_1066 = arith.constant 48 : index
        %get3A_1067 = tpu.vector_load %arg8[%get3A_1064, %get3A_1065, %get3A_1066] {strides = array<i32>} : memref<4x208x64xf32, #tpu.memory_space<vmem>>, vector<16xf32>,
        %mul3A_1068 = arith.mulf %get3A_1067, %get3A_400 : vector<16xf32>
        %add3A_1069 = arith.addf %add3A_1062, %mul3A_1068 : vector<16xf32>
        %eq3A_1070 = arith.constant 12 : i32
        %eq3A_1071 = vector.broadcast %eq3A_1070 : i32 to vector<16xi32>
        %eq3A_1072 = arith.cmpi eq, %iota3A, %eq3A_1071 : vector<16xi32>
        %reduce_sum3A_1073 = arith.constant true
        %reduce_sum3A_1074 = vector.broadcast %reduce_sum3A_1073 : i1 to vector<16xi1>
        %reduce_sum3A_1075 = tpu.scan <sum>, %add3A_1069 masked %reduce_sum3A_1074 : vector<16xf32>, vector<16xi1> -> vector<16xf32>
        %reduce_sum3A_1076 = vector.extract %reduce_sum3A_1075[15] : f32 from vector<16xf32>
        %broadcast_in_dim3A_1077 = vector.broadcast %reduce_sum3A_1076 : f32 to vector<16xf32>
        %select_n3A_1078 = arith.select %eq3A_1072, %broadcast_in_dim3A_1077, %select_n3A_1038 : vector<16xi1>, vector<16xf32>
        %mul3A_1079 = arith.constant 16 : i32
        %mul3A_1080 = arith.muli %add3A_558, %mul3A_1079 : i32
        %add3A_1081 = arith.constant 13 : i32
        %add3A_1082 = arith.addi %mul3A_1080, %add3A_1081 : i32
        %get3A_1083 = arith.constant 2 : i32
        %get3A_1084 = arith.index_cast %get3A_1083 : i32 to index
        %get3A_1085 = arith.index_cast %add3A_1082 : i32 to index
        %get3A_1086 = arith.constant 0 : index
        %get3A_1087 = tpu.vector_load %arg8[%get3A_1084, %get3A_1085, %get3A_1086] {strides = array<i32>} : memref<4x208x64xf32, #tpu.memory_space<vmem>>, vector<16xf32>,
        %mul3A_1088 = arith.mulf %get3A_1087, %get3A_391 : vector<16xf32>
        %get3A_1089 = arith.constant 2 : i32
        %get3A_1090 = arith.index_cast %get3A_1089 : i32 to index
        %get3A_1091 = arith.index_cast %add3A_1082 : i32 to index
        %get3A_1092 = arith.constant 16 : index
        %get3A_1093 = tpu.vector_load %arg8[%get3A_1090, %get3A_1091, %get3A_1092] {strides = array<i32>} : memref<4x208x64xf32, #tpu.memory_space<vmem>>, vector<16xf32>,
        %mul3A_1094 = arith.mulf %get3A_1093, %get3A_394 : vector<16xf32>
        %add3A_1095 = arith.addf %mul3A_1088, %mul3A_1094 : vector<16xf32>
        %get3A_1096 = arith.constant 2 : i32
        %get3A_1097 = arith.index_cast %get3A_1096 : i32 to index
        %get3A_1098 = arith.index_cast %add3A_1082 : i32 to index
        %get3A_1099 = arith.constant 32 : index
        %get3A_1100 = tpu.vector_load %arg8[%get3A_1097, %get3A_1098, %get3A_1099] {strides = array<i32>} : memref<4x208x64xf32, #tpu.memory_space<vmem>>, vector<16xf32>,
        %mul3A_1101 = arith.mulf %get3A_1100, %get3A_397 : vector<16xf32>
        %add3A_1102 = arith.addf %add3A_1095, %mul3A_1101 : vector<16xf32>
        %get3A_1103 = arith.constant 2 : i32
        %get3A_1104 = arith.index_cast %get3A_1103 : i32 to index
        %get3A_1105 = arith.index_cast %add3A_1082 : i32 to index
        %get3A_1106 = arith.constant 48 : index
        %get3A_1107 = tpu.vector_load %arg8[%get3A_1104, %get3A_1105, %get3A_1106] {strides = array<i32>} : memref<4x208x64xf32, #tpu.memory_space<vmem>>, vector<16xf32>,
        %mul3A_1108 = arith.mulf %get3A_1107, %get3A_400 : vector<16xf32>
        %add3A_1109 = arith.addf %add3A_1102, %mul3A_1108 : vector<16xf32>
        %eq3A_1110 = arith.constant 13 : i32
        %eq3A_1111 = vector.broadcast %eq3A_1110 : i32 to vector<16xi32>
        %eq3A_1112 = arith.cmpi eq, %iota3A, %eq3A_1111 : vector<16xi32>
        %reduce_sum3A_1113 = arith.constant true
        %reduce_sum3A_1114 = vector.broadcast %reduce_sum3A_1113 : i1 to vector<16xi1>
        %reduce_sum3A_1115 = tpu.scan <sum>, %add3A_1109 masked %reduce_sum3A_1114 : vector<16xf32>, vector<16xi1> -> vector<16xf32>
        %reduce_sum3A_1116 = vector.extract %reduce_sum3A_1115[15] : f32 from vector<16xf32>
        %broadcast_in_dim3A_1117 = vector.broadcast %reduce_sum3A_1116 : f32 to vector<16xf32>
        %select_n3A_1118 = arith.select %eq3A_1112, %broadcast_in_dim3A_1117, %select_n3A_1078 : vector<16xi1>, vector<16xf32>
        %mul3A_1119 = arith.constant 16 : i32
        %mul3A_1120 = arith.muli %add3A_558, %mul3A_1119 : i32
        %add3A_1121 = arith.constant 14 : i32
        %add3A_1122 = arith.addi %mul3A_1120, %add3A_1121 : i32
        %get3A_1123 = arith.constant 2 : i32
        %get3A_1124 = arith.index_cast %get3A_1123 : i32 to index
        %get3A_1125 = arith.index_cast %add3A_1122 : i32 to index
        %get3A_1126 = arith.constant 0 : index
        %get3A_1127 = tpu.vector_load %arg8[%get3A_1124, %get3A_1125, %get3A_1126] {strides = array<i32>} : memref<4x208x64xf32, #tpu.memory_space<vmem>>, vector<16xf32>,
        %mul3A_1128 = arith.mulf %get3A_1127, %get3A_391 : vector<16xf32>
        %get3A_1129 = arith.constant 2 : i32
        %get3A_1130 = arith.index_cast %get3A_1129 : i32 to index
        %get3A_1131 = arith.index_cast %add3A_1122 : i32 to index
        %get3A_1132 = arith.constant 16 : index
        %get3A_1133 = tpu.vector_load %arg8[%get3A_1130, %get3A_1131, %get3A_1132] {strides = array<i32>} : memref<4x208x64xf32, #tpu.memory_space<vmem>>, vector<16xf32>,
        %mul3A_1134 = arith.mulf %get3A_1133, %get3A_394 : vector<16xf32>
        %add3A_1135 = arith.addf %mul3A_1128, %mul3A_1134 : vector<16xf32>
        %get3A_1136 = arith.constant 2 : i32
        %get3A_1137 = arith.index_cast %get3A_1136 : i32 to index
        %get3A_1138 = arith.index_cast %add3A_1122 : i32 to index
        %get3A_1139 = arith.constant 32 : index
        %get3A_1140 = tpu.vector_load %arg8[%get3A_1137, %get3A_1138, %get3A_1139] {strides = array<i32>} : memref<4x208x64xf32, #tpu.memory_space<vmem>>, vector<16xf32>,
        %mul3A_1141 = arith.mulf %get3A_1140, %get3A_397 : vector<16xf32>
        %add3A_1142 = arith.addf %add3A_1135, %mul3A_1141 : vector<16xf32>
        %get3A_1143 = arith.constant 2 : i32
        %get3A_1144 = arith.index_cast %get3A_1143 : i32 to index
        %get3A_1145 = arith.index_cast %add3A_1122 : i32 to index
        %get3A_1146 = arith.constant 48 : index
        %get3A_1147 = tpu.vector_load %arg8[%get3A_1144, %get3A_1145, %get3A_1146] {strides = array<i32>} : memref<4x208x64xf32, #tpu.memory_space<vmem>>, vector<16xf32>,
        %mul3A_1148 = arith.mulf %get3A_1147, %get3A_400 : vector<16xf32>
        %add3A_1149 = arith.addf %add3A_1142, %mul3A_1148 : vector<16xf32>
        %eq3A_1150 = arith.constant 14 : i32
        %eq3A_1151 = vector.broadcast %eq3A_1150 : i32 to vector<16xi32>
        %eq3A_1152 = arith.cmpi eq, %iota3A, %eq3A_1151 : vector<16xi32>
        %reduce_sum3A_1153 = arith.constant true
        %reduce_sum3A_1154 = vector.broadcast %reduce_sum3A_1153 : i1 to vector<16xi1>
        %reduce_sum3A_1155 = tpu.scan <sum>, %add3A_1149 masked %reduce_sum3A_1154 : vector<16xf32>, vector<16xi1> -> vector<16xf32>
        %reduce_sum3A_1156 = vector.extract %reduce_sum3A_1155[15] : f32 from vector<16xf32>
        %broadcast_in_dim3A_1157 = vector.broadcast %reduce_sum3A_1156 : f32 to vector<16xf32>
        %select_n3A_1158 = arith.select %eq3A_1152, %broadcast_in_dim3A_1157, %select_n3A_1118 : vector<16xi1>, vector<16xf32>
        %mul3A_1159 = arith.constant 16 : i32
        %mul3A_1160 = arith.muli %add3A_558, %mul3A_1159 : i32
        %add3A_1161 = arith.constant 15 : i32
        %add3A_1162 = arith.addi %mul3A_1160, %add3A_1161 : i32
        %get3A_1163 = arith.constant 2 : i32
        %get3A_1164 = arith.index_cast %get3A_1163 : i32 to index
        %get3A_1165 = arith.index_cast %add3A_1162 : i32 to index
        %get3A_1166 = arith.constant 0 : index
        %get3A_1167 = tpu.vector_load %arg8[%get3A_1164, %get3A_1165, %get3A_1166] {strides = array<i32>} : memref<4x208x64xf32, #tpu.memory_space<vmem>>, vector<16xf32>,
        %mul3A_1168 = arith.mulf %get3A_1167, %get3A_391 : vector<16xf32>
        %get3A_1169 = arith.constant 2 : i32
        %get3A_1170 = arith.index_cast %get3A_1169 : i32 to index
        %get3A_1171 = arith.index_cast %add3A_1162 : i32 to index
        %get3A_1172 = arith.constant 16 : index
        %get3A_1173 = tpu.vector_load %arg8[%get3A_1170, %get3A_1171, %get3A_1172] {strides = array<i32>} : memref<4x208x64xf32, #tpu.memory_space<vmem>>, vector<16xf32>,
        %mul3A_1174 = arith.mulf %get3A_1173, %get3A_394 : vector<16xf32>
        %add3A_1175 = arith.addf %mul3A_1168, %mul3A_1174 : vector<16xf32>
        %get3A_1176 = arith.constant 2 : i32
        %get3A_1177 = arith.index_cast %get3A_1176 : i32 to index
        %get3A_1178 = arith.index_cast %add3A_1162 : i32 to index
        %get3A_1179 = arith.constant 32 : index
        %get3A_1180 = tpu.vector_load %arg8[%get3A_1177, %get3A_1178, %get3A_1179] {strides = array<i32>} : memref<4x208x64xf32, #tpu.memory_space<vmem>>, vector<16xf32>,
        %mul3A_1181 = arith.mulf %get3A_1180, %get3A_397 : vector<16xf32>
        %add3A_1182 = arith.addf %add3A_1175, %mul3A_1181 : vector<16xf32>
        %get3A_1183 = arith.constant 2 : i32
        %get3A_1184 = arith.index_cast %get3A_1183 : i32 to index
        %get3A_1185 = arith.index_cast %add3A_1162 : i32 to index
        %get3A_1186 = arith.constant 48 : index
        %get3A_1187 = tpu.vector_load %arg8[%get3A_1184, %get3A_1185, %get3A_1186] {strides = array<i32>} : memref<4x208x64xf32, #tpu.memory_space<vmem>>, vector<16xf32>,
        %mul3A_1188 = arith.mulf %get3A_1187, %get3A_400 : vector<16xf32>
        %add3A_1189 = arith.addf %add3A_1182, %mul3A_1188 : vector<16xf32>
        %eq3A_1190 = arith.constant 15 : i32
        %eq3A_1191 = vector.broadcast %eq3A_1190 : i32 to vector<16xi32>
        %eq3A_1192 = arith.cmpi eq, %iota3A, %eq3A_1191 : vector<16xi32>
        %reduce_sum3A_1193 = arith.constant true
        %reduce_sum3A_1194 = vector.broadcast %reduce_sum3A_1193 : i1 to vector<16xi1>
        %reduce_sum3A_1195 = tpu.scan <sum>, %add3A_1189 masked %reduce_sum3A_1194 : vector<16xf32>, vector<16xi1> -> vector<16xf32>
        %reduce_sum3A_1196 = vector.extract %reduce_sum3A_1195[15] : f32 from vector<16xf32>
        %broadcast_in_dim3A_1197 = vector.broadcast %reduce_sum3A_1196 : f32 to vector<16xf32>
        %select_n3A_1198 = arith.select %eq3A_1192, %broadcast_in_dim3A_1197, %select_n3A_1158 : vector<16xi1>, vector<16xf32>
        %mul3A_1199 = arith.constant 16 : i32
        %mul3A_1200 = arith.muli %add3A_558, %mul3A_1199 : i32
        %add3A_1201 = vector.broadcast %mul3A_1200 : i32 to vector<16xi32>
        %add3A_1202 = arith.addi %add3A_1201, %iota3A : vector<16xi32>
        %lt3A_1203 = arith.constant 200 : i32
        %lt3A_1204 = vector.broadcast %lt3A_1203 : i32 to vector<16xi32>
        %lt3A_1205 = arith.cmpi slt, %add3A_1202, %lt3A_1204 : vector<16xi32>
        %jit3A = arith.constant -1.000000e+30 : f32
        %broadcast_in_dim3A_1206 = vector.broadcast %jit3A : f32 to vector<16xf32>
        %select_n3A_1207 = arith.select %lt3A_1205, %select_n3A_1198, %broadcast_in_dim3A_1206 : vector<16xi1>, vector<16xf32>
        %mul3A_1208 = arith.constant 16 : i32
        %mul3A_1209 = arith.muli %add3A_558, %mul3A_1208 : i32
        %swap3A = arith.index_cast %mul3A_1209 : i32 to index
        %swap3A_1210 = tpu.vector_load %arg9[%swap3A] {strides = array<i32>} : memref<208xf32, #tpu.memory_space<vmem>>, vector<16xf32>,
        tpu.vector_store %arg9[%swap3A], %select_n3A_1207 {strides = array<i32>} : memref<208xf32, #tpu.memory_space<vmem>>, vector<16xf32>,
        %max3A = arith.maximumf %scan3A_554, %select_n3A_1207 : vector<16xf32>
        scf.yield %max3A : vector<16xf32>
      }
      %scan3A_408 = arith.constant 13 : i32
      %reduce_max3A_409 = arith.constant true
      %reduce_max3A_410 = vector.broadcast %reduce_max3A_409 : i1 to vector<16xi1>
      %reduce_max3A_411 = tpu.scan <max>, %scan3A_407 masked %reduce_max3A_410 : vector<16xf32>, vector<16xi1> -> vector<16xf32>
      %reduce_max3A_412 = vector.extract %reduce_max3A_411[15] : f32 from vector<16xf32>
      %add3A_413 = arith.constant 4 : i32
      %add3A_414 = arith.addi %add3A_364, %add3A_413 : i32
      %lt3A_415 = arith.constant 128 : i32
      %lt3A_416 = arith.cmpi slt, %add3A_414, %lt3A_415 : i32
      %convert_element_type3A_417 = arith.extui %lt3A_416 : i1 to i32
      %cond3A_418 = arith.constant 0 : i32
      %cond3A_419 = arith.cmpi ne, %convert_element_type3A_417, %cond3A_418 : i32
      scf.if %cond3A_419 {
        %add3A_553 = arith.constant 4 : i32
        %add3A_554 = arith.addi %add3A_364, %add3A_553 : i32
        %dma_start3A_555 = arith.constant 0 : i32
        %dma_start3A_556 = arith.constant 2 : i32
        %dma_start3A_557 = arith.constant 0 : i32
        %dma_start3A_558 = arith.constant 0 : i32
        %dma_start3A_559 = tpu.memref_slice %arg8[%dma_start3A_556, %dma_start3A_557, %dma_start3A_558] : memref<4x208x64xf32, #tpu.memory_space<vmem>> -> memref<1x100x64xf32, #tpu.memory_space<vmem>>
        %dma_start3A_560 = tpu.memref_squeeze %dma_start3A_559 : memref<1x100x64xf32, #tpu.memory_space<vmem>> -> memref<100x64xf32, #tpu.memory_space<vmem>>
        %dma_start3A_561 = arith.constant 0 : i32
        %dma_start3A_562 = tpu.memref_slice %arg6[%add3A_554, %dma_start3A_555, %dma_start3A_561] : memref<128x2x100xi32, #tpu.memory_space<vmem>> -> memref<1x1x100xi32, #tpu.memory_space<vmem>>
        %dma_start3A_563 = tpu.memref_squeeze %dma_start3A_562 : memref<1x1x100xi32, #tpu.memory_space<vmem>> -> memref<100xi32, #tpu.memory_space<vmem>>
        %dma_start3A_564 = arith.constant 0 : i32
        %dma_start3A_565 = arith.constant 0 : i32
        %dma_start3A_566 = tpu.memref_slice %arg2[%dma_start3A_564, %dma_start3A_565] : memref<2000000x64xf32, #tpu.memory_space<hbm>> -> memref<2000000x64xf32, #tpu.memory_space<hbm>>
        tpu.enqueue_indirect_dma source(%dma_start3A_566 : memref<2000000x64xf32, #tpu.memory_space<hbm>>) target(%dma_start3A_560 : memref<100x64xf32, #tpu.memory_space<vmem>>) offsets(%dma_start3A_563 : memref<100xi32, #tpu.memory_space<vmem>>) semaphore(%arg16 : memref<!tpu.dma_semaphore, #tpu.memory_space<semaphore_mem>>)
        %dma_start3A_567 = arith.constant 1 : i32
        %dma_start3A_568 = arith.constant 2 : i32
        %dma_start3A_569 = arith.constant 100 : i32
        %dma_start3A_570 = arith.constant 0 : i32
        %dma_start3A_571 = tpu.memref_slice %arg8[%dma_start3A_568, %dma_start3A_569, %dma_start3A_570] : memref<4x208x64xf32, #tpu.memory_space<vmem>> -> memref<1x100x64xf32, #tpu.memory_space<vmem>>
        %dma_start3A_572 = tpu.memref_squeeze %dma_start3A_571 : memref<1x100x64xf32, #tpu.memory_space<vmem>> -> memref<100x64xf32, #tpu.memory_space<vmem>>
        %dma_start3A_573 = arith.constant 0 : i32
        %dma_start3A_574 = tpu.memref_slice %arg6[%add3A_554, %dma_start3A_567, %dma_start3A_573] : memref<128x2x100xi32, #tpu.memory_space<vmem>> -> memref<1x1x100xi32, #tpu.memory_space<vmem>>
        %dma_start3A_575 = tpu.memref_squeeze %dma_start3A_574 : memref<1x1x100xi32, #tpu.memory_space<vmem>> -> memref<100xi32, #tpu.memory_space<vmem>>
        %dma_start3A_576 = arith.constant 0 : i32
        %dma_start3A_577 = arith.constant 0 : i32
        %dma_start3A_578 = tpu.memref_slice %arg2[%dma_start3A_576, %dma_start3A_577] : memref<2000000x64xf32, #tpu.memory_space<hbm>> -> memref<2000000x64xf32, #tpu.memory_space<hbm>>
        tpu.enqueue_indirect_dma source(%dma_start3A_578 : memref<2000000x64xf32, #tpu.memory_space<hbm>>) target(%dma_start3A_572 : memref<100x64xf32, #tpu.memory_space<vmem>>) offsets(%dma_start3A_575 : memref<100xi32, #tpu.memory_space<vmem>>) semaphore(%arg16 : memref<!tpu.dma_semaphore, #tpu.memory_space<semaphore_mem>>)
      } else {
      }
      %gt3A_420 = arith.constant 0 : i32
      %gt3A_421 = arith.cmpi sgt, %add3A_176, %gt3A_420 : i32
      %convert_element_type3A_422 = arith.extui %gt3A_421 : i1 to i32
      %cond3A_423 = arith.constant 0 : i32
      %cond3A_424 = arith.cmpi ne, %convert_element_type3A_422, %cond3A_423 : i32
      scf.if %cond3A_424 {
        %add3A_553 = arith.addi %mul3A_2, %add3A_364 : i32
        %sub3A_554 = arith.constant 4 : i32
        %sub3A_555 = arith.subi %add3A_553, %sub3A_554 : i32
        %dma_wait3A_556 = arith.constant 0 : i32
        %dma_wait3A_557 = tpu.memref_slice %arg12[%dma_wait3A_556] : memref<208xf32, #tpu.memory_space<vmem>> -> memref<200xf32, #tpu.memory_space<vmem>>
        %dma_wait3A_558 = arith.constant 0 : i32
        %dma_wait3A_559 = tpu.memref_slice %arg5[%sub3A_555, %dma_wait3A_558] : memref<4096x200xf32, #tpu.memory_space<hbm>> -> memref<1x200xf32, #tpu.memory_space<hbm>>
        %dma_wait3A_560 = tpu.memref_squeeze %dma_wait3A_559 : memref<1x200xf32, #tpu.memory_space<hbm>> -> memref<200xf32, #tpu.memory_space<hbm>>
        %dma_wait3A_561 = arith.constant 0 : i32
        %dma_wait3A_562 = tpu.memref_slice %arg5[%sub3A_555, %dma_wait3A_561] : memref<4096x200xf32, #tpu.memory_space<hbm>> -> memref<1x200xf32, #tpu.memory_space<hbm>>
        %dma_wait3A_563 = tpu.memref_squeeze %dma_wait3A_562 : memref<1x200xf32, #tpu.memory_space<hbm>> -> memref<200xf32, #tpu.memory_space<hbm>>
        %dma_wait3A_564 = arith.constant 0 : i32
        %dma_wait3A_565 = tpu.memref_slice %arg12[%dma_wait3A_564] : memref<208xf32, #tpu.memory_space<vmem>> -> memref<200xf32, #tpu.memory_space<vmem>>
        tpu.wait_dma2 semaphore(%arg20 : memref<!tpu.dma_semaphore, #tpu.memory_space<semaphore_mem>>) src(%dma_wait3A_565 : memref<200xf32, #tpu.memory_space<vmem>>) dst(%dma_wait3A_563 : memref<200xf32, #tpu.memory_space<hbm>>)
      } else {
      }
      %broadcast_in_dim3A_425 = arith.constant 0.000000e+00 : f32
      %broadcast_in_dim3A_426 = vector.broadcast %broadcast_in_dim3A_425 : f32 to vector<16xf32>
      %scan3A_427 = arith.constant 0 : i32
      %scan3A_428 = arith.constant 13 : i32
      %scan3A_429 = arith.addi %scan3A_427, %scan3A_428 : i32
      %scan3A_430 = arith.constant 1 : i32
      %scan3A_431 = scf.for %scan3A_553 = %scan3A_427 to %scan3A_429 step %scan3A_430 iter_args(%scan3A_554 = %broadcast_in_dim3A_426) -> (vector<16xf32>)  : i32 {
        %mul3A_555 = arith.constant 1 : i32
        %mul3A_556 = arith.muli %scan3A_553, %mul3A_555 : i32
        %add3A_557 = arith.constant 0 : i32
        %add3A_558 = arith.addi %add3A_557, %mul3A_556 : i32
        %mul3A_559 = arith.constant 16 : i32
        %mul3A_560 = arith.muli %add3A_558, %mul3A_559 : i32
        %get3A_561 = arith.index_cast %mul3A_560 : i32 to index
        %get3A_562 = tpu.vector_load %arg9[%get3A_561] {strides = array<i32>} : memref<208xf32, #tpu.memory_space<vmem>>, vector<16xf32>,
        %sub3A_563 = vector.broadcast %reduce_max3A_412 : f32 to vector<16xf32>
        %sub3A_564 = arith.subf %get3A_562, %sub3A_563 : vector<16xf32>
        %exp3A = math.exp %sub3A_564 : vector<16xf32>
        %mul3A_565 = arith.constant 16 : i32
        %mul3A_566 = arith.muli %add3A_558, %mul3A_565 : i32
        %swap3A = arith.index_cast %mul3A_566 : i32 to index
        %swap3A_567 = tpu.vector_load %arg12[%swap3A] {strides = array<i32>} : memref<208xf32, #tpu.memory_space<vmem>>, vector<16xf32>,
        tpu.vector_store %arg12[%swap3A], %exp3A {strides = array<i32>} : memref<208xf32, #tpu.memory_space<vmem>>, vector<16xf32>,
        %add3A_568 = arith.addf %scan3A_554, %exp3A : vector<16xf32>
        scf.yield %add3A_568 : vector<16xf32>
      }
      %scan3A_432 = arith.constant 13 : i32
      %broadcast_in_dim3A_433 = arith.constant 0.000000e+00 : f32
      %broadcast_in_dim3A_434 = vector.broadcast %broadcast_in_dim3A_433 : f32 to vector<16xf32>
      %reduce_sum3A_435 = arith.constant true
      %reduce_sum3A_436 = vector.broadcast %reduce_sum3A_435 : i1 to vector<16xi1>
      %reduce_sum3A_437 = tpu.scan <sum>, %scan3A_431 masked %reduce_sum3A_436 : vector<16xf32>, vector<16xi1> -> vector<16xf32>
      %reduce_sum3A_438 = vector.extract %reduce_sum3A_437[15] : f32 from vector<16xf32>
      %add3A_439 = vector.broadcast %reduce_sum3A_438 : f32 to vector<16xf32>
      %add3A_440 = arith.addf %broadcast_in_dim3A_434, %add3A_439 : vector<16xf32>
      %scan3A_441 = arith.constant 0 : i32
      %scan3A_442 = arith.constant 13 : i32
      %scan3A_443 = arith.addi %scan3A_441, %scan3A_442 : i32
      %scan3A_444 = arith.constant 1 : i32
      scf.for %scan3A_553 = %scan3A_441 to %scan3A_443 step %scan3A_444  : i32 {
        %mul3A_554 = arith.constant 1 : i32
        %mul3A_555 = arith.muli %scan3A_553, %mul3A_554 : i32
        %add3A_556 = arith.constant 0 : i32
        %add3A_557 = arith.addi %add3A_556, %mul3A_555 : i32
        %mul3A_558 = arith.constant 16 : i32
        %mul3A_559 = arith.muli %add3A_557, %mul3A_558 : i32
        %get3A_560 = arith.index_cast %mul3A_559 : i32 to index
        %get3A_561 = tpu.vector_load %arg12[%get3A_560] {strides = array<i32>} : memref<208xf32, #tpu.memory_space<vmem>>, vector<16xf32>,
        %div3A = arith.divf %get3A_561, %add3A_440 : vector<16xf32>
        %mul3A_562 = arith.constant 16 : i32
        %mul3A_563 = arith.muli %add3A_557, %mul3A_562 : i32
        %swap3A = arith.index_cast %mul3A_563 : i32 to index
        %swap3A_564 = tpu.vector_load %arg12[%swap3A] {strides = array<i32>} : memref<208xf32, #tpu.memory_space<vmem>>, vector<16xf32>,
        tpu.vector_store %arg12[%swap3A], %div3A {strides = array<i32>} : memref<208xf32, #tpu.memory_space<vmem>>, vector<16xf32>,
      }
      %scan3A_445 = arith.constant 13 : i32
      %add3A_446 = arith.addi %mul3A_2, %add3A_364 : i32
      %dma_start3A_447 = arith.constant 0 : i32
      %dma_start3A_448 = tpu.memref_slice %arg12[%dma_start3A_447] : memref<208xf32, #tpu.memory_space<vmem>> -> memref<200xf32, #tpu.memory_space<vmem>>
      %dma_start3A_449 = arith.constant 0 : i32
      %dma_start3A_450 = tpu.memref_slice %arg5[%add3A_446, %dma_start3A_449] : memref<4096x200xf32, #tpu.memory_space<hbm>> -> memref<1x200xf32, #tpu.memory_space<hbm>>
      %dma_start3A_451 = tpu.memref_squeeze %dma_start3A_450 : memref<1x200xf32, #tpu.memory_space<hbm>> -> memref<200xf32, #tpu.memory_space<hbm>>
      %dma_start3A_452 = arith.constant 0 : i32
      %dma_start3A_453 = tpu.memref_slice %arg5[%add3A_446, %dma_start3A_452] : memref<4096x200xf32, #tpu.memory_space<hbm>> -> memref<1x200xf32, #tpu.memory_space<hbm>>
      %dma_start3A_454 = tpu.memref_squeeze %dma_start3A_453 : memref<1x200xf32, #tpu.memory_space<hbm>> -> memref<200xf32, #tpu.memory_space<hbm>>
      %dma_start3A_455 = arith.constant 0 : i32
      %dma_start3A_456 = tpu.memref_slice %arg12[%dma_start3A_455] : memref<208xf32, #tpu.memory_space<vmem>> -> memref<200xf32, #tpu.memory_space<vmem>>
      tpu.enqueue_dma source(%dma_start3A_456 : memref<200xf32, #tpu.memory_space<vmem>>) target(%dma_start3A_454 : memref<200xf32, #tpu.memory_space<hbm>>) target_semaphore(%arg20 : memref<!tpu.dma_semaphore, #tpu.memory_space<semaphore_mem>>)
      %mul3A_457 = arith.constant 4 : i32
      %mul3A_458 = arith.muli %add3A_176, %mul3A_457 : i32
      %add3A_459 = arith.constant 3 : i32
      %add3A_460 = arith.addi %mul3A_458, %add3A_459 : i32
      %dma_wait3A_461 = arith.constant 0 : i32
      %dma_wait3A_462 = arith.constant 3 : i32
      %dma_wait3A_463 = arith.constant 0 : i32
      %dma_wait3A_464 = arith.constant 0 : i32
      %dma_wait3A_465 = tpu.memref_slice %arg8[%dma_wait3A_462, %dma_wait3A_463, %dma_wait3A_464] : memref<4x208x64xf32, #tpu.memory_space<vmem>> -> memref<1x100x64xf32, #tpu.memory_space<vmem>>
      %dma_wait3A_466 = tpu.memref_squeeze %dma_wait3A_465 : memref<1x100x64xf32, #tpu.memory_space<vmem>> -> memref<100x64xf32, #tpu.memory_space<vmem>>
      %dma_wait3A_467 = arith.constant 0 : i32
      %dma_wait3A_468 = tpu.memref_slice %arg6[%add3A_460, %dma_wait3A_461, %dma_wait3A_467] : memref<128x2x100xi32, #tpu.memory_space<vmem>> -> memref<1x1x100xi32, #tpu.memory_space<vmem>>
      %dma_wait3A_469 = tpu.memref_squeeze %dma_wait3A_468 : memref<1x1x100xi32, #tpu.memory_space<vmem>> -> memref<100xi32, #tpu.memory_space<vmem>>
      %dma_wait3A_470 = arith.constant 0 : i32
      %dma_wait3A_471 = arith.constant 0 : i32
      %dma_wait3A_472 = tpu.memref_slice %arg2[%dma_wait3A_470, %dma_wait3A_471] : memref<2000000x64xf32, #tpu.memory_space<hbm>> -> memref<2000000x64xf32, #tpu.memory_space<hbm>>
      tpu.wait_indirect_dma semaphore(%arg17 : memref<!tpu.dma_semaphore, #tpu.memory_space<semaphore_mem>>) src(%dma_wait3A_472 : memref<2000000x64xf32, #tpu.memory_space<hbm>>) dst(%dma_wait3A_466 : memref<100x64xf32, #tpu.memory_space<vmem>>)
      %dma_wait3A_473 = arith.constant 1 : i32
      %dma_wait3A_474 = arith.constant 3 : i32
      %dma_wait3A_475 = arith.constant 100 : i32
      %dma_wait3A_476 = arith.constant 0 : i32
      %dma_wait3A_477 = tpu.memref_slice %arg8[%dma_wait3A_474, %dma_wait3A_475, %dma_wait3A_476] : memref<4x208x64xf32, #tpu.memory_space<vmem>> -> memref<1x100x64xf32, #tpu.memory_space<vmem>>
      %dma_wait3A_478 = tpu.memref_squeeze %dma_wait3A_477 : memref<1x100x64xf32, #tpu.memory_space<vmem>> -> memref<100x64xf32, #tpu.memory_space<vmem>>
      %dma_wait3A_479 = arith.constant 0 : i32
      %dma_wait3A_480 = tpu.memref_slice %arg6[%add3A_460, %dma_wait3A_473, %dma_wait3A_479] : memref<128x2x100xi32, #tpu.memory_space<vmem>> -> memref<1x1x100xi32, #tpu.memory_space<vmem>>
      %dma_wait3A_481 = tpu.memref_squeeze %dma_wait3A_480 : memref<1x1x100xi32, #tpu.memory_space<vmem>> -> memref<100xi32, #tpu.memory_space<vmem>>
      %dma_wait3A_482 = arith.constant 0 : i32
      %dma_wait3A_483 = arith.constant 0 : i32
      %dma_wait3A_484 = tpu.memref_slice %arg2[%dma_wait3A_482, %dma_wait3A_483] : memref<2000000x64xf32, #tpu.memory_space<hbm>> -> memref<2000000x64xf32, #tpu.memory_space<hbm>>
      tpu.wait_indirect_dma semaphore(%arg17 : memref<!tpu.dma_semaphore, #tpu.memory_space<semaphore_mem>>) src(%dma_wait3A_484 : memref<2000000x64xf32, #tpu.memory_space<hbm>>) dst(%dma_wait3A_478 : memref<100x64xf32, #tpu.memory_space<vmem>>)
      %get3A_485 = arith.index_cast %add3A_460 : i32 to index
      %get3A_486 = arith.constant 0 : index
      %get3A_487 = tpu.vector_load %arg7[%get3A_485, %get3A_486] {strides = array<i32>} : memref<128x64xf32, #tpu.memory_space<vmem>>, vector<16xf32>,
      %get3A_488 = arith.index_cast %add3A_460 : i32 to index
      %get3A_489 = arith.constant 16 : index
      %get3A_490 = tpu.vector_load %arg7[%get3A_488, %get3A_489] {strides = array<i32>} : memref<128x64xf32, #tpu.memory_space<vmem>>, vector<16xf32>,
      %get3A_491 = arith.index_cast %add3A_460 : i32 to index
      %get3A_492 = arith.constant 32 : index
      %get3A_493 = tpu.vector_load %arg7[%get3A_491, %get3A_492] {strides = array<i32>} : memref<128x64xf32, #tpu.memory_space<vmem>>, vector<16xf32>,
      %get3A_494 = arith.index_cast %add3A_460 : i32 to index
      %get3A_495 = arith.constant 48 : index
      %get3A_496 = tpu.vector_load %arg7[%get3A_494, %get3A_495] {strides = array<i32>} : memref<128x64xf32, #tpu.memory_space<vmem>>, vector<16xf32>,
      %broadcast_in_dim3A_497 = arith.constant -1.000000e+30 : f32
      %broadcast_in_dim3A_498 = vector.broadcast %broadcast_in_dim3A_497 : f32 to vector<16xf32>
      %scan3A_499 = arith.constant 0 : i32
      %scan3A_500 = arith.constant 13 : i32
      %scan3A_501 = arith.addi %scan3A_499, %scan3A_500 : i32
      %scan3A_502 = arith.constant 1 : i32
      %scan3A_503 = scf.for %scan3A_553 = %scan3A_499 to %scan3A_501 step %scan3A_502 iter_args(%scan3A_554 = %broadcast_in_dim3A_498) -> (vector<16xf32>)  : i32 {
        %mul3A_555 = arith.constant 1 : i32
        %mul3A_556 = arith.muli %scan3A_553, %mul3A_555 : i32
        %add3A_557 = arith.constant 0 : i32
        %add3A_558 = arith.addi %add3A_557, %mul3A_556 : i32
        %broadcast_in_dim3A_559 = arith.constant 0.000000e+00 : f32
        %broadcast_in_dim3A_560 = vector.broadcast %broadcast_in_dim3A_559 : f32 to vector<16xf32>
        %mul3A_561 = arith.constant 16 : i32
        %mul3A_562 = arith.muli %add3A_558, %mul3A_561 : i32
        %add3A_563 = arith.constant 0 : i32
        %add3A_564 = arith.addi %mul3A_562, %add3A_563 : i32
        %get3A_565 = arith.constant 3 : i32
        %get3A_566 = arith.index_cast %get3A_565 : i32 to index
        %get3A_567 = arith.index_cast %add3A_564 : i32 to index
        %get3A_568 = arith.constant 0 : index
        %get3A_569 = tpu.vector_load %arg8[%get3A_566, %get3A_567, %get3A_568] {strides = array<i32>} : memref<4x208x64xf32, #tpu.memory_space<vmem>>, vector<16xf32>,
        %mul3A_570 = arith.mulf %get3A_569, %get3A_487 : vector<16xf32>
        %get3A_571 = arith.constant 3 : i32
        %get3A_572 = arith.index_cast %get3A_571 : i32 to index
        %get3A_573 = arith.index_cast %add3A_564 : i32 to index
        %get3A_574 = arith.constant 16 : index
        %get3A_575 = tpu.vector_load %arg8[%get3A_572, %get3A_573, %get3A_574] {strides = array<i32>} : memref<4x208x64xf32, #tpu.memory_space<vmem>>, vector<16xf32>,
        %mul3A_576 = arith.mulf %get3A_575, %get3A_490 : vector<16xf32>
        %add3A_577 = arith.addf %mul3A_570, %mul3A_576 : vector<16xf32>
        %get3A_578 = arith.constant 3 : i32
        %get3A_579 = arith.index_cast %get3A_578 : i32 to index
        %get3A_580 = arith.index_cast %add3A_564 : i32 to index
        %get3A_581 = arith.constant 32 : index
        %get3A_582 = tpu.vector_load %arg8[%get3A_579, %get3A_580, %get3A_581] {strides = array<i32>} : memref<4x208x64xf32, #tpu.memory_space<vmem>>, vector<16xf32>,
        %mul3A_583 = arith.mulf %get3A_582, %get3A_493 : vector<16xf32>
        %add3A_584 = arith.addf %add3A_577, %mul3A_583 : vector<16xf32>
        %get3A_585 = arith.constant 3 : i32
        %get3A_586 = arith.index_cast %get3A_585 : i32 to index
        %get3A_587 = arith.index_cast %add3A_564 : i32 to index
        %get3A_588 = arith.constant 48 : index
        %get3A_589 = tpu.vector_load %arg8[%get3A_586, %get3A_587, %get3A_588] {strides = array<i32>} : memref<4x208x64xf32, #tpu.memory_space<vmem>>, vector<16xf32>,
        %mul3A_590 = arith.mulf %get3A_589, %get3A_496 : vector<16xf32>
        %add3A_591 = arith.addf %add3A_584, %mul3A_590 : vector<16xf32>
        %eq3A = arith.constant 0 : i32
        %eq3A_592 = vector.broadcast %eq3A : i32 to vector<16xi32>
        %eq3A_593 = arith.cmpi eq, %iota3A, %eq3A_592 : vector<16xi32>
        %reduce_sum3A_594 = arith.constant true
        %reduce_sum3A_595 = vector.broadcast %reduce_sum3A_594 : i1 to vector<16xi1>
        %reduce_sum3A_596 = tpu.scan <sum>, %add3A_591 masked %reduce_sum3A_595 : vector<16xf32>, vector<16xi1> -> vector<16xf32>
        %reduce_sum3A_597 = vector.extract %reduce_sum3A_596[15] : f32 from vector<16xf32>
        %broadcast_in_dim3A_598 = vector.broadcast %reduce_sum3A_597 : f32 to vector<16xf32>
        %select_n3A = arith.select %eq3A_593, %broadcast_in_dim3A_598, %broadcast_in_dim3A_560 : vector<16xi1>, vector<16xf32>
        %mul3A_599 = arith.constant 16 : i32
        %mul3A_600 = arith.muli %add3A_558, %mul3A_599 : i32
        %add3A_601 = arith.constant 1 : i32
        %add3A_602 = arith.addi %mul3A_600, %add3A_601 : i32
        %get3A_603 = arith.constant 3 : i32
        %get3A_604 = arith.index_cast %get3A_603 : i32 to index
        %get3A_605 = arith.index_cast %add3A_602 : i32 to index
        %get3A_606 = arith.constant 0 : index
        %get3A_607 = tpu.vector_load %arg8[%get3A_604, %get3A_605, %get3A_606] {strides = array<i32>} : memref<4x208x64xf32, #tpu.memory_space<vmem>>, vector<16xf32>,
        %mul3A_608 = arith.mulf %get3A_607, %get3A_487 : vector<16xf32>
        %get3A_609 = arith.constant 3 : i32
        %get3A_610 = arith.index_cast %get3A_609 : i32 to index
        %get3A_611 = arith.index_cast %add3A_602 : i32 to index
        %get3A_612 = arith.constant 16 : index
        %get3A_613 = tpu.vector_load %arg8[%get3A_610, %get3A_611, %get3A_612] {strides = array<i32>} : memref<4x208x64xf32, #tpu.memory_space<vmem>>, vector<16xf32>,
        %mul3A_614 = arith.mulf %get3A_613, %get3A_490 : vector<16xf32>
        %add3A_615 = arith.addf %mul3A_608, %mul3A_614 : vector<16xf32>
        %get3A_616 = arith.constant 3 : i32
        %get3A_617 = arith.index_cast %get3A_616 : i32 to index
        %get3A_618 = arith.index_cast %add3A_602 : i32 to index
        %get3A_619 = arith.constant 32 : index
        %get3A_620 = tpu.vector_load %arg8[%get3A_617, %get3A_618, %get3A_619] {strides = array<i32>} : memref<4x208x64xf32, #tpu.memory_space<vmem>>, vector<16xf32>,
        %mul3A_621 = arith.mulf %get3A_620, %get3A_493 : vector<16xf32>
        %add3A_622 = arith.addf %add3A_615, %mul3A_621 : vector<16xf32>
        %get3A_623 = arith.constant 3 : i32
        %get3A_624 = arith.index_cast %get3A_623 : i32 to index
        %get3A_625 = arith.index_cast %add3A_602 : i32 to index
        %get3A_626 = arith.constant 48 : index
        %get3A_627 = tpu.vector_load %arg8[%get3A_624, %get3A_625, %get3A_626] {strides = array<i32>} : memref<4x208x64xf32, #tpu.memory_space<vmem>>, vector<16xf32>,
        %mul3A_628 = arith.mulf %get3A_627, %get3A_496 : vector<16xf32>
        %add3A_629 = arith.addf %add3A_622, %mul3A_628 : vector<16xf32>
        %eq3A_630 = arith.constant 1 : i32
        %eq3A_631 = vector.broadcast %eq3A_630 : i32 to vector<16xi32>
        %eq3A_632 = arith.cmpi eq, %iota3A, %eq3A_631 : vector<16xi32>
        %reduce_sum3A_633 = arith.constant true
        %reduce_sum3A_634 = vector.broadcast %reduce_sum3A_633 : i1 to vector<16xi1>
        %reduce_sum3A_635 = tpu.scan <sum>, %add3A_629 masked %reduce_sum3A_634 : vector<16xf32>, vector<16xi1> -> vector<16xf32>
        %reduce_sum3A_636 = vector.extract %reduce_sum3A_635[15] : f32 from vector<16xf32>
        %broadcast_in_dim3A_637 = vector.broadcast %reduce_sum3A_636 : f32 to vector<16xf32>
        %select_n3A_638 = arith.select %eq3A_632, %broadcast_in_dim3A_637, %select_n3A : vector<16xi1>, vector<16xf32>
        %mul3A_639 = arith.constant 16 : i32
        %mul3A_640 = arith.muli %add3A_558, %mul3A_639 : i32
        %add3A_641 = arith.constant 2 : i32
        %add3A_642 = arith.addi %mul3A_640, %add3A_641 : i32
        %get3A_643 = arith.constant 3 : i32
        %get3A_644 = arith.index_cast %get3A_643 : i32 to index
        %get3A_645 = arith.index_cast %add3A_642 : i32 to index
        %get3A_646 = arith.constant 0 : index
        %get3A_647 = tpu.vector_load %arg8[%get3A_644, %get3A_645, %get3A_646] {strides = array<i32>} : memref<4x208x64xf32, #tpu.memory_space<vmem>>, vector<16xf32>,
        %mul3A_648 = arith.mulf %get3A_647, %get3A_487 : vector<16xf32>
        %get3A_649 = arith.constant 3 : i32
        %get3A_650 = arith.index_cast %get3A_649 : i32 to index
        %get3A_651 = arith.index_cast %add3A_642 : i32 to index
        %get3A_652 = arith.constant 16 : index
        %get3A_653 = tpu.vector_load %arg8[%get3A_650, %get3A_651, %get3A_652] {strides = array<i32>} : memref<4x208x64xf32, #tpu.memory_space<vmem>>, vector<16xf32>,
        %mul3A_654 = arith.mulf %get3A_653, %get3A_490 : vector<16xf32>
        %add3A_655 = arith.addf %mul3A_648, %mul3A_654 : vector<16xf32>
        %get3A_656 = arith.constant 3 : i32
        %get3A_657 = arith.index_cast %get3A_656 : i32 to index
        %get3A_658 = arith.index_cast %add3A_642 : i32 to index
        %get3A_659 = arith.constant 32 : index
        %get3A_660 = tpu.vector_load %arg8[%get3A_657, %get3A_658, %get3A_659] {strides = array<i32>} : memref<4x208x64xf32, #tpu.memory_space<vmem>>, vector<16xf32>,
        %mul3A_661 = arith.mulf %get3A_660, %get3A_493 : vector<16xf32>
        %add3A_662 = arith.addf %add3A_655, %mul3A_661 : vector<16xf32>
        %get3A_663 = arith.constant 3 : i32
        %get3A_664 = arith.index_cast %get3A_663 : i32 to index
        %get3A_665 = arith.index_cast %add3A_642 : i32 to index
        %get3A_666 = arith.constant 48 : index
        %get3A_667 = tpu.vector_load %arg8[%get3A_664, %get3A_665, %get3A_666] {strides = array<i32>} : memref<4x208x64xf32, #tpu.memory_space<vmem>>, vector<16xf32>,
        %mul3A_668 = arith.mulf %get3A_667, %get3A_496 : vector<16xf32>
        %add3A_669 = arith.addf %add3A_662, %mul3A_668 : vector<16xf32>
        %eq3A_670 = arith.constant 2 : i32
        %eq3A_671 = vector.broadcast %eq3A_670 : i32 to vector<16xi32>
        %eq3A_672 = arith.cmpi eq, %iota3A, %eq3A_671 : vector<16xi32>
        %reduce_sum3A_673 = arith.constant true
        %reduce_sum3A_674 = vector.broadcast %reduce_sum3A_673 : i1 to vector<16xi1>
        %reduce_sum3A_675 = tpu.scan <sum>, %add3A_669 masked %reduce_sum3A_674 : vector<16xf32>, vector<16xi1> -> vector<16xf32>
        %reduce_sum3A_676 = vector.extract %reduce_sum3A_675[15] : f32 from vector<16xf32>
        %broadcast_in_dim3A_677 = vector.broadcast %reduce_sum3A_676 : f32 to vector<16xf32>
        %select_n3A_678 = arith.select %eq3A_672, %broadcast_in_dim3A_677, %select_n3A_638 : vector<16xi1>, vector<16xf32>
        %mul3A_679 = arith.constant 16 : i32
        %mul3A_680 = arith.muli %add3A_558, %mul3A_679 : i32
        %add3A_681 = arith.constant 3 : i32
        %add3A_682 = arith.addi %mul3A_680, %add3A_681 : i32
        %get3A_683 = arith.constant 3 : i32
        %get3A_684 = arith.index_cast %get3A_683 : i32 to index
        %get3A_685 = arith.index_cast %add3A_682 : i32 to index
        %get3A_686 = arith.constant 0 : index
        %get3A_687 = tpu.vector_load %arg8[%get3A_684, %get3A_685, %get3A_686] {strides = array<i32>} : memref<4x208x64xf32, #tpu.memory_space<vmem>>, vector<16xf32>,
        %mul3A_688 = arith.mulf %get3A_687, %get3A_487 : vector<16xf32>
        %get3A_689 = arith.constant 3 : i32
        %get3A_690 = arith.index_cast %get3A_689 : i32 to index
        %get3A_691 = arith.index_cast %add3A_682 : i32 to index
        %get3A_692 = arith.constant 16 : index
        %get3A_693 = tpu.vector_load %arg8[%get3A_690, %get3A_691, %get3A_692] {strides = array<i32>} : memref<4x208x64xf32, #tpu.memory_space<vmem>>, vector<16xf32>,
        %mul3A_694 = arith.mulf %get3A_693, %get3A_490 : vector<16xf32>
        %add3A_695 = arith.addf %mul3A_688, %mul3A_694 : vector<16xf32>
        %get3A_696 = arith.constant 3 : i32
        %get3A_697 = arith.index_cast %get3A_696 : i32 to index
        %get3A_698 = arith.index_cast %add3A_682 : i32 to index
        %get3A_699 = arith.constant 32 : index
        %get3A_700 = tpu.vector_load %arg8[%get3A_697, %get3A_698, %get3A_699] {strides = array<i32>} : memref<4x208x64xf32, #tpu.memory_space<vmem>>, vector<16xf32>,
        %mul3A_701 = arith.mulf %get3A_700, %get3A_493 : vector<16xf32>
        %add3A_702 = arith.addf %add3A_695, %mul3A_701 : vector<16xf32>
        %get3A_703 = arith.constant 3 : i32
        %get3A_704 = arith.index_cast %get3A_703 : i32 to index
        %get3A_705 = arith.index_cast %add3A_682 : i32 to index
        %get3A_706 = arith.constant 48 : index
        %get3A_707 = tpu.vector_load %arg8[%get3A_704, %get3A_705, %get3A_706] {strides = array<i32>} : memref<4x208x64xf32, #tpu.memory_space<vmem>>, vector<16xf32>,
        %mul3A_708 = arith.mulf %get3A_707, %get3A_496 : vector<16xf32>
        %add3A_709 = arith.addf %add3A_702, %mul3A_708 : vector<16xf32>
        %eq3A_710 = arith.constant 3 : i32
        %eq3A_711 = vector.broadcast %eq3A_710 : i32 to vector<16xi32>
        %eq3A_712 = arith.cmpi eq, %iota3A, %eq3A_711 : vector<16xi32>
        %reduce_sum3A_713 = arith.constant true
        %reduce_sum3A_714 = vector.broadcast %reduce_sum3A_713 : i1 to vector<16xi1>
        %reduce_sum3A_715 = tpu.scan <sum>, %add3A_709 masked %reduce_sum3A_714 : vector<16xf32>, vector<16xi1> -> vector<16xf32>
        %reduce_sum3A_716 = vector.extract %reduce_sum3A_715[15] : f32 from vector<16xf32>
        %broadcast_in_dim3A_717 = vector.broadcast %reduce_sum3A_716 : f32 to vector<16xf32>
        %select_n3A_718 = arith.select %eq3A_712, %broadcast_in_dim3A_717, %select_n3A_678 : vector<16xi1>, vector<16xf32>
        %mul3A_719 = arith.constant 16 : i32
        %mul3A_720 = arith.muli %add3A_558, %mul3A_719 : i32
        %add3A_721 = arith.constant 4 : i32
        %add3A_722 = arith.addi %mul3A_720, %add3A_721 : i32
        %get3A_723 = arith.constant 3 : i32
        %get3A_724 = arith.index_cast %get3A_723 : i32 to index
        %get3A_725 = arith.index_cast %add3A_722 : i32 to index
        %get3A_726 = arith.constant 0 : index
        %get3A_727 = tpu.vector_load %arg8[%get3A_724, %get3A_725, %get3A_726] {strides = array<i32>} : memref<4x208x64xf32, #tpu.memory_space<vmem>>, vector<16xf32>,
        %mul3A_728 = arith.mulf %get3A_727, %get3A_487 : vector<16xf32>
        %get3A_729 = arith.constant 3 : i32
        %get3A_730 = arith.index_cast %get3A_729 : i32 to index
        %get3A_731 = arith.index_cast %add3A_722 : i32 to index
        %get3A_732 = arith.constant 16 : index
        %get3A_733 = tpu.vector_load %arg8[%get3A_730, %get3A_731, %get3A_732] {strides = array<i32>} : memref<4x208x64xf32, #tpu.memory_space<vmem>>, vector<16xf32>,
        %mul3A_734 = arith.mulf %get3A_733, %get3A_490 : vector<16xf32>
        %add3A_735 = arith.addf %mul3A_728, %mul3A_734 : vector<16xf32>
        %get3A_736 = arith.constant 3 : i32
        %get3A_737 = arith.index_cast %get3A_736 : i32 to index
        %get3A_738 = arith.index_cast %add3A_722 : i32 to index
        %get3A_739 = arith.constant 32 : index
        %get3A_740 = tpu.vector_load %arg8[%get3A_737, %get3A_738, %get3A_739] {strides = array<i32>} : memref<4x208x64xf32, #tpu.memory_space<vmem>>, vector<16xf32>,
        %mul3A_741 = arith.mulf %get3A_740, %get3A_493 : vector<16xf32>
        %add3A_742 = arith.addf %add3A_735, %mul3A_741 : vector<16xf32>
        %get3A_743 = arith.constant 3 : i32
        %get3A_744 = arith.index_cast %get3A_743 : i32 to index
        %get3A_745 = arith.index_cast %add3A_722 : i32 to index
        %get3A_746 = arith.constant 48 : index
        %get3A_747 = tpu.vector_load %arg8[%get3A_744, %get3A_745, %get3A_746] {strides = array<i32>} : memref<4x208x64xf32, #tpu.memory_space<vmem>>, vector<16xf32>,
        %mul3A_748 = arith.mulf %get3A_747, %get3A_496 : vector<16xf32>
        %add3A_749 = arith.addf %add3A_742, %mul3A_748 : vector<16xf32>
        %eq3A_750 = arith.constant 4 : i32
        %eq3A_751 = vector.broadcast %eq3A_750 : i32 to vector<16xi32>
        %eq3A_752 = arith.cmpi eq, %iota3A, %eq3A_751 : vector<16xi32>
        %reduce_sum3A_753 = arith.constant true
        %reduce_sum3A_754 = vector.broadcast %reduce_sum3A_753 : i1 to vector<16xi1>
        %reduce_sum3A_755 = tpu.scan <sum>, %add3A_749 masked %reduce_sum3A_754 : vector<16xf32>, vector<16xi1> -> vector<16xf32>
        %reduce_sum3A_756 = vector.extract %reduce_sum3A_755[15] : f32 from vector<16xf32>
        %broadcast_in_dim3A_757 = vector.broadcast %reduce_sum3A_756 : f32 to vector<16xf32>
        %select_n3A_758 = arith.select %eq3A_752, %broadcast_in_dim3A_757, %select_n3A_718 : vector<16xi1>, vector<16xf32>
        %mul3A_759 = arith.constant 16 : i32
        %mul3A_760 = arith.muli %add3A_558, %mul3A_759 : i32
        %add3A_761 = arith.constant 5 : i32
        %add3A_762 = arith.addi %mul3A_760, %add3A_761 : i32
        %get3A_763 = arith.constant 3 : i32
        %get3A_764 = arith.index_cast %get3A_763 : i32 to index
        %get3A_765 = arith.index_cast %add3A_762 : i32 to index
        %get3A_766 = arith.constant 0 : index
        %get3A_767 = tpu.vector_load %arg8[%get3A_764, %get3A_765, %get3A_766] {strides = array<i32>} : memref<4x208x64xf32, #tpu.memory_space<vmem>>, vector<16xf32>,
        %mul3A_768 = arith.mulf %get3A_767, %get3A_487 : vector<16xf32>
        %get3A_769 = arith.constant 3 : i32
        %get3A_770 = arith.index_cast %get3A_769 : i32 to index
        %get3A_771 = arith.index_cast %add3A_762 : i32 to index
        %get3A_772 = arith.constant 16 : index
        %get3A_773 = tpu.vector_load %arg8[%get3A_770, %get3A_771, %get3A_772] {strides = array<i32>} : memref<4x208x64xf32, #tpu.memory_space<vmem>>, vector<16xf32>,
        %mul3A_774 = arith.mulf %get3A_773, %get3A_490 : vector<16xf32>
        %add3A_775 = arith.addf %mul3A_768, %mul3A_774 : vector<16xf32>
        %get3A_776 = arith.constant 3 : i32
        %get3A_777 = arith.index_cast %get3A_776 : i32 to index
        %get3A_778 = arith.index_cast %add3A_762 : i32 to index
        %get3A_779 = arith.constant 32 : index
        %get3A_780 = tpu.vector_load %arg8[%get3A_777, %get3A_778, %get3A_779] {strides = array<i32>} : memref<4x208x64xf32, #tpu.memory_space<vmem>>, vector<16xf32>,
        %mul3A_781 = arith.mulf %get3A_780, %get3A_493 : vector<16xf32>
        %add3A_782 = arith.addf %add3A_775, %mul3A_781 : vector<16xf32>
        %get3A_783 = arith.constant 3 : i32
        %get3A_784 = arith.index_cast %get3A_783 : i32 to index
        %get3A_785 = arith.index_cast %add3A_762 : i32 to index
        %get3A_786 = arith.constant 48 : index
        %get3A_787 = tpu.vector_load %arg8[%get3A_784, %get3A_785, %get3A_786] {strides = array<i32>} : memref<4x208x64xf32, #tpu.memory_space<vmem>>, vector<16xf32>,
        %mul3A_788 = arith.mulf %get3A_787, %get3A_496 : vector<16xf32>
        %add3A_789 = arith.addf %add3A_782, %mul3A_788 : vector<16xf32>
        %eq3A_790 = arith.constant 5 : i32
        %eq3A_791 = vector.broadcast %eq3A_790 : i32 to vector<16xi32>
        %eq3A_792 = arith.cmpi eq, %iota3A, %eq3A_791 : vector<16xi32>
        %reduce_sum3A_793 = arith.constant true
        %reduce_sum3A_794 = vector.broadcast %reduce_sum3A_793 : i1 to vector<16xi1>
        %reduce_sum3A_795 = tpu.scan <sum>, %add3A_789 masked %reduce_sum3A_794 : vector<16xf32>, vector<16xi1> -> vector<16xf32>
        %reduce_sum3A_796 = vector.extract %reduce_sum3A_795[15] : f32 from vector<16xf32>
        %broadcast_in_dim3A_797 = vector.broadcast %reduce_sum3A_796 : f32 to vector<16xf32>
        %select_n3A_798 = arith.select %eq3A_792, %broadcast_in_dim3A_797, %select_n3A_758 : vector<16xi1>, vector<16xf32>
        %mul3A_799 = arith.constant 16 : i32
        %mul3A_800 = arith.muli %add3A_558, %mul3A_799 : i32
        %add3A_801 = arith.constant 6 : i32
        %add3A_802 = arith.addi %mul3A_800, %add3A_801 : i32
        %get3A_803 = arith.constant 3 : i32
        %get3A_804 = arith.index_cast %get3A_803 : i32 to index
        %get3A_805 = arith.index_cast %add3A_802 : i32 to index
        %get3A_806 = arith.constant 0 : index
        %get3A_807 = tpu.vector_load %arg8[%get3A_804, %get3A_805, %get3A_806] {strides = array<i32>} : memref<4x208x64xf32, #tpu.memory_space<vmem>>, vector<16xf32>,
        %mul3A_808 = arith.mulf %get3A_807, %get3A_487 : vector<16xf32>
        %get3A_809 = arith.constant 3 : i32
        %get3A_810 = arith.index_cast %get3A_809 : i32 to index
        %get3A_811 = arith.index_cast %add3A_802 : i32 to index
        %get3A_812 = arith.constant 16 : index
        %get3A_813 = tpu.vector_load %arg8[%get3A_810, %get3A_811, %get3A_812] {strides = array<i32>} : memref<4x208x64xf32, #tpu.memory_space<vmem>>, vector<16xf32>,
        %mul3A_814 = arith.mulf %get3A_813, %get3A_490 : vector<16xf32>
        %add3A_815 = arith.addf %mul3A_808, %mul3A_814 : vector<16xf32>
        %get3A_816 = arith.constant 3 : i32
        %get3A_817 = arith.index_cast %get3A_816 : i32 to index
        %get3A_818 = arith.index_cast %add3A_802 : i32 to index
        %get3A_819 = arith.constant 32 : index
        %get3A_820 = tpu.vector_load %arg8[%get3A_817, %get3A_818, %get3A_819] {strides = array<i32>} : memref<4x208x64xf32, #tpu.memory_space<vmem>>, vector<16xf32>,
        %mul3A_821 = arith.mulf %get3A_820, %get3A_493 : vector<16xf32>
        %add3A_822 = arith.addf %add3A_815, %mul3A_821 : vector<16xf32>
        %get3A_823 = arith.constant 3 : i32
        %get3A_824 = arith.index_cast %get3A_823 : i32 to index
        %get3A_825 = arith.index_cast %add3A_802 : i32 to index
        %get3A_826 = arith.constant 48 : index
        %get3A_827 = tpu.vector_load %arg8[%get3A_824, %get3A_825, %get3A_826] {strides = array<i32>} : memref<4x208x64xf32, #tpu.memory_space<vmem>>, vector<16xf32>,
        %mul3A_828 = arith.mulf %get3A_827, %get3A_496 : vector<16xf32>
        %add3A_829 = arith.addf %add3A_822, %mul3A_828 : vector<16xf32>
        %eq3A_830 = arith.constant 6 : i32
        %eq3A_831 = vector.broadcast %eq3A_830 : i32 to vector<16xi32>
        %eq3A_832 = arith.cmpi eq, %iota3A, %eq3A_831 : vector<16xi32>
        %reduce_sum3A_833 = arith.constant true
        %reduce_sum3A_834 = vector.broadcast %reduce_sum3A_833 : i1 to vector<16xi1>
        %reduce_sum3A_835 = tpu.scan <sum>, %add3A_829 masked %reduce_sum3A_834 : vector<16xf32>, vector<16xi1> -> vector<16xf32>
        %reduce_sum3A_836 = vector.extract %reduce_sum3A_835[15] : f32 from vector<16xf32>
        %broadcast_in_dim3A_837 = vector.broadcast %reduce_sum3A_836 : f32 to vector<16xf32>
        %select_n3A_838 = arith.select %eq3A_832, %broadcast_in_dim3A_837, %select_n3A_798 : vector<16xi1>, vector<16xf32>
        %mul3A_839 = arith.constant 16 : i32
        %mul3A_840 = arith.muli %add3A_558, %mul3A_839 : i32
        %add3A_841 = arith.constant 7 : i32
        %add3A_842 = arith.addi %mul3A_840, %add3A_841 : i32
        %get3A_843 = arith.constant 3 : i32
        %get3A_844 = arith.index_cast %get3A_843 : i32 to index
        %get3A_845 = arith.index_cast %add3A_842 : i32 to index
        %get3A_846 = arith.constant 0 : index
        %get3A_847 = tpu.vector_load %arg8[%get3A_844, %get3A_845, %get3A_846] {strides = array<i32>} : memref<4x208x64xf32, #tpu.memory_space<vmem>>, vector<16xf32>,
        %mul3A_848 = arith.mulf %get3A_847, %get3A_487 : vector<16xf32>
        %get3A_849 = arith.constant 3 : i32
        %get3A_850 = arith.index_cast %get3A_849 : i32 to index
        %get3A_851 = arith.index_cast %add3A_842 : i32 to index
        %get3A_852 = arith.constant 16 : index
        %get3A_853 = tpu.vector_load %arg8[%get3A_850, %get3A_851, %get3A_852] {strides = array<i32>} : memref<4x208x64xf32, #tpu.memory_space<vmem>>, vector<16xf32>,
        %mul3A_854 = arith.mulf %get3A_853, %get3A_490 : vector<16xf32>
        %add3A_855 = arith.addf %mul3A_848, %mul3A_854 : vector<16xf32>
        %get3A_856 = arith.constant 3 : i32
        %get3A_857 = arith.index_cast %get3A_856 : i32 to index
        %get3A_858 = arith.index_cast %add3A_842 : i32 to index
        %get3A_859 = arith.constant 32 : index
        %get3A_860 = tpu.vector_load %arg8[%get3A_857, %get3A_858, %get3A_859] {strides = array<i32>} : memref<4x208x64xf32, #tpu.memory_space<vmem>>, vector<16xf32>,
        %mul3A_861 = arith.mulf %get3A_860, %get3A_493 : vector<16xf32>
        %add3A_862 = arith.addf %add3A_855, %mul3A_861 : vector<16xf32>
        %get3A_863 = arith.constant 3 : i32
        %get3A_864 = arith.index_cast %get3A_863 : i32 to index
        %get3A_865 = arith.index_cast %add3A_842 : i32 to index
        %get3A_866 = arith.constant 48 : index
        %get3A_867 = tpu.vector_load %arg8[%get3A_864, %get3A_865, %get3A_866] {strides = array<i32>} : memref<4x208x64xf32, #tpu.memory_space<vmem>>, vector<16xf32>,
        %mul3A_868 = arith.mulf %get3A_867, %get3A_496 : vector<16xf32>
        %add3A_869 = arith.addf %add3A_862, %mul3A_868 : vector<16xf32>
        %eq3A_870 = arith.constant 7 : i32
        %eq3A_871 = vector.broadcast %eq3A_870 : i32 to vector<16xi32>
        %eq3A_872 = arith.cmpi eq, %iota3A, %eq3A_871 : vector<16xi32>
        %reduce_sum3A_873 = arith.constant true
        %reduce_sum3A_874 = vector.broadcast %reduce_sum3A_873 : i1 to vector<16xi1>
        %reduce_sum3A_875 = tpu.scan <sum>, %add3A_869 masked %reduce_sum3A_874 : vector<16xf32>, vector<16xi1> -> vector<16xf32>
        %reduce_sum3A_876 = vector.extract %reduce_sum3A_875[15] : f32 from vector<16xf32>
        %broadcast_in_dim3A_877 = vector.broadcast %reduce_sum3A_876 : f32 to vector<16xf32>
        %select_n3A_878 = arith.select %eq3A_872, %broadcast_in_dim3A_877, %select_n3A_838 : vector<16xi1>, vector<16xf32>
        %mul3A_879 = arith.constant 16 : i32
        %mul3A_880 = arith.muli %add3A_558, %mul3A_879 : i32
        %add3A_881 = arith.constant 8 : i32
        %add3A_882 = arith.addi %mul3A_880, %add3A_881 : i32
        %get3A_883 = arith.constant 3 : i32
        %get3A_884 = arith.index_cast %get3A_883 : i32 to index
        %get3A_885 = arith.index_cast %add3A_882 : i32 to index
        %get3A_886 = arith.constant 0 : index
        %get3A_887 = tpu.vector_load %arg8[%get3A_884, %get3A_885, %get3A_886] {strides = array<i32>} : memref<4x208x64xf32, #tpu.memory_space<vmem>>, vector<16xf32>,
        %mul3A_888 = arith.mulf %get3A_887, %get3A_487 : vector<16xf32>
        %get3A_889 = arith.constant 3 : i32
        %get3A_890 = arith.index_cast %get3A_889 : i32 to index
        %get3A_891 = arith.index_cast %add3A_882 : i32 to index
        %get3A_892 = arith.constant 16 : index
        %get3A_893 = tpu.vector_load %arg8[%get3A_890, %get3A_891, %get3A_892] {strides = array<i32>} : memref<4x208x64xf32, #tpu.memory_space<vmem>>, vector<16xf32>,
        %mul3A_894 = arith.mulf %get3A_893, %get3A_490 : vector<16xf32>
        %add3A_895 = arith.addf %mul3A_888, %mul3A_894 : vector<16xf32>
        %get3A_896 = arith.constant 3 : i32
        %get3A_897 = arith.index_cast %get3A_896 : i32 to index
        %get3A_898 = arith.index_cast %add3A_882 : i32 to index
        %get3A_899 = arith.constant 32 : index
        %get3A_900 = tpu.vector_load %arg8[%get3A_897, %get3A_898, %get3A_899] {strides = array<i32>} : memref<4x208x64xf32, #tpu.memory_space<vmem>>, vector<16xf32>,
        %mul3A_901 = arith.mulf %get3A_900, %get3A_493 : vector<16xf32>
        %add3A_902 = arith.addf %add3A_895, %mul3A_901 : vector<16xf32>
        %get3A_903 = arith.constant 3 : i32
        %get3A_904 = arith.index_cast %get3A_903 : i32 to index
        %get3A_905 = arith.index_cast %add3A_882 : i32 to index
        %get3A_906 = arith.constant 48 : index
        %get3A_907 = tpu.vector_load %arg8[%get3A_904, %get3A_905, %get3A_906] {strides = array<i32>} : memref<4x208x64xf32, #tpu.memory_space<vmem>>, vector<16xf32>,
        %mul3A_908 = arith.mulf %get3A_907, %get3A_496 : vector<16xf32>
        %add3A_909 = arith.addf %add3A_902, %mul3A_908 : vector<16xf32>
        %eq3A_910 = arith.constant 8 : i32
        %eq3A_911 = vector.broadcast %eq3A_910 : i32 to vector<16xi32>
        %eq3A_912 = arith.cmpi eq, %iota3A, %eq3A_911 : vector<16xi32>
        %reduce_sum3A_913 = arith.constant true
        %reduce_sum3A_914 = vector.broadcast %reduce_sum3A_913 : i1 to vector<16xi1>
        %reduce_sum3A_915 = tpu.scan <sum>, %add3A_909 masked %reduce_sum3A_914 : vector<16xf32>, vector<16xi1> -> vector<16xf32>
        %reduce_sum3A_916 = vector.extract %reduce_sum3A_915[15] : f32 from vector<16xf32>
        %broadcast_in_dim3A_917 = vector.broadcast %reduce_sum3A_916 : f32 to vector<16xf32>
        %select_n3A_918 = arith.select %eq3A_912, %broadcast_in_dim3A_917, %select_n3A_878 : vector<16xi1>, vector<16xf32>
        %mul3A_919 = arith.constant 16 : i32
        %mul3A_920 = arith.muli %add3A_558, %mul3A_919 : i32
        %add3A_921 = arith.constant 9 : i32
        %add3A_922 = arith.addi %mul3A_920, %add3A_921 : i32
        %get3A_923 = arith.constant 3 : i32
        %get3A_924 = arith.index_cast %get3A_923 : i32 to index
        %get3A_925 = arith.index_cast %add3A_922 : i32 to index
        %get3A_926 = arith.constant 0 : index
        %get3A_927 = tpu.vector_load %arg8[%get3A_924, %get3A_925, %get3A_926] {strides = array<i32>} : memref<4x208x64xf32, #tpu.memory_space<vmem>>, vector<16xf32>,
        %mul3A_928 = arith.mulf %get3A_927, %get3A_487 : vector<16xf32>
        %get3A_929 = arith.constant 3 : i32
        %get3A_930 = arith.index_cast %get3A_929 : i32 to index
        %get3A_931 = arith.index_cast %add3A_922 : i32 to index
        %get3A_932 = arith.constant 16 : index
        %get3A_933 = tpu.vector_load %arg8[%get3A_930, %get3A_931, %get3A_932] {strides = array<i32>} : memref<4x208x64xf32, #tpu.memory_space<vmem>>, vector<16xf32>,
        %mul3A_934 = arith.mulf %get3A_933, %get3A_490 : vector<16xf32>
        %add3A_935 = arith.addf %mul3A_928, %mul3A_934 : vector<16xf32>
        %get3A_936 = arith.constant 3 : i32
        %get3A_937 = arith.index_cast %get3A_936 : i32 to index
        %get3A_938 = arith.index_cast %add3A_922 : i32 to index
        %get3A_939 = arith.constant 32 : index
        %get3A_940 = tpu.vector_load %arg8[%get3A_937, %get3A_938, %get3A_939] {strides = array<i32>} : memref<4x208x64xf32, #tpu.memory_space<vmem>>, vector<16xf32>,
        %mul3A_941 = arith.mulf %get3A_940, %get3A_493 : vector<16xf32>
        %add3A_942 = arith.addf %add3A_935, %mul3A_941 : vector<16xf32>
        %get3A_943 = arith.constant 3 : i32
        %get3A_944 = arith.index_cast %get3A_943 : i32 to index
        %get3A_945 = arith.index_cast %add3A_922 : i32 to index
        %get3A_946 = arith.constant 48 : index
        %get3A_947 = tpu.vector_load %arg8[%get3A_944, %get3A_945, %get3A_946] {strides = array<i32>} : memref<4x208x64xf32, #tpu.memory_space<vmem>>, vector<16xf32>,
        %mul3A_948 = arith.mulf %get3A_947, %get3A_496 : vector<16xf32>
        %add3A_949 = arith.addf %add3A_942, %mul3A_948 : vector<16xf32>
        %eq3A_950 = arith.constant 9 : i32
        %eq3A_951 = vector.broadcast %eq3A_950 : i32 to vector<16xi32>
        %eq3A_952 = arith.cmpi eq, %iota3A, %eq3A_951 : vector<16xi32>
        %reduce_sum3A_953 = arith.constant true
        %reduce_sum3A_954 = vector.broadcast %reduce_sum3A_953 : i1 to vector<16xi1>
        %reduce_sum3A_955 = tpu.scan <sum>, %add3A_949 masked %reduce_sum3A_954 : vector<16xf32>, vector<16xi1> -> vector<16xf32>
        %reduce_sum3A_956 = vector.extract %reduce_sum3A_955[15] : f32 from vector<16xf32>
        %broadcast_in_dim3A_957 = vector.broadcast %reduce_sum3A_956 : f32 to vector<16xf32>
        %select_n3A_958 = arith.select %eq3A_952, %broadcast_in_dim3A_957, %select_n3A_918 : vector<16xi1>, vector<16xf32>
        %mul3A_959 = arith.constant 16 : i32
        %mul3A_960 = arith.muli %add3A_558, %mul3A_959 : i32
        %add3A_961 = arith.constant 10 : i32
        %add3A_962 = arith.addi %mul3A_960, %add3A_961 : i32
        %get3A_963 = arith.constant 3 : i32
        %get3A_964 = arith.index_cast %get3A_963 : i32 to index
        %get3A_965 = arith.index_cast %add3A_962 : i32 to index
        %get3A_966 = arith.constant 0 : index
        %get3A_967 = tpu.vector_load %arg8[%get3A_964, %get3A_965, %get3A_966] {strides = array<i32>} : memref<4x208x64xf32, #tpu.memory_space<vmem>>, vector<16xf32>,
        %mul3A_968 = arith.mulf %get3A_967, %get3A_487 : vector<16xf32>
        %get3A_969 = arith.constant 3 : i32
        %get3A_970 = arith.index_cast %get3A_969 : i32 to index
        %get3A_971 = arith.index_cast %add3A_962 : i32 to index
        %get3A_972 = arith.constant 16 : index
        %get3A_973 = tpu.vector_load %arg8[%get3A_970, %get3A_971, %get3A_972] {strides = array<i32>} : memref<4x208x64xf32, #tpu.memory_space<vmem>>, vector<16xf32>,
        %mul3A_974 = arith.mulf %get3A_973, %get3A_490 : vector<16xf32>
        %add3A_975 = arith.addf %mul3A_968, %mul3A_974 : vector<16xf32>
        %get3A_976 = arith.constant 3 : i32
        %get3A_977 = arith.index_cast %get3A_976 : i32 to index
        %get3A_978 = arith.index_cast %add3A_962 : i32 to index
        %get3A_979 = arith.constant 32 : index
        %get3A_980 = tpu.vector_load %arg8[%get3A_977, %get3A_978, %get3A_979] {strides = array<i32>} : memref<4x208x64xf32, #tpu.memory_space<vmem>>, vector<16xf32>,
        %mul3A_981 = arith.mulf %get3A_980, %get3A_493 : vector<16xf32>
        %add3A_982 = arith.addf %add3A_975, %mul3A_981 : vector<16xf32>
        %get3A_983 = arith.constant 3 : i32
        %get3A_984 = arith.index_cast %get3A_983 : i32 to index
        %get3A_985 = arith.index_cast %add3A_962 : i32 to index
        %get3A_986 = arith.constant 48 : index
        %get3A_987 = tpu.vector_load %arg8[%get3A_984, %get3A_985, %get3A_986] {strides = array<i32>} : memref<4x208x64xf32, #tpu.memory_space<vmem>>, vector<16xf32>,
        %mul3A_988 = arith.mulf %get3A_987, %get3A_496 : vector<16xf32>
        %add3A_989 = arith.addf %add3A_982, %mul3A_988 : vector<16xf32>
        %eq3A_990 = arith.constant 10 : i32
        %eq3A_991 = vector.broadcast %eq3A_990 : i32 to vector<16xi32>
        %eq3A_992 = arith.cmpi eq, %iota3A, %eq3A_991 : vector<16xi32>
        %reduce_sum3A_993 = arith.constant true
        %reduce_sum3A_994 = vector.broadcast %reduce_sum3A_993 : i1 to vector<16xi1>
        %reduce_sum3A_995 = tpu.scan <sum>, %add3A_989 masked %reduce_sum3A_994 : vector<16xf32>, vector<16xi1> -> vector<16xf32>
        %reduce_sum3A_996 = vector.extract %reduce_sum3A_995[15] : f32 from vector<16xf32>
        %broadcast_in_dim3A_997 = vector.broadcast %reduce_sum3A_996 : f32 to vector<16xf32>
        %select_n3A_998 = arith.select %eq3A_992, %broadcast_in_dim3A_997, %select_n3A_958 : vector<16xi1>, vector<16xf32>
        %mul3A_999 = arith.constant 16 : i32
        %mul3A_1000 = arith.muli %add3A_558, %mul3A_999 : i32
        %add3A_1001 = arith.constant 11 : i32
        %add3A_1002 = arith.addi %mul3A_1000, %add3A_1001 : i32
        %get3A_1003 = arith.constant 3 : i32
        %get3A_1004 = arith.index_cast %get3A_1003 : i32 to index
        %get3A_1005 = arith.index_cast %add3A_1002 : i32 to index
        %get3A_1006 = arith.constant 0 : index
        %get3A_1007 = tpu.vector_load %arg8[%get3A_1004, %get3A_1005, %get3A_1006] {strides = array<i32>} : memref<4x208x64xf32, #tpu.memory_space<vmem>>, vector<16xf32>,
        %mul3A_1008 = arith.mulf %get3A_1007, %get3A_487 : vector<16xf32>
        %get3A_1009 = arith.constant 3 : i32
        %get3A_1010 = arith.index_cast %get3A_1009 : i32 to index
        %get3A_1011 = arith.index_cast %add3A_1002 : i32 to index
        %get3A_1012 = arith.constant 16 : index
        %get3A_1013 = tpu.vector_load %arg8[%get3A_1010, %get3A_1011, %get3A_1012] {strides = array<i32>} : memref<4x208x64xf32, #tpu.memory_space<vmem>>, vector<16xf32>,
        %mul3A_1014 = arith.mulf %get3A_1013, %get3A_490 : vector<16xf32>
        %add3A_1015 = arith.addf %mul3A_1008, %mul3A_1014 : vector<16xf32>
        %get3A_1016 = arith.constant 3 : i32
        %get3A_1017 = arith.index_cast %get3A_1016 : i32 to index
        %get3A_1018 = arith.index_cast %add3A_1002 : i32 to index
        %get3A_1019 = arith.constant 32 : index
        %get3A_1020 = tpu.vector_load %arg8[%get3A_1017, %get3A_1018, %get3A_1019] {strides = array<i32>} : memref<4x208x64xf32, #tpu.memory_space<vmem>>, vector<16xf32>,
        %mul3A_1021 = arith.mulf %get3A_1020, %get3A_493 : vector<16xf32>
        %add3A_1022 = arith.addf %add3A_1015, %mul3A_1021 : vector<16xf32>
        %get3A_1023 = arith.constant 3 : i32
        %get3A_1024 = arith.index_cast %get3A_1023 : i32 to index
        %get3A_1025 = arith.index_cast %add3A_1002 : i32 to index
        %get3A_1026 = arith.constant 48 : index
        %get3A_1027 = tpu.vector_load %arg8[%get3A_1024, %get3A_1025, %get3A_1026] {strides = array<i32>} : memref<4x208x64xf32, #tpu.memory_space<vmem>>, vector<16xf32>,
        %mul3A_1028 = arith.mulf %get3A_1027, %get3A_496 : vector<16xf32>
        %add3A_1029 = arith.addf %add3A_1022, %mul3A_1028 : vector<16xf32>
        %eq3A_1030 = arith.constant 11 : i32
        %eq3A_1031 = vector.broadcast %eq3A_1030 : i32 to vector<16xi32>
        %eq3A_1032 = arith.cmpi eq, %iota3A, %eq3A_1031 : vector<16xi32>
        %reduce_sum3A_1033 = arith.constant true
        %reduce_sum3A_1034 = vector.broadcast %reduce_sum3A_1033 : i1 to vector<16xi1>
        %reduce_sum3A_1035 = tpu.scan <sum>, %add3A_1029 masked %reduce_sum3A_1034 : vector<16xf32>, vector<16xi1> -> vector<16xf32>
        %reduce_sum3A_1036 = vector.extract %reduce_sum3A_1035[15] : f32 from vector<16xf32>
        %broadcast_in_dim3A_1037 = vector.broadcast %reduce_sum3A_1036 : f32 to vector<16xf32>
        %select_n3A_1038 = arith.select %eq3A_1032, %broadcast_in_dim3A_1037, %select_n3A_998 : vector<16xi1>, vector<16xf32>
        %mul3A_1039 = arith.constant 16 : i32
        %mul3A_1040 = arith.muli %add3A_558, %mul3A_1039 : i32
        %add3A_1041 = arith.constant 12 : i32
        %add3A_1042 = arith.addi %mul3A_1040, %add3A_1041 : i32
        %get3A_1043 = arith.constant 3 : i32
        %get3A_1044 = arith.index_cast %get3A_1043 : i32 to index
        %get3A_1045 = arith.index_cast %add3A_1042 : i32 to index
        %get3A_1046 = arith.constant 0 : index
        %get3A_1047 = tpu.vector_load %arg8[%get3A_1044, %get3A_1045, %get3A_1046] {strides = array<i32>} : memref<4x208x64xf32, #tpu.memory_space<vmem>>, vector<16xf32>,
        %mul3A_1048 = arith.mulf %get3A_1047, %get3A_487 : vector<16xf32>
        %get3A_1049 = arith.constant 3 : i32
        %get3A_1050 = arith.index_cast %get3A_1049 : i32 to index
        %get3A_1051 = arith.index_cast %add3A_1042 : i32 to index
        %get3A_1052 = arith.constant 16 : index
        %get3A_1053 = tpu.vector_load %arg8[%get3A_1050, %get3A_1051, %get3A_1052] {strides = array<i32>} : memref<4x208x64xf32, #tpu.memory_space<vmem>>, vector<16xf32>,
        %mul3A_1054 = arith.mulf %get3A_1053, %get3A_490 : vector<16xf32>
        %add3A_1055 = arith.addf %mul3A_1048, %mul3A_1054 : vector<16xf32>
        %get3A_1056 = arith.constant 3 : i32
        %get3A_1057 = arith.index_cast %get3A_1056 : i32 to index
        %get3A_1058 = arith.index_cast %add3A_1042 : i32 to index
        %get3A_1059 = arith.constant 32 : index
        %get3A_1060 = tpu.vector_load %arg8[%get3A_1057, %get3A_1058, %get3A_1059] {strides = array<i32>} : memref<4x208x64xf32, #tpu.memory_space<vmem>>, vector<16xf32>,
        %mul3A_1061 = arith.mulf %get3A_1060, %get3A_493 : vector<16xf32>
        %add3A_1062 = arith.addf %add3A_1055, %mul3A_1061 : vector<16xf32>
        %get3A_1063 = arith.constant 3 : i32
        %get3A_1064 = arith.index_cast %get3A_1063 : i32 to index
        %get3A_1065 = arith.index_cast %add3A_1042 : i32 to index
        %get3A_1066 = arith.constant 48 : index
        %get3A_1067 = tpu.vector_load %arg8[%get3A_1064, %get3A_1065, %get3A_1066] {strides = array<i32>} : memref<4x208x64xf32, #tpu.memory_space<vmem>>, vector<16xf32>,
        %mul3A_1068 = arith.mulf %get3A_1067, %get3A_496 : vector<16xf32>
        %add3A_1069 = arith.addf %add3A_1062, %mul3A_1068 : vector<16xf32>
        %eq3A_1070 = arith.constant 12 : i32
        %eq3A_1071 = vector.broadcast %eq3A_1070 : i32 to vector<16xi32>
        %eq3A_1072 = arith.cmpi eq, %iota3A, %eq3A_1071 : vector<16xi32>
        %reduce_sum3A_1073 = arith.constant true
        %reduce_sum3A_1074 = vector.broadcast %reduce_sum3A_1073 : i1 to vector<16xi1>
        %reduce_sum3A_1075 = tpu.scan <sum>, %add3A_1069 masked %reduce_sum3A_1074 : vector<16xf32>, vector<16xi1> -> vector<16xf32>
        %reduce_sum3A_1076 = vector.extract %reduce_sum3A_1075[15] : f32 from vector<16xf32>
        %broadcast_in_dim3A_1077 = vector.broadcast %reduce_sum3A_1076 : f32 to vector<16xf32>
        %select_n3A_1078 = arith.select %eq3A_1072, %broadcast_in_dim3A_1077, %select_n3A_1038 : vector<16xi1>, vector<16xf32>
        %mul3A_1079 = arith.constant 16 : i32
        %mul3A_1080 = arith.muli %add3A_558, %mul3A_1079 : i32
        %add3A_1081 = arith.constant 13 : i32
        %add3A_1082 = arith.addi %mul3A_1080, %add3A_1081 : i32
        %get3A_1083 = arith.constant 3 : i32
        %get3A_1084 = arith.index_cast %get3A_1083 : i32 to index
        %get3A_1085 = arith.index_cast %add3A_1082 : i32 to index
        %get3A_1086 = arith.constant 0 : index
        %get3A_1087 = tpu.vector_load %arg8[%get3A_1084, %get3A_1085, %get3A_1086] {strides = array<i32>} : memref<4x208x64xf32, #tpu.memory_space<vmem>>, vector<16xf32>,
        %mul3A_1088 = arith.mulf %get3A_1087, %get3A_487 : vector<16xf32>
        %get3A_1089 = arith.constant 3 : i32
        %get3A_1090 = arith.index_cast %get3A_1089 : i32 to index
        %get3A_1091 = arith.index_cast %add3A_1082 : i32 to index
        %get3A_1092 = arith.constant 16 : index
        %get3A_1093 = tpu.vector_load %arg8[%get3A_1090, %get3A_1091, %get3A_1092] {strides = array<i32>} : memref<4x208x64xf32, #tpu.memory_space<vmem>>, vector<16xf32>,
        %mul3A_1094 = arith.mulf %get3A_1093, %get3A_490 : vector<16xf32>
        %add3A_1095 = arith.addf %mul3A_1088, %mul3A_1094 : vector<16xf32>
        %get3A_1096 = arith.constant 3 : i32
        %get3A_1097 = arith.index_cast %get3A_1096 : i32 to index
        %get3A_1098 = arith.index_cast %add3A_1082 : i32 to index
        %get3A_1099 = arith.constant 32 : index
        %get3A_1100 = tpu.vector_load %arg8[%get3A_1097, %get3A_1098, %get3A_1099] {strides = array<i32>} : memref<4x208x64xf32, #tpu.memory_space<vmem>>, vector<16xf32>,
        %mul3A_1101 = arith.mulf %get3A_1100, %get3A_493 : vector<16xf32>
        %add3A_1102 = arith.addf %add3A_1095, %mul3A_1101 : vector<16xf32>
        %get3A_1103 = arith.constant 3 : i32
        %get3A_1104 = arith.index_cast %get3A_1103 : i32 to index
        %get3A_1105 = arith.index_cast %add3A_1082 : i32 to index
        %get3A_1106 = arith.constant 48 : index
        %get3A_1107 = tpu.vector_load %arg8[%get3A_1104, %get3A_1105, %get3A_1106] {strides = array<i32>} : memref<4x208x64xf32, #tpu.memory_space<vmem>>, vector<16xf32>,
        %mul3A_1108 = arith.mulf %get3A_1107, %get3A_496 : vector<16xf32>
        %add3A_1109 = arith.addf %add3A_1102, %mul3A_1108 : vector<16xf32>
        %eq3A_1110 = arith.constant 13 : i32
        %eq3A_1111 = vector.broadcast %eq3A_1110 : i32 to vector<16xi32>
        %eq3A_1112 = arith.cmpi eq, %iota3A, %eq3A_1111 : vector<16xi32>
        %reduce_sum3A_1113 = arith.constant true
        %reduce_sum3A_1114 = vector.broadcast %reduce_sum3A_1113 : i1 to vector<16xi1>
        %reduce_sum3A_1115 = tpu.scan <sum>, %add3A_1109 masked %reduce_sum3A_1114 : vector<16xf32>, vector<16xi1> -> vector<16xf32>
        %reduce_sum3A_1116 = vector.extract %reduce_sum3A_1115[15] : f32 from vector<16xf32>
        %broadcast_in_dim3A_1117 = vector.broadcast %reduce_sum3A_1116 : f32 to vector<16xf32>
        %select_n3A_1118 = arith.select %eq3A_1112, %broadcast_in_dim3A_1117, %select_n3A_1078 : vector<16xi1>, vector<16xf32>
        %mul3A_1119 = arith.constant 16 : i32
        %mul3A_1120 = arith.muli %add3A_558, %mul3A_1119 : i32
        %add3A_1121 = arith.constant 14 : i32
        %add3A_1122 = arith.addi %mul3A_1120, %add3A_1121 : i32
        %get3A_1123 = arith.constant 3 : i32
        %get3A_1124 = arith.index_cast %get3A_1123 : i32 to index
        %get3A_1125 = arith.index_cast %add3A_1122 : i32 to index
        %get3A_1126 = arith.constant 0 : index
        %get3A_1127 = tpu.vector_load %arg8[%get3A_1124, %get3A_1125, %get3A_1126] {strides = array<i32>} : memref<4x208x64xf32, #tpu.memory_space<vmem>>, vector<16xf32>,
        %mul3A_1128 = arith.mulf %get3A_1127, %get3A_487 : vector<16xf32>
        %get3A_1129 = arith.constant 3 : i32
        %get3A_1130 = arith.index_cast %get3A_1129 : i32 to index
        %get3A_1131 = arith.index_cast %add3A_1122 : i32 to index
        %get3A_1132 = arith.constant 16 : index
        %get3A_1133 = tpu.vector_load %arg8[%get3A_1130, %get3A_1131, %get3A_1132] {strides = array<i32>} : memref<4x208x64xf32, #tpu.memory_space<vmem>>, vector<16xf32>,
        %mul3A_1134 = arith.mulf %get3A_1133, %get3A_490 : vector<16xf32>
        %add3A_1135 = arith.addf %mul3A_1128, %mul3A_1134 : vector<16xf32>
        %get3A_1136 = arith.constant 3 : i32
        %get3A_1137 = arith.index_cast %get3A_1136 : i32 to index
        %get3A_1138 = arith.index_cast %add3A_1122 : i32 to index
        %get3A_1139 = arith.constant 32 : index
        %get3A_1140 = tpu.vector_load %arg8[%get3A_1137, %get3A_1138, %get3A_1139] {strides = array<i32>} : memref<4x208x64xf32, #tpu.memory_space<vmem>>, vector<16xf32>,
        %mul3A_1141 = arith.mulf %get3A_1140, %get3A_493 : vector<16xf32>
        %add3A_1142 = arith.addf %add3A_1135, %mul3A_1141 : vector<16xf32>
        %get3A_1143 = arith.constant 3 : i32
        %get3A_1144 = arith.index_cast %get3A_1143 : i32 to index
        %get3A_1145 = arith.index_cast %add3A_1122 : i32 to index
        %get3A_1146 = arith.constant 48 : index
        %get3A_1147 = tpu.vector_load %arg8[%get3A_1144, %get3A_1145, %get3A_1146] {strides = array<i32>} : memref<4x208x64xf32, #tpu.memory_space<vmem>>, vector<16xf32>,
        %mul3A_1148 = arith.mulf %get3A_1147, %get3A_496 : vector<16xf32>
        %add3A_1149 = arith.addf %add3A_1142, %mul3A_1148 : vector<16xf32>
        %eq3A_1150 = arith.constant 14 : i32
        %eq3A_1151 = vector.broadcast %eq3A_1150 : i32 to vector<16xi32>
        %eq3A_1152 = arith.cmpi eq, %iota3A, %eq3A_1151 : vector<16xi32>
        %reduce_sum3A_1153 = arith.constant true
        %reduce_sum3A_1154 = vector.broadcast %reduce_sum3A_1153 : i1 to vector<16xi1>
        %reduce_sum3A_1155 = tpu.scan <sum>, %add3A_1149 masked %reduce_sum3A_1154 : vector<16xf32>, vector<16xi1> -> vector<16xf32>
        %reduce_sum3A_1156 = vector.extract %reduce_sum3A_1155[15] : f32 from vector<16xf32>
        %broadcast_in_dim3A_1157 = vector.broadcast %reduce_sum3A_1156 : f32 to vector<16xf32>
        %select_n3A_1158 = arith.select %eq3A_1152, %broadcast_in_dim3A_1157, %select_n3A_1118 : vector<16xi1>, vector<16xf32>
        %mul3A_1159 = arith.constant 16 : i32
        %mul3A_1160 = arith.muli %add3A_558, %mul3A_1159 : i32
        %add3A_1161 = arith.constant 15 : i32
        %add3A_1162 = arith.addi %mul3A_1160, %add3A_1161 : i32
        %get3A_1163 = arith.constant 3 : i32
        %get3A_1164 = arith.index_cast %get3A_1163 : i32 to index
        %get3A_1165 = arith.index_cast %add3A_1162 : i32 to index
        %get3A_1166 = arith.constant 0 : index
        %get3A_1167 = tpu.vector_load %arg8[%get3A_1164, %get3A_1165, %get3A_1166] {strides = array<i32>} : memref<4x208x64xf32, #tpu.memory_space<vmem>>, vector<16xf32>,
        %mul3A_1168 = arith.mulf %get3A_1167, %get3A_487 : vector<16xf32>
        %get3A_1169 = arith.constant 3 : i32
        %get3A_1170 = arith.index_cast %get3A_1169 : i32 to index
        %get3A_1171 = arith.index_cast %add3A_1162 : i32 to index
        %get3A_1172 = arith.constant 16 : index
        %get3A_1173 = tpu.vector_load %arg8[%get3A_1170, %get3A_1171, %get3A_1172] {strides = array<i32>} : memref<4x208x64xf32, #tpu.memory_space<vmem>>, vector<16xf32>,
        %mul3A_1174 = arith.mulf %get3A_1173, %get3A_490 : vector<16xf32>
        %add3A_1175 = arith.addf %mul3A_1168, %mul3A_1174 : vector<16xf32>
        %get3A_1176 = arith.constant 3 : i32
        %get3A_1177 = arith.index_cast %get3A_1176 : i32 to index
        %get3A_1178 = arith.index_cast %add3A_1162 : i32 to index
        %get3A_1179 = arith.constant 32 : index
        %get3A_1180 = tpu.vector_load %arg8[%get3A_1177, %get3A_1178, %get3A_1179] {strides = array<i32>} : memref<4x208x64xf32, #tpu.memory_space<vmem>>, vector<16xf32>,
        %mul3A_1181 = arith.mulf %get3A_1180, %get3A_493 : vector<16xf32>
        %add3A_1182 = arith.addf %add3A_1175, %mul3A_1181 : vector<16xf32>
        %get3A_1183 = arith.constant 3 : i32
        %get3A_1184 = arith.index_cast %get3A_1183 : i32 to index
        %get3A_1185 = arith.index_cast %add3A_1162 : i32 to index
        %get3A_1186 = arith.constant 48 : index
        %get3A_1187 = tpu.vector_load %arg8[%get3A_1184, %get3A_1185, %get3A_1186] {strides = array<i32>} : memref<4x208x64xf32, #tpu.memory_space<vmem>>, vector<16xf32>,
        %mul3A_1188 = arith.mulf %get3A_1187, %get3A_496 : vector<16xf32>
        %add3A_1189 = arith.addf %add3A_1182, %mul3A_1188 : vector<16xf32>
        %eq3A_1190 = arith.constant 15 : i32
        %eq3A_1191 = vector.broadcast %eq3A_1190 : i32 to vector<16xi32>
        %eq3A_1192 = arith.cmpi eq, %iota3A, %eq3A_1191 : vector<16xi32>
        %reduce_sum3A_1193 = arith.constant true
        %reduce_sum3A_1194 = vector.broadcast %reduce_sum3A_1193 : i1 to vector<16xi1>
        %reduce_sum3A_1195 = tpu.scan <sum>, %add3A_1189 masked %reduce_sum3A_1194 : vector<16xf32>, vector<16xi1> -> vector<16xf32>
        %reduce_sum3A_1196 = vector.extract %reduce_sum3A_1195[15] : f32 from vector<16xf32>
        %broadcast_in_dim3A_1197 = vector.broadcast %reduce_sum3A_1196 : f32 to vector<16xf32>
        %select_n3A_1198 = arith.select %eq3A_1192, %broadcast_in_dim3A_1197, %select_n3A_1158 : vector<16xi1>, vector<16xf32>
        %mul3A_1199 = arith.constant 16 : i32
        %mul3A_1200 = arith.muli %add3A_558, %mul3A_1199 : i32
        %add3A_1201 = vector.broadcast %mul3A_1200 : i32 to vector<16xi32>
        %add3A_1202 = arith.addi %add3A_1201, %iota3A : vector<16xi32>
        %lt3A_1203 = arith.constant 200 : i32
        %lt3A_1204 = vector.broadcast %lt3A_1203 : i32 to vector<16xi32>
        %lt3A_1205 = arith.cmpi slt, %add3A_1202, %lt3A_1204 : vector<16xi32>
        %jit3A = arith.constant -1.000000e+30 : f32
        %broadcast_in_dim3A_1206 = vector.broadcast %jit3A : f32 to vector<16xf32>
        %select_n3A_1207 = arith.select %lt3A_1205, %select_n3A_1198, %broadcast_in_dim3A_1206 : vector<16xi1>, vector<16xf32>
        %mul3A_1208 = arith.constant 16 : i32
        %mul3A_1209 = arith.muli %add3A_558, %mul3A_1208 : i32
        %swap3A = arith.index_cast %mul3A_1209 : i32 to index
        %swap3A_1210 = tpu.vector_load %arg9[%swap3A] {strides = array<i32>} : memref<208xf32, #tpu.memory_space<vmem>>, vector<16xf32>,
        tpu.vector_store %arg9[%swap3A], %select_n3A_1207 {strides = array<i32>} : memref<208xf32, #tpu.memory_space<vmem>>, vector<16xf32>,
        %max3A = arith.maximumf %scan3A_554, %select_n3A_1207 : vector<16xf32>
        scf.yield %max3A : vector<16xf32>
      }
      %scan3A_504 = arith.constant 13 : i32
      %reduce_max3A_505 = arith.constant true
      %reduce_max3A_506 = vector.broadcast %reduce_max3A_505 : i1 to vector<16xi1>
      %reduce_max3A_507 = tpu.scan <max>, %scan3A_503 masked %reduce_max3A_506 : vector<16xf32>, vector<16xi1> -> vector<16xf32>
      %reduce_max3A_508 = vector.extract %reduce_max3A_507[15] : f32 from vector<16xf32>
      %add3A_509 = arith.constant 4 : i32
      %add3A_510 = arith.addi %add3A_460, %add3A_509 : i32
      %lt3A_511 = arith.constant 128 : i32
      %lt3A_512 = arith.cmpi slt, %add3A_510, %lt3A_511 : i32
      %convert_element_type3A_513 = arith.extui %lt3A_512 : i1 to i32
      %cond3A_514 = arith.constant 0 : i32
      %cond3A_515 = arith.cmpi ne, %convert_element_type3A_513, %cond3A_514 : i32
      scf.if %cond3A_515 {
        %add3A_553 = arith.constant 4 : i32
        %add3A_554 = arith.addi %add3A_460, %add3A_553 : i32
        %dma_start3A_555 = arith.constant 0 : i32
        %dma_start3A_556 = arith.constant 3 : i32
        %dma_start3A_557 = arith.constant 0 : i32
        %dma_start3A_558 = arith.constant 0 : i32
        %dma_start3A_559 = tpu.memref_slice %arg8[%dma_start3A_556, %dma_start3A_557, %dma_start3A_558] : memref<4x208x64xf32, #tpu.memory_space<vmem>> -> memref<1x100x64xf32, #tpu.memory_space<vmem>>
        %dma_start3A_560 = tpu.memref_squeeze %dma_start3A_559 : memref<1x100x64xf32, #tpu.memory_space<vmem>> -> memref<100x64xf32, #tpu.memory_space<vmem>>
        %dma_start3A_561 = arith.constant 0 : i32
        %dma_start3A_562 = tpu.memref_slice %arg6[%add3A_554, %dma_start3A_555, %dma_start3A_561] : memref<128x2x100xi32, #tpu.memory_space<vmem>> -> memref<1x1x100xi32, #tpu.memory_space<vmem>>
        %dma_start3A_563 = tpu.memref_squeeze %dma_start3A_562 : memref<1x1x100xi32, #tpu.memory_space<vmem>> -> memref<100xi32, #tpu.memory_space<vmem>>
        %dma_start3A_564 = arith.constant 0 : i32
        %dma_start3A_565 = arith.constant 0 : i32
        %dma_start3A_566 = tpu.memref_slice %arg2[%dma_start3A_564, %dma_start3A_565] : memref<2000000x64xf32, #tpu.memory_space<hbm>> -> memref<2000000x64xf32, #tpu.memory_space<hbm>>
        tpu.enqueue_indirect_dma source(%dma_start3A_566 : memref<2000000x64xf32, #tpu.memory_space<hbm>>) target(%dma_start3A_560 : memref<100x64xf32, #tpu.memory_space<vmem>>) offsets(%dma_start3A_563 : memref<100xi32, #tpu.memory_space<vmem>>) semaphore(%arg17 : memref<!tpu.dma_semaphore, #tpu.memory_space<semaphore_mem>>)
        %dma_start3A_567 = arith.constant 1 : i32
        %dma_start3A_568 = arith.constant 3 : i32
        %dma_start3A_569 = arith.constant 100 : i32
        %dma_start3A_570 = arith.constant 0 : i32
        %dma_start3A_571 = tpu.memref_slice %arg8[%dma_start3A_568, %dma_start3A_569, %dma_start3A_570] : memref<4x208x64xf32, #tpu.memory_space<vmem>> -> memref<1x100x64xf32, #tpu.memory_space<vmem>>
        %dma_start3A_572 = tpu.memref_squeeze %dma_start3A_571 : memref<1x100x64xf32, #tpu.memory_space<vmem>> -> memref<100x64xf32, #tpu.memory_space<vmem>>
        %dma_start3A_573 = arith.constant 0 : i32
        %dma_start3A_574 = tpu.memref_slice %arg6[%add3A_554, %dma_start3A_567, %dma_start3A_573] : memref<128x2x100xi32, #tpu.memory_space<vmem>> -> memref<1x1x100xi32, #tpu.memory_space<vmem>>
        %dma_start3A_575 = tpu.memref_squeeze %dma_start3A_574 : memref<1x1x100xi32, #tpu.memory_space<vmem>> -> memref<100xi32, #tpu.memory_space<vmem>>
        %dma_start3A_576 = arith.constant 0 : i32
        %dma_start3A_577 = arith.constant 0 : i32
        %dma_start3A_578 = tpu.memref_slice %arg2[%dma_start3A_576, %dma_start3A_577] : memref<2000000x64xf32, #tpu.memory_space<hbm>> -> memref<2000000x64xf32, #tpu.memory_space<hbm>>
        tpu.enqueue_indirect_dma source(%dma_start3A_578 : memref<2000000x64xf32, #tpu.memory_space<hbm>>) target(%dma_start3A_572 : memref<100x64xf32, #tpu.memory_space<vmem>>) offsets(%dma_start3A_575 : memref<100xi32, #tpu.memory_space<vmem>>) semaphore(%arg17 : memref<!tpu.dma_semaphore, #tpu.memory_space<semaphore_mem>>)
      } else {
      }
      %gt3A_516 = arith.constant 0 : i32
      %gt3A_517 = arith.cmpi sgt, %add3A_176, %gt3A_516 : i32
      %convert_element_type3A_518 = arith.extui %gt3A_517 : i1 to i32
      %cond3A_519 = arith.constant 0 : i32
      %cond3A_520 = arith.cmpi ne, %convert_element_type3A_518, %cond3A_519 : i32
      scf.if %cond3A_520 {
        %add3A_553 = arith.addi %mul3A_2, %add3A_460 : i32
        %sub3A_554 = arith.constant 4 : i32
        %sub3A_555 = arith.subi %add3A_553, %sub3A_554 : i32
        %dma_wait3A_556 = arith.constant 0 : i32
        %dma_wait3A_557 = tpu.memref_slice %arg13[%dma_wait3A_556] : memref<208xf32, #tpu.memory_space<vmem>> -> memref<200xf32, #tpu.memory_space<vmem>>
        %dma_wait3A_558 = arith.constant 0 : i32
        %dma_wait3A_559 = tpu.memref_slice %arg5[%sub3A_555, %dma_wait3A_558] : memref<4096x200xf32, #tpu.memory_space<hbm>> -> memref<1x200xf32, #tpu.memory_space<hbm>>
        %dma_wait3A_560 = tpu.memref_squeeze %dma_wait3A_559 : memref<1x200xf32, #tpu.memory_space<hbm>> -> memref<200xf32, #tpu.memory_space<hbm>>
        %dma_wait3A_561 = arith.constant 0 : i32
        %dma_wait3A_562 = tpu.memref_slice %arg5[%sub3A_555, %dma_wait3A_561] : memref<4096x200xf32, #tpu.memory_space<hbm>> -> memref<1x200xf32, #tpu.memory_space<hbm>>
        %dma_wait3A_563 = tpu.memref_squeeze %dma_wait3A_562 : memref<1x200xf32, #tpu.memory_space<hbm>> -> memref<200xf32, #tpu.memory_space<hbm>>
        %dma_wait3A_564 = arith.constant 0 : i32
        %dma_wait3A_565 = tpu.memref_slice %arg13[%dma_wait3A_564] : memref<208xf32, #tpu.memory_space<vmem>> -> memref<200xf32, #tpu.memory_space<vmem>>
        tpu.wait_dma2 semaphore(%arg21 : memref<!tpu.dma_semaphore, #tpu.memory_space<semaphore_mem>>) src(%dma_wait3A_565 : memref<200xf32, #tpu.memory_space<vmem>>) dst(%dma_wait3A_563 : memref<200xf32, #tpu.memory_space<hbm>>)
      } else {
      }
      %broadcast_in_dim3A_521 = arith.constant 0.000000e+00 : f32
      %broadcast_in_dim3A_522 = vector.broadcast %broadcast_in_dim3A_521 : f32 to vector<16xf32>
      %scan3A_523 = arith.constant 0 : i32
      %scan3A_524 = arith.constant 13 : i32
      %scan3A_525 = arith.addi %scan3A_523, %scan3A_524 : i32
      %scan3A_526 = arith.constant 1 : i32
      %scan3A_527 = scf.for %scan3A_553 = %scan3A_523 to %scan3A_525 step %scan3A_526 iter_args(%scan3A_554 = %broadcast_in_dim3A_522) -> (vector<16xf32>)  : i32 {
        %mul3A_555 = arith.constant 1 : i32
        %mul3A_556 = arith.muli %scan3A_553, %mul3A_555 : i32
        %add3A_557 = arith.constant 0 : i32
        %add3A_558 = arith.addi %add3A_557, %mul3A_556 : i32
        %mul3A_559 = arith.constant 16 : i32
        %mul3A_560 = arith.muli %add3A_558, %mul3A_559 : i32
        %get3A_561 = arith.index_cast %mul3A_560 : i32 to index
        %get3A_562 = tpu.vector_load %arg9[%get3A_561] {strides = array<i32>} : memref<208xf32, #tpu.memory_space<vmem>>, vector<16xf32>,
        %sub3A_563 = vector.broadcast %reduce_max3A_508 : f32 to vector<16xf32>
        %sub3A_564 = arith.subf %get3A_562, %sub3A_563 : vector<16xf32>
        %exp3A = math.exp %sub3A_564 : vector<16xf32>
        %mul3A_565 = arith.constant 16 : i32
        %mul3A_566 = arith.muli %add3A_558, %mul3A_565 : i32
        %swap3A = arith.index_cast %mul3A_566 : i32 to index
        %swap3A_567 = tpu.vector_load %arg13[%swap3A] {strides = array<i32>} : memref<208xf32, #tpu.memory_space<vmem>>, vector<16xf32>,
        tpu.vector_store %arg13[%swap3A], %exp3A {strides = array<i32>} : memref<208xf32, #tpu.memory_space<vmem>>, vector<16xf32>,
        %add3A_568 = arith.addf %scan3A_554, %exp3A : vector<16xf32>
        scf.yield %add3A_568 : vector<16xf32>
      }
      %scan3A_528 = arith.constant 13 : i32
      %broadcast_in_dim3A_529 = arith.constant 0.000000e+00 : f32
      %broadcast_in_dim3A_530 = vector.broadcast %broadcast_in_dim3A_529 : f32 to vector<16xf32>
      %reduce_sum3A_531 = arith.constant true
      %reduce_sum3A_532 = vector.broadcast %reduce_sum3A_531 : i1 to vector<16xi1>
      %reduce_sum3A_533 = tpu.scan <sum>, %scan3A_527 masked %reduce_sum3A_532 : vector<16xf32>, vector<16xi1> -> vector<16xf32>
      %reduce_sum3A_534 = vector.extract %reduce_sum3A_533[15] : f32 from vector<16xf32>
      %add3A_535 = vector.broadcast %reduce_sum3A_534 : f32 to vector<16xf32>
      %add3A_536 = arith.addf %broadcast_in_dim3A_530, %add3A_535 : vector<16xf32>
      %scan3A_537 = arith.constant 0 : i32
      %scan3A_538 = arith.constant 13 : i32
      %scan3A_539 = arith.addi %scan3A_537, %scan3A_538 : i32
      %scan3A_540 = arith.constant 1 : i32
      scf.for %scan3A_553 = %scan3A_537 to %scan3A_539 step %scan3A_540  : i32 {
        %mul3A_554 = arith.constant 1 : i32
        %mul3A_555 = arith.muli %scan3A_553, %mul3A_554 : i32
        %add3A_556 = arith.constant 0 : i32
        %add3A_557 = arith.addi %add3A_556, %mul3A_555 : i32
        %mul3A_558 = arith.constant 16 : i32
        %mul3A_559 = arith.muli %add3A_557, %mul3A_558 : i32
        %get3A_560 = arith.index_cast %mul3A_559 : i32 to index
        %get3A_561 = tpu.vector_load %arg13[%get3A_560] {strides = array<i32>} : memref<208xf32, #tpu.memory_space<vmem>>, vector<16xf32>,
        %div3A = arith.divf %get3A_561, %add3A_536 : vector<16xf32>
        %mul3A_562 = arith.constant 16 : i32
        %mul3A_563 = arith.muli %add3A_557, %mul3A_562 : i32
        %swap3A = arith.index_cast %mul3A_563 : i32 to index
        %swap3A_564 = tpu.vector_load %arg13[%swap3A] {strides = array<i32>} : memref<208xf32, #tpu.memory_space<vmem>>, vector<16xf32>,
        tpu.vector_store %arg13[%swap3A], %div3A {strides = array<i32>} : memref<208xf32, #tpu.memory_space<vmem>>, vector<16xf32>,
      }
      %scan3A_541 = arith.constant 13 : i32
      %add3A_542 = arith.addi %mul3A_2, %add3A_460 : i32
      %dma_start3A_543 = arith.constant 0 : i32
      %dma_start3A_544 = tpu.memref_slice %arg13[%dma_start3A_543] : memref<208xf32, #tpu.memory_space<vmem>> -> memref<200xf32, #tpu.memory_space<vmem>>
      %dma_start3A_545 = arith.constant 0 : i32
      %dma_start3A_546 = tpu.memref_slice %arg5[%add3A_542, %dma_start3A_545] : memref<4096x200xf32, #tpu.memory_space<hbm>> -> memref<1x200xf32, #tpu.memory_space<hbm>>
      %dma_start3A_547 = tpu.memref_squeeze %dma_start3A_546 : memref<1x200xf32, #tpu.memory_space<hbm>> -> memref<200xf32, #tpu.memory_space<hbm>>
      %dma_start3A_548 = arith.constant 0 : i32
      %dma_start3A_549 = tpu.memref_slice %arg5[%add3A_542, %dma_start3A_548] : memref<4096x200xf32, #tpu.memory_space<hbm>> -> memref<1x200xf32, #tpu.memory_space<hbm>>
      %dma_start3A_550 = tpu.memref_squeeze %dma_start3A_549 : memref<1x200xf32, #tpu.memory_space<hbm>> -> memref<200xf32, #tpu.memory_space<hbm>>
      %dma_start3A_551 = arith.constant 0 : i32
      %dma_start3A_552 = tpu.memref_slice %arg13[%dma_start3A_551] : memref<208xf32, #tpu.memory_space<vmem>> -> memref<200xf32, #tpu.memory_space<vmem>>
      tpu.enqueue_dma source(%dma_start3A_552 : memref<200xf32, #tpu.memory_space<vmem>>) target(%dma_start3A_550 : memref<200xf32, #tpu.memory_space<hbm>>) target_semaphore(%arg21 : memref<!tpu.dma_semaphore, #tpu.memory_space<semaphore_mem>>)
    }
    %scan3A_109 = arith.constant 32 : i32
    %add3A_110 = arith.constant 128 : i32
    %add3A_111 = arith.addi %mul3A_2, %add3A_110 : i32
    %sub3A = arith.constant 4 : i32
    %sub3A_112 = arith.subi %add3A_111, %sub3A : i32
    %add3A_113 = arith.constant 0 : i32
    %add3A_114 = arith.addi %sub3A_112, %add3A_113 : i32
    %dma_wait3A = arith.constant 0 : i32
    %dma_wait3A_115 = tpu.memref_slice %arg10[%dma_wait3A] : memref<208xf32, #tpu.memory_space<vmem>> -> memref<200xf32, #tpu.memory_space<vmem>>
    %dma_wait3A_116 = arith.constant 0 : i32
    %dma_wait3A_117 = tpu.memref_slice %arg5[%add3A_114, %dma_wait3A_116] : memref<4096x200xf32, #tpu.memory_space<hbm>> -> memref<1x200xf32, #tpu.memory_space<hbm>>
    %dma_wait3A_118 = tpu.memref_squeeze %dma_wait3A_117 : memref<1x200xf32, #tpu.memory_space<hbm>> -> memref<200xf32, #tpu.memory_space<hbm>>
    %dma_wait3A_119 = arith.constant 0 : i32
    %dma_wait3A_120 = tpu.memref_slice %arg5[%add3A_114, %dma_wait3A_119] : memref<4096x200xf32, #tpu.memory_space<hbm>> -> memref<1x200xf32, #tpu.memory_space<hbm>>
    %dma_wait3A_121 = tpu.memref_squeeze %dma_wait3A_120 : memref<1x200xf32, #tpu.memory_space<hbm>> -> memref<200xf32, #tpu.memory_space<hbm>>
    %dma_wait3A_122 = arith.constant 0 : i32
    %dma_wait3A_123 = tpu.memref_slice %arg10[%dma_wait3A_122] : memref<208xf32, #tpu.memory_space<vmem>> -> memref<200xf32, #tpu.memory_space<vmem>>
    tpu.wait_dma2 semaphore(%arg18 : memref<!tpu.dma_semaphore, #tpu.memory_space<semaphore_mem>>) src(%dma_wait3A_123 : memref<200xf32, #tpu.memory_space<vmem>>) dst(%dma_wait3A_121 : memref<200xf32, #tpu.memory_space<hbm>>)
    %add3A_124 = arith.constant 128 : i32
    %add3A_125 = arith.addi %mul3A_2, %add3A_124 : i32
    %sub3A_126 = arith.constant 4 : i32
    %sub3A_127 = arith.subi %add3A_125, %sub3A_126 : i32
    %add3A_128 = arith.constant 1 : i32
    %add3A_129 = arith.addi %sub3A_127, %add3A_128 : i32
    %dma_wait3A_130 = arith.constant 0 : i32
    %dma_wait3A_131 = tpu.memref_slice %arg11[%dma_wait3A_130] : memref<208xf32, #tpu.memory_space<vmem>> -> memref<200xf32, #tpu.memory_space<vmem>>
    %dma_wait3A_132 = arith.constant 0 : i32
    %dma_wait3A_133 = tpu.memref_slice %arg5[%add3A_129, %dma_wait3A_132] : memref<4096x200xf32, #tpu.memory_space<hbm>> -> memref<1x200xf32, #tpu.memory_space<hbm>>
    %dma_wait3A_134 = tpu.memref_squeeze %dma_wait3A_133 : memref<1x200xf32, #tpu.memory_space<hbm>> -> memref<200xf32, #tpu.memory_space<hbm>>
    %dma_wait3A_135 = arith.constant 0 : i32
    %dma_wait3A_136 = tpu.memref_slice %arg5[%add3A_129, %dma_wait3A_135] : memref<4096x200xf32, #tpu.memory_space<hbm>> -> memref<1x200xf32, #tpu.memory_space<hbm>>
    %dma_wait3A_137 = tpu.memref_squeeze %dma_wait3A_136 : memref<1x200xf32, #tpu.memory_space<hbm>> -> memref<200xf32, #tpu.memory_space<hbm>>
    %dma_wait3A_138 = arith.constant 0 : i32
    %dma_wait3A_139 = tpu.memref_slice %arg11[%dma_wait3A_138] : memref<208xf32, #tpu.memory_space<vmem>> -> memref<200xf32, #tpu.memory_space<vmem>>
    tpu.wait_dma2 semaphore(%arg19 : memref<!tpu.dma_semaphore, #tpu.memory_space<semaphore_mem>>) src(%dma_wait3A_139 : memref<200xf32, #tpu.memory_space<vmem>>) dst(%dma_wait3A_137 : memref<200xf32, #tpu.memory_space<hbm>>)
    %add3A_140 = arith.constant 128 : i32
    %add3A_141 = arith.addi %mul3A_2, %add3A_140 : i32
    %sub3A_142 = arith.constant 4 : i32
    %sub3A_143 = arith.subi %add3A_141, %sub3A_142 : i32
    %add3A_144 = arith.constant 2 : i32
    %add3A_145 = arith.addi %sub3A_143, %add3A_144 : i32
    %dma_wait3A_146 = arith.constant 0 : i32
    %dma_wait3A_147 = tpu.memref_slice %arg12[%dma_wait3A_146] : memref<208xf32, #tpu.memory_space<vmem>> -> memref<200xf32, #tpu.memory_space<vmem>>
    %dma_wait3A_148 = arith.constant 0 : i32
    %dma_wait3A_149 = tpu.memref_slice %arg5[%add3A_145, %dma_wait3A_148] : memref<4096x200xf32, #tpu.memory_space<hbm>> -> memref<1x200xf32, #tpu.memory_space<hbm>>
    %dma_wait3A_150 = tpu.memref_squeeze %dma_wait3A_149 : memref<1x200xf32, #tpu.memory_space<hbm>> -> memref<200xf32, #tpu.memory_space<hbm>>
    %dma_wait3A_151 = arith.constant 0 : i32
    %dma_wait3A_152 = tpu.memref_slice %arg5[%add3A_145, %dma_wait3A_151] : memref<4096x200xf32, #tpu.memory_space<hbm>> -> memref<1x200xf32, #tpu.memory_space<hbm>>
    %dma_wait3A_153 = tpu.memref_squeeze %dma_wait3A_152 : memref<1x200xf32, #tpu.memory_space<hbm>> -> memref<200xf32, #tpu.memory_space<hbm>>
    %dma_wait3A_154 = arith.constant 0 : i32
    %dma_wait3A_155 = tpu.memref_slice %arg12[%dma_wait3A_154] : memref<208xf32, #tpu.memory_space<vmem>> -> memref<200xf32, #tpu.memory_space<vmem>>
    tpu.wait_dma2 semaphore(%arg20 : memref<!tpu.dma_semaphore, #tpu.memory_space<semaphore_mem>>) src(%dma_wait3A_155 : memref<200xf32, #tpu.memory_space<vmem>>) dst(%dma_wait3A_153 : memref<200xf32, #tpu.memory_space<hbm>>)
    %add3A_156 = arith.constant 128 : i32
    %add3A_157 = arith.addi %mul3A_2, %add3A_156 : i32
    %sub3A_158 = arith.constant 4 : i32
    %sub3A_159 = arith.subi %add3A_157, %sub3A_158 : i32
    %add3A_160 = arith.constant 3 : i32
    %add3A_161 = arith.addi %sub3A_159, %add3A_160 : i32
    %dma_wait3A_162 = arith.constant 0 : i32
    %dma_wait3A_163 = tpu.memref_slice %arg13[%dma_wait3A_162] : memref<208xf32, #tpu.memory_space<vmem>> -> memref<200xf32, #tpu.memory_space<vmem>>
    %dma_wait3A_164 = arith.constant 0 : i32
    %dma_wait3A_165 = tpu.memref_slice %arg5[%add3A_161, %dma_wait3A_164] : memref<4096x200xf32, #tpu.memory_space<hbm>> -> memref<1x200xf32, #tpu.memory_space<hbm>>
    %dma_wait3A_166 = tpu.memref_squeeze %dma_wait3A_165 : memref<1x200xf32, #tpu.memory_space<hbm>> -> memref<200xf32, #tpu.memory_space<hbm>>
    %dma_wait3A_167 = arith.constant 0 : i32
    %dma_wait3A_168 = tpu.memref_slice %arg5[%add3A_161, %dma_wait3A_167] : memref<4096x200xf32, #tpu.memory_space<hbm>> -> memref<1x200xf32, #tpu.memory_space<hbm>>
    %dma_wait3A_169 = tpu.memref_squeeze %dma_wait3A_168 : memref<1x200xf32, #tpu.memory_space<hbm>> -> memref<200xf32, #tpu.memory_space<hbm>>
    %dma_wait3A_170 = arith.constant 0 : i32
    %dma_wait3A_171 = tpu.memref_slice %arg13[%dma_wait3A_170] : memref<208xf32, #tpu.memory_space<vmem>> -> memref<200xf32, #tpu.memory_space<vmem>>
    tpu.wait_dma2 semaphore(%arg21 : memref<!tpu.dma_semaphore, #tpu.memory_space<semaphore_mem>>) src(%dma_wait3A_171 : memref<200xf32, #tpu.memory_space<vmem>>) dst(%dma_wait3A_169 : memref<200xf32, #tpu.memory_space<hbm>>)
    return
  }
}

module attributes {stable_mosaic.version = 14 : i64} {
  func.func @_ctx_body(%arg0: i32, %arg1: memref<512x128xf32, #tpu.memory_space<vmem>>, %arg2: memref<128x64xf32, #tpu.memory_space<vmem>>, %arg3: memref<1x64xf32, #tpu.memory_space<vmem>>, %arg4: memref<512x64xf32, #tpu.memory_space<vmem>>) attributes {dimension_semantics = [#tpu.dimension_semantics<arbitrary>], iteration_bounds = array<i64: 8>, scalar_prefetch = 0 : i64, scratch_operands = 0 : i64, tpu.core_type = #tpu.core_type<tc>, window_params = [{transform_indices = @transform_0, window_bounds = array<i64: 512, 128>}, {pipeline_mode = #tpu.pipeline_mode<synchronous>, transform_indices = @transform_1, window_bounds = array<i64: 128, 64>}, {pipeline_mode = #tpu.pipeline_mode<synchronous>, transform_indices = @transform_2, window_bounds = array<i64: 1, 64>}, {transform_indices = @transform_3, window_bounds = array<i64: 512, 64>}]} {
    %get3A = arith.constant 0 : index
    %get3A_0 = arith.constant 0 : index
    %get3A_1 = vector.load %arg1[%get3A, %get3A_0] : memref<512x128xf32, #tpu.memory_space<vmem>>, vector<512x128xf32>
    %get3A_2 = arith.constant 0 : index
    %get3A_3 = arith.constant 0 : index
    %get3A_4 = vector.load %arg2[%get3A_2, %get3A_3] : memref<128x64xf32, #tpu.memory_space<vmem>>, vector<128x64xf32>
    %dot_general3A = arith.constant dense<0.000000e+00> : vector<512x64xf32>
    %dot_general3A_5 = tpu.matmul %get3A_1, %get3A_4, %dot_general3A {dimension_numbers = #tpu.dot_dimension_numbers<[1], [0], [0], [1], [0, 0, 1, 1], [], []>, transpose_lhs_hint = false} : vector<512x128xf32>, vector<128x64xf32>, vector<512x64xf32> -> vector<512x64xf32>
    %get3A_6 = arith.constant 0 : index
    %get3A_7 = arith.constant 0 : index
    %get3A_8 = vector.load %arg3[%get3A_6, %get3A_7] : memref<1x64xf32, #tpu.memory_space<vmem>>, vector<1x64xf32>
    %add3A = vector.broadcast %get3A_8 : vector<1x64xf32> to vector<512x64xf32>
    %add3A_9 = arith.addf %dot_general3A_5, %add3A : vector<512x64xf32>
    %max3A = arith.constant 0.000000e+00 : f32
    %max3A_10 = vector.broadcast %max3A : f32 to vector<512x64xf32>
    %max3A_11 = arith.maximumf %add3A_9, %max3A_10 : vector<512x64xf32>
    %swap3A = arith.constant 0 : index
    %swap3A_12 = arith.constant 0 : index
    %swap3A_13 = vector.load %arg4[%swap3A, %swap3A_12] : memref<512x64xf32, #tpu.memory_space<vmem>>, vector<512x64xf32>
    tpu.vector_store %arg4[%swap3A, %swap3A_12], %max3A_11 {strides = array<i32>} : memref<512x64xf32, #tpu.memory_space<vmem>>, vector<512x64xf32>,
    return
  }
  func.func @transform_0(%arg0: i32) -> (i32, i32) {
    %c0_i32 = arith.constant 0 : i32
    %c0_i32_0 = arith.constant 0 : i32
    return %arg0, %c0_i32 : i32, i32
  }
  func.func @transform_1(%arg0: i32) -> (i32, i32) {
    %c0_i32 = arith.constant 0 : i32
    %c0_i32_0 = arith.constant 0 : i32
    %c0_i32_1 = arith.constant 0 : i32
    return %c0_i32, %c0_i32_0 : i32, i32
  }
  func.func @transform_2(%arg0: i32) -> (i32, i32) {
    %c0_i32 = arith.constant 0 : i32
    %c0_i32_0 = arith.constant 0 : i32
    %c0_i32_1 = arith.constant 0 : i32
    return %c0_i32, %c0_i32_0 : i32, i32
  }
  func.func @transform_3(%arg0: i32) -> (i32, i32) {
    %c0_i32 = arith.constant 0 : i32
    %c0_i32_0 = arith.constant 0 : i32
    return %arg0, %c0_i32 : i32, i32
  }
}

</mosaic_0001>

<sc_bundles>
// kernel: kernel.4.cloned.1.call-start
scs
__scs_entry_jumppad:
0x0: {  	(pc) =	sbr.rel $0x88, $3  }
0x1: {  	(tag) =	ssettag $0x0;
	lr =	simm.s32 $0x1  }
0x2: {  	[smem:$0x3F9C] =	sst lr;
	_ =	strace $0xD0000000  }
0x3: {  	_ = 	snop  }
0x4: {  	_ = 	snop  }
0x5: {  	_ = 	snop  }
0x6: {  	_ = 	snop  }
0x7: {  	_ = 	snop  }
__scs_overlays_trampoline_lowered:
0x8: {  	[smem:$0x3FAB] =	sst s0  }
0x9: {  	[smem:$0x3FAC] =	sst s1  }
0xa: {  	[smem:$0x3FAD] =	sst s2  }
0xb: {  	[smem:$0x3FAE] =	sst s3  }
0xc: {  	[smem:$0x3FAF] =	sst s4  }
0xd: {  	[smem:$0x3FB0] =	sst s5  }
0xe: {  	[smem:$0x3FB1] =	sst s6  }
0xf: {  	[smem:$0x3FB2] =	sst s7  }
0x10: {  	[smem:$0x3FB3] =	sst s8  }
0x11: {  	[smem:$0x3FB4] =	sst s9;
	s0 =	simm.s32 @!p0 $0x0  }
0x12: {  	s1 =	sld [smem:$0x3F9A];
	s0 =	simm.s32 @p0 $0x1  }
0x13: {  	[smem:$0x3FB5] =	sst s0;
	s0 =	simm.s32 @!p1 $0x0  }
0x14: {  	s2 =	sld [smem:$0x3F99];
	s0 =	simm.s32 @p1 $0x1  }
0x15: {  	[smem:$0x3FB6] =	sst s0;
	s0 =	simm.s32 @!p2 $0x0  }
0x16: {  	s3 =	sld [smem:$0x3FDB];
	s0 =	simm.s32 @p2 $0x1  }
0x17: {  	s4 =	simm.s32 $0x1BF5;
	[smem:$0x3FB8] =	sst s0  }
0x18: {  	s0 =	sld [smem:$0x3F9B];
	_ =	swait.ge [sflag:s4], $0x0  }
0x19: {  	s7 =	sld [smem:$0x3F9C]  }
0x1a: {  	s8 =	sadd.s32 $0xFFFFE003, lr  }
0x1b: {  	s9 =	sadd.s32 $0xFFFFFEF7, lr;
	s5 =	simm.s32 $0xFFFFFFFF;
	p2 =	slt.u32 s8, $0xFFFFF086  }
0x1c: {  	p1 =	slt.u32 s9, $0xF7A;
	s5 =	simm.s32 @!p2 $0x0  }
0x1d: {  	s5 =	simm.s32 @p1 $0x1;
	p0 =	seq.s32 s7, s2  }
0x1e: {  	s7 =	smul.u32 @!p0 $0xF7A, s2;
	p2 =	seq.s32 @!p0 s5, $0x0  }
0x1f: {  	s9 =	smul.u32 $0xF7A, s1;
	s8 =	simm.s32 @!p0 $0x1BF5;
	p2 =	por !p2, p0  }
0x20: {  	[sflag:s8] =	ssyncset.s32 @!p0 $0xFFFFF086;
	s6 =	sadd.s32 @!p0 s3, s7;
	s7 =	simm.s32 @!p0 $0x108  }
0x21: {  	s3 =	sadd.s32 s3, s9;
	s6 =	sadd.s32 @!p0 $0x88, s6;
	s7 =	simm.s32 @p2 $0x1082  }
0x22: {  	[simem:s7], [sflag:s8] =	dma.local @!p0 [hbm:s6], $0xF7A  }
0x23: {  	s9 =	sor.u32 $0xD0000000, s2;
	s6 =	simm.s32 $0x108;
	_ =	swait.ge @!p0 [sflag:s8], $0x0  }
0x24: {  	s3 =	sadd.s32 $0x88, s3;
	s6 =	simm.s32 @!p1 $0x1082;
	[sflag:s4] =	ssyncset.s32 $0xFFFFF086  }
0x25: {  	[simem:s6], [sflag:s4] =	dma.local [hbm:s3], $0xF7A  }
0x26: {  	[smem:$0x3F9C] =	sst s1;
	(tag) =	ssettag s2;
	_ =	strace s9  }
0x27: {  	s1 =	sld [smem:$0x3FAC]  }
0x28: {  	s2 =	sld [smem:$0x3FAD]  }
0x29: {  	s4 =	sld [smem:$0x3FAF]  }
0x2a: {  	p0 =	seq.s32 s5, $0x0;
	s5 =	sld [smem:$0x3FB0]  }
0x2b: {  	s6 =	sld [smem:$0x3FB1]  }
0x2c: {  	s7 =	sld [smem:$0x3FB2]  }
0x2d: {  	s3 =	simm.s32 $0x108;
	s8 =	sld [smem:$0x3FB3]  }
0x2e: {  	s3 =	simm.s32 @!p0 $0x1082;
	s9 =	sld [smem:$0x3FB4]  }
0x2f: {  	lr =	sadd.s32 s0, s3;
	s0 =	sld [smem:$0x3FAB]  }
0x30: {  	s3 =	sld [smem:$0x3FAE]  }
0x31: {  	[smem:$0x3FB7] =	sst s10  }
0x32: {  	s10 =	sld [smem:$0x3FB5];
	_ =	sdelay $0x3  }
0x33: {  	p0 =	seq.s32 s10, $0x1;
	s10 =	sld [smem:$0x3FB7];
	_ =	sdelay $0x3  }
0x34: {  	[smem:$0x3FB7] =	sst s10  }
0x35: {  	s10 =	sld [smem:$0x3FB6];
	_ =	sdelay $0x3  }
0x36: {  	p1 =	seq.s32 s10, $0x1;
	s10 =	sld [smem:$0x3FB7];
	_ =	sdelay $0x3  }
0x37: {  	[smem:$0x3FB7] =	sst s10  }
0x38: {  	s10 =	sld [smem:$0x3FB8]  }
0x39: {  	_ = 	snop;
	(pc) =	sbr.ind lr, $3  }
0x3a: {  	_ = 	snop  }
0x3b: {  	_ = 	snop  }
0x3c: {  	p2 =	seq.s32 s10, $0x1;
	s10 =	sld [smem:$0x3FB7]  }
0x3d: {  	_ =	shalt  }
0x3e: {  	_ =	shalt  }
0x3f: {  	_ =	shalt  }
0x40: {  	_ =	shalt  }
0x41: {  	_ =	shalt  }
0x42: {  	_ =	shalt  }
0x43: {  	_ =	shalt  }
0x44: {  	_ =	shalt  }
0x45: {  	_ =	shalt  }
0x46: {  	_ =	shalt  }
0x47: {  	_ =	shalt  }
0x48: {  	_ =	shalt  }
0x49: {  	_ =	shalt  }
0x4a: {  	_ =	shalt  }
0x4b: {  	_ =	shalt  }
0x4c: {  	_ =	shalt  }
0x4d: {  	_ =	shalt  }
0x4e: {  	_ =	shalt  }
0x4f: {  	_ =	shalt  }
0x50: {  	_ =	shalt  }
0x51: {  	_ =	shalt  }
0x52: {  	_ =	shalt  }
0x53: {  	_ =	shalt  }
0x54: {  	_ =	shalt  }
0x55: {  	_ =	shalt  }
0x56: {  	_ =	shalt  }
0x57: {  	_ =	shalt  }
0x58: {  	_ =	shalt  }
0x59: {  	_ =	shalt  }
0x5a: {  	_ =	shalt  }
0x5b: {  	_ =	shalt  }
0x5c: {  	_ =	shalt  }
0x5d: {  	_ =	shalt  }
0x5e: {  	_ =	shalt  }
0x5f: {  	_ =	shalt  }
0x60: {  	_ =	shalt  }
0x61: {  	_ =	shalt  }
0x62: {  	_ =	shalt  }
0x63: {  	_ =	shalt  }
0x64: {  	_ =	shalt  }
0x65: {  	_ =	shalt  }
0x66: {  	_ =	shalt  }
0x67: {  	_ =	shalt  }
0x68: {  	_ =	shalt  }
0x69: {  	_ =	shalt  }
0x6a: {  	_ =	shalt  }
0x6b: {  	_ =	shalt  }
0x6c: {  	_ =	shalt  }
0x6d: {  	_ =	shalt  }
0x6e: {  	_ =	shalt  }
0x6f: {  	_ =	shalt  }
0x70: {  	_ =	shalt  }
0x71: {  	_ =	shalt  }
0x72: {  	_ =	shalt  }
0x73: {  	_ =	shalt  }
0x74: {  	_ =	shalt  }
0x75: {  	_ =	shalt  }
0x76: {  	_ =	shalt  }
0x77: {  	_ =	shalt  }
0x78: {  	_ =	shalt  }
0x79: {  	_ =	shalt  }
0x7a: {  	_ =	shalt  }
0x7b: {  	_ =	shalt  }
0x7c: {  	_ =	shalt  }
0x7d: {  	_ =	shalt  }
0x7e: {  	_ =	shalt  }
0x7f: {  	_ =	shalt  }
0x80: {  	_ =	shalt  }
0x81: {  	_ =	shalt  }
0x82: {  	_ =	shalt  }
0x83: {  	_ =	shalt  }
0x84: {  	_ =	shalt  }
0x85: {  	_ =	shalt  }
0x86: {  	_ =	shalt  }
0x87: {  	_ =	shalt  }
.Lfunc_end0:
.L_simem_size_0:
called_computation.1_lowered:
.L_overlay_start_0:
0x88: {  	s2 =	sld [smem:$0x3FD9]  }
0x89: {  	s3 =	sld [smem:$0x3FFE];
	_ =	sdelay $0x1  }
0x8a: {  	s1 =	srdreg.scid  }
0x8b: {  	s0 =	sand.u32 $0x1, s1  }
0x8c: {  	s17 =	sshll.u32 s0, $0xA;
	s2 =	sadd.s32 s3, s2  }
0x8d: {  	s2 =	sadd.s32 s2, s17  }
0x8e: {  	[smem:$0x3FC3] =	sst s2  }
0x8f: {  	_ = 	snop  }
0x90: {  	s2 =	sld [smem:$0x3FD0];
	(tm) =	ssettm $0x1  }
0x91: {  	s18 =	sld [smem:$0x3FFB];
	_ =	sdelay $0x3  }
0x92: {  	_ =	strace s18  }
0x93: {  	s3 =	sld [smem:$0x3FFC];
	_ =	sdelay $0x3  }
0x94: {  	_ =	strace s3  }
0x95: {  	s3 =	sld [smem:$0x3FFD];
	_ =	sdelay $0x3  }
0x96: {  	_ =	strace s3  }
0x97: {  	_ =	strace $0x8FFFFFFF  }
0x98: {  	s19 =	sld [smem:$0x3FDB];
	_ =	sdelay $0x1  }
0x99: {  	s4 =	simm.s32 $_scs_section_size  }
0x9a: {  	s5 =	simm.s32 $_size__tile_overlayer_lowered;
	s6 =	simm.s32 $_tile_overlayer_lowered  }
0x9b: {  	s22 =	simm.s32 $0x1BFF;
	s21 =	sshll.u32 s6, $0x1;
	s3 =	sadd.s32 s4, s19  }
0x9c: {  	s7 =	simm.s32 $0x0;
	s20 =	sshll.u32 s5, $0x1;
	s5 =	sadd.s32 s21, s3  }
0x9d: {  	[timem:s7], [sflag:s22] =	dma.local [hbm:s5], s20  }
0x9e: {  	_ =	swait.ge [sflag:s22], s20  }
0x9f: {  	s4 =	ssub.s32 $0x0, s20;
	[sflag:s22] =	ssyncset.done $0x0  }
0xa0: {  	[sflag:s22] =	ssyncadd.s32 s4;
	_ =	sdelay $0x1  }
0xa1: {  	s23 =	simm.s32 $0x1B8B  }
0xa2: {  	_ =	swait.ge [sflag:s23], $0x1  }
0xa3: {  	[sflag:s23] =	ssyncset.done $0x0  }
0xa4: {  	s25 =	simm.s32 $0x1B8E;
	s24 =	sld [smem:$0x3FFE];
	[sflag:s23] =	ssyncadd.s32 $0xFFFFFFFF  }
0xa5: {  	s26 =	simm.s32 $execute0_lowered;
	[smem:$0x3FD2] =	sst s25  }
0xa6: {  	s5 =	sshll.u32 s26, $0x1;
	_ =	strace $0x80000049;
	[dreg:$0x1] =	wrdreg $0xFFFFFFFF  }
0xa7: {  	s28 =	simm.s32 $_size_execute0_lowered;
	s3 =	sadd.s32 s3, s5;
	[dreg:$0x0] =	wrdreg $0x0  }
0xa8: {  	s5 =	sshll.u32 s28, $0x1;
	[dreg:$0x2] =	wrdreg s3  }
0xa9: {  	[dreg:$0x3] =	wrdreg s5  }
0xaa: {  	[dreg:$0x4] =	wrdreg $0xC0  }
0xab: {  	_ =	task [dreg:s7], $0x5FFFF  }
0xac: {  	[dreg:$0x1] =	wrdreg $0xFFFFFFFF  }
0xad: {  	[dreg:$0x0] =	wrdreg $0x60  }
0xae: {  	[dreg:$0x2] =	wrdreg s24  }
0xaf: {  	[dreg:$0x3] =	wrdreg s2  }
0xb0: {  	[dreg:$0x4] =	wrdreg $0x9  }
0xb1: {  	_ =	task.clear_ibuf [dreg:s7], $0x5FFFF;
	_ =	strace $0x90000049  }
0xb2: {  	s29 =	simm.s32 $0x9;
	_ =	strace $0x8000004B  }
0xb3: {  	_ =	swait.ge [sflag:s29], $0x1  }
0xb4: {  	[sflag:s29] =	ssyncadd.s32 $0xFFFFFFFF  }
0xb5: {  	_ =	strace $0x9000004B  }
0xb6: {  	_ =	sfence  }
0xb7: {  	s30 =	sld [smem:$0x0];
	_ =	sdelay $0x2  }
0xb8: {  	s31 =	sshll.u32 s1, $0xD;
	s1 =	sshrl.u32 s1, $0x2  }
0xb9: {  	s3 =	sand.u32 $0x4000, s31;
	s1 =	sadd.s32 s1, s30  }
0xba: {  	s0 =	sor.u32 s3, s0;
	s1 =	sshll.u32 s1, $0x11  }
0xbb: {  	s0 =	sor.u32 s1, s0  }
0xbc: {  	s0 =	sadd.s32 $0x8F2B, s0  }
0xbd: {  	[sflag:s0] =	ssyncadd.remote.s32 $0x1  }
0xbe: {  	_ =	sfence.sel $0xFFFF  }
0xbf: {  	[dreg:$0x0] =	wrdreg $0xFFFFFFFF;
	(pc) =	sbr.abs _section_cstart, $3  }
0xc0: {  	[dreg:$0x1] =	wrdreg $0xFFFFFFFF  }
0xc1: {  	_ =	task.clear_ibuf [dreg:s7], $0x2FFFF;
	_ =	strace $0x9FFFFFFF  }
0xc2: {  	(tm) =	ssettm $0x7FFFFFFF  }
0xc3: {  	_ =	shalt  }
tec
execute0_lowered:
.L_overlay_start_1:
0x0: {  	(tag) =	ssettag $0x1  }
0x1: {  	s0 =	srdreg.scid;
	s1 =	rddreg [dreg:$0x0]  }
0x2: {  	s3 =	stileid.u32;
	s2 =	rddreg [dreg:$0x1];
	s9 =	simm.s32 $0x9  }
0x3: {  	s11 =	simm.s32 $0x64;
	s26 =	simm.s32 $0x13D00;
	s28 =	simm.s32 $0x1  }
0x4: {  	s29 =	simm.s32 $0x158D0;
	s30 =	simm.s32 $0x2;
	s31 =	simm.s32 $0x159A0  }
0x5: {  	s10 =	simm.s32 $0x4;
	s12 =	simm.s32 $0x15B40;
	s13 =	simm.s32 $0x5  }
0x6: {  	s14 =	simm.s32 $0x6;
	s15 =	simm.s32 $0x7;
	s16 =	simm.s32 $0x8  }
0x7: {  	s17 =	simm.s32 $0x0;
	s0 =	sand.u32 $0x1, s0;
	s4 =	sshll.u32 s3, $0x8  }
0x8: {  	vm0 =	vmmov $0x1;
	vm1 =	vmmov $0x3;
	vm2 =	vmmov $0x7;
	s3 =	simm.s32 $0x0;
	s5 =	sshll.u32 s0, $0x7;
	s0 =	ssub.s32 $0x2, s0  }
0x9: {  	vm3 =	vmmov $0xf;
	vm4 =	vmmov $0x1f;
	vm5 =	vmmov $0x3f;
	[smem:$0x7FF] =	sst s3;
	s4 =	sor.u32 s5, s4;
	s8 =	sshrl.u32 s0, $0x1  }
0xa: {  	vm6 =	vmmov $0x7f;
	vm7 =	vmmov $0xff;
	v0 =	vlaneseq.u32;
	_ =	strace $0x8000004A;
	s6 =	smul.u32 $0x1A, s4;
	s0 =	ssub.s32 s0, s8  }
0xb: {  	vm8 =	vmmov $0x1ff;
	vm9 =	vmmov $0x3ff;
	v0 =	vmul.u32 $0xFFFFFFFF, v0;
	s5 =	sadd.s32 $0xF65400, s1;
	s7 =	sshll.u32 s4, $0x3;
	s8 =	smax.u32 s0, $0x1  }
0xc: {  	vm10 =	vmmov $0x7ff;
	vm11 =	vmmov $0xfff;
	vm12 =	vmmov $0x1fff;
	s0 =	simm.s32 $0x15A70;
	s6 =	sadd.s32 s6, s1;
	s1 =	sadd.s32 s7, s1  }
0xd: {  	vm13 =	vmmov $0x3fff;
	vm14 =	vmmov $0x7fff;
	v0 =	vadd.s32 $0xC8, v0;
	s6 =	sadd.s32 $0xF43400, s6;
	s7 =	sadd.s32 $0xF5D400, s1;
	s1 =	simm.s32 $0x3  }
.LBB2_1:
0xe: {  	[tilespmem:s3], [sflag:$0x9] =	stream.linear.gather [hbm4b:s6+s3], $0x6800, $0x38;
	[tilespmem:$0x15C10] =	vst v63  }
0xf: {  	_ =	swait.ge [sflag:s9], $0x6800  }
0x10: {  	[sflag:s9] =	ssyncset.done $0x0  }
0x11: {  	s18 =	simm.s32 $0x6800;
	[sflag:s9] =	ssyncadd.s32 $0xFFFF9800  }
0x12: {  	[tilespmem:s18], [sflag:$0x9] =	stream.linear.gather [hbm4b:s7+s3], $0x2000, $0x38;
	[tilespmem:$0x15C10] =	vst v63  }
0x13: {  	_ =	swait.ge [sflag:s9], $0x2000  }
0x14: {  	[sflag:s9] =	ssyncset.done $0x0  }
0x15: {  	s20 =	simm.s32 $0x8800;
	[sflag:s9] =	ssyncadd.s32 $0xFFFFE000  }
0x16: {  	[tilespmem:s20], [sflag:$0x1] =	stream.indirect.gather [hbm4b:s5+s11], $0x40, s3, s11, $0xb8;
	[tilespmem:$0x15C10] =	vst v63  }
0x17: {  	s21 =	simm.s32 $0x68;
	s19 =	simm.s32 $0xA100  }
0x18: {  	[tilespmem:s19], [sflag:$0x1] =	stream.indirect.gather [hbm4b:s5+s11], $0x40, s21, s11, $0xb8;
	[tilespmem:$0x15C10] =	vst v63  }
0x19: {  	s22 =	simm.s32 $0xD0;
	s23 =	simm.s32 $0xBC00  }
0x1a: {  	[tilespmem:s23], [sflag:$0x2] =	stream.indirect.gather [hbm4b:s5+s11], $0x40, s22, s11, $0xb8;
	[tilespmem:$0x15C10] =	vst v63  }
0x1b: {  	s24 =	simm.s32 $0x138;
	s25 =	simm.s32 $0xD500  }
0x1c: {  	[tilespmem:s25], [sflag:$0x2] =	stream.indirect.gather [hbm4b:s5+s11], $0x40, s24, s11, $0xb8;
	[tilespmem:$0x15C10] =	vst v63  }
0x1d: {  	s20 =	simm.s32 $0xF000;
	s19 =	simm.s32 $0x1A0  }
0x1e: {  	[tilespmem:s20], [sflag:$0x3] =	stream.indirect.gather [hbm4b:s5+s11], $0x40, s19, s11, $0xb8;
	[tilespmem:$0x15C10] =	vst v63  }
0x1f: {  	s21 =	simm.s32 $0x208;
	s22 =	simm.s32 $0x10900  }
0x20: {  	[tilespmem:s22], [sflag:$0x3] =	stream.indirect.gather [hbm4b:s5+s11], $0x40, s21, s11, $0xb8;
	[tilespmem:$0x15C10] =	vst v63  }
0x21: {  	s23 =	simm.s32 $0x270;
	s24 =	simm.s32 $0x12400  }
0x22: {  	[tilespmem:s24], [sflag:$0x4] =	stream.indirect.gather [hbm4b:s5+s11], $0x40, s23, s11, $0xb8;
	[tilespmem:$0x15C10] =	vst v63  }
0x23: {  	s18 =	simm.s32 $0x0;
	s25 =	simm.s32 $0x2D8  }
0x24: {  	[tilespmem:s26], [sflag:$0x4] =	stream.indirect.gather [hbm4b:s5+s11], $0x40, s25, s11, $0xb8;
	[tilespmem:$0x15C10] =	vst v63  }
.LBB2_2:
0x25: {  	_ =	swait.ge [sflag:s28], $0x1900  }
0x26: {  	[sflag:s28] =	ssyncset.done $0x0  }
0x27: {  	[sflag:s28] =	ssyncadd.s32 $0xFFFFE700  }
0x28: {  	_ =	swait.ge [sflag:s28], $0x1900  }
0x29: {  	s19 =	sshll.u32 s18, $0x8;
	[sflag:s28] =	ssyncset.done $0x0  }
0x2a: {  	s19 =	sand.u32 $0x3FFFFF00, s19;
	[sflag:s28] =	ssyncadd.s32 $0xFFFFE700  }
0x2b: {  	v4 =	vld [tilespmem:s19+$0x6800]  }
0x2c: {  	v3 =	vld [tilespmem:s19+$0x6810]  }
0x2d: {  	v2 =	vld [tilespmem:s19+$0x6820]  }
0x2e: {  	s24 =	simm.s32 $0x8A00;
	v1 =	vld [tilespmem:s19+$0x6830]  }
0x2f: {  	v8 =	vld [tilespmem:s24+$0x1B0]  }
0x30: {  	v9 =	vld [tilespmem:s24+$0x1A0]  }
0x31: {  	v10 =	vld [tilespmem:s24+$0x130]  }
0x32: {  	v11 =	vld [tilespmem:s24+$0x180]  }
0x33: {  	v12 =	vld [tilespmem:s24+$0x190]  }
0x34: {  	v13 =	vld [tilespmem:s24+$0xF0]  }
0x35: {  	v14 =	vld [tilespmem:s24+$0x120]  }
0x36: {  	v6 =	vld [tilespmem:s24+$0x140]  }
0x37: {  	v15 =	vld [tilespmem:s24+$0xE0]  }
0x38: {  	v16 =	vld [tilespmem:s24+$0x100]  }
0x39: {  	v17 =	vld [tilespmem:s24+$0x110]  }
0x3a: {  	v18 =	vld [tilespmem:s24+$0x70]  }
0x3b: {  	v19 =	vld [tilespmem:s24+$0xC0]  }
0x3c: {  	v20 =	vld [tilespmem:s24+$0xD0]  }
0x3d: {  	v21 =	vld [tilespmem:s24+$0x30]  }
0x3e: {  	v22 =	vld [tilespmem:s24+$0x60]  }
0x3f: {  	v7 =	vld [tilespmem:s24+$0x80]  }
0x40: {  	v23 =	vld [tilespmem:s24+$0x20]  }
0x41: {  	v24 =	vld [tilespmem:s24+$0x40]  }
0x42: {  	v25 =	vld [tilespmem:s24+$0x50]  }
0x43: {  	v26 =	vld [tilespmem:s24+$0xFFFFFFB0]  }
0x44: {  	v27 =	vld [tilespmem:s24+$0x0]  }
0x45: {  	v28 =	vld [tilespmem:s24+$0x10]  }
0x46: {  	v29 =	vld [tilespmem:s24+$0xFFFFFF70]  }
0x47: {  	v30 =	vld [tilespmem:s24+$0xFFFFFFA0]  }
0x48: {  	v31 =	vld [tilespmem:s24+$0xFFFFFFC0]  }
0x49: {  	v32 =	vld [tilespmem:s24+$0xFFFFFF60];
	v11 =	vmul.f32 v11, v4  }
0x4a: {  	v33 =	vld [tilespmem:s24+$0xFFFFFF80];
	v12 =	vmul.f32 v12, v3;
	v16 =	vmul.f32 v16, v4  }
0x4b: {  	v34 =	vld [tilespmem:s24+$0xFFFFFF90];
	v17 =	vmul.f32 v17, v3;
	v9 =	vmul.f32 v9, v2  }
0x4c: {  	v53 =	vld [tilespmem:s24+$0xFFFFFE90];
	v8 =	vmul.f32 v8, v1;
	v14 =	vmul.f32 v14, v2;
	v11 =	vadd.f32 v12, v11  }
0x4d: {  	v54 =	vld [tilespmem:s24+$0xFFFFFE40];
	v10 =	vmul.f32 v10, v1;
	v13 =	vmul.f32 v13, v1  }
0x4e: {  	v55 =	vld [tilespmem:s24+$0xFFFFFE30];
	v22 =	vmul.f32 v22, v2;
	v16 =	vadd.f32 v17, v16;
	v9 =	vadd.f32 v9, v11  }
0x4f: {  	v12 =	vld [tilespmem:s24+$0xFFFFFEF0];
	v11 =	vmul.f32 v19, v4;
	v19 =	vmul.f32 v20, v3  }
0x50: {  	v18 =	vmul.f32 v18, v1;
	v17 =	vld [tilespmem:s24+$0xFFFFFF40];
	v14 =	vadd.f32 v14, v16;
	v8 =	vadd.f32 v8, v9  }
0x51: {  	v20 =	vld [tilespmem:s24+$0xFFFFFF50];
	v9 =	vadd.f32 v19, v11;
	v19 =	vmul.f32 v24, v4;
	v24 =	vmul.f32 v25, v3  }
0x52: {  	v23 =	vmul.f32 v23, v2;
	v16 =	vld [tilespmem:s24+$0xFFFFFEB0];
	v11 =	vmul.f32 v15, v2  }
0x53: {  	v52 =	vmul.f32 v34, v3;
	v10 =	vadd.f32 v10, v14;
	v14 =	vld [tilespmem:s24+$0xFFFFFEC0];
	v19 =	vadd.f32 v24, v19  }
0x54: {  	v25 =	vmul.f32 v28, v3;
	v9 =	vadd.f32 v11, v9;
	v11 =	vmul.f32 v27, v4;
	v27 =	vld [tilespmem:s24+$0xFFFFFED0]  }
0x55: {  	v26 =	vmul.f32 v26, v1;
	v15 =	vld [tilespmem:s24+$0xFFFFFEE0];
	v19 =	vadd.f32 v22, v19;
	v22 =	vmul.f32 v33, v4  }
0x56: {  	v17 =	vmul.f32 v17, v4;
	v24 =	vld [tilespmem:s24+$0xFFFFFF00];
	v20 =	vmul.f32 v20, v3;
	v11 =	vadd.f32 v25, v11  }
0x57: {  	v25 =	vld [tilespmem:s24+$0xFFFFFE80];
	v18 =	vadd.f32 v18, v19;
	v19 =	vadd.f32 v52, v22;
	v22 =	vmul.f32 v30, v2  }
0x58: {  	v9 =	vadd.f32 v13, v9;
	v13 =	vmul.f32 v21, v1;
	v21 =	vld [tilespmem:s24+$0xFFFFFEA0];
	v11 =	vadd.f32 v23, v11  }
0x59: {  	v14 =	vmul.f32 v14, v4;
	v23 =	vld [tilespmem:s24+$0xFFFFFE00];
	v19 =	vadd.f32 v22, v19;
	v22 =	vmul.f32 v27, v3  }
0x5a: {  	v17 =	vadd.f32 v20, v17;
	v20 =	vmul.f32 v32, v2;
	v11 =	vadd.f32 v13, v11;
	v13 =	vld [tilespmem:s24+$0xFFFFFE10]  }
0x5b: {  	v29 =	vmul.f32 v29, v1;
	v15 =	vmul.f32 v15, v2;
	v14 =	vadd.f32 v22, v14;
	v22 =	vld [tilespmem:s24+$0xFFFFFE50]  }
0x5c: {  	v17 =	vadd.f32 v20, v17;
	v27 =	vld [tilespmem:s24+$0xFFFFFE20];
	v20 =	vmul.f32 v25, v4;
	v25 =	vmul.f32 v53, v3  }
0x5d: {  	v12 =	vmul.f32 v12, v1;
	v16 =	vmul.f32 v16, v1;
	v14 =	vadd.f32 v15, v14;
	v15 =	vld [tilespmem:s24+$0xFFFFFE60]  }
0x5e: {  	(xrf2) =	vadd.scan.msk.f32 $0xffff, v8;
	v8 =	vadd.f32 v29, v17;
	v17 =	vadd.f32 v25, v20;
	v20 =	vmul.f32 v21, v2;
	v21 =	vld [tilespmem:s24+$0xFFFFFF10]  }
0x5f: {  	(xrf2) =	vadd.scan.msk.f32 $0xffff, v10;
	v10 =	vmul.f32 v23, v4;
	v13 =	vmul.f32 v13, v3;
	v12 =	vadd.f32 v12, v14;
	v14 =	vld [tilespmem:s24+$0xFFFFFE70]  }
0x60: {  	(xrf2) =	vadd.scan.msk.f32 $0xffff, v9;
	v9 =	vadd.f32 v20, v17;
	v17 =	vmul.f32 v54, v4;
	v20 =	vmul.f32 v22, v3;
	v22 =	vld [tilespmem:s24+$0xFFFFFF20]  }
0x61: {  	(xrf2) =	vadd.scan.msk.f32 $0xffff, v18;
	v18 =	vld [tilespmem:s24+$0xFFFFFFD0];
	v19 =	vadd.f32 v26, v19;
	v10 =	vadd.f32 v13, v10;
	v13 =	vmul.f32 v27, v2  }
0x62: {  	(xrf2) =	vadd.scan.msk.f32 $0xffff, v11;
	v11 =	vmul.f32 v55, v1;
	v17 =	vadd.f32 v20, v17;
	v15 =	vmul.f32 v15, v2;
	v20 =	vld [tilespmem:s24+$0xFFFFFF30]  }
0x63: {  	(xrf2) =	vadd.scan.msk.f32 $0xffff, v19;
	v19 =	vmul.f32 v21, v3;
	v21 =	vld [tilespmem:s24+$0xFFFFFFE0];
	v10 =	vadd.f32 v13, v10;
	v13 =	vmul.f32 v24, v4  }
0x64: {  	(xrf2) =	vadd.scan.msk.f32 $0xffff, v8;
	v8 =	vadd.f32 v16, v9;
	v9 =	vadd.f32 v15, v17;
	v14 =	vmul.f32 v14, v1;
	v15 =	vld [tilespmem:s24+$0x90]  }
0x65: {  	(xrf2) =	vadd.scan.msk.f32 $0xffff, v12;
	v10 =	vadd.f32 v11, v10;
	v11 =	vadd.f32 v19, v13;
	v13 =	vld [tilespmem:s24+$0xFFFFFFF0];
	v12 =	vmul.f32 v22, v2  }
0x66: {  	v16 =	vld [tilespmem:s24+$0xA0];
	(xrf2) =	vadd.scan.msk.f32 $0xffff, v8;
	v8 =	vadd.f32 v14, v9;
	v9 =	vmul.f32 v31, v4;
	v14 =	vmul.f32 v18, v3  }
0x67: {  	(xrf2) =	vadd.scan.msk.f32 $0xffff, v10;
	v10 =	vadd.f32 v12, v11;
	v11 =	vmul.f32 v20, v1;
	v12 =	vld [tilespmem:s24+$0x150]  }
0x68: {  	v7 =	vmul.f32 v7, v4;
	v18 =	vld [tilespmem:s24+$0xB0];
	v9 =	vadd.f32 v14, v9  }
0x69: {  	v14 =	vmul.f32 v21, v2;
	v10 =	vadd.f32 v11, v10;
	v11 =	vmul.f32 v15, v3;
	v15 =	vld [tilespmem:s24+$0x160]  }
0x6a: {  	v5 =	vld [tilespmem:s24+$0x1C0];
	v17, _, _ =	vpop (xrf2);
	(xrf2) =	vadd.scan.msk.f32 $0xffff, v8;
	v13 =	vmul.f32 v13, v1  }
0x6b: {  	v8, _, _ =	vpop (xrf2);
	v9 =	vadd.f32 v14, v9;
	v7 =	vadd.f32 v11, v7;
	v11 =	vmul.f32 v16, v2;
	v16 =	vld [tilespmem:s24+$0x170];
	(xrf2) =	vadd.scan.msk.f32 $0xffff, v10  }
0x6c: {  	v6 =	vmul.f32 v6, v4;
	v14 =	vld [tilespmem:s24+$0x1D0];
	v19, _, _ =	vpop (xrf2);
	v12 =	vmul.f32 v12, v3  }
0x6d: {  	v20, _, _ =	vpop (xrf2);
	v9 =	vadd.f32 v13, v9;
	v7 =	vadd.f32 v11, v7  }
0x6e: {  	v10, _, _ =	vpop (xrf2);
	v11 =	vmul.f32 v18, v1;
	v18 =	vld [tilespmem:s24+$0x1E0];
	v6 =	vadd.f32 v12, v6;
	v12 =	vmul.f32 v15, v2  }
0x6f: {  	v13, _, _ =	vpop (xrf2)  }
0x70: {  	(xrf2) =	vadd.scan.msk.f32 $0xffff, v9;
	v21, _, _ =	vpop (xrf2);
	v7 =	vadd.f32 v11, v7;
	v11 =	vld [tilespmem:s24+$0x1F0];
	v6 =	vadd.f32 v12, v6;
	v12 =	vmul.f32 v16, v1  }
0x71: {  	v5 =	vmul.f32 v5, v4;
	v14 =	vmul.f32 v14, v3;
	v9, _, _ =	vpop (xrf2)  }
0x72: {  	v15, _, _ =	vpop (xrf2)  }
0x73: {  	(xrf2) =	vadd.scan.msk.f32 $0xffff, v7;
	v5 =	vadd.f32 v14, v5;
	v16, _, _ =	vpop (xrf2);
	v7 =	vmul.f32 v18, v2  }
0x74: {  	v6 =	vadd.f32 v12, v6;
	v14 =	vbroadcast v16, $0xF;
	v12, _, _ =	vpop (xrf2)  }
0x75: {  	v5 =	vadd.f32 v7, v5;
	v7 =	vmul.f32 v11, v1;
	v12 =	vbroadcast v12, $0xF;
	v11, _, _ =	vpop (xrf2)  }
0x76: {  	v15 =	vbroadcast v15, $0xF;
	v11 =	vbroadcast v11, $0xF  }
0x77: {  	v9 =	vbroadcast v9, $0xF;
	(xrf2) =	vadd.scan.msk.f32 $0xffff, v6;
	v6 =	vsel vm0, v14, v12  }
0x78: {  	v5 =	vadd.f32 v7, v5;
	v6 =	vsel vm1, v6, v15  }
0x79: {  	v7 =	vbroadcast v21, $0xF;
	v6 =	vsel vm2, v6, v9;
	v9 =	vbroadcast v13, $0xF  }
0x7a: {  	v6 =	vsel vm3, v6, v11;
	v11, _, _ =	vpop (xrf2)  }
0x7b: {  	(xrf2) =	vadd.scan.msk.f32 $0xffff, v5;
	v5 =	vsel vm4, v6, v7;
	v6 =	vbroadcast v11, $0xF  }
0x7c: {  	v7 =	vbroadcast v10, $0xF;
	v5 =	vsel vm5, v5, v9  }
0x7d: {  	v5 =	vsel vm6, v5, v6;
	v6 =	vbroadcast v20, $0xF;
	v9, _, _ =	vpop (xrf2)  }
0x7e: {  	v5 =	vsel vm7, v5, v7;
	v7 =	vbroadcast v9, $0xF  }
0x7f: {  	v5 =	vsel vm8, v5, v6;
	v6 =	vbroadcast v19, $0xF  }
0x80: {  	v5 =	vsel vm9, v5, v7;
	v7 =	vbroadcast v8, $0xF  }
0x81: {  	v5 =	vsel vm10, v5, v6  }
0x82: {  	v8, _, _ =	vpop (xrf2);
	v5 =	vsel vm11, v5, v7;
	v7 =	vbroadcast v17, $0xF  }
0x83: {  	v6 =	vbroadcast v8, $0xF;
	_ =	sdelay $0x1  }
0x84: {  	s25 =	simm.s32 $0x0;
	v5 =	vsel vm12, v5, v6  }
0x85: {  	v6 =	vmov s25;
	v5 =	vsel vm13, v5, v7;
	v7, _, _ =	vpop (xrf2)  }
0x86: {  	vm15 =	vlt.u32 v6, v0;
	v5 =	vsel vm14, v5, v7  }
0x87: {  	s19 =	simm.s32 $0x15800;
	v5 =	vnsel vm15, $0xF149F2CA, v5  }
0x88: {  	s20 =	simm.s32 $0x8E00;
	[tilespmem:s19+$0x0] =	vst v5  }
0x89: {  	v9 =	vld [tilespmem:s20+$0x1B0]  }
0x8a: {  	v6 =	vld [tilespmem:s20+$0x1C0]  }
0x8b: {  	v10 =	vld [tilespmem:s20+$0x1A0]  }
0x8c: {  	v11 =	vld [tilespmem:s20+$0x130]  }
0x8d: {  	v12 =	vld [tilespmem:s20+$0x180]  }
0x8e: {  	v13 =	vld [tilespmem:s20+$0x190]  }
0x8f: {  	v14 =	vld [tilespmem:s20+$0xF0]  }
0x90: {  	v15 =	vld [tilespmem:s20+$0x120]  }
0x91: {  	v7 =	vld [tilespmem:s20+$0x140]  }
0x92: {  	v16 =	vld [tilespmem:s20+$0xE0]  }
0x93: {  	v17 =	vld [tilespmem:s20+$0x100]  }
0x94: {  	v18 =	vld [tilespmem:s20+$0x110]  }
0x95: {  	v19 =	vld [tilespmem:s20+$0x70]  }
0x96: {  	v20 =	vld [tilespmem:s20+$0xC0]  }
0x97: {  	v21 =	vld [tilespmem:s20+$0xD0]  }
0x98: {  	v22 =	vld [tilespmem:s20+$0x30]  }
0x99: {  	v23 =	vld [tilespmem:s20+$0x60]  }
0x9a: {  	v8 =	vld [tilespmem:s20+$0x80]  }
0x9b: {  	v24 =	vld [tilespmem:s20+$0x20]  }
0x9c: {  	v25 =	vld [tilespmem:s20+$0x40]  }
0x9d: {  	v26 =	vld [tilespmem:s20+$0x50]  }
0x9e: {  	v27 =	vld [tilespmem:s20+$0xFFFFFFB0]  }
0x9f: {  	v56 =	vld [tilespmem:s20+$0x0];
	v12 =	vmul.f32 v12, v4;
	v13 =	vmul.f32 v13, v3  }
0xa0: {  	v57 =	vld [tilespmem:s20+$0x10];
	v10 =	vmul.f32 v10, v2;
	v17 =	vmul.f32 v17, v4  }
0xa1: {  	v58 =	vld [tilespmem:s20+$0xFFFFFF70];
	v18 =	vmul.f32 v18, v3;
	v20 =	vmul.f32 v20, v4;
	v13 =	vadd.f32 v13, v12  }
0xa2: {  	v59 =	vld [tilespmem:s20+$0xFFFFFFA0];
	v21 =	vmul.f32 v21, v3;
	v15 =	vmul.f32 v15, v2  }
0xa3: {  	v60 =	vld [tilespmem:s20+$0xFFFFFF60];
	v9 =	vmul.f32 v9, v1;
	v10 =	vadd.f32 v10, v13;
	v13 =	vadd.f32 v18, v17  }
0xa4: {  	v61 =	vld [tilespmem:s20+$0xFFFFFEF0];
	v16 =	vmul.f32 v16, v2;
	v11 =	vmul.f32 v11, v1;
	v18 =	vadd.f32 v21, v20  }
0xa5: {  	v14 =	vmul.f32 v14, v1;
	v12 =	vld [tilespmem:s20+$0xFFFFFFC0];
	v13 =	vadd.f32 v15, v13;
	v9 =	vadd.f32 v9, v10  }
0xa6: {  	v20 =	vld [tilespmem:s20+$0xFFFFFF90];
	v10 =	vadd.f32 v16, v18;
	v16 =	vmul.f32 v25, v4;
	v18 =	vmul.f32 v26, v3  }
0xa7: {  	v17 =	vld [tilespmem:s20+$0xFFFFFF80];
	v11 =	vadd.f32 v11, v13;
	(xrf2) =	vadd.scan.msk.f32 $0xffff, v9  }
0xa8: {  	v21 =	vld [tilespmem:s20+$0xFFFFFF50];
	v9 =	vmul.f32 v23, v2;
	v10 =	vadd.f32 v14, v10;
	v14 =	vadd.f32 v18, v16  }
0xa9: {  	v15 =	vld [tilespmem:s20+$0xFFFFFF40];
	v16 =	vmul.f32 v57, v3;
	(xrf2) =	vadd.scan.msk.f32 $0xffff, v11;
	v11 =	vmul.f32 v56, v4  }
0xaa: {  	v19 =	vmul.f32 v19, v1;
	v25 =	vld [tilespmem:s20+$0xFFFFFE90];
	v9 =	vadd.f32 v9, v14  }
0xab: {  	v18 =	vmul.f32 v20, v3;
	v20 =	vmul.f32 v24, v2;
	(xrf2) =	vadd.scan.msk.f32 $0xffff, v10;
	v10 =	vld [tilespmem:s20+$0xFFFFFEC0];
	v11 =	vadd.f32 v16, v11  }
0xac: {  	v13 =	vld [tilespmem:s20+$0xFFFFFEB0];
	v17 =	vmul.f32 v17, v4;
	v9 =	vadd.f32 v19, v9  }
0xad: {  	v16 =	vld [tilespmem:s20+$0xFFFFFED0];
	v11 =	vadd.f32 v20, v11;
	v20 =	vmul.f32 v22, v1  }
0xae: {  	v23 =	vld [tilespmem:s20+$0xFFFFFEE0];
	v17 =	vadd.f32 v18, v17;
	v18 =	vmul.f32 v59, v2;
	(xrf2) =	vadd.scan.msk.f32 $0xffff, v9  }
0xaf: {  	v24 =	vld [tilespmem:s20+$0xFFFFFE80];
	v21 =	vmul.f32 v21, v3;
	v19 =	vmul.f32 v15, v4;
	v11 =	vadd.f32 v20, v11  }
0xb0: {  	v14 =	vld [tilespmem:s20+$0xFFFFFF00];
	v18 =	vadd.f32 v18, v17;
	v22 =	vmul.f32 v27, v1;
	v10 =	vmul.f32 v10, v4  }
0xb1: {  	v15 =	vld [tilespmem:s20+$0xFFFFFEA0];
	v19 =	vadd.f32 v21, v19;
	v21 =	vmul.f32 v60, v2;
	v9, _, _ =	vpop (xrf2);
	(xrf2) =	vadd.scan.msk.f32 $0xffff, v11  }
0xb2: {  	v17 =	vld [tilespmem:s20+$0xFFFFFE00];
	v27 =	vadd.f32 v22, v18;
	v20 =	vmul.f32 v16, v3  }
0xb3: {  	v62 =	vmul.f32 v58, v1;
	v18 =	vld [tilespmem:s20+$0xFFFFFE10];
	v21 =	vadd.f32 v21, v19  }
0xb4: {  	v26 =	vimm.f32 $-1.000000020e+30;
	v23 =	vmul.f32 v23, v2;
	v19 =	vld [tilespmem:s20+$0xFFFFFE40];
	v63 =	vadd.f32 v20, v10;
	v10, _, _ =	vpop (xrf2);
	(xrf2) =	vadd.scan.msk.f32 $0xffff, v27  }
0xb5: {  	v22 =	vmul.f32 v24, v4;
	v24 =	vmul.f32 v25, v3;
	v16 =	vld [tilespmem:s20+$0xFFFFFE20];
	v20 =	vadd.f32 v62, v21  }
0xb6: {  	s21 =	simm.s32 $0x10;
	s22 =	simm.s32 $0x20;
	v5 =	vmax.f32 v26, v5;
	v25 =	vmul.f32 v61, v1;
	v21 =	vld [tilespmem:s20+$0xFFFFFE50];
	v11, _, _ =	vpop (xrf2);
	v23 =	vadd.f32 v23, v63  }
.LBB2_3:
0xb7: {  	p0 =	sne.s32 s22, $0xC0;
	v26 =	vld [tilespmem:s20+$0xFFFFFE30];
	v22 =	vadd.f32 v24, v22;
	v24 =	vmul.f32 v15, v2;
	(xrf2) =	vadd.scan.msk.f32 $0xffff, v20  }
0xb8: {  	v17 =	vmul.f32 v17, v4;
	v18 =	vmul.f32 v18, v3;
	v20 =	vld [tilespmem:s20+$0xFFFFFE60];
	v25 =	vadd.f32 v25, v23;
	v15, _, _ =	vpop (xrf2)  }
0xb9: {  	v13 =	vmul.f32 v13, v1;
	v22 =	vadd.f32 v24, v22;
	v24 =	vld [tilespmem:s20+$0xFFFFFF10]  }
0xba: {  	v16 =	vmul.f32 v16, v2;
	v17 =	vadd.f32 v18, v17;
	v18 =	vld [tilespmem:s20+$0xFFFFFE70];
	(xrf2) =	vadd.scan.msk.f32 $0xffff, v25  }
0xbb: {  	v19 =	vmul.f32 v19, v4;
	v21 =	vmul.f32 v21, v3;
	v13 =	vadd.f32 v13, v22;
	v22 =	vld [tilespmem:s20+$0xFFFFFF20];
	v23, _, _ =	vpop (xrf2)  }
0xbc: {  	v16 =	vadd.f32 v16, v17;
	v17 =	vmul.f32 v26, v1;
	v25 =	vld [tilespmem:s20+$0xFFFFFFD0]  }
0xbd: {  	v19 =	vadd.f32 v21, v19;
	v20 =	vmul.f32 v20, v2;
	v21 =	vld [tilespmem:s20+$0xFFFFFF30];
	(xrf2) =	vadd.scan.msk.f32 $0xffff, v13  }
0xbe: {  	v14 =	vmul.f32 v14, v4;
	v13 =	vadd.f32 v17, v16;
	v16 =	vmul.f32 v24, v3;
	v17 =	vld [tilespmem:s20+$0xFFFFFFE0];
	v24, _, _ =	vpop (xrf2)  }
0xbf: {  	v19 =	vadd.f32 v20, v19;
	v18 =	vmul.f32 v18, v1;
	v20 =	vld [tilespmem:s20+$0x90]  }
0xc0: {  	v14 =	vadd.f32 v16, v14;
	v16 =	vmul.f32 v22, v2;
	v22 =	vld [tilespmem:s20+$0xFFFFFFF0];
	(xrf2) =	vadd.scan.msk.f32 $0xffff, v13  }
0xc1: {  	v12 =	vmul.f32 v12, v4;
	v13 =	vadd.f32 v18, v19;
	v18 =	vmul.f32 v25, v3;
	v19 =	vld [tilespmem:s20+$0xA0];
	v25, _, _ =	vpop (xrf2)  }
0xc2: {  	v14 =	vadd.f32 v16, v14;
	v16 =	vmul.f32 v21, v1;
	v21 =	vld [tilespmem:s20+$0x150]  }
0xc3: {  	v12 =	vadd.f32 v18, v12;
	v17 =	vmul.f32 v17, v2;
	v18 =	vld [tilespmem:s20+$0xB0];
	(xrf2) =	vadd.scan.msk.f32 $0xffff, v13  }
0xc4: {  	v8 =	vmul.f32 v8, v4;
	v13 =	vadd.f32 v16, v14;
	v14 =	vmul.f32 v20, v3;
	v16 =	vld [tilespmem:s20+$0x160];
	v20, _, _ =	vpop (xrf2)  }
0xc5: {  	v12 =	vadd.f32 v17, v12;
	v26 =	vmul.f32 v22, v1;
	v22 =	vld [tilespmem:s20+$0x1D0]  }
0xc6: {  	v8 =	vadd.f32 v14, v8;
	v14 =	vmul.f32 v19, v2;
	v19 =	vld [tilespmem:s20+$0x170];
	(xrf2) =	vadd.scan.msk.f32 $0xffff, v13  }
0xc7: {  	v7 =	vmul.f32 v7, v4;
	v12 =	vadd.f32 v26, v12;
	v13 =	vmul.f32 v21, v3;
	v17, _, _ =	vpop (xrf2)  }
0xc8: {  	v8 =	vadd.f32 v14, v8;
	v21 =	vmul.f32 v18, v1;
	v18 =	vld [tilespmem:s20+$0x1E0]  }
0xc9: {  	v7 =	vadd.f32 v13, v7;
	v13 =	vmul.f32 v16, v2;
	(xrf2) =	vadd.scan.msk.f32 $0xffff, v12  }
0xca: {  	v6 =	vmul.f32 v6, v4;
	v8 =	vadd.f32 v21, v8;
	v12 =	vld [tilespmem:s20+$0x1F0];
	v14, _, _ =	vpop (xrf2)  }
0xcb: {  	v16 =	vmul.f32 v22, v3;
	v7 =	vadd.f32 v13, v7;
	v19 =	vmul.f32 v19, v1  }
0xcc: {  	(xrf2) =	vadd.scan.msk.f32 $0xffff, v8  }
0xcd: {  	v6 =	vadd.f32 v16, v6;
	v7 =	vadd.f32 v19, v7;
	v8 =	vmul.f32 v18, v2;
	v13, _, _ =	vpop (xrf2)  }
0xce: {  	v14 =	vbroadcast v14, $0xF;
	v18 =	vbroadcast v13, $0xF  }
0xcf: {  	v16 =	vbroadcast v17, $0xF;
	v6 =	vadd.f32 v8, v6;
	v8 =	vmul.f32 v12, v1;
	(xrf2) =	vadd.scan.msk.f32 $0xffff, v7  }
0xd0: {  	v12 =	vbroadcast v20, $0xF;
	v7 =	vsel vm0, v14, v18;
	v13, _, _ =	vpop (xrf2)  }
0xd1: {  	v7 =	vsel vm1, v7, v16;
	v14 =	vbroadcast v13, $0xF;
	v6 =	vadd.f32 v8, v6  }
0xd2: {  	v8 =	vbroadcast v25, $0xF;
	v7 =	vsel vm2, v7, v12  }
0xd3: {  	v7 =	vsel vm3, v7, v14;
	v14 =	vbroadcast v24, $0xF;
	v13, _, _ =	vpop (xrf2);
	(xrf2) =	vadd.scan.msk.f32 $0xffff, v6  }
0xd4: {  	v6 =	vsel vm4, v7, v8;
	v7 =	vbroadcast v13, $0xF  }
0xd5: {  	v8 =	vbroadcast v23, $0xF;
	v6 =	vsel vm5, v6, v14  }
0xd6: {  	v6 =	vsel vm6, v6, v7;
	v7 =	vbroadcast v15, $0xF;
	v12, _, _ =	vpop (xrf2)  }
0xd7: {  	v6 =	vsel vm7, v6, v8;
	v8 =	vbroadcast v12, $0xF  }
0xd8: {  	v6 =	vsel vm8, v6, v7;
	v7 =	vbroadcast v11, $0xF  }
0xd9: {  	v6 =	vsel vm9, v6, v8;
	v8 =	vbroadcast v10, $0xF;
	v10, _, _ =	vpop (xrf2)  }
0xda: {  	v6 =	vsel vm10, v6, v7;
	v7 =	vbroadcast v10, $0xF  }
0xdb: {  	v9 =	vbroadcast v9, $0xF;
	v6 =	vsel vm11, v6, v8  }
0xdc: {  	v6 =	vsel vm12, v6, v7  }
0xdd: {  	v7 =	vmov s21;
	s21 =	smov.u32 s22;
	v6 =	vsel vm13, v6, v9;
	v8, _, _ =	vpop (xrf2)  }
0xde: {  	vm15 =	vlt.u32 v7, v0;
	v6 =	vsel vm14, v6, v8  }
0xdf: {  	s19 =	sadd.s32 $0x10, s19;
	v6 =	vnsel vm15, $0xF149F2CA, v6  }
0xe0: {  	s20 =	sadd.s32 $0x400, s20;
	[tilespmem:s19+$0x0] =	vst v6;
	v5 =	vmax.f32 v5, v6  }
0xe1: {  	v9 =	vld [tilespmem:s20+$0x1B0]  }
0xe2: {  	v6 =	vld [tilespmem:s20+$0x1C0]  }
0xe3: {  	v10 =	vld [tilespmem:s20+$0x1A0]  }
0xe4: {  	v11 =	vld [tilespmem:s20+$0x130]  }
0xe5: {  	v12 =	vld [tilespmem:s20+$0x180]  }
0xe6: {  	v13 =	vld [tilespmem:s20+$0x190]  }
0xe7: {  	v14 =	vld [tilespmem:s20+$0xF0]  }
0xe8: {  	v15 =	vld [tilespmem:s20+$0x120]  }
0xe9: {  	v7 =	vld [tilespmem:s20+$0x140]  }
0xea: {  	v16 =	vld [tilespmem:s20+$0xE0]  }
0xeb: {  	v17 =	vld [tilespmem:s20+$0x100]  }
0xec: {  	v18 =	vld [tilespmem:s20+$0x110]  }
0xed: {  	v19 =	vld [tilespmem:s20+$0x70]  }
0xee: {  	v20 =	vld [tilespmem:s20+$0xC0]  }
0xef: {  	v21 =	vld [tilespmem:s20+$0xD0]  }
0xf0: {  	v22 =	vld [tilespmem:s20+$0x30]  }
0xf1: {  	v23 =	vld [tilespmem:s20+$0x60]  }
0xf2: {  	v8 =	vld [tilespmem:s20+$0x80]  }
0xf3: {  	v24 =	vld [tilespmem:s20+$0x20]  }
0xf4: {  	v25 =	vld [tilespmem:s20+$0x40]  }
0xf5: {  	v12 =	vmul.f32 v12, v4;
	v13 =	vmul.f32 v13, v3;
	v26 =	vld [tilespmem:s20+$0x50]  }
0xf6: {  	v27 =	vld [tilespmem:s20+$0xFFFFFFB0]  }
0xf7: {  	v10 =	vmul.f32 v10, v2;
	v12 =	vadd.f32 v13, v12;
	v28 =	vld [tilespmem:s20+$0x0]  }
0xf8: {  	v17 =	vmul.f32 v17, v4;
	v18 =	vmul.f32 v18, v3;
	v13 =	vld [tilespmem:s20+$0x10]  }
0xf9: {  	v9 =	vmul.f32 v9, v1;
	v10 =	vadd.f32 v10, v12;
	v29 =	vld [tilespmem:s20+$0xFFFFFF70]  }
0xfa: {  	v15 =	vmul.f32 v15, v2;
	v17 =	vadd.f32 v18, v17;
	v30 =	vld [tilespmem:s20+$0xFFFFFFA0]  }
0xfb: {  	v9 =	vadd.f32 v9, v10;
	v18 =	vmul.f32 v20, v4;
	v20 =	vmul.f32 v21, v3;
	v12 =	vld [tilespmem:s20+$0xFFFFFFC0]  }
0xfc: {  	v11 =	vmul.f32 v11, v1;
	v15 =	vadd.f32 v15, v17;
	v10 =	vld [tilespmem:s20+$0xFFFFFF60]  }
0xfd: {  	v16 =	vmul.f32 v16, v2;
	v18 =	vadd.f32 v20, v18;
	v17 =	vld [tilespmem:s20+$0xFFFFFF80];
	(xrf2) =	vadd.scan.msk.f32 $0xffff, v9  }
0xfe: {  	v11 =	vadd.f32 v11, v15;
	v20 =	vmul.f32 v25, v4;
	v21 =	vmul.f32 v26, v3;
	v9 =	vld [tilespmem:s20+$0xFFFFFF90]  }
0xff: {  	v14 =	vmul.f32 v14, v1;
	v15 =	vadd.f32 v16, v18;
	v25 =	vld [tilespmem:s20+$0xFFFFFEF0]  }
0x100: {  	v18 =	vadd.f32 v21, v20;
	v20 =	vmul.f32 v23, v2;
	v16 =	vld [tilespmem:s20+$0xFFFFFF40];
	(xrf2) =	vadd.scan.msk.f32 $0xffff, v11  }
0x101: {  	v14 =	vadd.f32 v14, v15;
	v21 =	vmul.f32 v28, v4;
	v23 =	vmul.f32 v13, v3;
	v11 =	vld [tilespmem:s20+$0xFFFFFF50]  }
0x102: {  	v15 =	vadd.f32 v20, v18;
	v18 =	vmul.f32 v19, v1;
	v13 =	vld [tilespmem:s20+$0xFFFFFEB0]  }
0x103: {  	v20 =	vadd.f32 v23, v21;
	v21 =	vmul.f32 v24, v2;
	v19 =	vld [tilespmem:s20+$0xFFFFFEE0];
	(xrf2) =	vadd.scan.msk.f32 $0xffff, v14  }
0x104: {  	v15 =	vadd.f32 v18, v15;
	v17 =	vmul.f32 v17, v4;
	v26 =	vmul.f32 v9, v3;
	v23 =	vld [tilespmem:s20+$0xFFFFFEC0]  }
0x105: {  	v20 =	vadd.f32 v21, v20;
	v21 =	vmul.f32 v22, v1;
	v18 =	vld [tilespmem:s20+$0xFFFFFED0]  }
0x106: {  	v22 =	vmul.f32 v30, v2;
	v17 =	vadd.f32 v26, v17;
	v14 =	vld [tilespmem:s20+$0xFFFFFF00];
	(xrf2) =	vadd.scan.msk.f32 $0xffff, v15  }
0x107: {  	v20 =	vadd.f32 v21, v20;
	v16 =	vmul.f32 v16, v4;
	v11 =	vmul.f32 v11, v3;
	v24 =	vld [tilespmem:s20+$0xFFFFFE80];
	v9, _, _ =	vpop (xrf2)  }
0x108: {  	v26 =	vmul.f32 v27, v1;
	v22 =	vadd.f32 v22, v17;
	v21 =	vld [tilespmem:s20+$0xFFFFFE90]  }
0x109: {  	v11 =	vadd.f32 v11, v16;
	v16 =	vmul.f32 v10, v2;
	v15 =	vld [tilespmem:s20+$0xFFFFFEA0];
	(xrf2) =	vadd.scan.msk.f32 $0xffff, v20  }
.Ltmp0:
0x10a: {  	v20 =	vmul.f32 v23, v4;
	v22 =	vadd.f32 v26, v22;
	v17 =	vld [tilespmem:s20+$0xFFFFFE00];
	v23 =	vmul.f32 v18, v3;
	v10, _, _ =	vpop (xrf2);
	(pc) =	sbr.rel @p0 .LBB2_3-.Ltmp0, $4  }
0x10b: {  	v26 =	vmul.f32 v29, v1;
	v28 =	vadd.f32 v16, v11;
	v18 =	vld [tilespmem:s20+$0xFFFFFE10]  }
0x10c: {  	v27 =	vmul.f32 v19, v2;
	v16 =	vld [tilespmem:s20+$0xFFFFFE20];
	v23 =	vadd.f32 v23, v20;
	(xrf2) =	vadd.scan.msk.f32 $0xffff, v22  }
0x10d: {  	v22 =	vmul.f32 v24, v4;
	v20 =	vadd.f32 v26, v28;
	v19 =	vld [tilespmem:s20+$0xFFFFFE40];
	v24 =	vmul.f32 v21, v3;
	v11, _, _ =	vpop (xrf2)  }
0x10e: {  	s22 =	sadd.s32 $0x10, s22;
	v25 =	vmul.f32 v25, v1;
	v21 =	vld [tilespmem:s20+$0xFFFFFE50];
	v23 =	vadd.f32 v27, v23  }
0x10f: {  	v26 =	vld [tilespmem:s20+$0xFFFFFE30]  }
0x110: {  	v27 =	vld [tilespmem:s20+$0xFFFFFE60];
	v15 =	vmul.f32 v15, v2  }
0x111: {  	v53 =	vld [tilespmem:s20+$0xFFFFFF10];
	v17 =	vmul.f32 v17, v4;
	v13 =	vmul.f32 v13, v1  }
0x112: {  	v54 =	vld [tilespmem:s20+$0xFFFFFE70];
	v14 =	vmul.f32 v14, v4;
	v18 =	vmul.f32 v18, v3  }
0x113: {  	v22 =	vadd.f32 v24, v22;
	v55 =	vld [tilespmem:s20+$0xFFFFFF20];
	v19 =	vmul.f32 v19, v4;
	v21 =	vmul.f32 v21, v3  }
0x114: {  	v56 =	vld [tilespmem:s20+$0xFFFFFFD0];
	v23 =	vadd.f32 v25, v23;
	v16 =	vmul.f32 v16, v2;
	v17 =	vadd.f32 v18, v17  }
0x115: {  	v58 =	vld [tilespmem:s20+$0xFFFFFF30];
	v15 =	vadd.f32 v15, v22;
	v57 =	vmul.f32 v27, v2;
	v19 =	vadd.f32 v21, v19  }
0x116: {  	v60 =	vld [tilespmem:s20+$0xFFFFFFE0];
	v26 =	vmul.f32 v26, v1;
	v16 =	vadd.f32 v16, v17;
	v59 =	vmul.f32 v53, v3  }
0x117: {  	(xrf2) =	vadd.scan.msk.f32 $0xffff, v20;
	v63 =	vld [tilespmem:s20+$0x90];
	v13 =	vadd.f32 v13, v15;
	v62 =	vmul.f32 v54, v1;
	v61 =	vadd.f32 v57, v19  }
0x118: {  	(xrf2) =	vadd.scan.msk.f32 $0xffff, v23;
	v25 =	vmul.f32 v55, v2;
	v16 =	vadd.f32 v26, v16;
	v14 =	vadd.f32 v59, v14;
	v26 =	vld [tilespmem:s20+$0xFFFFFFF0]  }
0x119: {  	v12 =	vmul.f32 v12, v4;
	v30 =	vld [tilespmem:s20+$0xA0];
	v29 =	vmul.f32 v56, v3;
	(xrf2) =	vadd.scan.msk.f32 $0xffff, v13;
	v28 =	vadd.f32 v62, v61  }
0x11a: {  	v31 =	vmul.f32 v58, v1;
	(xrf2) =	vadd.scan.msk.f32 $0xffff, v16;
	v14 =	vadd.f32 v25, v14  }
0x11b: {  	v34 =	vld [tilespmem:s20+$0xB0];
	v33 =	vmul.f32 v60, v2;
	v12 =	vadd.f32 v29, v12;
	(xrf2) =	vadd.scan.msk.f32 $0xffff, v28  }
0x11c: {  	v32 =	vld [tilespmem:s20+$0x150];
	v8 =	vmul.f32 v8, v4;
	v36 =	vmul.f32 v63, v3;
	v35 =	vadd.f32 v31, v14  }
0x11d: {  	v37 =	vld [tilespmem:s20+$0x160];
	v12 =	vadd.f32 v33, v12;
	v38 =	vmul.f32 v26, v1  }
0x11e: {  	v39 =	vld [tilespmem:s20+$0x1D0];
	v40, _, _ =	vpop (xrf2);
	v41 =	vmul.f32 v30, v2;
	v8 =	vadd.f32 v36, v8;
	(xrf2) =	vadd.scan.msk.f32 $0xffff, v35  }
0x11f: {  	v42 =	vld [tilespmem:s20+$0x170];
	v43, _, _ =	vpop (xrf2);
	v12 =	vadd.f32 v38, v12  }
0x120: {  	v47 =	vld [tilespmem:s20+$0x1E0];
	v46 =	vmul.f32 v34, v1;
	v45, _, _ =	vpop (xrf2);
	v8 =	vadd.f32 v41, v8  }
0x121: {  	v7 =	vmul.f32 v7, v4;
	v44 =	vmul.f32 v32, v3;
	v48, _, _ =	vpop (xrf2);
	(xrf2) =	vadd.scan.msk.f32 $0xffff, v12  }
0x122: {  	v51 =	vmul.f32 v6, v4;
	v8 =	vadd.f32 v46, v8;
	v50, _, _ =	vpop (xrf2)  }
0x123: {  	v52 =	vld [tilespmem:s20+$0x1F0];
	v49 =	vmul.f32 v37, v2;
	v3 =	vmul.f32 v39, v3;
	v7 =	vadd.f32 v44, v7;
	v53, _, _ =	vpop (xrf2)  }
0x124: {  	v54 =	vmul.f32 v42, v1;
	(xrf2) =	vadd.scan.msk.f32 $0xffff, v8;
	v55, _, _ =	vpop (xrf2)  }
0x125: {  	v2 =	vmul.f32 v47, v2;
	v3 =	vadd.f32 v3, v51;
	v7 =	vadd.f32 v49, v7;
	v56, _, _ =	vpop (xrf2)  }
0x126: {  	v57 =	vbroadcast v55, $0xF;
	v4 =	vbroadcast v56, $0xF  }
0x127: {  	v2 =	vadd.f32 v2, v3;
	v7 =	vadd.f32 v54, v7;
	v14 =	vbroadcast v53, $0xF  }
0x128: {  	v1 =	vmul.f32 v52, v1;
	v58 =	vbroadcast v50, $0xF;
	v59, _, _ =	vpop (xrf2);
	v3 =	vsel vm0, v57, v4  }
0x129: {  	(xrf2) =	vadd.scan.msk.f32 $0xffff, v7;
	v6 =	vbroadcast v59, $0xF;
	v3 =	vsel vm1, v3, v14  }
0x12a: {  	v1 =	vadd.f32 v1, v2;
	v2 =	vsel vm2, v3, v58;
	v3 =	vbroadcast v48, $0xF  }
0x12b: {  	v60 =	vbroadcast v45, $0xF;
	v61, _, _ =	vpop (xrf2);
	v2 =	vsel vm3, v2, v6  }
0x12c: {  	(xrf2) =	vadd.scan.msk.f32 $0xffff, v1;
	v1 =	vsel vm4, v2, v3;
	v2 =	vbroadcast v61, $0xF  }
0x12d: {  	v3 =	vbroadcast v43, $0xF;
	v1 =	vsel vm5, v1, v60  }
0x12e: {  	v62, _, _ =	vpop (xrf2);
	v1 =	vsel vm6, v1, v2;
	v2 =	vbroadcast v40, $0xF  }
0x12f: {  	v1 =	vsel vm7, v1, v3;
	v3 =	vbroadcast v62, $0xF  }
0x130: {  	v1 =	vsel vm8, v1, v2;
	v2 =	vbroadcast v11, $0xF  }
0x131: {  	v1 =	vsel vm9, v1, v3;
	v3 =	vbroadcast v10, $0xF  }
0x132: {  	v1 =	vsel vm10, v1, v2  }
0x133: {  	v63, _, _ =	vpop (xrf2);
	v1 =	vsel vm11, v1, v3;
	v3 =	vbroadcast v9, $0xF  }
0x134: {  	v2 =	vbroadcast v63, $0xF;
	_ =	sdelay $0x1  }
0x135: {  	v1 =	vsel vm12, v1, v2  }
0x136: {  	v2 =	vmov s21;
	v1 =	vsel vm13, v1, v3;
	v3, _, _ =	vpop (xrf2)  }
0x137: {  	vm15 =	vlt.u32 v2, v0;
	v1 =	vsel vm14, v1, v3  }
0x138: {  	v1 =	vnsel vm15, $0xF149F2CA, v1  }
0x139: {  	p0 =	seq.s32 s18, $0x1F;
	v2 =	vmax.f32 v5, v1  }
0x13a: {  	p1 =	seq.s32 @!p0 s18, $0x0;
	s20 =	smul.u32 @!p0 $0xD00, s18;
	(xrf0) =	vmax.scan.msk.f32 $0xffff, v2  }
0x13b: {  	p1 =	por p0, !p1  }
.Ltmp1:
0x13c: {  	s25 =	sadd.s32 $0x10, s19;
	s19 =	sshra.s32 @!p0 s20, $0x2;
	(pc) =	sbr.rel @!p1 .LBB2_5-.Ltmp1, $4  }
0x13d: {  	s22 =	simm.s32 @!p0 $0x8800;
	s20 =	sadd.s32 @!p0 $0x340, s19;
	s21 =	simm.s32 @!p0 $0x64;
	[tilespmem:s25+$0x0] =	vst v1  }
0x13e: {  	[tilespmem:s22], [sflag:$0x1] =	stream.indirect.gather @!p0 [hbm4b:s5+s21], $0x40, s20, s21, $0xb8;
	[tilespmem:$0x15C10] =	vst v63  }
0x13f: {  	s20 =	sadd.s32 @!p0 $0x3A8, s19;
	s22 =	simm.s32 @!p0 $0xA100  }
0x140: {  	[tilespmem:s22], [sflag:$0x1] =	stream.indirect.gather @!p0 [hbm4b:s5+s21], $0x40, s20, s21, $0xb8;
	v1, _, _ =	vpop (xrf0);
	[tilespmem:$0x15C10] =	vst v63  }
.Ltmp2:
0x141: {  	(pc) =	sbr.rel .LBB2_7-.Ltmp2, $4  }
0x142: {  	_ = 	snop  }
0x143: {  	_ =	swait.ge [sflag:s13], $0xC8  }
0x144: {  	[sflag:s13] =	ssyncset.done $0x0  }
0x145: {  	p1 =	por $0x0, $0x0;
	[sflag:s13] =	ssyncadd.s32 $0xFFFFFF38  }
.LBB2_5:
0x146: {  	p1 =	por @!p0 $0x1, $0x1  }
.LBB2_7:
0x147: {  	v2 =	vld [tilespmem:$0x15800];
	_ =	sdelay $0x1  }
0x148: {  	v3 =	vld [tilespmem:$0x15810]  }
0x149: {  	v1 =	vbroadcast v1, $0xF  }
0x14a: {  	v4 =	vld [tilespmem:$0x15820]  }
0x14b: {  	v2 =	vsub.f32 v2, v1  }
0x14c: {  	v5 =	vld [tilespmem:$0x15830]  }
0x14d: {  	v3 =	vsub.f32 v3, v1;
	v2 =	vmul.f32 $1.442695020e+00, v2  }
0x14e: {  	v6 =	vld [tilespmem:$0x15840]  }
0x14f: {  	(erf) = vpow2.f32 v2;
	v2 =	vmul.f32 $1.442695020e+00, v3;
	v3 =	vsub.f32 v4, v1  }
0x150: {  	v4 =	vld [tilespmem:$0x15850]  }
0x151: {  	(erf) = vpow2.f32 v2;
	v2 =	vmul.f32 $1.442695020e+00, v3;
	v3 =	vsub.f32 v5, v1;
	_ =	sdelay $0x1  }
0x152: {  	(erf) = vpow2.f32 v2;
	v2 =	vmul.f32 $1.442695020e+00, v3;
	v3 =	vsub.f32 v6, v1  }
0x153: {  	v5 =	vld [tilespmem:$0x15860]  }
0x154: {  	(erf) = vpow2.f32 v2;
	v2 =	vmul.f32 $1.442695020e+00, v3;
	v3 =	vsub.f32 v4, v1  }
0x155: {  	v4 =	vld [tilespmem:$0x15870]  }
0x156: {  	(erf) = vpow2.f32 v2;
	v2 =	vmul.f32 $1.442695020e+00, v3;
	v3 =	vld [tilespmem:$0x15880]  }
0x157: {  	v6 =	vpop (erf)  }
0x158: {  	v5 =	vsub.f32 v5, v1;
	v7 =	vadd.f32 $0.0e+00, v6;
	(erf) = vpow2.f32 v2;
	v2 =	vld [tilespmem:$0x15890]  }
0x159: {  	v8 =	vpop (erf)  }
0x15a: {  	v9 =	vld [tilespmem:$0x158A0];
	v5 =	vmul.f32 $1.442695020e+00, v5;
	v4 =	vsub.f32 v4, v1;
	v7 =	vadd.f32 v8, v7  }
0x15b: {  	v10 =	vpop (erf);
	v3 =	vsub.f32 v3, v1  }
0x15c: {  	(erf) = vpow2.f32 v5;
	v4 =	vmul.f32 $1.442695020e+00, v4;
	v5 =	vadd.f32 v10, v7;
	v7 =	vld [tilespmem:$0x158B0]  }
0x15d: {  	v11 =	vpop (erf);
	v3 =	vmul.f32 $1.442695020e+00, v3;
	v2 =	vsub.f32 v2, v1  }
0x15e: {  	(erf) = vpow2.f32 v4;
	v4 =	vadd.f32 v11, v5;
	v5 =	vld [tilespmem:$0x158C0]  }
0x15f: {  	(erf) = vpow2.f32 v3;
	v2 =	vmul.f32 $1.442695020e+00, v2;
	v3 =	vsub.f32 v9, v1  }
0x160: {  	v12 =	vpop (erf)  }
0x161: {  	v9 =	vpop (erf);
	(erf) = vpow2.f32 v2;
	v2 =	vmul.f32 $1.442695020e+00, v3;
	v3 =	vsub.f32 v7, v1  }
0x162: {  	v4 =	vadd.f32 v12, v4  }
0x163: {  	(erf) = vpow2.f32 v2;
	v2 =	vmul.f32 $1.442695020e+00, v3;
	v1 =	vsub.f32 v5, v1  }
0x164: {  	v4 =	vadd.f32 v9, v4  }
0x165: {  	v3 =	vpop (erf);
	v1 =	vmul.f32 $1.442695020e+00, v1  }
0x166: {  	(erf) = vpow2.f32 v2;
	v4 =	vadd.f32 v3, v4  }
0x167: {  	v2 =	vpop (erf)  }
0x168: {  	(erf) = vpow2.f32 v1;
	v4 =	vadd.f32 v2, v4  }
0x169: {  	v1 =	vpop (erf)  }
0x16a: {  	v4 =	vadd.f32 v1, v4  }
0x16b: {  	v5 =	vpop (erf)  }
0x16c: {  	v4 =	vadd.f32 v5, v4  }
0x16d: {  	v7 =	vpop (erf)  }
0x16e: {  	v4 =	vadd.f32 v7, v4  }
0x16f: {  	v13 =	vpop (erf)  }
0x170: {  	v4 =	vadd.f32 v13, v4  }
0x171: {  	v14 =	vpop (erf)  }
0x172: {  	v4 =	vadd.f32 v14, v4;
	_ =	sdelay $0x1  }
0x173: {  	(xrf2) =	vadd.scan.msk.f32 $0xffff, v4;
	_ =	sdelay $0x9  }
0x174: {  	v4, _, _ =	vpop (xrf2)  }
0x175: {  	v4 =	vadd.f32 $0.0e+00, v4;
	_ =	sdelay $0x1  }
0x176: {  	v4 =	vbroadcast v4, $0xF;
	_ =	sdelay $0x1  }
0x177: {  	[tilespmem:$0x158D0] =	vst v6;
	(erf) = vrcp.f32 v4  }
0x178: {  	[tilespmem:$0x158E0] =	vst v8  }
0x179: {  	[tilespmem:$0x158F0] =	vst v10  }
0x17a: {  	[tilespmem:$0x15900] =	vst v11  }
0x17b: {  	[tilespmem:$0x15910] =	vst v12  }
0x17c: {  	[tilespmem:$0x15920] =	vst v9;
	v4 =	vld [tilespmem:$0x158D0]  }
0x17d: {  	[tilespmem:$0x15930] =	vst v3  }
0x17e: {  	[tilespmem:$0x15940] =	vst v2  }
0x17f: {  	[tilespmem:$0x15950] =	vst v1  }
0x180: {  	[tilespmem:$0x15960] =	vst v5;
	v6 =	vpop (erf)  }
0x181: {  	[tilespmem:$0x15970] =	vst v7;
	v4 =	vmul.f32 v4, v6  }
0x182: {  	[tilespmem:$0x15980] =	vst v13;
	v8 =	vmul.f32 v8, v6  }
0x183: {  	v3 =	vmul.f32 v3, v6;
	[tilespmem:$0x158D0] =	vst v4  }
0x184: {  	v2 =	vmul.f32 v2, v6;
	[tilespmem:$0x158E0] =	vst v8  }
0x185: {  	v1 =	vmul.f32 v1, v6;
	[tilespmem:$0x15930] =	vst v3  }
0x186: {  	v4 =	vmul.f32 v10, v6;
	[tilespmem:$0x15940] =	vst v2  }
0x187: {  	v8 =	vmul.f32 v11, v6;
	[tilespmem:$0x15950] =	vst v1  }
0x188: {  	v2 =	vmul.f32 v5, v6;
	[tilespmem:$0x158F0] =	vst v4  }
0x189: {  	v1 =	vmul.f32 v7, v6;
	[tilespmem:$0x15900] =	vst v8  }
0x18a: {  	v4 =	vmul.f32 v12, v6;
	[tilespmem:$0x15960] =	vst v2  }
0x18b: {  	s20 =	sshll.u32 s18, $0x2;
	v8 =	vmul.f32 v9, v6;
	[tilespmem:$0x15970] =	vst v1  }
0x18c: {  	s21 =	sadd.s32 s4, s20;
	v2 =	vmul.f32 v13, v6;
	[tilespmem:$0x15910] =	vst v4  }
0x18d: {  	s21 =	smul.u32 $0x19, s21;
	v1 =	vmul.f32 v14, v6;
	[tilespmem:$0x15920] =	vst v8  }
0x18e: {  	[tilespmem:$0x15980] =	vst v2  }
0x18f: {  	s22 =	simm.s32 $0x0;
	s21 =	sadd.s32 s2, s21;
	[tilespmem:$0x15990] =	vst v1  }
0x190: {  	[hbm4b:s21+s22] =	stream.linear.scatter [tilespmem:s29], [sflag:$0x5], $0xC8, $0x38;
	[tilespmem:$0x15C10] =	vst v63  }
0x191: {  	_ =	swait.ge [sflag:s30], $0x1900  }
0x192: {  	[sflag:s30] =	ssyncset.done $0x0  }
0x193: {  	[sflag:s30] =	ssyncadd.s32 $0xFFFFE700  }
0x194: {  	s21 =	sor.u32 $0x1, s20;
	_ =	swait.ge [sflag:s30], $0x1900  }
0x195: {  	s23 =	sshll.u32 s21, $0x6;
	[sflag:s30] =	ssyncset.done $0x0  }
0x196: {  	s23 =	sand.u32 $0x3FFFFFC0, s23;
	[sflag:s30] =	ssyncadd.s32 $0xFFFFE700  }
0x197: {  	v4 =	vld [tilespmem:s23+$0x6800]  }
0x198: {  	v3 =	vld [tilespmem:s23+$0x6810]  }
0x199: {  	v2 =	vld [tilespmem:s23+$0x6820]  }
0x19a: {  	s25 =	simm.s32 $0xBFF0;
	v1 =	vld [tilespmem:s23+$0x6830]  }
0x19b: {  	v8 =	vld [tilespmem:s25+$0xFFFFFFC0]  }
0x19c: {  	v9 =	vld [tilespmem:s25+$0xFFFFFFB0]  }
0x19d: {  	v10 =	vld [tilespmem:s25+$0xFFFFFF40]  }
0x19e: {  	v11 =	vld [tilespmem:s25+$0xFFFFFF90]  }
0x19f: {  	v12 =	vld [tilespmem:s25+$0xFFFFFFA0]  }
0x1a0: {  	v13 =	vld [tilespmem:s25+$0xFFFFFF00]  }
0x1a1: {  	v14 =	vld [tilespmem:s25+$0xFFFFFF30]  }
0x1a2: {  	v6 =	vld [tilespmem:s25+$0xFFFFFF50]  }
0x1a3: {  	v15 =	vld [tilespmem:s25+$0xFFFFFEF0]  }
0x1a4: {  	v16 =	vld [tilespmem:s25+$0xFFFFFF10]  }
0x1a5: {  	v17 =	vld [tilespmem:s25+$0xFFFFFF20]  }
0x1a6: {  	v18 =	vld [tilespmem:s25+$0xFFFFFE80]  }
0x1a7: {  	v19 =	vld [tilespmem:s25+$0xFFFFFED0]  }
0x1a8: {  	v20 =	vld [tilespmem:s25+$0xFFFFFEE0]  }
0x1a9: {  	v21 =	vld [tilespmem:s25+$0xFFFFFE40]  }
0x1aa: {  	v22 =	vld [tilespmem:s25+$0xFFFFFE70]  }
0x1ab: {  	v7 =	vld [tilespmem:s25+$0xFFFFFE90]  }
0x1ac: {  	v23 =	vld [tilespmem:s25+$0xFFFFFE30]  }
0x1ad: {  	v24 =	vld [tilespmem:s25+$0xFFFFFE50]  }
0x1ae: {  	v25 =	vld [tilespmem:s25+$0xFFFFFE60]  }
0x1af: {  	v26 =	vld [tilespmem:s25+$0xFFFFFDC0]  }
0x1b0: {  	v27 =	vld [tilespmem:s25+$0xFFFFFE10]  }
0x1b1: {  	v28 =	vld [tilespmem:s25+$0xFFFFFE20]  }
0x1b2: {  	v29 =	vld [tilespmem:s25+$0xFFFFFD80]  }
0x1b3: {  	v30 =	vld [tilespmem:s25+$0xFFFFFDB0]  }
0x1b4: {  	v31 =	vld [tilespmem:s25+$0xFFFFFDD0]  }
0x1b5: {  	v32 =	vld [tilespmem:s25+$0xFFFFFD70];
	v11 =	vmul.f32 v11, v4  }
0x1b6: {  	v33 =	vld [tilespmem:s25+$0xFFFFFD90];
	v12 =	vmul.f32 v12, v3;
	v16 =	vmul.f32 v16, v4  }
0x1b7: {  	v34 =	vld [tilespmem:s25+$0xFFFFFDA0];
	v17 =	vmul.f32 v17, v3;
	v9 =	vmul.f32 v9, v2  }
0x1b8: {  	v53 =	vld [tilespmem:s25+$0xFFFFFCA0];
	v8 =	vmul.f32 v8, v1;
	v14 =	vmul.f32 v14, v2;
	v11 =	vadd.f32 v12, v11  }
0x1b9: {  	v54 =	vld [tilespmem:s25+$0xFFFFFC50];
	v10 =	vmul.f32 v10, v1;
	v13 =	vmul.f32 v13, v1  }
0x1ba: {  	v55 =	vld [tilespmem:s25+$0xFFFFFC40];
	v22 =	vmul.f32 v22, v2;
	v16 =	vadd.f32 v17, v16;
	v9 =	vadd.f32 v9, v11  }
0x1bb: {  	v12 =	vld [tilespmem:s25+$0xFFFFFD00];
	v11 =	vmul.f32 v19, v4;
	v19 =	vmul.f32 v20, v3  }
0x1bc: {  	v18 =	vmul.f32 v18, v1;
	v17 =	vld [tilespmem:s25+$0xFFFFFD50];
	v14 =	vadd.f32 v14, v16;
	v8 =	vadd.f32 v8, v9  }
0x1bd: {  	v20 =	vld [tilespmem:s25+$0xFFFFFD60];
	v9 =	vadd.f32 v19, v11;
	v19 =	vmul.f32 v24, v4;
	v24 =	vmul.f32 v25, v3  }
0x1be: {  	v23 =	vmul.f32 v23, v2;
	v16 =	vld [tilespmem:s25+$0xFFFFFCC0];
	v11 =	vmul.f32 v15, v2  }
0x1bf: {  	v52 =	vmul.f32 v34, v3;
	v10 =	vadd.f32 v10, v14;
	v14 =	vld [tilespmem:s25+$0xFFFFFCD0];
	v19 =	vadd.f32 v24, v19  }
0x1c0: {  	v25 =	vmul.f32 v28, v3;
	v9 =	vadd.f32 v11, v9;
	v11 =	vmul.f32 v27, v4;
	v27 =	vld [tilespmem:s25+$0xFFFFFCE0]  }
0x1c1: {  	v26 =	vmul.f32 v26, v1;
	v15 =	vld [tilespmem:s25+$0xFFFFFCF0];
	v19 =	vadd.f32 v22, v19;
	v22 =	vmul.f32 v33, v4  }
0x1c2: {  	v17 =	vmul.f32 v17, v4;
	v24 =	vld [tilespmem:s25+$0xFFFFFD10];
	v20 =	vmul.f32 v20, v3;
	v11 =	vadd.f32 v25, v11  }
0x1c3: {  	v25 =	vld [tilespmem:s25+$0xFFFFFC90];
	v18 =	vadd.f32 v18, v19;
	v19 =	vadd.f32 v52, v22;
	v22 =	vmul.f32 v30, v2  }
0x1c4: {  	v9 =	vadd.f32 v13, v9;
	v13 =	vmul.f32 v21, v1;
	v21 =	vld [tilespmem:s25+$0xFFFFFCB0];
	v11 =	vadd.f32 v23, v11  }
0x1c5: {  	v14 =	vmul.f32 v14, v4;
	v23 =	vld [tilespmem:s25+$0xFFFFFC10];
	v19 =	vadd.f32 v22, v19;
	v22 =	vmul.f32 v27, v3  }
0x1c6: {  	v17 =	vadd.f32 v20, v17;
	v20 =	vmul.f32 v32, v2;
	v11 =	vadd.f32 v13, v11;
	v13 =	vld [tilespmem:s25+$0xFFFFFC20]  }
0x1c7: {  	v29 =	vmul.f32 v29, v1;
	v15 =	vmul.f32 v15, v2;
	v14 =	vadd.f32 v22, v14;
	v22 =	vld [tilespmem:s25+$0xFFFFFC60]  }
0x1c8: {  	v17 =	vadd.f32 v20, v17;
	v27 =	vld [tilespmem:s25+$0xFFFFFC30];
	v20 =	vmul.f32 v25, v4;
	v25 =	vmul.f32 v53, v3  }
0x1c9: {  	v12 =	vmul.f32 v12, v1;
	v16 =	vmul.f32 v16, v1;
	v14 =	vadd.f32 v15, v14;
	v15 =	vld [tilespmem:s25+$0xFFFFFC70]  }
0x1ca: {  	(xrf2) =	vadd.scan.msk.f32 $0xffff, v8;
	v8 =	vadd.f32 v29, v17;
	v17 =	vadd.f32 v25, v20;
	v20 =	vmul.f32 v21, v2;
	v21 =	vld [tilespmem:s25+$0xFFFFFD20]  }
0x1cb: {  	(xrf2) =	vadd.scan.msk.f32 $0xffff, v10;
	v10 =	vmul.f32 v23, v4;
	v13 =	vmul.f32 v13, v3;
	v12 =	vadd.f32 v12, v14;
	v14 =	vld [tilespmem:s25+$0xFFFFFC80]  }
0x1cc: {  	(xrf2) =	vadd.scan.msk.f32 $0xffff, v9;
	v9 =	vadd.f32 v20, v17;
	v17 =	vmul.f32 v54, v4;
	v20 =	vmul.f32 v22, v3;
	v22 =	vld [tilespmem:s25+$0xFFFFFD30]  }
0x1cd: {  	(xrf2) =	vadd.scan.msk.f32 $0xffff, v18;
	v18 =	vld [tilespmem:s25+$0xFFFFFDE0];
	v19 =	vadd.f32 v26, v19;
	v10 =	vadd.f32 v13, v10;
	v13 =	vmul.f32 v27, v2  }
0x1ce: {  	(xrf2) =	vadd.scan.msk.f32 $0xffff, v11;
	v11 =	vmul.f32 v55, v1;
	v17 =	vadd.f32 v20, v17;
	v15 =	vmul.f32 v15, v2;
	v20 =	vld [tilespmem:s25+$0xFFFFFD40]  }
0x1cf: {  	(xrf2) =	vadd.scan.msk.f32 $0xffff, v19;
	v19 =	vmul.f32 v21, v3;
	v21 =	vld [tilespmem:s25+$0xFFFFFDF0];
	v10 =	vadd.f32 v13, v10;
	v13 =	vmul.f32 v24, v4  }
0x1d0: {  	(xrf2) =	vadd.scan.msk.f32 $0xffff, v8;
	v8 =	vadd.f32 v16, v9;
	v9 =	vadd.f32 v15, v17;
	v14 =	vmul.f32 v14, v1;
	v15 =	vld [tilespmem:s25+$0xFFFFFEA0]  }
0x1d1: {  	(xrf2) =	vadd.scan.msk.f32 $0xffff, v12;
	v10 =	vadd.f32 v11, v10;
	v11 =	vadd.f32 v19, v13;
	v13 =	vld [tilespmem:s25+$0xFFFFFE00];
	v12 =	vmul.f32 v22, v2  }
0x1d2: {  	v16 =	vld [tilespmem:s25+$0xFFFFFEB0];
	(xrf2) =	vadd.scan.msk.f32 $0xffff, v8;
	v8 =	vadd.f32 v14, v9;
	v9 =	vmul.f32 v31, v4;
	v14 =	vmul.f32 v18, v3  }
0x1d3: {  	(xrf2) =	vadd.scan.msk.f32 $0xffff, v10;
	v10 =	vadd.f32 v12, v11;
	v11 =	vmul.f32 v20, v1;
	v12 =	vld [tilespmem:s25+$0xFFFFFF60]  }
0x1d4: {  	v7 =	vmul.f32 v7, v4;
	v18 =	vld [tilespmem:s25+$0xFFFFFEC0];
	v9 =	vadd.f32 v14, v9  }
0x1d5: {  	v14 =	vmul.f32 v21, v2;
	v10 =	vadd.f32 v11, v10;
	v11 =	vmul.f32 v15, v3;
	v15 =	vld [tilespmem:s25+$0xFFFFFF70]  }
0x1d6: {  	v5 =	vld [tilespmem:s25+$0xFFFFFFD0];
	v17, _, _ =	vpop (xrf2);
	(xrf2) =	vadd.scan.msk.f32 $0xffff, v8;
	v13 =	vmul.f32 v13, v1  }
0x1d7: {  	v8, _, _ =	vpop (xrf2);
	v9 =	vadd.f32 v14, v9;
	v7 =	vadd.f32 v11, v7;
	v11 =	vmul.f32 v16, v2;
	v16 =	vld [tilespmem:s25+$0xFFFFFF80];
	(xrf2) =	vadd.scan.msk.f32 $0xffff, v10  }
0x1d8: {  	v6 =	vmul.f32 v6, v4;
	v14 =	vld [tilespmem:s25+$0xFFFFFFE0];
	v19, _, _ =	vpop (xrf2);
	v12 =	vmul.f32 v12, v3  }
0x1d9: {  	v20, _, _ =	vpop (xrf2);
	v9 =	vadd.f32 v13, v9;
	v7 =	vadd.f32 v11, v7  }
0x1da: {  	v10, _, _ =	vpop (xrf2);
	v11 =	vmul.f32 v18, v1;
	v18 =	vld [tilespmem:s25+$0xFFFFFFF0];
	v6 =	vadd.f32 v12, v6;
	v12 =	vmul.f32 v15, v2  }
0x1db: {  	v13, _, _ =	vpop (xrf2)  }
0x1dc: {  	(xrf2) =	vadd.scan.msk.f32 $0xffff, v9;
	v21, _, _ =	vpop (xrf2);
	v7 =	vadd.f32 v11, v7;
	v11 =	vld [tilespmem:s25+$0x0];
	v6 =	vadd.f32 v12, v6;
	v12 =	vmul.f32 v16, v1  }
0x1dd: {  	v5 =	vmul.f32 v5, v4;
	v14 =	vmul.f32 v14, v3;
	v9, _, _ =	vpop (xrf2)  }
0x1de: {  	v15, _, _ =	vpop (xrf2)  }
0x1df: {  	(xrf2) =	vadd.scan.msk.f32 $0xffff, v7;
	v5 =	vadd.f32 v14, v5;
	v16, _, _ =	vpop (xrf2);
	v7 =	vmul.f32 v18, v2  }
0x1e0: {  	v6 =	vadd.f32 v12, v6;
	v14 =	vbroadcast v16, $0xF;
	v12, _, _ =	vpop (xrf2)  }
0x1e1: {  	v5 =	vadd.f32 v7, v5;
	v7 =	vmul.f32 v11, v1;
	v12 =	vbroadcast v12, $0xF;
	v11, _, _ =	vpop (xrf2)  }
0x1e2: {  	v15 =	vbroadcast v15, $0xF;
	v11 =	vbroadcast v11, $0xF  }
0x1e3: {  	v9 =	vbroadcast v9, $0xF;
	(xrf2) =	vadd.scan.msk.f32 $0xffff, v6;
	v6 =	vsel vm0, v14, v12  }
0x1e4: {  	v5 =	vadd.f32 v7, v5;
	v6 =	vsel vm1, v6, v15  }
0x1e5: {  	v7 =	vbroadcast v21, $0xF;
	v6 =	vsel vm2, v6, v9;
	v9 =	vbroadcast v13, $0xF  }
0x1e6: {  	v6 =	vsel vm3, v6, v11;
	v11, _, _ =	vpop (xrf2)  }
0x1e7: {  	(xrf2) =	vadd.scan.msk.f32 $0xffff, v5;
	v5 =	vsel vm4, v6, v7;
	v6 =	vbroadcast v11, $0xF  }
0x1e8: {  	v7 =	vbroadcast v10, $0xF;
	v5 =	vsel vm5, v5, v9  }
0x1e9: {  	v5 =	vsel vm6, v5, v6;
	v6 =	vbroadcast v20, $0xF;
	v9, _, _ =	vpop (xrf2)  }
0x1ea: {  	v5 =	vsel vm7, v5, v7;
	v7 =	vbroadcast v9, $0xF  }
0x1eb: {  	v5 =	vsel vm8, v5, v6;
	v6 =	vbroadcast v19, $0xF  }
0x1ec: {  	v5 =	vsel vm9, v5, v7;
	v7 =	vbroadcast v8, $0xF  }
0x1ed: {  	v5 =	vsel vm10, v5, v6  }
0x1ee: {  	v8, _, _ =	vpop (xrf2);
	v5 =	vsel vm11, v5, v7;
	v7 =	vbroadcast v17, $0xF  }
0x1ef: {  	v6 =	vbroadcast v8, $0xF;
	_ =	sdelay $0x1  }
0x1f0: {  	v5 =	vsel vm12, v5, v6  }
0x1f1: {  	v6 =	vmov s22;
	v5 =	vsel vm13, v5, v7;
	v7, _, _ =	vpop (xrf2)  }
0x1f2: {  	vm15 =	vlt.u32 v6, v0;
	v5 =	vsel vm14, v5, v7  }
0x1f3: {  	s22 =	simm.s32 $0x15800;
	v5 =	vnsel vm15, $0xF149F2CA, v5  }
0x1f4: {  	s23 =	simm.s32 $0xC3F0;
	[tilespmem:s22+$0x0] =	vst v5  }
0x1f5: {  	v9 =	vld [tilespmem:s23+$0xFFFFFFC0]  }
0x1f6: {  	v6 =	vld [tilespmem:s23+$0xFFFFFFD0]  }
0x1f7: {  	v10 =	vld [tilespmem:s23+$0xFFFFFFB0]  }
0x1f8: {  	v11 =	vld [tilespmem:s23+$0xFFFFFF40]  }
0x1f9: {  	v12 =	vld [tilespmem:s23+$0xFFFFFF90]  }
0x1fa: {  	v13 =	vld [tilespmem:s23+$0xFFFFFFA0]  }
0x1fb: {  	v14 =	vld [tilespmem:s23+$0xFFFFFF00]  }
0x1fc: {  	v15 =	vld [tilespmem:s23+$0xFFFFFF30]  }
0x1fd: {  	v7 =	vld [tilespmem:s23+$0xFFFFFF50]  }
0x1fe: {  	v16 =	vld [tilespmem:s23+$0xFFFFFEF0]  }
0x1ff: {  	v17 =	vld [tilespmem:s23+$0xFFFFFF10]  }
0x200: {  	v18 =	vld [tilespmem:s23+$0xFFFFFF20]  }
0x201: {  	v19 =	vld [tilespmem:s23+$0xFFFFFE80]  }
0x202: {  	v20 =	vld [tilespmem:s23+$0xFFFFFED0]  }
0x203: {  	v21 =	vld [tilespmem:s23+$0xFFFFFEE0]  }
0x204: {  	v22 =	vld [tilespmem:s23+$0xFFFFFE40]  }
0x205: {  	v23 =	vld [tilespmem:s23+$0xFFFFFE70]  }
0x206: {  	v8 =	vld [tilespmem:s23+$0xFFFFFE90]  }
0x207: {  	v24 =	vld [tilespmem:s23+$0xFFFFFE30]  }
0x208: {  	v25 =	vld [tilespmem:s23+$0xFFFFFE50]  }
0x209: {  	v26 =	vld [tilespmem:s23+$0xFFFFFE60]  }
0x20a: {  	v27 =	vld [tilespmem:s23+$0xFFFFFDC0]  }
0x20b: {  	v56 =	vld [tilespmem:s23+$0xFFFFFE10];
	v12 =	vmul.f32 v12, v4;
	v13 =	vmul.f32 v13, v3  }
0x20c: {  	v57 =	vld [tilespmem:s23+$0xFFFFFE20];
	v10 =	vmul.f32 v10, v2;
	v17 =	vmul.f32 v17, v4  }
0x20d: {  	v58 =	vld [tilespmem:s23+$0xFFFFFD80];
	v18 =	vmul.f32 v18, v3;
	v20 =	vmul.f32 v20, v4;
	v13 =	vadd.f32 v13, v12  }
0x20e: {  	v59 =	vld [tilespmem:s23+$0xFFFFFDB0];
	v21 =	vmul.f32 v21, v3;
	v15 =	vmul.f32 v15, v2  }
0x20f: {  	v60 =	vld [tilespmem:s23+$0xFFFFFD70];
	v9 =	vmul.f32 v9, v1;
	v10 =	vadd.f32 v10, v13;
	v13 =	vadd.f32 v18, v17  }
0x210: {  	v61 =	vld [tilespmem:s23+$0xFFFFFD00];
	v16 =	vmul.f32 v16, v2;
	v11 =	vmul.f32 v11, v1;
	v18 =	vadd.f32 v21, v20  }
0x211: {  	v14 =	vmul.f32 v14, v1;
	v12 =	vld [tilespmem:s23+$0xFFFFFDD0];
	v13 =	vadd.f32 v15, v13;
	v9 =	vadd.f32 v9, v10  }
0x212: {  	v20 =	vld [tilespmem:s23+$0xFFFFFDA0];
	v10 =	vadd.f32 v16, v18;
	v16 =	vmul.f32 v25, v4;
	v18 =	vmul.f32 v26, v3  }
0x213: {  	v17 =	vld [tilespmem:s23+$0xFFFFFD90];
	v11 =	vadd.f32 v11, v13;
	(xrf2) =	vadd.scan.msk.f32 $0xffff, v9  }
0x214: {  	v21 =	vld [tilespmem:s23+$0xFFFFFD60];
	v9 =	vmul.f32 v23, v2;
	v10 =	vadd.f32 v14, v10;
	v14 =	vadd.f32 v18, v16  }
0x215: {  	v15 =	vld [tilespmem:s23+$0xFFFFFD50];
	v16 =	vmul.f32 v57, v3;
	(xrf2) =	vadd.scan.msk.f32 $0xffff, v11;
	v11 =	vmul.f32 v56, v4  }
0x216: {  	v19 =	vmul.f32 v19, v1;
	v25 =	vld [tilespmem:s23+$0xFFFFFCA0];
	v9 =	vadd.f32 v9, v14  }
0x217: {  	v18 =	vmul.f32 v20, v3;
	v20 =	vmul.f32 v24, v2;
	(xrf2) =	vadd.scan.msk.f32 $0xffff, v10;
	v10 =	vld [tilespmem:s23+$0xFFFFFCD0];
	v11 =	vadd.f32 v16, v11  }
0x218: {  	v13 =	vld [tilespmem:s23+$0xFFFFFCC0];
	v17 =	vmul.f32 v17, v4;
	v9 =	vadd.f32 v19, v9  }
0x219: {  	v16 =	vld [tilespmem:s23+$0xFFFFFCE0];
	v11 =	vadd.f32 v20, v11;
	v20 =	vmul.f32 v22, v1  }
0x21a: {  	v23 =	vld [tilespmem:s23+$0xFFFFFCF0];
	v17 =	vadd.f32 v18, v17;
	v18 =	vmul.f32 v59, v2;
	(xrf2) =	vadd.scan.msk.f32 $0xffff, v9  }
0x21b: {  	v24 =	vld [tilespmem:s23+$0xFFFFFC90];
	v21 =	vmul.f32 v21, v3;
	v19 =	vmul.f32 v15, v4;
	v11 =	vadd.f32 v20, v11  }
0x21c: {  	v14 =	vld [tilespmem:s23+$0xFFFFFD10];
	v18 =	vadd.f32 v18, v17;
	v22 =	vmul.f32 v27, v1;
	v10 =	vmul.f32 v10, v4  }
0x21d: {  	v15 =	vld [tilespmem:s23+$0xFFFFFCB0];
	v19 =	vadd.f32 v21, v19;
	v21 =	vmul.f32 v60, v2;
	v9, _, _ =	vpop (xrf2);
	(xrf2) =	vadd.scan.msk.f32 $0xffff, v11  }
0x21e: {  	v17 =	vld [tilespmem:s23+$0xFFFFFC10];
	v27 =	vadd.f32 v22, v18;
	v20 =	vmul.f32 v16, v3  }
0x21f: {  	v62 =	vmul.f32 v58, v1;
	v18 =	vld [tilespmem:s23+$0xFFFFFC20];
	v21 =	vadd.f32 v21, v19  }
0x220: {  	v26 =	vimm.f32 $-1.000000020e+30;
	v23 =	vmul.f32 v23, v2;
	v19 =	vld [tilespmem:s23+$0xFFFFFC50];
	v63 =	vadd.f32 v20, v10;
	v10, _, _ =	vpop (xrf2);
	(xrf2) =	vadd.scan.msk.f32 $0xffff, v27  }
0x221: {  	v22 =	vmul.f32 v24, v4;
	v24 =	vmul.f32 v25, v3;
	v16 =	vld [tilespmem:s23+$0xFFFFFC30];
	v20 =	vadd.f32 v62, v21  }
0x222: {  	s24 =	simm.s32 $0x10;
	s25 =	simm.s32 $0x20;
	v5 =	vmax.f32 v26, v5;
	v25 =	vmul.f32 v61, v1;
	v21 =	vld [tilespmem:s23+$0xFFFFFC60];
	v11, _, _ =	vpop (xrf2);
	v23 =	vadd.f32 v23, v63  }
.LBB2_8:
0x223: {  	p2 =	sne.s32 s25, $0xC0;
	v26 =	vld [tilespmem:s23+$0xFFFFFC40];
	v22 =	vadd.f32 v24, v22;
	v24 =	vmul.f32 v15, v2;
	(xrf2) =	vadd.scan.msk.f32 $0xffff, v20  }
0x224: {  	v17 =	vmul.f32 v17, v4;
	v18 =	vmul.f32 v18, v3;
	v20 =	vld [tilespmem:s23+$0xFFFFFC70];
	v25 =	vadd.f32 v25, v23;
	v15, _, _ =	vpop (xrf2)  }
0x225: {  	v13 =	vmul.f32 v13, v1;
	v22 =	vadd.f32 v24, v22;
	v24 =	vld [tilespmem:s23+$0xFFFFFD20]  }
0x226: {  	v16 =	vmul.f32 v16, v2;
	v17 =	vadd.f32 v18, v17;
	v18 =	vld [tilespmem:s23+$0xFFFFFC80];
	(xrf2) =	vadd.scan.msk.f32 $0xffff, v25  }
0x227: {  	v19 =	vmul.f32 v19, v4;
	v21 =	vmul.f32 v21, v3;
	v13 =	vadd.f32 v13, v22;
	v22 =	vld [tilespmem:s23+$0xFFFFFD30];
	v23, _, _ =	vpop (xrf2)  }
0x228: {  	v16 =	vadd.f32 v16, v17;
	v17 =	vmul.f32 v26, v1;
	v25 =	vld [tilespmem:s23+$0xFFFFFDE0]  }
0x229: {  	v19 =	vadd.f32 v21, v19;
	v20 =	vmul.f32 v20, v2;
	v21 =	vld [tilespmem:s23+$0xFFFFFD40];
	(xrf2) =	vadd.scan.msk.f32 $0xffff, v13  }
0x22a: {  	v14 =	vmul.f32 v14, v4;
	v13 =	vadd.f32 v17, v16;
	v16 =	vmul.f32 v24, v3;
	v17 =	vld [tilespmem:s23+$0xFFFFFDF0];
	v24, _, _ =	vpop (xrf2)  }
0x22b: {  	v19 =	vadd.f32 v20, v19;
	v18 =	vmul.f32 v18, v1;
	v20 =	vld [tilespmem:s23+$0xFFFFFEA0]  }
0x22c: {  	v14 =	vadd.f32 v16, v14;
	v16 =	vmul.f32 v22, v2;
	v22 =	vld [tilespmem:s23+$0xFFFFFE00];
	(xrf2) =	vadd.scan.msk.f32 $0xffff, v13  }
0x22d: {  	v12 =	vmul.f32 v12, v4;
	v13 =	vadd.f32 v18, v19;
	v18 =	vmul.f32 v25, v3;
	v19 =	vld [tilespmem:s23+$0xFFFFFEB0];
	v25, _, _ =	vpop (xrf2)  }
0x22e: {  	v14 =	vadd.f32 v16, v14;
	v16 =	vmul.f32 v21, v1;
	v21 =	vld [tilespmem:s23+$0xFFFFFF60]  }
0x22f: {  	v12 =	vadd.f32 v18, v12;
	v17 =	vmul.f32 v17, v2;
	v18 =	vld [tilespmem:s23+$0xFFFFFEC0];
	(xrf2) =	vadd.scan.msk.f32 $0xffff, v13  }
0x230: {  	v8 =	vmul.f32 v8, v4;
	v13 =	vadd.f32 v16, v14;
	v14 =	vmul.f32 v20, v3;
	v16 =	vld [tilespmem:s23+$0xFFFFFF70];
	v20, _, _ =	vpop (xrf2)  }
0x231: {  	v12 =	vadd.f32 v17, v12;
	v26 =	vmul.f32 v22, v1;
	v22 =	vld [tilespmem:s23+$0xFFFFFFE0]  }
0x232: {  	v8 =	vadd.f32 v14, v8;
	v14 =	vmul.f32 v19, v2;
	v19 =	vld [tilespmem:s23+$0xFFFFFF80];
	(xrf2) =	vadd.scan.msk.f32 $0xffff, v13  }
0x233: {  	v7 =	vmul.f32 v7, v4;
	v12 =	vadd.f32 v26, v12;
	v13 =	vmul.f32 v21, v3;
	v17, _, _ =	vpop (xrf2)  }
0x234: {  	v8 =	vadd.f32 v14, v8;
	v21 =	vmul.f32 v18, v1;
	v18 =	vld [tilespmem:s23+$0xFFFFFFF0]  }
0x235: {  	v7 =	vadd.f32 v13, v7;
	v13 =	vmul.f32 v16, v2;
	(xrf2) =	vadd.scan.msk.f32 $0xffff, v12  }
0x236: {  	v6 =	vmul.f32 v6, v4;
	v8 =	vadd.f32 v21, v8;
	v12 =	vld [tilespmem:s23+$0x0];
	v14, _, _ =	vpop (xrf2)  }
0x237: {  	v16 =	vmul.f32 v22, v3;
	v7 =	vadd.f32 v13, v7;
	v19 =	vmul.f32 v19, v1  }
0x238: {  	(xrf2) =	vadd.scan.msk.f32 $0xffff, v8  }
0x239: {  	v6 =	vadd.f32 v16, v6;
	v7 =	vadd.f32 v19, v7;
	v8 =	vmul.f32 v18, v2;
	v13, _, _ =	vpop (xrf2)  }
0x23a: {  	v14 =	vbroadcast v14, $0xF;
	v18 =	vbroadcast v13, $0xF  }
0x23b: {  	v16 =	vbroadcast v17, $0xF;
	v6 =	vadd.f32 v8, v6;
	v8 =	vmul.f32 v12, v1;
	(xrf2) =	vadd.scan.msk.f32 $0xffff, v7  }
0x23c: {  	v12 =	vbroadcast v20, $0xF;
	v7 =	vsel vm0, v14, v18;
	v13, _, _ =	vpop (xrf2)  }
0x23d: {  	v7 =	vsel vm1, v7, v16;
	v14 =	vbroadcast v13, $0xF;
	v6 =	vadd.f32 v8, v6  }
0x23e: {  	v8 =	vbroadcast v25, $0xF;
	v7 =	vsel vm2, v7, v12  }
0x23f: {  	v7 =	vsel vm3, v7, v14;
	v14 =	vbroadcast v24, $0xF;
	v13, _, _ =	vpop (xrf2);
	(xrf2) =	vadd.scan.msk.f32 $0xffff, v6  }
0x240: {  	v6 =	vsel vm4, v7, v8;
	v7 =	vbroadcast v13, $0xF  }
0x241: {  	v8 =	vbroadcast v23, $0xF;
	v6 =	vsel vm5, v6, v14  }
0x242: {  	v6 =	vsel vm6, v6, v7;
	v7 =	vbroadcast v15, $0xF;
	v12, _, _ =	vpop (xrf2)  }
0x243: {  	v6 =	vsel vm7, v6, v8;
	v8 =	vbroadcast v12, $0xF  }
0x244: {  	v6 =	vsel vm8, v6, v7;
	v7 =	vbroadcast v11, $0xF  }
0x245: {  	v6 =	vsel vm9, v6, v8;
	v8 =	vbroadcast v10, $0xF;
	v10, _, _ =	vpop (xrf2)  }
0x246: {  	v6 =	vsel vm10, v6, v7;
	v7 =	vbroadcast v10, $0xF  }
0x247: {  	v9 =	vbroadcast v9, $0xF;
	v6 =	vsel vm11, v6, v8  }
0x248: {  	v6 =	vsel vm12, v6, v7  }
0x249: {  	v7 =	vmov s24;
	s24 =	smov.u32 s25;
	v6 =	vsel vm13, v6, v9;
	v8, _, _ =	vpop (xrf2)  }
0x24a: {  	vm15 =	vlt.u32 v7, v0;
	v6 =	vsel vm14, v6, v8  }
0x24b: {  	s22 =	sadd.s32 $0x10, s22;
	v6 =	vnsel vm15, $0xF149F2CA, v6  }
0x24c: {  	s23 =	sadd.s32 $0x400, s23;
	[tilespmem:s22+$0x0] =	vst v6;
	v5 =	vmax.f32 v5, v6  }
0x24d: {  	v9 =	vld [tilespmem:s23+$0xFFFFFFC0]  }
0x24e: {  	v6 =	vld [tilespmem:s23+$0xFFFFFFD0]  }
0x24f: {  	v10 =	vld [tilespmem:s23+$0xFFFFFFB0]  }
0x250: {  	v11 =	vld [tilespmem:s23+$0xFFFFFF40]  }
0x251: {  	v12 =	vld [tilespmem:s23+$0xFFFFFF90]  }
0x252: {  	v13 =	vld [tilespmem:s23+$0xFFFFFFA0]  }
0x253: {  	v14 =	vld [tilespmem:s23+$0xFFFFFF00]  }
0x254: {  	v15 =	vld [tilespmem:s23+$0xFFFFFF30]  }
0x255: {  	v7 =	vld [tilespmem:s23+$0xFFFFFF50]  }
0x256: {  	v16 =	vld [tilespmem:s23+$0xFFFFFEF0]  }
0x257: {  	v17 =	vld [tilespmem:s23+$0xFFFFFF10]  }
0x258: {  	v18 =	vld [tilespmem:s23+$0xFFFFFF20]  }
0x259: {  	v19 =	vld [tilespmem:s23+$0xFFFFFE80]  }
0x25a: {  	v20 =	vld [tilespmem:s23+$0xFFFFFED0]  }
0x25b: {  	v21 =	vld [tilespmem:s23+$0xFFFFFEE0]  }
0x25c: {  	v22 =	vld [tilespmem:s23+$0xFFFFFE40]  }
0x25d: {  	v23 =	vld [tilespmem:s23+$0xFFFFFE70]  }
0x25e: {  	v8 =	vld [tilespmem:s23+$0xFFFFFE90]  }
0x25f: {  	v24 =	vld [tilespmem:s23+$0xFFFFFE30]  }
0x260: {  	v25 =	vld [tilespmem:s23+$0xFFFFFE50]  }
0x261: {  	v12 =	vmul.f32 v12, v4;
	v13 =	vmul.f32 v13, v3;
	v26 =	vld [tilespmem:s23+$0xFFFFFE60]  }
0x262: {  	v27 =	vld [tilespmem:s23+$0xFFFFFDC0]  }
0x263: {  	v10 =	vmul.f32 v10, v2;
	v12 =	vadd.f32 v13, v12;
	v28 =	vld [tilespmem:s23+$0xFFFFFE10]  }
0x264: {  	v17 =	vmul.f32 v17, v4;
	v18 =	vmul.f32 v18, v3;
	v13 =	vld [tilespmem:s23+$0xFFFFFE20]  }
0x265: {  	v9 =	vmul.f32 v9, v1;
	v10 =	vadd.f32 v10, v12;
	v29 =	vld [tilespmem:s23+$0xFFFFFD80]  }
0x266: {  	v15 =	vmul.f32 v15, v2;
	v17 =	vadd.f32 v18, v17;
	v30 =	vld [tilespmem:s23+$0xFFFFFDB0]  }
0x267: {  	v9 =	vadd.f32 v9, v10;
	v18 =	vmul.f32 v20, v4;
	v20 =	vmul.f32 v21, v3;
	v12 =	vld [tilespmem:s23+$0xFFFFFDD0]  }
0x268: {  	v11 =	vmul.f32 v11, v1;
	v15 =	vadd.f32 v15, v17;
	v10 =	vld [tilespmem:s23+$0xFFFFFD70]  }
0x269: {  	v16 =	vmul.f32 v16, v2;
	v18 =	vadd.f32 v20, v18;
	v17 =	vld [tilespmem:s23+$0xFFFFFD90];
	(xrf2) =	vadd.scan.msk.f32 $0xffff, v9  }
0x26a: {  	v11 =	vadd.f32 v11, v15;
	v20 =	vmul.f32 v25, v4;
	v21 =	vmul.f32 v26, v3;
	v9 =	vld [tilespmem:s23+$0xFFFFFDA0]  }
0x26b: {  	v14 =	vmul.f32 v14, v1;
	v15 =	vadd.f32 v16, v18;
	v25 =	vld [tilespmem:s23+$0xFFFFFD00]  }
0x26c: {  	v18 =	vadd.f32 v21, v20;
	v20 =	vmul.f32 v23, v2;
	v16 =	vld [tilespmem:s23+$0xFFFFFD50];
	(xrf2) =	vadd.scan.msk.f32 $0xffff, v11  }
0x26d: {  	v14 =	vadd.f32 v14, v15;
	v21 =	vmul.f32 v28, v4;
	v23 =	vmul.f32 v13, v3;
	v11 =	vld [tilespmem:s23+$0xFFFFFD60]  }
0x26e: {  	v15 =	vadd.f32 v20, v18;
	v18 =	vmul.f32 v19, v1;
	v13 =	vld [tilespmem:s23+$0xFFFFFCC0]  }
0x26f: {  	v20 =	vadd.f32 v23, v21;
	v21 =	vmul.f32 v24, v2;
	v19 =	vld [tilespmem:s23+$0xFFFFFCF0];
	(xrf2) =	vadd.scan.msk.f32 $0xffff, v14  }
0x270: {  	v15 =	vadd.f32 v18, v15;
	v17 =	vmul.f32 v17, v4;
	v26 =	vmul.f32 v9, v3;
	v23 =	vld [tilespmem:s23+$0xFFFFFCD0]  }
0x271: {  	v20 =	vadd.f32 v21, v20;
	v21 =	vmul.f32 v22, v1;
	v18 =	vld [tilespmem:s23+$0xFFFFFCE0]  }
0x272: {  	v22 =	vmul.f32 v30, v2;
	v17 =	vadd.f32 v26, v17;
	v14 =	vld [tilespmem:s23+$0xFFFFFD10];
	(xrf2) =	vadd.scan.msk.f32 $0xffff, v15  }
0x273: {  	v20 =	vadd.f32 v21, v20;
	v16 =	vmul.f32 v16, v4;
	v11 =	vmul.f32 v11, v3;
	v24 =	vld [tilespmem:s23+$0xFFFFFC90];
	v9, _, _ =	vpop (xrf2)  }
0x274: {  	v26 =	vmul.f32 v27, v1;
	v22 =	vadd.f32 v22, v17;
	v21 =	vld [tilespmem:s23+$0xFFFFFCA0]  }
0x275: {  	v11 =	vadd.f32 v11, v16;
	v16 =	vmul.f32 v10, v2;
	v15 =	vld [tilespmem:s23+$0xFFFFFCB0];
	(xrf2) =	vadd.scan.msk.f32 $0xffff, v20  }
.Ltmp3:
0x276: {  	v20 =	vmul.f32 v23, v4;
	v22 =	vadd.f32 v26, v22;
	v17 =	vld [tilespmem:s23+$0xFFFFFC10];
	v23 =	vmul.f32 v18, v3;
	v10, _, _ =	vpop (xrf2);
	(pc) =	sbr.rel @p2 .LBB2_8-.Ltmp3, $4  }
0x277: {  	v26 =	vmul.f32 v29, v1;
	v28 =	vadd.f32 v16, v11;
	v18 =	vld [tilespmem:s23+$0xFFFFFC20]  }
0x278: {  	v27 =	vmul.f32 v19, v2;
	v16 =	vld [tilespmem:s23+$0xFFFFFC30];
	v23 =	vadd.f32 v23, v20;
	(xrf2) =	vadd.scan.msk.f32 $0xffff, v22  }
0x279: {  	v22 =	vmul.f32 v24, v4;
	v20 =	vadd.f32 v26, v28;
	v19 =	vld [tilespmem:s23+$0xFFFFFC50];
	v24 =	vmul.f32 v21, v3;
	v11, _, _ =	vpop (xrf2)  }
0x27a: {  	s25 =	sadd.s32 $0x10, s25;
	v25 =	vmul.f32 v25, v1;
	v21 =	vld [tilespmem:s23+$0xFFFFFC60];
	v23 =	vadd.f32 v27, v23  }
0x27b: {  	v27 =	vld [tilespmem:s23+$0xFFFFFC70];
	v15 =	vmul.f32 v15, v2  }
0x27c: {  	v22 =	vadd.f32 v24, v22;
	v24 =	vld [tilespmem:s23+$0xFFFFFD20];
	v17 =	vmul.f32 v17, v4;
	v18 =	vmul.f32 v18, v3  }
0x27d: {  	v26 =	vld [tilespmem:s23+$0xFFFFFC40]  }
0x27e: {  	v15 =	vadd.f32 v15, v22;
	v22 =	vld [tilespmem:s23+$0xFFFFFD30];
	v16 =	vmul.f32 v16, v2;
	v17 =	vadd.f32 v18, v17  }
0x27f: {  	v23 =	vadd.f32 v25, v23;
	v25 =	vld [tilespmem:s23+$0xFFFFFC80];
	v19 =	vmul.f32 v19, v4;
	v21 =	vmul.f32 v21, v3  }
0x280: {  	v13 =	vmul.f32 v13, v1;
	v14 =	vmul.f32 v14, v4;
	v18 =	vld [tilespmem:s23+$0xFFFFFDE0];
	v16 =	vadd.f32 v16, v17  }
0x281: {  	v17 =	vmul.f32 v24, v3;
	v19 =	vadd.f32 v21, v19;
	v21 =	vmul.f32 v27, v2;
	v27 =	vld [tilespmem:s23+$0xFFFFFD40]  }
0x282: {  	v26 =	vmul.f32 v26, v1  }
0x283: {  	(xrf2) =	vadd.scan.msk.f32 $0xffff, v20;
	v13 =	vadd.f32 v13, v15;
	v24 =	vld [tilespmem:s23+$0xFFFFFDF0];
	v14 =	vadd.f32 v17, v14;
	v17 =	vmul.f32 v22, v2  }
0x284: {  	v20 =	vld [tilespmem:s23+$0xFFFFFEA0];
	(xrf2) =	vadd.scan.msk.f32 $0xffff, v23;
	v16 =	vadd.f32 v26, v16;
	v15 =	vadd.f32 v21, v19;
	v19 =	vmul.f32 v25, v1  }
0x285: {  	v12 =	vmul.f32 v12, v4;
	(xrf2) =	vadd.scan.msk.f32 $0xffff, v13;
	v21 =	vld [tilespmem:s23+$0xFFFFFE00];
	v14 =	vadd.f32 v17, v14  }
0x286: {  	(xrf2) =	vadd.scan.msk.f32 $0xffff, v16;
	v13 =	vadd.f32 v19, v15;
	v15 =	vmul.f32 v18, v3;
	v18 =	vld [tilespmem:s23+$0xFFFFFEB0];
	v16 =	vmul.f32 v27, v1  }
0x287: {  	v8 =	vmul.f32 v8, v4  }
0x288: {  	v19 =	vld [tilespmem:s23+$0xFFFFFEC0];
	v12 =	vadd.f32 v15, v12;
	v15 =	vmul.f32 v24, v2;
	(xrf2) =	vadd.scan.msk.f32 $0xffff, v13;
	v13 =	vadd.f32 v16, v14  }
0x289: {  	v7 =	vmul.f32 v7, v4;
	v17 =	vld [tilespmem:s23+$0xFFFFFF60];
	v14 =	vmul.f32 v20, v3  }
0x28a: {  	v4 =	vmul.f32 v6, v4;
	v6 =	vld [tilespmem:s23+$0x0];
	v12 =	vadd.f32 v15, v12;
	v15 =	vmul.f32 v21, v1;
	(xrf2) =	vadd.scan.msk.f32 $0xffff, v13  }
0x28b: {  	v16 =	vld [tilespmem:s23+$0xFFFFFF70];
	v8 =	vadd.f32 v14, v8;
	v14 =	vmul.f32 v18, v2  }
0x28c: {  	v20 =	vld [tilespmem:s23+$0xFFFFFFE0];
	v21, _, _ =	vpop (xrf2);
	v12 =	vadd.f32 v15, v12  }
0x28d: {  	v18 =	vld [tilespmem:s23+$0xFFFFFF80];
	v13, _, _ =	vpop (xrf2);
	v8 =	vadd.f32 v14, v8;
	v14 =	vmul.f32 v19, v1  }
0x28e: {  	v15 =	vmul.f32 v17, v3;
	v19 =	vld [tilespmem:s23+$0xFFFFFFF0];
	v17, _, _ =	vpop (xrf2)  }
0x28f: {  	v22, _, _ =	vpop (xrf2);
	(xrf2) =	vadd.scan.msk.f32 $0xffff, v12  }
0x290: {  	v7 =	vadd.f32 v15, v7;
	v15 =	vmul.f32 v16, v2;
	v8 =	vadd.f32 v14, v8;
	v12, _, _ =	vpop (xrf2)  }
0x291: {  	v3 =	vmul.f32 v20, v3;
	v14, _, _ =	vpop (xrf2)  }
0x292: {  	v7 =	vadd.f32 v15, v7;
	v15 =	vmul.f32 v18, v1;
	v16, _, _ =	vpop (xrf2);
	(xrf2) =	vadd.scan.msk.f32 $0xffff, v8  }
0x293: {  	v3 =	vadd.f32 v3, v4;
	v1 =	vmul.f32 v6, v1;
	v2 =	vmul.f32 v19, v2;
	v4, _, _ =	vpop (xrf2)  }
0x294: {  	v7 =	vadd.f32 v15, v7;
	v8 =	vbroadcast v16, $0xF;
	v4 =	vbroadcast v4, $0xF;
	v6, _, _ =	vpop (xrf2)  }
0x295: {  	v14 =	vbroadcast v14, $0xF;
	v2 =	vadd.f32 v2, v3;
	v6 =	vbroadcast v6, $0xF  }
0x296: {  	v3 =	vsel vm0, v8, v4;
	v4 =	vbroadcast v12, $0xF  }
0x297: {  	(xrf2) =	vadd.scan.msk.f32 $0xffff, v7;
	v1 =	vadd.f32 v1, v2;
	v3 =	vsel vm1, v3, v14  }
0x298: {  	v2 =	vsel vm2, v3, v4;
	v3 =	vbroadcast v22, $0xF;
	v4 =	vbroadcast v17, $0xF  }
0x299: {  	v2 =	vsel vm3, v2, v6;
	v6, _, _ =	vpop (xrf2)  }
0x29a: {  	(xrf2) =	vadd.scan.msk.f32 $0xffff, v1;
	v1 =	vsel vm4, v2, v3;
	v2 =	vbroadcast v6, $0xF  }
0x29b: {  	v3 =	vbroadcast v13, $0xF;
	v1 =	vsel vm5, v1, v4  }
0x29c: {  	v4, _, _ =	vpop (xrf2);
	v1 =	vsel vm6, v1, v2;
	v2 =	vbroadcast v21, $0xF  }
0x29d: {  	v1 =	vsel vm7, v1, v3;
	v3 =	vbroadcast v4, $0xF  }
0x29e: {  	v1 =	vsel vm8, v1, v2;
	v2 =	vbroadcast v11, $0xF  }
0x29f: {  	v1 =	vsel vm9, v1, v3;
	v3 =	vbroadcast v10, $0xF  }
0x2a0: {  	v1 =	vsel vm10, v1, v2  }
0x2a1: {  	v4, _, _ =	vpop (xrf2);
	v1 =	vsel vm11, v1, v3;
	v3 =	vbroadcast v9, $0xF  }
0x2a2: {  	v2 =	vbroadcast v4, $0xF;
	_ =	sdelay $0x1  }
0x2a3: {  	v1 =	vsel vm12, v1, v2  }
0x2a4: {  	v2 =	vmov s24;
	v1 =	vsel vm13, v1, v3;
	v3, _, _ =	vpop (xrf2)  }
0x2a5: {  	vm15 =	vlt.u32 v2, v0;
	v1 =	vsel vm14, v1, v3  }
0x2a6: {  	v1 =	vnsel vm15, $0xF149F2CA, v1  }
0x2a7: {  	v2 =	vmax.f32 v5, v1  }
0x2a8: {  	(xrf0) =	vmax.scan.msk.f32 $0xffff, v2  }
0x2a9: {  	s22 =	sadd.s32 $0x10, s22  }
0x2aa: {  	s23 =	simm.s32 @!p0 $0x64;
	s24 =	simm.s32 @!p0 $0xBC00;
	[tilespmem:s22+$0x0] =	vst v1;
	s22 =	sadd.s32 @!p0 $0x410, s19  }
0x2ab: {  	[tilespmem:s24], [sflag:$0x2] =	stream.indirect.gather @!p0 [hbm4b:s5+s23], $0x40, s22, s23, $0xb8;
	[tilespmem:$0x15C10] =	vst v63  }
0x2ac: {  	s22 =	sadd.s32 @!p0 $0x478, s19;
	s24 =	simm.s32 @!p0 $0xD500  }
0x2ad: {  	[tilespmem:s24], [sflag:$0x2] =	stream.indirect.gather @!p0 [hbm4b:s5+s23], $0x40, s22, s23, $0xb8;
	[tilespmem:$0x15C10] =	vst v63  }
0x2ae: {  	s22 =	simm.s32 @!p1 $0x6;
	v1, _, _ =	vpop (xrf0)  }
0x2af: {  	_ =	swait.ge @!p1 [sflag:s22], $0xC8  }
0x2b0: {  	[sflag:s22] =	ssyncset.done @!p1 $0x0  }
0x2b1: {  	[sflag:s22] =	ssyncadd.s32 @!p1 $0xFFFFFF38  }
0x2b2: {  	v2 =	vld [tilespmem:$0x15800];
	_ =	sdelay $0x1  }
0x2b3: {  	v3 =	vld [tilespmem:$0x15810]  }
0x2b4: {  	v1 =	vbroadcast v1, $0xF  }
0x2b5: {  	v4 =	vld [tilespmem:$0x15820]  }
0x2b6: {  	v2 =	vsub.f32 v2, v1  }
0x2b7: {  	v5 =	vld [tilespmem:$0x15830]  }
0x2b8: {  	v3 =	vsub.f32 v3, v1;
	v2 =	vmul.f32 $1.442695020e+00, v2  }
0x2b9: {  	v6 =	vld [tilespmem:$0x15840]  }
0x2ba: {  	(erf) = vpow2.f32 v2;
	v2 =	vmul.f32 $1.442695020e+00, v3;
	v3 =	vsub.f32 v4, v1  }
0x2bb: {  	v4 =	vld [tilespmem:$0x15850]  }
0x2bc: {  	(erf) = vpow2.f32 v2;
	v2 =	vmul.f32 $1.442695020e+00, v3;
	v3 =	vsub.f32 v5, v1;
	_ =	sdelay $0x1  }
0x2bd: {  	(erf) = vpow2.f32 v2;
	v2 =	vmul.f32 $1.442695020e+00, v3;
	v3 =	vsub.f32 v6, v1  }
0x2be: {  	v5 =	vld [tilespmem:$0x15860]  }
0x2bf: {  	(erf) = vpow2.f32 v2;
	v2 =	vmul.f32 $1.442695020e+00, v3;
	v3 =	vsub.f32 v4, v1  }
0x2c0: {  	v4 =	vld [tilespmem:$0x15870]  }
0x2c1: {  	(erf) = vpow2.f32 v2;
	v2 =	vmul.f32 $1.442695020e+00, v3;
	v3 =	vld [tilespmem:$0x15880]  }
0x2c2: {  	v6 =	vpop (erf)  }
0x2c3: {  	v5 =	vsub.f32 v5, v1;
	v7 =	vadd.f32 $0.0e+00, v6;
	(erf) = vpow2.f32 v2;
	v2 =	vld [tilespmem:$0x15890]  }
0x2c4: {  	v8 =	vpop (erf)  }
0x2c5: {  	v9 =	vld [tilespmem:$0x158A0];
	v5 =	vmul.f32 $1.442695020e+00, v5;
	v4 =	vsub.f32 v4, v1;
	v7 =	vadd.f32 v8, v7  }
0x2c6: {  	v10 =	vpop (erf);
	v3 =	vsub.f32 v3, v1  }
0x2c7: {  	(erf) = vpow2.f32 v5;
	v4 =	vmul.f32 $1.442695020e+00, v4;
	v5 =	vadd.f32 v10, v7;
	v7 =	vld [tilespmem:$0x158B0]  }
0x2c8: {  	v11 =	vpop (erf);
	v3 =	vmul.f32 $1.442695020e+00, v3;
	v2 =	vsub.f32 v2, v1  }
0x2c9: {  	(erf) = vpow2.f32 v4;
	v4 =	vadd.f32 v11, v5;
	v5 =	vld [tilespmem:$0x158C0]  }
0x2ca: {  	(erf) = vpow2.f32 v3;
	v2 =	vmul.f32 $1.442695020e+00, v2;
	v3 =	vsub.f32 v9, v1  }
0x2cb: {  	v12 =	vpop (erf)  }
0x2cc: {  	v9 =	vpop (erf);
	(erf) = vpow2.f32 v2;
	v2 =	vmul.f32 $1.442695020e+00, v3;
	v3 =	vsub.f32 v7, v1  }
0x2cd: {  	v4 =	vadd.f32 v12, v4  }
0x2ce: {  	(erf) = vpow2.f32 v2;
	v2 =	vmul.f32 $1.442695020e+00, v3;
	v1 =	vsub.f32 v5, v1  }
0x2cf: {  	v4 =	vadd.f32 v9, v4  }
0x2d0: {  	v3 =	vpop (erf);
	v1 =	vmul.f32 $1.442695020e+00, v1  }
0x2d1: {  	(erf) = vpow2.f32 v2;
	v4 =	vadd.f32 v3, v4  }
0x2d2: {  	v2 =	vpop (erf)  }
0x2d3: {  	(erf) = vpow2.f32 v1;
	v4 =	vadd.f32 v2, v4  }
0x2d4: {  	v1 =	vpop (erf)  }
0x2d5: {  	v4 =	vadd.f32 v1, v4  }
0x2d6: {  	v5 =	vpop (erf)  }
0x2d7: {  	v4 =	vadd.f32 v5, v4  }
0x2d8: {  	v7 =	vpop (erf)  }
0x2d9: {  	v4 =	vadd.f32 v7, v4  }
0x2da: {  	v13 =	vpop (erf)  }
0x2db: {  	v4 =	vadd.f32 v13, v4  }
0x2dc: {  	v14 =	vpop (erf)  }
0x2dd: {  	v4 =	vadd.f32 v14, v4;
	_ =	sdelay $0x1  }
0x2de: {  	(xrf2) =	vadd.scan.msk.f32 $0xffff, v4;
	_ =	sdelay $0x9  }
0x2df: {  	v4, _, _ =	vpop (xrf2)  }
0x2e0: {  	v4 =	vadd.f32 $0.0e+00, v4;
	_ =	sdelay $0x1  }
0x2e1: {  	v4 =	vbroadcast v4, $0xF;
	_ =	sdelay $0x1  }
0x2e2: {  	[tilespmem:$0x159A0] =	vst v6;
	(erf) = vrcp.f32 v4  }
0x2e3: {  	[tilespmem:$0x159B0] =	vst v8  }
0x2e4: {  	[tilespmem:$0x159C0] =	vst v10  }
0x2e5: {  	[tilespmem:$0x159D0] =	vst v11  }
0x2e6: {  	[tilespmem:$0x159E0] =	vst v12  }
0x2e7: {  	[tilespmem:$0x159F0] =	vst v9  }
0x2e8: {  	[tilespmem:$0x15A00] =	vst v3  }
0x2e9: {  	[tilespmem:$0x15A10] =	vst v2  }
0x2ea: {  	[tilespmem:$0x15A20] =	vst v1  }
0x2eb: {  	[tilespmem:$0x15A30] =	vst v5;
	v4 =	vpop (erf)  }
0x2ec: {  	[tilespmem:$0x15A40] =	vst v7;
	v6 =	vmul.f32 v6, v4  }
0x2ed: {  	[tilespmem:$0x15A50] =	vst v13;
	v8 =	vmul.f32 v8, v4  }
0x2ee: {  	v3 =	vmul.f32 v3, v4;
	[tilespmem:$0x159A0] =	vst v6  }
0x2ef: {  	v2 =	vmul.f32 v2, v4;
	[tilespmem:$0x159B0] =	vst v8  }
0x2f0: {  	v1 =	vmul.f32 v1, v4;
	[tilespmem:$0x15A00] =	vst v3  }
0x2f1: {  	v6 =	vmul.f32 v10, v4;
	[tilespmem:$0x15A10] =	vst v2  }
0x2f2: {  	v8 =	vmul.f32 v11, v4;
	[tilespmem:$0x15A20] =	vst v1  }
0x2f3: {  	v2 =	vmul.f32 v5, v4;
	[tilespmem:$0x159C0] =	vst v6  }
0x2f4: {  	v1 =	vmul.f32 v7, v4;
	[tilespmem:$0x159D0] =	vst v8  }
0x2f5: {  	v6 =	vmul.f32 v12, v4;
	[tilespmem:$0x15A30] =	vst v2  }
0x2f6: {  	v8 =	vmul.f32 v9, v4;
	[tilespmem:$0x15A40] =	vst v1  }
0x2f7: {  	s21 =	sadd.s32 s4, s21;
	v2 =	vmul.f32 v13, v4;
	[tilespmem:$0x159E0] =	vst v6  }
0x2f8: {  	s21 =	smul.u32 $0x19, s21;
	v1 =	vmul.f32 v14, v4;
	[tilespmem:$0x159F0] =	vst v8  }
0x2f9: {  	[tilespmem:$0x15A50] =	vst v2  }
0x2fa: {  	s21 =	sadd.s32 s2, s21;
	s22 =	simm.s32 $0x0;
	[tilespmem:$0x15A60] =	vst v1  }
0x2fb: {  	[hbm4b:s21+s22] =	stream.linear.scatter [tilespmem:s31], [sflag:$0x6], $0xC8, $0x38;
	[tilespmem:$0x15C10] =	vst v63  }
0x2fc: {  	_ =	swait.ge [sflag:s1], $0x1900  }
0x2fd: {  	[sflag:s1] =	ssyncset.done $0x0  }
0x2fe: {  	[sflag:s1] =	ssyncadd.s32 $0xFFFFE700  }
0x2ff: {  	s21 =	sor.u32 $0x2, s20;
	_ =	swait.ge [sflag:s1], $0x1900  }
0x300: {  	s24 =	sshll.u32 s21, $0x6;
	[sflag:s1] =	ssyncset.done $0x0  }
0x301: {  	s23 =	sand.u32 $0x3FFFFFC0, s24;
	[sflag:s1] =	ssyncadd.s32 $0xFFFFE700  }
0x302: {  	v4 =	vld [tilespmem:s23+$0x6800]  }
0x303: {  	v3 =	vld [tilespmem:s23+$0x6810]  }
0x304: {  	v2 =	vld [tilespmem:s23+$0x6820]  }
0x305: {  	s25 =	simm.s32 $0x0;
	v1 =	vld [tilespmem:s23+$0x6830]  }
0x306: {  	v8 =	vld [tilespmem:s25+$0xF3B0]  }
0x307: {  	v9 =	vld [tilespmem:s25+$0xF3A0]  }
0x308: {  	v10 =	vld [tilespmem:s25+$0xF330]  }
0x309: {  	v11 =	vld [tilespmem:s25+$0xF380]  }
0x30a: {  	v12 =	vld [tilespmem:s25+$0xF390]  }
0x30b: {  	v13 =	vld [tilespmem:s25+$0xF2F0]  }
0x30c: {  	v14 =	vld [tilespmem:s25+$0xF320]  }
0x30d: {  	v6 =	vld [tilespmem:s25+$0xF340]  }
0x30e: {  	v15 =	vld [tilespmem:s25+$0xF2E0]  }
0x30f: {  	v16 =	vld [tilespmem:s25+$0xF300]  }
0x310: {  	v17 =	vld [tilespmem:s25+$0xF310]  }
0x311: {  	v18 =	vld [tilespmem:s25+$0xF270]  }
0x312: {  	v19 =	vld [tilespmem:s25+$0xF2C0]  }
0x313: {  	v20 =	vld [tilespmem:s25+$0xF2D0]  }
0x314: {  	v21 =	vld [tilespmem:s25+$0xF230]  }
0x315: {  	v22 =	vld [tilespmem:s25+$0xF260]  }
0x316: {  	v7 =	vld [tilespmem:s25+$0xF280]  }
0x317: {  	v23 =	vld [tilespmem:s25+$0xF220]  }
0x318: {  	v24 =	vld [tilespmem:s25+$0xF240]  }
0x319: {  	v25 =	vld [tilespmem:s25+$0xF250]  }
0x31a: {  	v26 =	vld [tilespmem:s25+$0xF1B0]  }
0x31b: {  	v27 =	vld [tilespmem:s25+$0xF200]  }
0x31c: {  	v28 =	vld [tilespmem:s25+$0xF210]  }
0x31d: {  	v29 =	vld [tilespmem:s25+$0xF170]  }
0x31e: {  	v30 =	vld [tilespmem:s25+$0xF1A0]  }
0x31f: {  	v31 =	vld [tilespmem:s25+$0xF1C0]  }
0x320: {  	v32 =	vld [tilespmem:s25+$0xF160];
	v11 =	vmul.f32 v11, v4  }
0x321: {  	v33 =	vld [tilespmem:s25+$0xF180];
	v12 =	vmul.f32 v12, v3;
	v16 =	vmul.f32 v16, v4  }
0x322: {  	v34 =	vld [tilespmem:s25+$0xF190];
	v17 =	vmul.f32 v17, v3;
	v9 =	vmul.f32 v9, v2  }
0x323: {  	v55 =	vld [tilespmem:s25+$0xF090];
	v8 =	vmul.f32 v8, v1;
	v14 =	vmul.f32 v14, v2;
	v11 =	vadd.f32 v12, v11  }
0x324: {  	v56 =	vld [tilespmem:s25+$0xF040];
	v10 =	vmul.f32 v10, v1;
	v13 =	vmul.f32 v13, v1  }
0x325: {  	v57 =	vld [tilespmem:s25+$0xF030];
	v22 =	vmul.f32 v22, v2;
	v16 =	vadd.f32 v17, v16;
	v9 =	vadd.f32 v9, v11  }
0x326: {  	v12 =	vld [tilespmem:s25+$0xF0F0];
	v11 =	vmul.f32 v19, v4;
	v19 =	vmul.f32 v20, v3  }
0x327: {  	v18 =	vmul.f32 v18, v1;
	v17 =	vld [tilespmem:s25+$0xF140];
	v14 =	vadd.f32 v14, v16;
	v8 =	vadd.f32 v8, v9  }
0x328: {  	v20 =	vld [tilespmem:s25+$0xF150];
	v9 =	vadd.f32 v19, v11;
	v19 =	vmul.f32 v24, v4;
	v24 =	vmul.f32 v25, v3  }
0x329: {  	v23 =	vmul.f32 v23, v2;
	v16 =	vld [tilespmem:s25+$0xF0B0];
	v11 =	vmul.f32 v15, v2  }
0x32a: {  	v54 =	vmul.f32 v34, v3;
	v10 =	vadd.f32 v10, v14;
	v14 =	vld [tilespmem:s25+$0xF0C0];
	v19 =	vadd.f32 v24, v19  }
0x32b: {  	v25 =	vmul.f32 v28, v3;
	v9 =	vadd.f32 v11, v9;
	v11 =	vmul.f32 v27, v4;
	v27 =	vld [tilespmem:s25+$0xF0D0]  }
0x32c: {  	v26 =	vmul.f32 v26, v1;
	v15 =	vld [tilespmem:s25+$0xF0E0];
	v19 =	vadd.f32 v22, v19;
	v22 =	vmul.f32 v33, v4  }
0x32d: {  	v17 =	vmul.f32 v17, v4;
	v24 =	vld [tilespmem:s25+$0xF100];
	v20 =	vmul.f32 v20, v3;
	v11 =	vadd.f32 v25, v11  }
0x32e: {  	v25 =	vld [tilespmem:s25+$0xF080];
	v18 =	vadd.f32 v18, v19;
	v19 =	vadd.f32 v54, v22;
	v22 =	vmul.f32 v30, v2  }
0x32f: {  	v9 =	vadd.f32 v13, v9;
	v13 =	vmul.f32 v21, v1;
	v21 =	vld [tilespmem:s25+$0xF0A0];
	v11 =	vadd.f32 v23, v11  }
0x330: {  	v14 =	vmul.f32 v14, v4;
	v23 =	vld [tilespmem:s25+$0xF000];
	v19 =	vadd.f32 v22, v19;
	v22 =	vmul.f32 v27, v3  }
0x331: {  	v17 =	vadd.f32 v20, v17;
	v20 =	vmul.f32 v32, v2;
	v11 =	vadd.f32 v13, v11;
	v13 =	vld [tilespmem:s25+$0xF010]  }
0x332: {  	v29 =	vmul.f32 v29, v1;
	v15 =	vmul.f32 v15, v2;
	v14 =	vadd.f32 v22, v14;
	v22 =	vld [tilespmem:s25+$0xF050]  }
0x333: {  	v17 =	vadd.f32 v20, v17;
	v27 =	vld [tilespmem:s25+$0xF020];
	v20 =	vmul.f32 v25, v4;
	v25 =	vmul.f32 v55, v3  }
0x334: {  	v12 =	vmul.f32 v12, v1;
	v16 =	vmul.f32 v16, v1;
	v14 =	vadd.f32 v15, v14;
	v15 =	vld [tilespmem:s25+$0xF060]  }
0x335: {  	(xrf2) =	vadd.scan.msk.f32 $0xffff, v8;
	v8 =	vadd.f32 v29, v17;
	v17 =	vadd.f32 v25, v20;
	v20 =	vmul.f32 v21, v2;
	v21 =	vld [tilespmem:s25+$0xF110]  }
0x336: {  	(xrf2) =	vadd.scan.msk.f32 $0xffff, v10;
	v10 =	vmul.f32 v23, v4;
	v13 =	vmul.f32 v13, v3;
	v12 =	vadd.f32 v12, v14;
	v14 =	vld [tilespmem:s25+$0xF070]  }
0x337: {  	(xrf2) =	vadd.scan.msk.f32 $0xffff, v9;
	v9 =	vadd.f32 v20, v17;
	v17 =	vmul.f32 v56, v4;
	v20 =	vmul.f32 v22, v3;
	v22 =	vld [tilespmem:s25+$0xF120]  }
0x338: {  	(xrf2) =	vadd.scan.msk.f32 $0xffff, v18;
	v18 =	vld [tilespmem:s25+$0xF1D0];
	v19 =	vadd.f32 v26, v19;
	v10 =	vadd.f32 v13, v10;
	v13 =	vmul.f32 v27, v2  }
0x339: {  	(xrf2) =	vadd.scan.msk.f32 $0xffff, v11;
	v11 =	vmul.f32 v57, v1;
	v17 =	vadd.f32 v20, v17;
	v15 =	vmul.f32 v15, v2;
	v20 =	vld [tilespmem:s25+$0xF130]  }
0x33a: {  	(xrf2) =	vadd.scan.msk.f32 $0xffff, v19;
	v19 =	vmul.f32 v21, v3;
	v21 =	vld [tilespmem:s25+$0xF1E0];
	v10 =	vadd.f32 v13, v10;
	v13 =	vmul.f32 v24, v4  }
0x33b: {  	(xrf2) =	vadd.scan.msk.f32 $0xffff, v8;
	v8 =	vadd.f32 v16, v9;
	v9 =	vadd.f32 v15, v17;
	v14 =	vmul.f32 v14, v1;
	v15 =	vld [tilespmem:s25+$0xF290]  }
0x33c: {  	(xrf2) =	vadd.scan.msk.f32 $0xffff, v12;
	v10 =	vadd.f32 v11, v10;
	v11 =	vadd.f32 v19, v13;
	v13 =	vld [tilespmem:s25+$0xF1F0];
	v12 =	vmul.f32 v22, v2  }
0x33d: {  	v16 =	vld [tilespmem:s25+$0xF2A0];
	(xrf2) =	vadd.scan.msk.f32 $0xffff, v8;
	v8 =	vadd.f32 v14, v9;
	v9 =	vmul.f32 v31, v4;
	v14 =	vmul.f32 v18, v3  }
0x33e: {  	(xrf2) =	vadd.scan.msk.f32 $0xffff, v10;
	v10 =	vadd.f32 v12, v11;
	v11 =	vmul.f32 v20, v1;
	v12 =	vld [tilespmem:s25+$0xF350]  }
0x33f: {  	v7 =	vmul.f32 v7, v4;
	v18 =	vld [tilespmem:s25+$0xF2B0];
	v9 =	vadd.f32 v14, v9  }
0x340: {  	v14 =	vmul.f32 v21, v2;
	v10 =	vadd.f32 v11, v10;
	v11 =	vmul.f32 v15, v3;
	v15 =	vld [tilespmem:s25+$0xF360]  }
0x341: {  	v5 =	vld [tilespmem:s25+$0xF3C0];
	v17, _, _ =	vpop (xrf2);
	(xrf2) =	vadd.scan.msk.f32 $0xffff, v8;
	v13 =	vmul.f32 v13, v1  }
0x342: {  	v8, _, _ =	vpop (xrf2);
	v9 =	vadd.f32 v14, v9;
	v7 =	vadd.f32 v11, v7;
	v11 =	vmul.f32 v16, v2;
	v16 =	vld [tilespmem:s25+$0xF370];
	(xrf2) =	vadd.scan.msk.f32 $0xffff, v10  }
0x343: {  	v6 =	vmul.f32 v6, v4;
	v14 =	vld [tilespmem:s25+$0xF3D0];
	v19, _, _ =	vpop (xrf2);
	v12 =	vmul.f32 v12, v3  }
0x344: {  	v20, _, _ =	vpop (xrf2);
	v9 =	vadd.f32 v13, v9;
	v7 =	vadd.f32 v11, v7  }
0x345: {  	v10, _, _ =	vpop (xrf2);
	v11 =	vmul.f32 v18, v1;
	v18 =	vld [tilespmem:s25+$0xF3E0];
	v6 =	vadd.f32 v12, v6;
	v12 =	vmul.f32 v15, v2  }
0x346: {  	v13, _, _ =	vpop (xrf2)  }
0x347: {  	(xrf2) =	vadd.scan.msk.f32 $0xffff, v9;
	v21, _, _ =	vpop (xrf2);
	v7 =	vadd.f32 v11, v7;
	v11 =	vld [tilespmem:s25+$0xF3F0];
	v6 =	vadd.f32 v12, v6;
	v12 =	vmul.f32 v16, v1  }
0x348: {  	v5 =	vmul.f32 v5, v4;
	v14 =	vmul.f32 v14, v3;
	v9, _, _ =	vpop (xrf2)  }
0x349: {  	v15, _, _ =	vpop (xrf2)  }
0x34a: {  	(xrf2) =	vadd.scan.msk.f32 $0xffff, v7;
	v5 =	vadd.f32 v14, v5;
	v16, _, _ =	vpop (xrf2);
	v7 =	vmul.f32 v18, v2  }
0x34b: {  	v6 =	vadd.f32 v12, v6;
	v14 =	vbroadcast v16, $0xF;
	v12, _, _ =	vpop (xrf2)  }
0x34c: {  	v5 =	vadd.f32 v7, v5;
	v7 =	vmul.f32 v11, v1;
	v12 =	vbroadcast v12, $0xF;
	v11, _, _ =	vpop (xrf2)  }
0x34d: {  	v15 =	vbroadcast v15, $0xF;
	v11 =	vbroadcast v11, $0xF  }
0x34e: {  	v9 =	vbroadcast v9, $0xF;
	(xrf2) =	vadd.scan.msk.f32 $0xffff, v6;
	v6 =	vsel vm0, v14, v12  }
0x34f: {  	v5 =	vadd.f32 v7, v5;
	v6 =	vsel vm1, v6, v15  }
0x350: {  	v7 =	vbroadcast v21, $0xF;
	v6 =	vsel vm2, v6, v9;
	v9 =	vbroadcast v13, $0xF  }
0x351: {  	v6 =	vsel vm3, v6, v11;
	v11, _, _ =	vpop (xrf2)  }
0x352: {  	(xrf2) =	vadd.scan.msk.f32 $0xffff, v5;
	v5 =	vsel vm4, v6, v7;
	v6 =	vbroadcast v11, $0xF  }
0x353: {  	v7 =	vbroadcast v10, $0xF;
	v5 =	vsel vm5, v5, v9  }
0x354: {  	v5 =	vsel vm6, v5, v6;
	v6 =	vbroadcast v20, $0xF;
	v9, _, _ =	vpop (xrf2)  }
0x355: {  	v5 =	vsel vm7, v5, v7;
	v7 =	vbroadcast v9, $0xF  }
0x356: {  	v5 =	vsel vm8, v5, v6;
	v6 =	vbroadcast v19, $0xF  }
0x357: {  	v5 =	vsel vm9, v5, v7;
	v7 =	vbroadcast v8, $0xF  }
0x358: {  	v5 =	vsel vm10, v5, v6  }
0x359: {  	v8, _, _ =	vpop (xrf2);
	v5 =	vsel vm11, v5, v7;
	v7 =	vbroadcast v17, $0xF  }
0x35a: {  	v6 =	vbroadcast v8, $0xF;
	_ =	sdelay $0x1  }
0x35b: {  	v5 =	vsel vm12, v5, v6  }
0x35c: {  	v6 =	vmov s22;
	v5 =	vsel vm13, v5, v7;
	v7, _, _ =	vpop (xrf2)  }
0x35d: {  	vm15 =	vlt.u32 v6, v0;
	v5 =	vsel vm14, v5, v7  }
0x35e: {  	s23 =	simm.s32 $0x15800;
	v5 =	vnsel vm15, $0xF149F2CA, v5  }
0x35f: {  	s24 =	simm.s32 $0x400;
	[tilespmem:s23+$0x0] =	vst v5  }
0x360: {  	v9 =	vld [tilespmem:s24+$0xF3B0]  }
0x361: {  	v6 =	vld [tilespmem:s24+$0xF3C0]  }
0x362: {  	v10 =	vld [tilespmem:s24+$0xF3A0]  }
0x363: {  	v11 =	vld [tilespmem:s24+$0xF330]  }
0x364: {  	v12 =	vld [tilespmem:s24+$0xF380]  }
0x365: {  	v13 =	vld [tilespmem:s24+$0xF390]  }
0x366: {  	v14 =	vld [tilespmem:s24+$0xF2F0]  }
0x367: {  	v15 =	vld [tilespmem:s24+$0xF320]  }
0x368: {  	v7 =	vld [tilespmem:s24+$0xF340]  }
0x369: {  	v16 =	vld [tilespmem:s24+$0xF2E0]  }
0x36a: {  	v17 =	vld [tilespmem:s24+$0xF300]  }
0x36b: {  	v18 =	vld [tilespmem:s24+$0xF310]  }
0x36c: {  	v19 =	vld [tilespmem:s24+$0xF270]  }
0x36d: {  	v20 =	vld [tilespmem:s24+$0xF2C0]  }
0x36e: {  	v21 =	vld [tilespmem:s24+$0xF2D0]  }
0x36f: {  	v22 =	vld [tilespmem:s24+$0xF230]  }
0x370: {  	v23 =	vld [tilespmem:s24+$0xF260]  }
0x371: {  	v8 =	vld [tilespmem:s24+$0xF280]  }
0x372: {  	v24 =	vld [tilespmem:s24+$0xF220]  }
0x373: {  	v25 =	vld [tilespmem:s24+$0xF240]  }
0x374: {  	v26 =	vld [tilespmem:s24+$0xF250]  }
0x375: {  	v27 =	vld [tilespmem:s24+$0xF1B0];
	v12 =	vmul.f32 v12, v4;
	v13 =	vmul.f32 v13, v3  }
0x376: {  	v58 =	vld [tilespmem:s24+$0xF200]  }
0x377: {  	v59 =	vld [tilespmem:s24+$0xF210];
	v10 =	vmul.f32 v10, v2;
	v17 =	vmul.f32 v17, v4;
	v13 =	vadd.f32 v13, v12  }
0x378: {  	v60 =	vld [tilespmem:s24+$0xF170];
	v18 =	vmul.f32 v18, v3;
	v20 =	vmul.f32 v20, v4  }
0x379: {  	v61 =	vld [tilespmem:s24+$0xF1A0];
	v21 =	vmul.f32 v21, v3;
	v9 =	vmul.f32 v9, v1;
	v10 =	vadd.f32 v10, v13  }
0x37a: {  	v62 =	vld [tilespmem:s24+$0xF080];
	v15 =	vmul.f32 v15, v2;
	v13 =	vadd.f32 v18, v17  }
0x37b: {  	v63 =	vld [tilespmem:s24+$0xF090];
	v16 =	vmul.f32 v16, v2;
	v18 =	vadd.f32 v21, v20;
	v9 =	vadd.f32 v9, v10  }
0x37c: {  	v11 =	vmul.f32 v11, v1;
	v14 =	vmul.f32 v14, v1;
	v12 =	vld [tilespmem:s24+$0xF1C0];
	v13 =	vadd.f32 v15, v13  }
0x37d: {  	v20 =	vld [tilespmem:s24+$0xF180];
	v10 =	vadd.f32 v16, v18;
	v18 =	vmul.f32 v26, v3;
	(xrf2) =	vadd.scan.msk.f32 $0xffff, v9;
	v9 =	vmul.f32 v25, v4  }
0x37e: {  	v21 =	vld [tilespmem:s24+$0xF190];
	v11 =	vadd.f32 v11, v13  }
0x37f: {  	v17 =	vld [tilespmem:s24+$0xF160];
	v10 =	vadd.f32 v14, v10;
	v14 =	vmul.f32 v23, v2;
	v9 =	vadd.f32 v18, v9  }
0x380: {  	v16 =	vld [tilespmem:s24+$0xF140];
	(xrf2) =	vadd.scan.msk.f32 $0xffff, v11;
	v11 =	vmul.f32 v58, v4;
	v18 =	vmul.f32 v59, v3  }
0x381: {  	v19 =	vmul.f32 v19, v1;
	v25 =	vld [tilespmem:s24+$0xF150];
	v9 =	vadd.f32 v14, v9  }
0x382: {  	v24 =	vmul.f32 v24, v2;
	v15 =	vld [tilespmem:s24+$0xF0F0];
	(xrf2) =	vadd.scan.msk.f32 $0xffff, v10;
	v11 =	vadd.f32 v18, v11  }
0x383: {  	v26 =	vld [tilespmem:s24+$0xF0C0];
	v20 =	vmul.f32 v20, v4;
	v21 =	vmul.f32 v21, v3;
	v9 =	vadd.f32 v19, v9  }
0x384: {  	v22 =	vmul.f32 v22, v1;
	v18 =	vld [tilespmem:s24+$0xF0D0];
	v11 =	vadd.f32 v24, v11  }
0x385: {  	v13 =	vld [tilespmem:s24+$0xF0B0];
	v20 =	vadd.f32 v21, v20;
	v21 =	vmul.f32 v61, v2;
	(xrf2) =	vadd.scan.msk.f32 $0xffff, v9  }
0x386: {  	v23 =	vld [tilespmem:s24+$0xF0E0];
	v25 =	vmul.f32 v25, v3;
	v19 =	vmul.f32 v16, v4;
	v11 =	vadd.f32 v22, v11  }
0x387: {  	v14 =	vld [tilespmem:s24+$0xF100];
	v20 =	vadd.f32 v21, v20;
	v21 =	vmul.f32 v27, v1  }
0x388: {  	v10 =	vimm.f32 $-1.000000020e+30;
	v16 =	vld [tilespmem:s24+$0xF0A0];
	v24 =	vadd.f32 v25, v19;
	v25 =	vmul.f32 v17, v2;
	v9, _, _ =	vpop (xrf2);
	(xrf2) =	vadd.scan.msk.f32 $0xffff, v11  }
0x389: {  	v20 =	vadd.f32 v21, v20;
	v17 =	vld [tilespmem:s24+$0xF000];
	v22 =	vmul.f32 v26, v4;
	v26 =	vmul.f32 v18, v3  }
0x38a: {  	v27 =	vmul.f32 v60, v1;
	v19 =	vld [tilespmem:s24+$0xF010];
	v21 =	vadd.f32 v25, v24  }
0x38b: {  	v5 =	vmax.f32 v10, v5;
	v23 =	vmul.f32 v23, v2;
	v18 =	vld [tilespmem:s24+$0xF020];
	v22 =	vadd.f32 v26, v22;
	v10, _, _ =	vpop (xrf2);
	(xrf2) =	vadd.scan.msk.f32 $0xffff, v20  }
0x38c: {  	s25 =	simm.s32 $0x2000;
	v24 =	vmul.f32 v62, v4;
	v25 =	vmul.f32 v63, v3;
	v20 =	vld [tilespmem:s24+$0xF040];
	v21 =	vadd.f32 v27, v21;
	v11, _, _ =	vpop (xrf2)  }
.LBB2_10:
0x38d: {  	p2 =	sne.s32 s25, $0xC000;
	v26 =	vld [tilespmem:s24+$0xF050];
	v22 =	vadd.f32 v23, v22;
	v27 =	vmul.f32 v15, v1  }
0x38e: {  	v16 =	vmul.f32 v16, v2;
	v23 =	vld [tilespmem:s24+$0xF030];
	v24 =	vadd.f32 v25, v24;
	(xrf2) =	vadd.scan.msk.f32 $0xffff, v21  }
0x38f: {  	v17 =	vmul.f32 v17, v4;
	v19 =	vmul.f32 v19, v3;
	v21 =	vld [tilespmem:s24+$0xF060];
	v22 =	vadd.f32 v27, v22;
	v15, _, _ =	vpop (xrf2)  }
0x390: {  	v13 =	vmul.f32 v13, v1;
	v16 =	vadd.f32 v16, v24;
	v24 =	vld [tilespmem:s24+$0xF110]  }
0x391: {  	v18 =	vmul.f32 v18, v2;
	v17 =	vadd.f32 v19, v17;
	v19 =	vld [tilespmem:s24+$0xF070];
	(xrf2) =	vadd.scan.msk.f32 $0xffff, v22  }
0x392: {  	v20 =	vmul.f32 v20, v4;
	v22 =	vmul.f32 v26, v3;
	v13 =	vadd.f32 v13, v16;
	v16 =	vld [tilespmem:s24+$0xF120];
	v25, _, _ =	vpop (xrf2)  }
0x393: {  	v17 =	vadd.f32 v18, v17;
	v18 =	vmul.f32 v23, v1;
	v23 =	vld [tilespmem:s24+$0xF1D0]  }
0x394: {  	v20 =	vadd.f32 v22, v20;
	v21 =	vmul.f32 v21, v2;
	v22 =	vld [tilespmem:s24+$0xF130];
	(xrf2) =	vadd.scan.msk.f32 $0xffff, v13  }
0x395: {  	v14 =	vmul.f32 v14, v4;
	v13 =	vadd.f32 v18, v17;
	v17 =	vmul.f32 v24, v3;
	v18 =	vld [tilespmem:s24+$0xF1E0];
	v24, _, _ =	vpop (xrf2)  }
0x396: {  	v20 =	vadd.f32 v21, v20;
	v19 =	vmul.f32 v19, v1;
	v21 =	vld [tilespmem:s24+$0xF290]  }
0x397: {  	v14 =	vadd.f32 v17, v14;
	v16 =	vmul.f32 v16, v2;
	v17 =	vld [tilespmem:s24+$0xF1F0];
	(xrf2) =	vadd.scan.msk.f32 $0xffff, v13  }
0x398: {  	v12 =	vmul.f32 v12, v4;
	v13 =	vadd.f32 v19, v20;
	v19 =	vmul.f32 v23, v3;
	v20 =	vld [tilespmem:s24+$0xF2A0];
	v23, _, _ =	vpop (xrf2)  }
0x399: {  	v14 =	vadd.f32 v16, v14;
	v16 =	vmul.f32 v22, v1;
	v22 =	vld [tilespmem:s24+$0xF350]  }
0x39a: {  	v12 =	vadd.f32 v19, v12;
	v18 =	vmul.f32 v18, v2;
	v19 =	vld [tilespmem:s24+$0xF2B0];
	(xrf2) =	vadd.scan.msk.f32 $0xffff, v13  }
0x39b: {  	v8 =	vmul.f32 v8, v4;
	v13 =	vadd.f32 v16, v14;
	v14 =	vmul.f32 v21, v3;
	v16 =	vld [tilespmem:s24+$0xF360];
	v21, _, _ =	vpop (xrf2)  }
0x39c: {  	v12 =	vadd.f32 v18, v12;
	v26 =	vmul.f32 v17, v1;
	v18 =	vld [tilespmem:s24+$0xF3D0]  }
0x39d: {  	v8 =	vadd.f32 v14, v8;
	v14 =	vmul.f32 v20, v2;
	v20 =	vld [tilespmem:s24+$0xF370];
	(xrf2) =	vadd.scan.msk.f32 $0xffff, v13  }
0x39e: {  	v7 =	vmul.f32 v7, v4;
	v12 =	vadd.f32 v26, v12;
	v13 =	vmul.f32 v22, v3;
	v17, _, _ =	vpop (xrf2)  }
0x39f: {  	v8 =	vadd.f32 v14, v8;
	v22 =	vmul.f32 v19, v1;
	v19 =	vld [tilespmem:s24+$0xF3E0]  }
0x3a0: {  	v7 =	vadd.f32 v13, v7;
	v13 =	vmul.f32 v16, v2;
	(xrf2) =	vadd.scan.msk.f32 $0xffff, v12  }
0x3a1: {  	v6 =	vmul.f32 v6, v4;
	v8 =	vadd.f32 v22, v8;
	v12 =	vld [tilespmem:s24+$0xF3F0];
	v14, _, _ =	vpop (xrf2)  }
0x3a2: {  	v16 =	vmul.f32 v18, v3;
	v7 =	vadd.f32 v13, v7;
	v20 =	vmul.f32 v20, v1  }
0x3a3: {  	(xrf2) =	vadd.scan.msk.f32 $0xffff, v8  }
0x3a4: {  	v6 =	vadd.f32 v16, v6;
	v7 =	vadd.f32 v20, v7;
	v8 =	vmul.f32 v19, v2;
	v13, _, _ =	vpop (xrf2)  }
0x3a5: {  	v14 =	vbroadcast v14, $0xF;
	v18 =	vbroadcast v13, $0xF  }
0x3a6: {  	v16 =	vbroadcast v17, $0xF;
	v6 =	vadd.f32 v8, v6;
	v8 =	vmul.f32 v12, v1;
	(xrf2) =	vadd.scan.msk.f32 $0xffff, v7  }
0x3a7: {  	v12 =	vbroadcast v21, $0xF;
	v7 =	vsel vm0, v14, v18;
	v13, _, _ =	vpop (xrf2)  }
0x3a8: {  	v7 =	vsel vm1, v7, v16;
	v14 =	vbroadcast v13, $0xF;
	v6 =	vadd.f32 v8, v6  }
0x3a9: {  	v8 =	vbroadcast v23, $0xF;
	v7 =	vsel vm2, v7, v12  }
0x3aa: {  	v7 =	vsel vm3, v7, v14;
	v14 =	vbroadcast v24, $0xF;
	v13, _, _ =	vpop (xrf2);
	(xrf2) =	vadd.scan.msk.f32 $0xffff, v6  }
0x3ab: {  	v6 =	vsel vm4, v7, v8;
	v7 =	vbroadcast v13, $0xF  }
0x3ac: {  	v8 =	vbroadcast v25, $0xF;
	v6 =	vsel vm5, v6, v14  }
0x3ad: {  	v6 =	vsel vm6, v6, v7;
	v7 =	vbroadcast v15, $0xF;
	v12, _, _ =	vpop (xrf2)  }
0x3ae: {  	v6 =	vsel vm7, v6, v8;
	v8 =	vbroadcast v12, $0xF  }
0x3af: {  	v6 =	vsel vm8, v6, v7;
	v7 =	vbroadcast v11, $0xF  }
0x3b0: {  	v6 =	vsel vm9, v6, v8;
	v8 =	vbroadcast v10, $0xF;
	v10, _, _ =	vpop (xrf2)  }
0x3b1: {  	v6 =	vsel vm10, v6, v7;
	v7 =	vbroadcast v10, $0xF  }
0x3b2: {  	v9 =	vbroadcast v9, $0xF;
	v6 =	vsel vm11, v6, v8  }
0x3b3: {  	s22 =	sadd.s32 $0x10, s22;
	v6 =	vsel vm12, v6, v7  }
0x3b4: {  	v7 =	vmov s22;
	v6 =	vsel vm13, v6, v9;
	v8, _, _ =	vpop (xrf2)  }
0x3b5: {  	vm15 =	vlt.u32 v7, v0;
	v6 =	vsel vm14, v6, v8  }
0x3b6: {  	s23 =	sadd.s32 $0x10, s23;
	v6 =	vnsel vm15, $0xF149F2CA, v6  }
0x3b7: {  	s24 =	sshra.s32 s25, $0x2;
	[tilespmem:s23+$0x0] =	vst v6;
	v5 =	vmax.f32 v5, v6  }
0x3b8: {  	v9 =	vld [tilespmem:s24+$0xF3B0]  }
0x3b9: {  	v6 =	vld [tilespmem:s24+$0xF3C0]  }
0x3ba: {  	v10 =	vld [tilespmem:s24+$0xF3A0]  }
0x3bb: {  	v11 =	vld [tilespmem:s24+$0xF330]  }
0x3bc: {  	v12 =	vld [tilespmem:s24+$0xF380]  }
0x3bd: {  	v13 =	vld [tilespmem:s24+$0xF390]  }
0x3be: {  	v14 =	vld [tilespmem:s24+$0xF2F0]  }
0x3bf: {  	v15 =	vld [tilespmem:s24+$0xF320]  }
0x3c0: {  	v7 =	vld [tilespmem:s24+$0xF340]  }
0x3c1: {  	v16 =	vld [tilespmem:s24+$0xF2E0]  }
0x3c2: {  	v17 =	vld [tilespmem:s24+$0xF300]  }
0x3c3: {  	v18 =	vld [tilespmem:s24+$0xF310]  }
0x3c4: {  	v19 =	vld [tilespmem:s24+$0xF270]  }
0x3c5: {  	v20 =	vld [tilespmem:s24+$0xF2C0]  }
0x3c6: {  	v21 =	vld [tilespmem:s24+$0xF2D0]  }
0x3c7: {  	v22 =	vld [tilespmem:s24+$0xF230]  }
0x3c8: {  	v23 =	vld [tilespmem:s24+$0xF260]  }
0x3c9: {  	v8 =	vld [tilespmem:s24+$0xF280]  }
0x3ca: {  	v24 =	vld [tilespmem:s24+$0xF220]  }
0x3cb: {  	v25 =	vld [tilespmem:s24+$0xF240]  }
0x3cc: {  	v12 =	vmul.f32 v12, v4;
	v13 =	vmul.f32 v13, v3;
	v26 =	vld [tilespmem:s24+$0xF250]  }
0x3cd: {  	v27 =	vld [tilespmem:s24+$0xF1B0]  }
0x3ce: {  	v10 =	vmul.f32 v10, v2;
	v12 =	vadd.f32 v13, v12;
	v28 =	vld [tilespmem:s24+$0xF200]  }
0x3cf: {  	v17 =	vmul.f32 v17, v4;
	v18 =	vmul.f32 v18, v3;
	v13 =	vld [tilespmem:s24+$0xF210]  }
0x3d0: {  	v9 =	vmul.f32 v9, v1;
	v10 =	vadd.f32 v10, v12;
	v29 =	vld [tilespmem:s24+$0xF170]  }
0x3d1: {  	v15 =	vmul.f32 v15, v2;
	v17 =	vadd.f32 v18, v17;
	v30 =	vld [tilespmem:s24+$0xF1A0]  }
0x3d2: {  	v9 =	vadd.f32 v9, v10;
	v18 =	vmul.f32 v20, v4;
	v20 =	vmul.f32 v21, v3;
	v12 =	vld [tilespmem:s24+$0xF1C0]  }
0x3d3: {  	v11 =	vmul.f32 v11, v1;
	v15 =	vadd.f32 v15, v17;
	v10 =	vld [tilespmem:s24+$0xF160]  }
0x3d4: {  	v16 =	vmul.f32 v16, v2;
	v18 =	vadd.f32 v20, v18;
	v17 =	vld [tilespmem:s24+$0xF180];
	(xrf2) =	vadd.scan.msk.f32 $0xffff, v9  }
0x3d5: {  	v11 =	vadd.f32 v11, v15;
	v20 =	vmul.f32 v25, v4;
	v21 =	vmul.f32 v26, v3;
	v9 =	vld [tilespmem:s24+$0xF190]  }
0x3d6: {  	v14 =	vmul.f32 v14, v1;
	v16 =	vadd.f32 v16, v18;
	v15 =	vld [tilespmem:s24+$0xF0F0]  }
0x3d7: {  	v20 =	vadd.f32 v21, v20;
	v21 =	vmul.f32 v23, v2;
	v18 =	vld [tilespmem:s24+$0xF140];
	(xrf2) =	vadd.scan.msk.f32 $0xffff, v11  }
0x3d8: {  	v14 =	vadd.f32 v14, v16;
	v23 =	vmul.f32 v28, v4;
	v25 =	vmul.f32 v13, v3;
	v11 =	vld [tilespmem:s24+$0xF150]  }
0x3d9: {  	v19 =	vmul.f32 v19, v1;
	v16 =	vadd.f32 v21, v20;
	v13 =	vld [tilespmem:s24+$0xF0B0]  }
0x3da: {  	v21 =	vadd.f32 v25, v23;
	v23 =	vmul.f32 v24, v2;
	v20 =	vld [tilespmem:s24+$0xF0E0];
	(xrf2) =	vadd.scan.msk.f32 $0xffff, v14  }
0x3db: {  	v16 =	vadd.f32 v19, v16;
	v17 =	vmul.f32 v17, v4;
	v26 =	vmul.f32 v9, v3;
	v24 =	vld [tilespmem:s24+$0xF0C0]  }
0x3dc: {  	v22 =	vmul.f32 v22, v1;
	v21 =	vadd.f32 v23, v21;
	v19 =	vld [tilespmem:s24+$0xF0D0]  }
0x3dd: {  	v23 =	vmul.f32 v30, v2;
	v17 =	vadd.f32 v26, v17;
	v14 =	vld [tilespmem:s24+$0xF100];
	(xrf2) =	vadd.scan.msk.f32 $0xffff, v16  }
0x3de: {  	v21 =	vadd.f32 v22, v21;
	v18 =	vmul.f32 v18, v4;
	v11 =	vmul.f32 v11, v3;
	v25 =	vld [tilespmem:s24+$0xF080];
	v9, _, _ =	vpop (xrf2)  }
0x3df: {  	v22 =	vadd.f32 v23, v17;
	v23 =	vmul.f32 v27, v1;
	v26 =	vld [tilespmem:s24+$0xF090]  }
.Ltmp4:
0x3e0: {  	v11 =	vadd.f32 v11, v18;
	v18 =	vmul.f32 v10, v2;
	v16 =	vld [tilespmem:s24+$0xF0A0];
	(xrf2) =	vadd.scan.msk.f32 $0xffff, v21;
	(pc) =	sbr.rel @p2 .LBB2_10-.Ltmp4, $4  }
0x3e1: {  	v21 =	vmul.f32 v24, v4;
	v27 =	vadd.f32 v23, v22;
	v17 =	vld [tilespmem:s24+$0xF000];
	v24 =	vmul.f32 v19, v3;
	v10, _, _ =	vpop (xrf2)  }
0x3e2: {  	v28 =	vmul.f32 v29, v1;
	v30 =	vadd.f32 v18, v11;
	v19 =	vld [tilespmem:s24+$0xF010]  }
0x3e3: {  	v23 =	vmul.f32 v20, v2;
	v18 =	vld [tilespmem:s24+$0xF020];
	v22 =	vadd.f32 v24, v21;
	(xrf2) =	vadd.scan.msk.f32 $0xffff, v27  }
0x3e4: {  	s25 =	sadd.s32 $0x1000, s25;
	v24 =	vmul.f32 v25, v4;
	v21 =	vadd.f32 v28, v30;
	v20 =	vld [tilespmem:s24+$0xF040];
	v25 =	vmul.f32 v26, v3;
	v11, _, _ =	vpop (xrf2)  }
0x3e5: {  	v26 =	vld [tilespmem:s24+$0xF050]  }
0x3e6: {  	v27 =	vld [tilespmem:s24+$0xF030]  }
0x3e7: {  	v22 =	vadd.f32 v23, v22;
	v15 =	vmul.f32 v15, v1;
	v23 =	vld [tilespmem:s24+$0xF060]  }
0x3e8: {  	v16 =	vmul.f32 v16, v2;
	v24 =	vadd.f32 v25, v24;
	v25 =	vld [tilespmem:s24+$0xF110]  }
0x3e9: {  	v17 =	vmul.f32 v17, v4;
	v19 =	vmul.f32 v19, v3;
	v15 =	vadd.f32 v15, v22;
	v22 =	vld [tilespmem:s24+$0xF070]  }
0x3ea: {  	v16 =	vadd.f32 v16, v24;
	v20 =	vmul.f32 v20, v4;
	v24 =	vmul.f32 v26, v3;
	v26 =	vld [tilespmem:s24+$0xF120]  }
0x3eb: {  	v13 =	vmul.f32 v13, v1;
	v18 =	vmul.f32 v18, v2;
	v17 =	vadd.f32 v19, v17;
	v19 =	vld [tilespmem:s24+$0xF1D0]  }
0x3ec: {  	v14 =	vmul.f32 v14, v4;
	v23 =	vmul.f32 v23, v2;
	v20 =	vadd.f32 v24, v20;
	v24 =	vld [tilespmem:s24+$0xF130]  }
0x3ed: {  	v27 =	vmul.f32 v27, v1;
	v17 =	vadd.f32 v18, v17;
	v18 =	vmul.f32 v25, v3  }
0x3ee: {  	(xrf2) =	vadd.scan.msk.f32 $0xffff, v21;
	v13 =	vadd.f32 v13, v16;
	v25 =	vld [tilespmem:s24+$0xF1E0];
	v16 =	vadd.f32 v23, v20;
	v20 =	vmul.f32 v22, v1  }
0x3ef: {  	v21 =	vld [tilespmem:s24+$0xF290];
	(xrf2) =	vadd.scan.msk.f32 $0xffff, v15;
	v15 =	vadd.f32 v27, v17;
	v14 =	vadd.f32 v18, v14;
	v17 =	vmul.f32 v26, v2  }
0x3f0: {  	v12 =	vmul.f32 v12, v4;
	(xrf2) =	vadd.scan.msk.f32 $0xffff, v13;
	v18 =	vld [tilespmem:s24+$0xF1F0];
	v13 =	vadd.f32 v20, v16  }
0x3f1: {  	(xrf2) =	vadd.scan.msk.f32 $0xffff, v15;
	v16 =	vmul.f32 v19, v3;
	v19 =	vld [tilespmem:s24+$0xF2A0];
	v14 =	vadd.f32 v17, v14;
	v15 =	vmul.f32 v24, v1  }
0x3f2: {  	v8 =	vmul.f32 v8, v4  }
0x3f3: {  	v20 =	vld [tilespmem:s24+$0xF2B0];
	v12 =	vadd.f32 v16, v12;
	v16 =	vmul.f32 v25, v2;
	(xrf2) =	vadd.scan.msk.f32 $0xffff, v13;
	v13 =	vadd.f32 v15, v14  }
0x3f4: {  	v7 =	vmul.f32 v7, v4;
	v17 =	vld [tilespmem:s24+$0xF350];
	v14 =	vmul.f32 v21, v3  }
0x3f5: {  	v4 =	vmul.f32 v6, v4;
	v6 =	vld [tilespmem:s24+$0xF3F0];
	v12 =	vadd.f32 v16, v12;
	v16 =	vmul.f32 v18, v1;
	(xrf2) =	vadd.scan.msk.f32 $0xffff, v13  }
0x3f6: {  	v15 =	vld [tilespmem:s24+$0xF360];
	v8 =	vadd.f32 v14, v8;
	v14 =	vmul.f32 v19, v2  }
0x3f7: {  	v21, _, _ =	vpop (xrf2);
	v18 =	vld [tilespmem:s24+$0xF3D0];
	v12 =	vadd.f32 v16, v12  }
0x3f8: {  	v19 =	vld [tilespmem:s24+$0xF370];
	v13, _, _ =	vpop (xrf2);
	v8 =	vadd.f32 v14, v8;
	v14 =	vmul.f32 v20, v1  }
0x3f9: {  	v16 =	vmul.f32 v17, v3;
	v20 =	vld [tilespmem:s24+$0xF3E0];
	v17, _, _ =	vpop (xrf2)  }
0x3fa: {  	v22, _, _ =	vpop (xrf2);
	(xrf2) =	vadd.scan.msk.f32 $0xffff, v12  }
0x3fb: {  	v7 =	vadd.f32 v16, v7;
	v15 =	vmul.f32 v15, v2;
	v8 =	vadd.f32 v14, v8;
	v12, _, _ =	vpop (xrf2)  }
0x3fc: {  	v3 =	vmul.f32 v18, v3;
	v14, _, _ =	vpop (xrf2)  }
0x3fd: {  	v7 =	vadd.f32 v15, v7;
	v15 =	vmul.f32 v19, v1;
	v16, _, _ =	vpop (xrf2);
	(xrf2) =	vadd.scan.msk.f32 $0xffff, v8  }
0x3fe: {  	v1 =	vmul.f32 v6, v1;
	v3 =	vadd.f32 v3, v4;
	v2 =	vmul.f32 v20, v2;
	v4, _, _ =	vpop (xrf2)  }
0x3ff: {  	v7 =	vadd.f32 v15, v7;
	v8 =	vbroadcast v16, $0xF;
	v4 =	vbroadcast v4, $0xF;
	v6, _, _ =	vpop (xrf2)  }
0x400: {  	v14 =	vbroadcast v14, $0xF;
	v2 =	vadd.f32 v2, v3;
	v6 =	vbroadcast v6, $0xF  }
0x401: {  	v3 =	vsel vm0, v8, v4;
	v4 =	vbroadcast v12, $0xF  }
0x402: {  	(xrf2) =	vadd.scan.msk.f32 $0xffff, v7;
	v1 =	vadd.f32 v1, v2;
	v3 =	vsel vm1, v3, v14  }
0x403: {  	v2 =	vsel vm2, v3, v4;
	v3 =	vbroadcast v22, $0xF;
	v4 =	vbroadcast v17, $0xF  }
0x404: {  	v2 =	vsel vm3, v2, v6;
	v6, _, _ =	vpop (xrf2)  }
0x405: {  	(xrf2) =	vadd.scan.msk.f32 $0xffff, v1;
	v1 =	vsel vm4, v2, v3;
	v2 =	vbroadcast v6, $0xF  }
0x406: {  	v3 =	vbroadcast v13, $0xF;
	v1 =	vsel vm5, v1, v4  }
0x407: {  	v4, _, _ =	vpop (xrf2);
	v1 =	vsel vm6, v1, v2;
	v2 =	vbroadcast v21, $0xF  }
0x408: {  	v1 =	vsel vm7, v1, v3;
	v3 =	vbroadcast v4, $0xF  }
0x409: {  	v1 =	vsel vm8, v1, v2;
	v2 =	vbroadcast v11, $0xF  }
0x40a: {  	v1 =	vsel vm9, v1, v3;
	v3 =	vbroadcast v10, $0xF  }
0x40b: {  	v1 =	vsel vm10, v1, v2  }
0x40c: {  	v4, _, _ =	vpop (xrf2);
	v1 =	vsel vm11, v1, v3;
	v3 =	vbroadcast v9, $0xF  }
0x40d: {  	v2 =	vbroadcast v4, $0xF;
	_ =	sdelay $0x1  }
0x40e: {  	s22 =	sadd.s32 $0x10, s22;
	v1 =	vsel vm12, v1, v2  }
0x40f: {  	v2 =	vmov s22;
	v1 =	vsel vm13, v1, v3;
	v3, _, _ =	vpop (xrf2)  }
0x410: {  	vm15 =	vlt.u32 v2, v0;
	v1 =	vsel vm14, v1, v3  }
0x411: {  	v1 =	vnsel vm15, $0xF149F2CA, v1  }
0x412: {  	v2 =	vmax.f32 v5, v1  }
0x413: {  	(xrf0) =	vmax.scan.msk.f32 $0xffff, v2  }
0x414: {  	s25 =	sadd.s32 $0x10, s23  }
0x415: {  	s23 =	simm.s32 @!p0 $0x64;
	s24 =	simm.s32 @!p0 $0xF000;
	s22 =	sadd.s32 @!p0 $0x4E0, s19;
	[tilespmem:s25+$0x0] =	vst v1  }
0x416: {  	[tilespmem:s24], [sflag:$0x3] =	stream.indirect.gather @!p0 [hbm4b:s5+s23], $0x40, s22, s23, $0xb8;
	[tilespmem:$0x15C10] =	vst v63  }
0x417: {  	s22 =	sadd.s32 @!p0 $0x548, s19;
	s24 =	simm.s32 @!p0 $0x10900  }
0x418: {  	[tilespmem:s24], [sflag:$0x3] =	stream.indirect.gather @!p0 [hbm4b:s5+s23], $0x40, s22, s23, $0xb8;
	[tilespmem:$0x15C10] =	vst v63  }
0x419: {  	s22 =	simm.s32 @!p1 $0x7;
	v1, _, _ =	vpop (xrf0)  }
0x41a: {  	_ =	swait.ge @!p1 [sflag:s22], $0xC8  }
0x41b: {  	[sflag:s22] =	ssyncset.done @!p1 $0x0  }
0x41c: {  	[sflag:s22] =	ssyncadd.s32 @!p1 $0xFFFFFF38  }
0x41d: {  	v2 =	vld [tilespmem:$0x15800];
	_ =	sdelay $0x1  }
0x41e: {  	v3 =	vld [tilespmem:$0x15810]  }
0x41f: {  	v1 =	vbroadcast v1, $0xF  }
0x420: {  	v4 =	vld [tilespmem:$0x15820]  }
0x421: {  	v2 =	vsub.f32 v2, v1  }
0x422: {  	v5 =	vld [tilespmem:$0x15830]  }
0x423: {  	v3 =	vsub.f32 v3, v1;
	v2 =	vmul.f32 $1.442695020e+00, v2  }
0x424: {  	v6 =	vld [tilespmem:$0x15840]  }
0x425: {  	(erf) = vpow2.f32 v2;
	v2 =	vmul.f32 $1.442695020e+00, v3;
	v3 =	vsub.f32 v4, v1  }
0x426: {  	v4 =	vld [tilespmem:$0x15850]  }
0x427: {  	(erf) = vpow2.f32 v2;
	v2 =	vmul.f32 $1.442695020e+00, v3;
	v3 =	vsub.f32 v5, v1;
	_ =	sdelay $0x1  }
0x428: {  	(erf) = vpow2.f32 v2;
	v2 =	vmul.f32 $1.442695020e+00, v3;
	v3 =	vsub.f32 v6, v1  }
0x429: {  	v5 =	vld [tilespmem:$0x15860]  }
0x42a: {  	(erf) = vpow2.f32 v2;
	v2 =	vmul.f32 $1.442695020e+00, v3;
	v3 =	vsub.f32 v4, v1  }
0x42b: {  	v4 =	vld [tilespmem:$0x15870]  }
0x42c: {  	(erf) = vpow2.f32 v2;
	v2 =	vmul.f32 $1.442695020e+00, v3;
	v3 =	vld [tilespmem:$0x15880]  }
0x42d: {  	v6 =	vpop (erf)  }
0x42e: {  	v5 =	vsub.f32 v5, v1;
	v7 =	vadd.f32 $0.0e+00, v6;
	(erf) = vpow2.f32 v2;
	v2 =	vld [tilespmem:$0x15890]  }
0x42f: {  	v8 =	vpop (erf)  }
0x430: {  	v9 =	vld [tilespmem:$0x158A0];
	v5 =	vmul.f32 $1.442695020e+00, v5;
	v4 =	vsub.f32 v4, v1;
	v7 =	vadd.f32 v8, v7  }
0x431: {  	v10 =	vpop (erf);
	v3 =	vsub.f32 v3, v1  }
0x432: {  	(erf) = vpow2.f32 v5;
	v4 =	vmul.f32 $1.442695020e+00, v4;
	v5 =	vadd.f32 v10, v7;
	v7 =	vld [tilespmem:$0x158B0]  }
0x433: {  	v11 =	vpop (erf);
	v3 =	vmul.f32 $1.442695020e+00, v3;
	v2 =	vsub.f32 v2, v1  }
0x434: {  	(erf) = vpow2.f32 v4;
	v4 =	vadd.f32 v11, v5;
	v5 =	vld [tilespmem:$0x158C0]  }
0x435: {  	(erf) = vpow2.f32 v3;
	v2 =	vmul.f32 $1.442695020e+00, v2;
	v3 =	vsub.f32 v9, v1  }
0x436: {  	v12 =	vpop (erf)  }
0x437: {  	v9 =	vpop (erf);
	(erf) = vpow2.f32 v2;
	v2 =	vmul.f32 $1.442695020e+00, v3;
	v3 =	vsub.f32 v7, v1  }
0x438: {  	v4 =	vadd.f32 v12, v4  }
0x439: {  	(erf) = vpow2.f32 v2;
	v2 =	vmul.f32 $1.442695020e+00, v3;
	v1 =	vsub.f32 v5, v1  }
0x43a: {  	v4 =	vadd.f32 v9, v4  }
0x43b: {  	v3 =	vpop (erf);
	v1 =	vmul.f32 $1.442695020e+00, v1  }
0x43c: {  	(erf) = vpow2.f32 v2;
	v4 =	vadd.f32 v3, v4  }
0x43d: {  	v2 =	vpop (erf)  }
0x43e: {  	(erf) = vpow2.f32 v1;
	v4 =	vadd.f32 v2, v4  }
0x43f: {  	v1 =	vpop (erf)  }
0x440: {  	v4 =	vadd.f32 v1, v4  }
0x441: {  	v5 =	vpop (erf)  }
0x442: {  	v4 =	vadd.f32 v5, v4  }
0x443: {  	v7 =	vpop (erf)  }
0x444: {  	v4 =	vadd.f32 v7, v4  }
0x445: {  	v13 =	vpop (erf)  }
0x446: {  	v4 =	vadd.f32 v13, v4  }
0x447: {  	v14 =	vpop (erf)  }
0x448: {  	v4 =	vadd.f32 v14, v4;
	_ =	sdelay $0x1  }
0x449: {  	(xrf2) =	vadd.scan.msk.f32 $0xffff, v4;
	_ =	sdelay $0x9  }
0x44a: {  	v4, _, _ =	vpop (xrf2)  }
0x44b: {  	v4 =	vadd.f32 $0.0e+00, v4;
	_ =	sdelay $0x1  }
0x44c: {  	v4 =	vbroadcast v4, $0xF;
	_ =	sdelay $0x1  }
0x44d: {  	[tilespmem:$0x15A70] =	vst v6;
	(erf) = vrcp.f32 v4  }
0x44e: {  	[tilespmem:$0x15A80] =	vst v8  }
0x44f: {  	[tilespmem:$0x15A90] =	vst v10  }
0x450: {  	[tilespmem:$0x15AA0] =	vst v11  }
0x451: {  	[tilespmem:$0x15AB0] =	vst v12  }
0x452: {  	[tilespmem:$0x15AC0] =	vst v9  }
0x453: {  	[tilespmem:$0x15AD0] =	vst v3  }
0x454: {  	[tilespmem:$0x15AE0] =	vst v2  }
0x455: {  	[tilespmem:$0x15AF0] =	vst v1  }
0x456: {  	[tilespmem:$0x15B00] =	vst v5;
	v4 =	vpop (erf)  }
0x457: {  	[tilespmem:$0x15B10] =	vst v7;
	v6 =	vmul.f32 v6, v4  }
0x458: {  	[tilespmem:$0x15B20] =	vst v13;
	v8 =	vmul.f32 v8, v4  }
0x459: {  	v3 =	vmul.f32 v3, v4;
	[tilespmem:$0x15A70] =	vst v6  }
0x45a: {  	v2 =	vmul.f32 v2, v4;
	[tilespmem:$0x15A80] =	vst v8  }
0x45b: {  	v1 =	vmul.f32 v1, v4;
	[tilespmem:$0x15AD0] =	vst v3  }
0x45c: {  	v6 =	vmul.f32 v10, v4;
	[tilespmem:$0x15AE0] =	vst v2  }
0x45d: {  	v8 =	vmul.f32 v11, v4;
	[tilespmem:$0x15AF0] =	vst v1  }
0x45e: {  	v2 =	vmul.f32 v5, v4;
	[tilespmem:$0x15A90] =	vst v6  }
0x45f: {  	v1 =	vmul.f32 v7, v4;
	[tilespmem:$0x15AA0] =	vst v8  }
0x460: {  	v6 =	vmul.f32 v12, v4;
	[tilespmem:$0x15B00] =	vst v2  }
0x461: {  	v8 =	vmul.f32 v9, v4;
	[tilespmem:$0x15B10] =	vst v1  }
0x462: {  	s21 =	sadd.s32 s4, s21;
	v2 =	vmul.f32 v13, v4;
	[tilespmem:$0x15AB0] =	vst v6  }
0x463: {  	s21 =	smul.u32 $0x19, s21;
	v1 =	vmul.f32 v14, v4;
	[tilespmem:$0x15AC0] =	vst v8  }
0x464: {  	[tilespmem:$0x15B20] =	vst v2  }
0x465: {  	s23 =	sadd.s32 s2, s21;
	s21 =	simm.s32 $0x0;
	[tilespmem:$0x15B30] =	vst v1  }
0x466: {  	[hbm4b:s23+s21] =	stream.linear.scatter [tilespmem:s0], [sflag:$0x7], $0xC8, $0x38;
	[tilespmem:$0x15C10] =	vst v63  }
0x467: {  	_ =	swait.ge [sflag:s10], $0x1900  }
0x468: {  	[sflag:s10] =	ssyncset.done $0x0  }
0x469: {  	[sflag:s10] =	ssyncadd.s32 $0xFFFFE700  }
0x46a: {  	s20 =	sor.u32 $0x3, s20;
	_ =	swait.ge [sflag:s10], $0x1900  }
0x46b: {  	s24 =	sshll.u32 s20, $0x6;
	[sflag:s10] =	ssyncset.done $0x0  }
0x46c: {  	s22 =	sand.u32 $0x3FFFFFC0, s24;
	[sflag:s10] =	ssyncadd.s32 $0xFFFFE700  }
0x46d: {  	v4 =	vld [tilespmem:s22+$0x6800]  }
0x46e: {  	v3 =	vld [tilespmem:s22+$0x6810]  }
0x46f: {  	v2 =	vld [tilespmem:s22+$0x6820]  }
0x470: {  	s25 =	simm.s32 $0x0;
	v1 =	vld [tilespmem:s22+$0x6830]  }
0x471: {  	v8 =	vld [tilespmem:s25+$0x127B0]  }
0x472: {  	v9 =	vld [tilespmem:s25+$0x127A0]  }
0x473: {  	v10 =	vld [tilespmem:s25+$0x12730]  }
0x474: {  	v11 =	vld [tilespmem:s25+$0x12780]  }
0x475: {  	v12 =	vld [tilespmem:s25+$0x12790]  }
0x476: {  	v13 =	vld [tilespmem:s25+$0x126F0]  }
0x477: {  	v14 =	vld [tilespmem:s25+$0x12720]  }
0x478: {  	v6 =	vld [tilespmem:s25+$0x12740]  }
0x479: {  	v15 =	vld [tilespmem:s25+$0x126E0]  }
0x47a: {  	v16 =	vld [tilespmem:s25+$0x12700]  }
0x47b: {  	v17 =	vld [tilespmem:s25+$0x12710]  }
0x47c: {  	v18 =	vld [tilespmem:s25+$0x12670]  }
0x47d: {  	v19 =	vld [tilespmem:s25+$0x126C0]  }
0x47e: {  	v20 =	vld [tilespmem:s25+$0x126D0]  }
0x47f: {  	v21 =	vld [tilespmem:s25+$0x12630]  }
0x480: {  	v22 =	vld [tilespmem:s25+$0x12660]  }
0x481: {  	v7 =	vld [tilespmem:s25+$0x12680]  }
0x482: {  	v23 =	vld [tilespmem:s25+$0x12620]  }
0x483: {  	v24 =	vld [tilespmem:s25+$0x12640]  }
0x484: {  	v25 =	vld [tilespmem:s25+$0x12650]  }
0x485: {  	v26 =	vld [tilespmem:s25+$0x125B0]  }
0x486: {  	v27 =	vld [tilespmem:s25+$0x12600]  }
0x487: {  	v28 =	vld [tilespmem:s25+$0x12610]  }
0x488: {  	v29 =	vld [tilespmem:s25+$0x12570]  }
0x489: {  	v30 =	vld [tilespmem:s25+$0x125A0]  }
0x48a: {  	v31 =	vld [tilespmem:s25+$0x125C0]  }
0x48b: {  	v32 =	vld [tilespmem:s25+$0x12560];
	v11 =	vmul.f32 v11, v4  }
0x48c: {  	v33 =	vld [tilespmem:s25+$0x12580];
	v12 =	vmul.f32 v12, v3;
	v16 =	vmul.f32 v16, v4  }
0x48d: {  	v34 =	vld [tilespmem:s25+$0x12590];
	v17 =	vmul.f32 v17, v3;
	v9 =	vmul.f32 v9, v2  }
0x48e: {  	v55 =	vld [tilespmem:s25+$0x12490];
	v8 =	vmul.f32 v8, v1;
	v14 =	vmul.f32 v14, v2;
	v11 =	vadd.f32 v12, v11  }
0x48f: {  	v56 =	vld [tilespmem:s25+$0x12440];
	v10 =	vmul.f32 v10, v1;
	v13 =	vmul.f32 v13, v1  }
0x490: {  	v57 =	vld [tilespmem:s25+$0x12430];
	v22 =	vmul.f32 v22, v2;
	v16 =	vadd.f32 v17, v16;
	v9 =	vadd.f32 v9, v11  }
0x491: {  	v12 =	vld [tilespmem:s25+$0x124F0];
	v11 =	vmul.f32 v19, v4;
	v19 =	vmul.f32 v20, v3  }
0x492: {  	v18 =	vmul.f32 v18, v1;
	v17 =	vld [tilespmem:s25+$0x12540];
	v14 =	vadd.f32 v14, v16;
	v8 =	vadd.f32 v8, v9  }
0x493: {  	v20 =	vld [tilespmem:s25+$0x12550];
	v9 =	vadd.f32 v19, v11;
	v19 =	vmul.f32 v24, v4;
	v24 =	vmul.f32 v25, v3  }
0x494: {  	v23 =	vmul.f32 v23, v2;
	v16 =	vld [tilespmem:s25+$0x124B0];
	v11 =	vmul.f32 v15, v2  }
0x495: {  	v54 =	vmul.f32 v34, v3;
	v10 =	vadd.f32 v10, v14;
	v14 =	vld [tilespmem:s25+$0x124C0];
	v19 =	vadd.f32 v24, v19  }
0x496: {  	v25 =	vmul.f32 v28, v3;
	v9 =	vadd.f32 v11, v9;
	v11 =	vmul.f32 v27, v4;
	v27 =	vld [tilespmem:s25+$0x124D0]  }
0x497: {  	v26 =	vmul.f32 v26, v1;
	v15 =	vld [tilespmem:s25+$0x124E0];
	v19 =	vadd.f32 v22, v19;
	v22 =	vmul.f32 v33, v4  }
0x498: {  	v17 =	vmul.f32 v17, v4;
	v24 =	vld [tilespmem:s25+$0x12500];
	v20 =	vmul.f32 v20, v3;
	v11 =	vadd.f32 v25, v11  }
0x499: {  	v25 =	vld [tilespmem:s25+$0x12480];
	v18 =	vadd.f32 v18, v19;
	v19 =	vadd.f32 v54, v22;
	v22 =	vmul.f32 v30, v2  }
0x49a: {  	v9 =	vadd.f32 v13, v9;
	v13 =	vmul.f32 v21, v1;
	v21 =	vld [tilespmem:s25+$0x124A0];
	v11 =	vadd.f32 v23, v11  }
0x49b: {  	v14 =	vmul.f32 v14, v4;
	v23 =	vld [tilespmem:s25+$0x12400];
	v19 =	vadd.f32 v22, v19;
	v22 =	vmul.f32 v27, v3  }
0x49c: {  	v17 =	vadd.f32 v20, v17;
	v20 =	vmul.f32 v32, v2;
	v11 =	vadd.f32 v13, v11;
	v13 =	vld [tilespmem:s25+$0x12410]  }
0x49d: {  	v29 =	vmul.f32 v29, v1;
	v15 =	vmul.f32 v15, v2;
	v14 =	vadd.f32 v22, v14;
	v22 =	vld [tilespmem:s25+$0x12450]  }
0x49e: {  	v17 =	vadd.f32 v20, v17;
	v27 =	vld [tilespmem:s25+$0x12420];
	v20 =	vmul.f32 v25, v4;
	v25 =	vmul.f32 v55, v3  }
0x49f: {  	v12 =	vmul.f32 v12, v1;
	v16 =	vmul.f32 v16, v1;
	v14 =	vadd.f32 v15, v14;
	v15 =	vld [tilespmem:s25+$0x12460]  }
0x4a0: {  	(xrf2) =	vadd.scan.msk.f32 $0xffff, v8;
	v8 =	vadd.f32 v29, v17;
	v17 =	vadd.f32 v25, v20;
	v20 =	vmul.f32 v21, v2;
	v21 =	vld [tilespmem:s25+$0x12510]  }
0x4a1: {  	(xrf2) =	vadd.scan.msk.f32 $0xffff, v10;
	v10 =	vmul.f32 v23, v4;
	v13 =	vmul.f32 v13, v3;
	v12 =	vadd.f32 v12, v14;
	v14 =	vld [tilespmem:s25+$0x12470]  }
0x4a2: {  	(xrf2) =	vadd.scan.msk.f32 $0xffff, v9;
	v9 =	vadd.f32 v20, v17;
	v17 =	vmul.f32 v56, v4;
	v20 =	vmul.f32 v22, v3;
	v22 =	vld [tilespmem:s25+$0x12520]  }
0x4a3: {  	(xrf2) =	vadd.scan.msk.f32 $0xffff, v18;
	v18 =	vld [tilespmem:s25+$0x125D0];
	v19 =	vadd.f32 v26, v19;
	v10 =	vadd.f32 v13, v10;
	v13 =	vmul.f32 v27, v2  }
0x4a4: {  	(xrf2) =	vadd.scan.msk.f32 $0xffff, v11;
	v11 =	vmul.f32 v57, v1;
	v17 =	vadd.f32 v20, v17;
	v15 =	vmul.f32 v15, v2;
	v20 =	vld [tilespmem:s25+$0x12530]  }
0x4a5: {  	(xrf2) =	vadd.scan.msk.f32 $0xffff, v19;
	v19 =	vmul.f32 v21, v3;
	v21 =	vld [tilespmem:s25+$0x125E0];
	v10 =	vadd.f32 v13, v10;
	v13 =	vmul.f32 v24, v4  }
0x4a6: {  	(xrf2) =	vadd.scan.msk.f32 $0xffff, v8;
	v8 =	vadd.f32 v16, v9;
	v9 =	vadd.f32 v15, v17;
	v14 =	vmul.f32 v14, v1;
	v15 =	vld [tilespmem:s25+$0x12690]  }
0x4a7: {  	(xrf2) =	vadd.scan.msk.f32 $0xffff, v12;
	v10 =	vadd.f32 v11, v10;
	v11 =	vadd.f32 v19, v13;
	v13 =	vld [tilespmem:s25+$0x125F0];
	v12 =	vmul.f32 v22, v2  }
0x4a8: {  	v16 =	vld [tilespmem:s25+$0x126A0];
	(xrf2) =	vadd.scan.msk.f32 $0xffff, v8;
	v8 =	vadd.f32 v14, v9;
	v9 =	vmul.f32 v31, v4;
	v14 =	vmul.f32 v18, v3  }
0x4a9: {  	(xrf2) =	vadd.scan.msk.f32 $0xffff, v10;
	v10 =	vadd.f32 v12, v11;
	v11 =	vmul.f32 v20, v1;
	v12 =	vld [tilespmem:s25+$0x12750]  }
0x4aa: {  	v7 =	vmul.f32 v7, v4;
	v18 =	vld [tilespmem:s25+$0x126B0];
	v9 =	vadd.f32 v14, v9  }
0x4ab: {  	v14 =	vmul.f32 v21, v2;
	v10 =	vadd.f32 v11, v10;
	v11 =	vmul.f32 v15, v3;
	v15 =	vld [tilespmem:s25+$0x12760]  }
0x4ac: {  	v5 =	vld [tilespmem:s25+$0x127C0];
	v17, _, _ =	vpop (xrf2);
	(xrf2) =	vadd.scan.msk.f32 $0xffff, v8;
	v13 =	vmul.f32 v13, v1  }
0x4ad: {  	v8, _, _ =	vpop (xrf2);
	v9 =	vadd.f32 v14, v9;
	v7 =	vadd.f32 v11, v7;
	v11 =	vmul.f32 v16, v2;
	v16 =	vld [tilespmem:s25+$0x12770];
	(xrf2) =	vadd.scan.msk.f32 $0xffff, v10  }
0x4ae: {  	v6 =	vmul.f32 v6, v4;
	v14 =	vld [tilespmem:s25+$0x127D0];
	v19, _, _ =	vpop (xrf2);
	v12 =	vmul.f32 v12, v3  }
0x4af: {  	v20, _, _ =	vpop (xrf2);
	v9 =	vadd.f32 v13, v9;
	v7 =	vadd.f32 v11, v7  }
0x4b0: {  	v10, _, _ =	vpop (xrf2);
	v11 =	vmul.f32 v18, v1;
	v18 =	vld [tilespmem:s25+$0x127E0];
	v6 =	vadd.f32 v12, v6;
	v12 =	vmul.f32 v15, v2  }
0x4b1: {  	v13, _, _ =	vpop (xrf2)  }
0x4b2: {  	(xrf2) =	vadd.scan.msk.f32 $0xffff, v9;
	v21, _, _ =	vpop (xrf2);
	v7 =	vadd.f32 v11, v7;
	v11 =	vld [tilespmem:s25+$0x127F0];
	v6 =	vadd.f32 v12, v6;
	v12 =	vmul.f32 v16, v1  }
0x4b3: {  	v5 =	vmul.f32 v5, v4;
	v14 =	vmul.f32 v14, v3;
	v9, _, _ =	vpop (xrf2)  }
0x4b4: {  	v15, _, _ =	vpop (xrf2)  }
0x4b5: {  	(xrf2) =	vadd.scan.msk.f32 $0xffff, v7;
	v5 =	vadd.f32 v14, v5;
	v16, _, _ =	vpop (xrf2);
	v7 =	vmul.f32 v18, v2  }
0x4b6: {  	v6 =	vadd.f32 v12, v6;
	v14 =	vbroadcast v16, $0xF;
	v12, _, _ =	vpop (xrf2)  }
0x4b7: {  	v5 =	vadd.f32 v7, v5;
	v7 =	vmul.f32 v11, v1;
	v12 =	vbroadcast v12, $0xF;
	v11, _, _ =	vpop (xrf2)  }
0x4b8: {  	v15 =	vbroadcast v15, $0xF;
	v11 =	vbroadcast v11, $0xF  }
0x4b9: {  	v9 =	vbroadcast v9, $0xF;
	(xrf2) =	vadd.scan.msk.f32 $0xffff, v6;
	v6 =	vsel vm0, v14, v12  }
0x4ba: {  	v5 =	vadd.f32 v7, v5;
	v6 =	vsel vm1, v6, v15  }
0x4bb: {  	v7 =	vbroadcast v21, $0xF;
	v6 =	vsel vm2, v6, v9;
	v9 =	vbroadcast v13, $0xF  }
0x4bc: {  	v6 =	vsel vm3, v6, v11;
	v11, _, _ =	vpop (xrf2)  }
0x4bd: {  	(xrf2) =	vadd.scan.msk.f32 $0xffff, v5;
	v5 =	vsel vm4, v6, v7;
	v6 =	vbroadcast v11, $0xF  }
0x4be: {  	v7 =	vbroadcast v10, $0xF;
	v5 =	vsel vm5, v5, v9  }
0x4bf: {  	v5 =	vsel vm6, v5, v6;
	v6 =	vbroadcast v20, $0xF;
	v9, _, _ =	vpop (xrf2)  }
0x4c0: {  	v5 =	vsel vm7, v5, v7;
	v7 =	vbroadcast v9, $0xF  }
0x4c1: {  	v5 =	vsel vm8, v5, v6;
	v6 =	vbroadcast v19, $0xF  }
0x4c2: {  	v5 =	vsel vm9, v5, v7;
	v7 =	vbroadcast v8, $0xF  }
0x4c3: {  	v5 =	vsel vm10, v5, v6  }
0x4c4: {  	v8, _, _ =	vpop (xrf2);
	v5 =	vsel vm11, v5, v7;
	v7 =	vbroadcast v17, $0xF  }
0x4c5: {  	v6 =	vbroadcast v8, $0xF;
	_ =	sdelay $0x1  }
0x4c6: {  	v5 =	vsel vm12, v5, v6  }
0x4c7: {  	v6 =	vmov s21;
	v5 =	vsel vm13, v5, v7;
	v7, _, _ =	vpop (xrf2)  }
0x4c8: {  	vm15 =	vlt.u32 v6, v0;
	v5 =	vsel vm14, v5, v7  }
0x4c9: {  	s22 =	simm.s32 $0x15800;
	v5 =	vnsel vm15, $0xF149F2CA, v5  }
0x4ca: {  	s23 =	simm.s32 $0x400;
	[tilespmem:s22+$0x0] =	vst v5  }
0x4cb: {  	v9 =	vld [tilespmem:s23+$0x127B0]  }
0x4cc: {  	v6 =	vld [tilespmem:s23+$0x127C0]  }
0x4cd: {  	v10 =	vld [tilespmem:s23+$0x127A0]  }
0x4ce: {  	v11 =	vld [tilespmem:s23+$0x12730]  }
0x4cf: {  	v12 =	vld [tilespmem:s23+$0x12780]  }
0x4d0: {  	v13 =	vld [tilespmem:s23+$0x12790]  }
0x4d1: {  	v14 =	vld [tilespmem:s23+$0x126F0]  }
0x4d2: {  	v15 =	vld [tilespmem:s23+$0x12720]  }
0x4d3: {  	v7 =	vld [tilespmem:s23+$0x12740]  }
0x4d4: {  	v16 =	vld [tilespmem:s23+$0x126E0]  }
0x4d5: {  	v17 =	vld [tilespmem:s23+$0x12700]  }
0x4d6: {  	v18 =	vld [tilespmem:s23+$0x12710]  }
0x4d7: {  	v19 =	vld [tilespmem:s23+$0x12670]  }
0x4d8: {  	v20 =	vld [tilespmem:s23+$0x126C0]  }
0x4d9: {  	v21 =	vld [tilespmem:s23+$0x126D0]  }
0x4da: {  	v22 =	vld [tilespmem:s23+$0x12630]  }
0x4db: {  	v23 =	vld [tilespmem:s23+$0x12660]  }
0x4dc: {  	v8 =	vld [tilespmem:s23+$0x12680]  }
0x4dd: {  	v24 =	vld [tilespmem:s23+$0x12620]  }
0x4de: {  	v25 =	vld [tilespmem:s23+$0x12640]  }
0x4df: {  	v26 =	vld [tilespmem:s23+$0x12650]  }
0x4e0: {  	v27 =	vld [tilespmem:s23+$0x125B0];
	v12 =	vmul.f32 v12, v4;
	v13 =	vmul.f32 v13, v3  }
0x4e1: {  	v58 =	vld [tilespmem:s23+$0x12600]  }
0x4e2: {  	v59 =	vld [tilespmem:s23+$0x12610];
	v10 =	vmul.f32 v10, v2;
	v17 =	vmul.f32 v17, v4;
	v13 =	vadd.f32 v13, v12  }
0x4e3: {  	v60 =	vld [tilespmem:s23+$0x12570];
	v18 =	vmul.f32 v18, v3;
	v20 =	vmul.f32 v20, v4  }
0x4e4: {  	v61 =	vld [tilespmem:s23+$0x125A0];
	v21 =	vmul.f32 v21, v3;
	v9 =	vmul.f32 v9, v1;
	v10 =	vadd.f32 v10, v13  }
0x4e5: {  	v62 =	vld [tilespmem:s23+$0x12480];
	v15 =	vmul.f32 v15, v2;
	v13 =	vadd.f32 v18, v17  }
0x4e6: {  	v63 =	vld [tilespmem:s23+$0x12490];
	v16 =	vmul.f32 v16, v2;
	v18 =	vadd.f32 v21, v20;
	v9 =	vadd.f32 v9, v10  }
0x4e7: {  	v11 =	vmul.f32 v11, v1;
	v14 =	vmul.f32 v14, v1;
	v12 =	vld [tilespmem:s23+$0x125C0];
	v13 =	vadd.f32 v15, v13  }
0x4e8: {  	v20 =	vld [tilespmem:s23+$0x12580];
	v10 =	vadd.f32 v16, v18;
	v18 =	vmul.f32 v26, v3;
	(xrf2) =	vadd.scan.msk.f32 $0xffff, v9;
	v9 =	vmul.f32 v25, v4  }
0x4e9: {  	v21 =	vld [tilespmem:s23+$0x12590];
	v11 =	vadd.f32 v11, v13  }
0x4ea: {  	v17 =	vld [tilespmem:s23+$0x12560];
	v10 =	vadd.f32 v14, v10;
	v14 =	vmul.f32 v23, v2;
	v9 =	vadd.f32 v18, v9  }
0x4eb: {  	v16 =	vld [tilespmem:s23+$0x12540];
	(xrf2) =	vadd.scan.msk.f32 $0xffff, v11;
	v11 =	vmul.f32 v58, v4;
	v18 =	vmul.f32 v59, v3  }
0x4ec: {  	v19 =	vmul.f32 v19, v1;
	v25 =	vld [tilespmem:s23+$0x12550];
	v9 =	vadd.f32 v14, v9  }
0x4ed: {  	v24 =	vmul.f32 v24, v2;
	v15 =	vld [tilespmem:s23+$0x124F0];
	(xrf2) =	vadd.scan.msk.f32 $0xffff, v10;
	v11 =	vadd.f32 v18, v11  }
0x4ee: {  	v26 =	vld [tilespmem:s23+$0x124C0];
	v20 =	vmul.f32 v20, v4;
	v21 =	vmul.f32 v21, v3;
	v9 =	vadd.f32 v19, v9  }
0x4ef: {  	v22 =	vmul.f32 v22, v1;
	v18 =	vld [tilespmem:s23+$0x124D0];
	v11 =	vadd.f32 v24, v11  }
0x4f0: {  	v13 =	vld [tilespmem:s23+$0x124B0];
	v20 =	vadd.f32 v21, v20;
	v21 =	vmul.f32 v61, v2;
	(xrf2) =	vadd.scan.msk.f32 $0xffff, v9  }
0x4f1: {  	v23 =	vld [tilespmem:s23+$0x124E0];
	v25 =	vmul.f32 v25, v3;
	v19 =	vmul.f32 v16, v4;
	v11 =	vadd.f32 v22, v11  }
0x4f2: {  	v14 =	vld [tilespmem:s23+$0x12500];
	v20 =	vadd.f32 v21, v20;
	v21 =	vmul.f32 v27, v1  }
0x4f3: {  	v10 =	vimm.f32 $-1.000000020e+30;
	v16 =	vld [tilespmem:s23+$0x124A0];
	v24 =	vadd.f32 v25, v19;
	v25 =	vmul.f32 v17, v2;
	v9, _, _ =	vpop (xrf2);
	(xrf2) =	vadd.scan.msk.f32 $0xffff, v11  }
0x4f4: {  	v20 =	vadd.f32 v21, v20;
	v17 =	vld [tilespmem:s23+$0x12400];
	v22 =	vmul.f32 v26, v4;
	v26 =	vmul.f32 v18, v3  }
0x4f5: {  	v27 =	vmul.f32 v60, v1;
	v19 =	vld [tilespmem:s23+$0x12410];
	v21 =	vadd.f32 v25, v24  }
0x4f6: {  	v5 =	vmax.f32 v10, v5;
	v23 =	vmul.f32 v23, v2;
	v18 =	vld [tilespmem:s23+$0x12420];
	v22 =	vadd.f32 v26, v22;
	v10, _, _ =	vpop (xrf2);
	(xrf2) =	vadd.scan.msk.f32 $0xffff, v20  }
0x4f7: {  	s24 =	simm.s32 $0x2000;
	v24 =	vmul.f32 v62, v4;
	v25 =	vmul.f32 v63, v3;
	v20 =	vld [tilespmem:s23+$0x12440];
	v21 =	vadd.f32 v27, v21;
	v11, _, _ =	vpop (xrf2)  }
.LBB2_12:
0x4f8: {  	p2 =	sne.s32 s24, $0xC000;
	v26 =	vld [tilespmem:s23+$0x12450];
	v22 =	vadd.f32 v23, v22;
	v27 =	vmul.f32 v15, v1  }
0x4f9: {  	v16 =	vmul.f32 v16, v2;
	v23 =	vld [tilespmem:s23+$0x12430];
	v24 =	vadd.f32 v25, v24;
	(xrf2) =	vadd.scan.msk.f32 $0xffff, v21  }
0x4fa: {  	v17 =	vmul.f32 v17, v4;
	v19 =	vmul.f32 v19, v3;
	v21 =	vld [tilespmem:s23+$0x12460];
	v22 =	vadd.f32 v27, v22;
	v15, _, _ =	vpop (xrf2)  }
0x4fb: {  	v13 =	vmul.f32 v13, v1;
	v16 =	vadd.f32 v16, v24;
	v24 =	vld [tilespmem:s23+$0x12510]  }
0x4fc: {  	v18 =	vmul.f32 v18, v2;
	v17 =	vadd.f32 v19, v17;
	v19 =	vld [tilespmem:s23+$0x12470];
	(xrf2) =	vadd.scan.msk.f32 $0xffff, v22  }
0x4fd: {  	v20 =	vmul.f32 v20, v4;
	v22 =	vmul.f32 v26, v3;
	v13 =	vadd.f32 v13, v16;
	v16 =	vld [tilespmem:s23+$0x12520];
	v25, _, _ =	vpop (xrf2)  }
0x4fe: {  	v17 =	vadd.f32 v18, v17;
	v18 =	vmul.f32 v23, v1;
	v23 =	vld [tilespmem:s23+$0x125D0]  }
0x4ff: {  	v20 =	vadd.f32 v22, v20;
	v21 =	vmul.f32 v21, v2;
	v22 =	vld [tilespmem:s23+$0x12530];
	(xrf2) =	vadd.scan.msk.f32 $0xffff, v13  }
0x500: {  	v14 =	vmul.f32 v14, v4;
	v13 =	vadd.f32 v18, v17;
	v17 =	vmul.f32 v24, v3;
	v18 =	vld [tilespmem:s23+$0x125E0];
	v24, _, _ =	vpop (xrf2)  }
0x501: {  	v20 =	vadd.f32 v21, v20;
	v19 =	vmul.f32 v19, v1;
	v21 =	vld [tilespmem:s23+$0x12690]  }
0x502: {  	v14 =	vadd.f32 v17, v14;
	v16 =	vmul.f32 v16, v2;
	v17 =	vld [tilespmem:s23+$0x125F0];
	(xrf2) =	vadd.scan.msk.f32 $0xffff, v13  }
0x503: {  	v12 =	vmul.f32 v12, v4;
	v13 =	vadd.f32 v19, v20;
	v19 =	vmul.f32 v23, v3;
	v20 =	vld [tilespmem:s23+$0x126A0];
	v23, _, _ =	vpop (xrf2)  }
0x504: {  	v14 =	vadd.f32 v16, v14;
	v16 =	vmul.f32 v22, v1;
	v22 =	vld [tilespmem:s23+$0x12750]  }
0x505: {  	v12 =	vadd.f32 v19, v12;
	v18 =	vmul.f32 v18, v2;
	v19 =	vld [tilespmem:s23+$0x126B0];
	(xrf2) =	vadd.scan.msk.f32 $0xffff, v13  }
0x506: {  	v8 =	vmul.f32 v8, v4;
	v13 =	vadd.f32 v16, v14;
	v14 =	vmul.f32 v21, v3;
	v16 =	vld [tilespmem:s23+$0x12760];
	v21, _, _ =	vpop (xrf2)  }
0x507: {  	v12 =	vadd.f32 v18, v12;
	v26 =	vmul.f32 v17, v1;
	v18 =	vld [tilespmem:s23+$0x127D0]  }
0x508: {  	v8 =	vadd.f32 v14, v8;
	v14 =	vmul.f32 v20, v2;
	v20 =	vld [tilespmem:s23+$0x12770];
	(xrf2) =	vadd.scan.msk.f32 $0xffff, v13  }
0x509: {  	v7 =	vmul.f32 v7, v4;
	v12 =	vadd.f32 v26, v12;
	v13 =	vmul.f32 v22, v3;
	v17, _, _ =	vpop (xrf2)  }
0x50a: {  	v8 =	vadd.f32 v14, v8;
	v22 =	vmul.f32 v19, v1;
	v19 =	vld [tilespmem:s23+$0x127E0]  }
0x50b: {  	v7 =	vadd.f32 v13, v7;
	v13 =	vmul.f32 v16, v2;
	(xrf2) =	vadd.scan.msk.f32 $0xffff, v12  }
0x50c: {  	v6 =	vmul.f32 v6, v4;
	v8 =	vadd.f32 v22, v8;
	v12 =	vld [tilespmem:s23+$0x127F0];
	v14, _, _ =	vpop (xrf2)  }
0x50d: {  	v16 =	vmul.f32 v18, v3;
	v7 =	vadd.f32 v13, v7;
	v20 =	vmul.f32 v20, v1  }
0x50e: {  	(xrf2) =	vadd.scan.msk.f32 $0xffff, v8  }
0x50f: {  	v6 =	vadd.f32 v16, v6;
	v7 =	vadd.f32 v20, v7;
	v8 =	vmul.f32 v19, v2;
	v13, _, _ =	vpop (xrf2)  }
0x510: {  	v14 =	vbroadcast v14, $0xF;
	v18 =	vbroadcast v13, $0xF  }
0x511: {  	v16 =	vbroadcast v17, $0xF;
	v6 =	vadd.f32 v8, v6;
	v8 =	vmul.f32 v12, v1;
	(xrf2) =	vadd.scan.msk.f32 $0xffff, v7  }
0x512: {  	v12 =	vbroadcast v21, $0xF;
	v7 =	vsel vm0, v14, v18;
	v13, _, _ =	vpop (xrf2)  }
0x513: {  	v7 =	vsel vm1, v7, v16;
	v14 =	vbroadcast v13, $0xF;
	v6 =	vadd.f32 v8, v6  }
0x514: {  	v8 =	vbroadcast v23, $0xF;
	v7 =	vsel vm2, v7, v12  }
0x515: {  	v7 =	vsel vm3, v7, v14;
	v14 =	vbroadcast v24, $0xF;
	v13, _, _ =	vpop (xrf2);
	(xrf2) =	vadd.scan.msk.f32 $0xffff, v6  }
0x516: {  	v6 =	vsel vm4, v7, v8;
	v7 =	vbroadcast v13, $0xF  }
0x517: {  	v8 =	vbroadcast v25, $0xF;
	v6 =	vsel vm5, v6, v14  }
0x518: {  	v6 =	vsel vm6, v6, v7;
	v7 =	vbroadcast v15, $0xF;
	v12, _, _ =	vpop (xrf2)  }
0x519: {  	v6 =	vsel vm7, v6, v8;
	v8 =	vbroadcast v12, $0xF  }
0x51a: {  	v6 =	vsel vm8, v6, v7;
	v7 =	vbroadcast v11, $0xF  }
0x51b: {  	v6 =	vsel vm9, v6, v8;
	v8 =	vbroadcast v10, $0xF;
	v10, _, _ =	vpop (xrf2)  }
0x51c: {  	v6 =	vsel vm10, v6, v7;
	v7 =	vbroadcast v10, $0xF  }
0x51d: {  	v9 =	vbroadcast v9, $0xF;
	v6 =	vsel vm11, v6, v8  }
0x51e: {  	s21 =	sadd.s32 $0x10, s21;
	v6 =	vsel vm12, v6, v7  }
0x51f: {  	v7 =	vmov s21;
	v6 =	vsel vm13, v6, v9;
	v8, _, _ =	vpop (xrf2)  }
0x520: {  	vm15 =	vlt.u32 v7, v0;
	v6 =	vsel vm14, v6, v8  }
0x521: {  	s22 =	sadd.s32 $0x10, s22;
	v6 =	vnsel vm15, $0xF149F2CA, v6  }
0x522: {  	s23 =	sshra.s32 s24, $0x2;
	[tilespmem:s22+$0x0] =	vst v6;
	v5 =	vmax.f32 v5, v6  }
0x523: {  	v9 =	vld [tilespmem:s23+$0x127B0]  }
0x524: {  	v6 =	vld [tilespmem:s23+$0x127C0]  }
0x525: {  	v10 =	vld [tilespmem:s23+$0x127A0]  }
0x526: {  	v11 =	vld [tilespmem:s23+$0x12730]  }
0x527: {  	v12 =	vld [tilespmem:s23+$0x12780]  }
0x528: {  	v13 =	vld [tilespmem:s23+$0x12790]  }
0x529: {  	v14 =	vld [tilespmem:s23+$0x126F0]  }
0x52a: {  	v15 =	vld [tilespmem:s23+$0x12720]  }
0x52b: {  	v7 =	vld [tilespmem:s23+$0x12740]  }
0x52c: {  	v16 =	vld [tilespmem:s23+$0x126E0]  }
0x52d: {  	v17 =	vld [tilespmem:s23+$0x12700]  }
0x52e: {  	v18 =	vld [tilespmem:s23+$0x12710]  }
0x52f: {  	v19 =	vld [tilespmem:s23+$0x12670]  }
0x530: {  	v20 =	vld [tilespmem:s23+$0x126C0]  }
0x531: {  	v21 =	vld [tilespmem:s23+$0x126D0]  }
0x532: {  	v22 =	vld [tilespmem:s23+$0x12630]  }
0x533: {  	v23 =	vld [tilespmem:s23+$0x12660]  }
0x534: {  	v8 =	vld [tilespmem:s23+$0x12680]  }
0x535: {  	v24 =	vld [tilespmem:s23+$0x12620]  }
0x536: {  	v25 =	vld [tilespmem:s23+$0x12640]  }
0x537: {  	v12 =	vmul.f32 v12, v4;
	v13 =	vmul.f32 v13, v3;
	v26 =	vld [tilespmem:s23+$0x12650]  }
0x538: {  	v27 =	vld [tilespmem:s23+$0x125B0]  }
0x539: {  	v10 =	vmul.f32 v10, v2;
	v12 =	vadd.f32 v13, v12;
	v28 =	vld [tilespmem:s23+$0x12600]  }
0x53a: {  	v17 =	vmul.f32 v17, v4;
	v18 =	vmul.f32 v18, v3;
	v13 =	vld [tilespmem:s23+$0x12610]  }
0x53b: {  	v9 =	vmul.f32 v9, v1;
	v10 =	vadd.f32 v10, v12;
	v29 =	vld [tilespmem:s23+$0x12570]  }
0x53c: {  	v15 =	vmul.f32 v15, v2;
	v17 =	vadd.f32 v18, v17;
	v30 =	vld [tilespmem:s23+$0x125A0]  }
0x53d: {  	v9 =	vadd.f32 v9, v10;
	v18 =	vmul.f32 v20, v4;
	v20 =	vmul.f32 v21, v3;
	v12 =	vld [tilespmem:s23+$0x125C0]  }
0x53e: {  	v11 =	vmul.f32 v11, v1;
	v15 =	vadd.f32 v15, v17;
	v10 =	vld [tilespmem:s23+$0x12560]  }
0x53f: {  	v16 =	vmul.f32 v16, v2;
	v18 =	vadd.f32 v20, v18;
	v17 =	vld [tilespmem:s23+$0x12580];
	(xrf2) =	vadd.scan.msk.f32 $0xffff, v9  }
0x540: {  	v11 =	vadd.f32 v11, v15;
	v20 =	vmul.f32 v25, v4;
	v21 =	vmul.f32 v26, v3;
	v9 =	vld [tilespmem:s23+$0x12590]  }
0x541: {  	v14 =	vmul.f32 v14, v1;
	v16 =	vadd.f32 v16, v18;
	v15 =	vld [tilespmem:s23+$0x124F0]  }
0x542: {  	v20 =	vadd.f32 v21, v20;
	v21 =	vmul.f32 v23, v2;
	v18 =	vld [tilespmem:s23+$0x12540];
	(xrf2) =	vadd.scan.msk.f32 $0xffff, v11  }
0x543: {  	v14 =	vadd.f32 v14, v16;
	v23 =	vmul.f32 v28, v4;
	v25 =	vmul.f32 v13, v3;
	v11 =	vld [tilespmem:s23+$0x12550]  }
0x544: {  	v19 =	vmul.f32 v19, v1;
	v16 =	vadd.f32 v21, v20;
	v13 =	vld [tilespmem:s23+$0x124B0]  }
0x545: {  	v21 =	vadd.f32 v25, v23;
	v23 =	vmul.f32 v24, v2;
	v20 =	vld [tilespmem:s23+$0x124E0];
	(xrf2) =	vadd.scan.msk.f32 $0xffff, v14  }
0x546: {  	v16 =	vadd.f32 v19, v16;
	v17 =	vmul.f32 v17, v4;
	v26 =	vmul.f32 v9, v3;
	v24 =	vld [tilespmem:s23+$0x124C0]  }
0x547: {  	v22 =	vmul.f32 v22, v1;
	v21 =	vadd.f32 v23, v21;
	v19 =	vld [tilespmem:s23+$0x124D0]  }
0x548: {  	v23 =	vmul.f32 v30, v2;
	v17 =	vadd.f32 v26, v17;
	v14 =	vld [tilespmem:s23+$0x12500];
	(xrf2) =	vadd.scan.msk.f32 $0xffff, v16  }
0x549: {  	v21 =	vadd.f32 v22, v21;
	v18 =	vmul.f32 v18, v4;
	v11 =	vmul.f32 v11, v3;
	v25 =	vld [tilespmem:s23+$0x12480];
	v9, _, _ =	vpop (xrf2)  }
0x54a: {  	v22 =	vadd.f32 v23, v17;
	v23 =	vmul.f32 v27, v1;
	v26 =	vld [tilespmem:s23+$0x12490]  }
.Ltmp5:
0x54b: {  	v11 =	vadd.f32 v11, v18;
	v18 =	vmul.f32 v10, v2;
	v16 =	vld [tilespmem:s23+$0x124A0];
	(xrf2) =	vadd.scan.msk.f32 $0xffff, v21;
	(pc) =	sbr.rel @p2 .LBB2_12-.Ltmp5, $4  }
0x54c: {  	v21 =	vmul.f32 v24, v4;
	v27 =	vadd.f32 v23, v22;
	v17 =	vld [tilespmem:s23+$0x12400];
	v24 =	vmul.f32 v19, v3;
	v10, _, _ =	vpop (xrf2)  }
0x54d: {  	v28 =	vmul.f32 v29, v1;
	v30 =	vadd.f32 v18, v11;
	v19 =	vld [tilespmem:s23+$0x12410]  }
0x54e: {  	v23 =	vmul.f32 v20, v2;
	v18 =	vld [tilespmem:s23+$0x12420];
	v22 =	vadd.f32 v24, v21;
	(xrf2) =	vadd.scan.msk.f32 $0xffff, v27  }
0x54f: {  	s24 =	sadd.s32 $0x1000, s24;
	v24 =	vmul.f32 v25, v4;
	v21 =	vadd.f32 v28, v30;
	v20 =	vld [tilespmem:s23+$0x12440];
	v25 =	vmul.f32 v26, v3;
	v11, _, _ =	vpop (xrf2)  }
0x550: {  	v26 =	vld [tilespmem:s23+$0x12450]  }
0x551: {  	v27 =	vld [tilespmem:s23+$0x12430]  }
0x552: {  	v15 =	vmul.f32 v15, v1;
	v62 =	vld [tilespmem:s23+$0x12460];
	v16 =	vmul.f32 v16, v2  }
0x553: {  	v63 =	vld [tilespmem:s23+$0x12510];
	v13 =	vmul.f32 v13, v1;
	v14 =	vmul.f32 v14, v4  }
0x554: {  	v22 =	vadd.f32 v23, v22;
	v30 =	vld [tilespmem:s23+$0x12470];
	v17 =	vmul.f32 v17, v4;
	v19 =	vmul.f32 v19, v3  }
0x555: {  	v32 =	vld [tilespmem:s23+$0x12520];
	v24 =	vadd.f32 v25, v24;
	v20 =	vmul.f32 v20, v4;
	v31 =	vmul.f32 v26, v3  }
0x556: {  	v33 =	vld [tilespmem:s23+$0x125D0];
	v15 =	vadd.f32 v15, v22;
	v18 =	vmul.f32 v18, v2;
	v17 =	vadd.f32 v19, v17  }
0x557: {  	v34 =	vld [tilespmem:s23+$0x12530];
	v16 =	vadd.f32 v16, v24;
	v23 =	vmul.f32 v62, v2;
	v20 =	vadd.f32 v31, v20  }
0x558: {  	v36 =	vld [tilespmem:s23+$0x125E0];
	v27 =	vmul.f32 v27, v1;
	v35 =	vmul.f32 v63, v3;
	v17 =	vadd.f32 v18, v17  }
0x559: {  	v39 =	vld [tilespmem:s23+$0x12690];
	(xrf2) =	vadd.scan.msk.f32 $0xffff, v21;
	v13 =	vadd.f32 v13, v16;
	v38 =	vmul.f32 v30, v1;
	v37 =	vadd.f32 v23, v20  }
0x55a: {  	v42 =	vld [tilespmem:s23+$0x125F0];
	(xrf2) =	vadd.scan.msk.f32 $0xffff, v15;
	v41 =	vmul.f32 v32, v2;
	v14 =	vadd.f32 v35, v14;
	v40 =	vadd.f32 v27, v17  }
0x55b: {  	v12 =	vmul.f32 v12, v4;
	v45 =	vld [tilespmem:s23+$0x126A0];
	v44 =	vmul.f32 v33, v3;
	(xrf2) =	vadd.scan.msk.f32 $0xffff, v13;
	v43 =	vadd.f32 v38, v37  }
0x55c: {  	v46 =	vmul.f32 v34, v1;
	v14 =	vadd.f32 v41, v14;
	(xrf2) =	vadd.scan.msk.f32 $0xffff, v40  }
0x55d: {  	v49 =	vld [tilespmem:s23+$0x126B0];
	v48 =	vmul.f32 v36, v2;
	v12 =	vadd.f32 v44, v12;
	(xrf2) =	vadd.scan.msk.f32 $0xffff, v43  }
0x55e: {  	v47 =	vld [tilespmem:s23+$0x12750];
	v8 =	vmul.f32 v8, v4;
	v51 =	vmul.f32 v39, v3;
	v50 =	vadd.f32 v46, v14  }
0x55f: {  	v52 =	vld [tilespmem:s23+$0x12760];
	v53 =	vmul.f32 v42, v1;
	v12 =	vadd.f32 v48, v12  }
0x560: {  	v54 =	vld [tilespmem:s23+$0x127D0];
	v55, _, _ =	vpop (xrf2);
	v56 =	vmul.f32 v45, v2;
	v8 =	vadd.f32 v51, v8;
	(xrf2) =	vadd.scan.msk.f32 $0xffff, v50  }
0x561: {  	v57 =	vld [tilespmem:s23+$0x12770];
	v58, _, _ =	vpop (xrf2);
	v12 =	vadd.f32 v53, v12  }
0x562: {  	v61 =	vmul.f32 v49, v1;
	v62 =	vld [tilespmem:s23+$0x127E0];
	v60, _, _ =	vpop (xrf2);
	v8 =	vadd.f32 v56, v8  }
0x563: {  	v7 =	vmul.f32 v7, v4;
	v59 =	vmul.f32 v47, v3;
	v63, _, _ =	vpop (xrf2);
	(xrf2) =	vadd.scan.msk.f32 $0xffff, v12  }
0x564: {  	v26 =	vld [tilespmem:s23+$0x127F0];
	v8 =	vadd.f32 v61, v8;
	v24, _, _ =	vpop (xrf2)  }
0x565: {  	v15 =	vmul.f32 v52, v2;
	v7 =	vadd.f32 v59, v7;
	v27, _, _ =	vpop (xrf2)  }
0x566: {  	v25 =	vmul.f32 v6, v4;
	v3 =	vmul.f32 v54, v3;
	(xrf2) =	vadd.scan.msk.f32 $0xffff, v8;
	v29, _, _ =	vpop (xrf2)  }
0x567: {  	v28 =	vmul.f32 v57, v1;
	v7 =	vadd.f32 v15, v7;
	v2 =	vmul.f32 v62, v2;
	v30, _, _ =	vpop (xrf2)  }
0x568: {  	v3 =	vadd.f32 v3, v25;
	v31 =	vbroadcast v29, $0xF;
	v4 =	vbroadcast v30, $0xF  }
0x569: {  	v1 =	vmul.f32 v26, v1;
	v7 =	vadd.f32 v28, v7;
	v14 =	vbroadcast v27, $0xF  }
0x56a: {  	v2 =	vadd.f32 v2, v3;
	v32 =	vbroadcast v24, $0xF;
	v33, _, _ =	vpop (xrf2);
	v3 =	vsel vm0, v31, v4  }
0x56b: {  	(xrf2) =	vadd.scan.msk.f32 $0xffff, v7;
	v6 =	vbroadcast v33, $0xF;
	v3 =	vsel vm1, v3, v14  }
0x56c: {  	v1 =	vadd.f32 v1, v2;
	v2 =	vsel vm2, v3, v32;
	v3 =	vbroadcast v63, $0xF  }
0x56d: {  	v34 =	vbroadcast v60, $0xF;
	v35, _, _ =	vpop (xrf2);
	v2 =	vsel vm3, v2, v6  }
0x56e: {  	(xrf2) =	vadd.scan.msk.f32 $0xffff, v1;
	v1 =	vsel vm4, v2, v3;
	v2 =	vbroadcast v35, $0xF  }
0x56f: {  	v3 =	vbroadcast v58, $0xF;
	v1 =	vsel vm5, v1, v34  }
0x570: {  	v36, _, _ =	vpop (xrf2);
	v1 =	vsel vm6, v1, v2;
	v2 =	vbroadcast v55, $0xF  }
0x571: {  	v1 =	vsel vm7, v1, v3;
	v3 =	vbroadcast v36, $0xF  }
0x572: {  	v1 =	vsel vm8, v1, v2;
	v2 =	vbroadcast v11, $0xF  }
0x573: {  	v1 =	vsel vm9, v1, v3;
	v3 =	vbroadcast v10, $0xF  }
0x574: {  	v1 =	vsel vm10, v1, v2  }
0x575: {  	v37, _, _ =	vpop (xrf2);
	v1 =	vsel vm11, v1, v3;
	v3 =	vbroadcast v9, $0xF  }
0x576: {  	v2 =	vbroadcast v37, $0xF;
	_ =	sdelay $0x1  }
0x577: {  	s21 =	sadd.s32 $0x10, s21;
	v1 =	vsel vm12, v1, v2  }
0x578: {  	v2 =	vmov s21;
	v1 =	vsel vm13, v1, v3;
	v3, _, _ =	vpop (xrf2)  }
0x579: {  	vm15 =	vlt.u32 v2, v0;
	v1 =	vsel vm14, v1, v3  }
0x57a: {  	v1 =	vnsel vm15, $0xF149F2CA, v1  }
0x57b: {  	v2 =	vmax.f32 v5, v1  }
0x57c: {  	(xrf0) =	vmax.scan.msk.f32 $0xffff, v2  }
0x57d: {  	s24 =	sadd.s32 $0x10, s22  }
0x57e: {  	s22 =	simm.s32 @!p0 $0x64;
	s23 =	simm.s32 @!p0 $0x12400;
	s21 =	sadd.s32 @!p0 $0x5B0, s19;
	[tilespmem:s24+$0x0] =	vst v1  }
0x57f: {  	[tilespmem:s23], [sflag:$0x4] =	stream.indirect.gather @!p0 [hbm4b:s5+s22], $0x40, s21, s22, $0xb8;
	[tilespmem:$0x15C10] =	vst v63  }
0x580: {  	s19 =	sadd.s32 @!p0 $0x618, s19;
	s21 =	simm.s32 @!p0 $0x13D00  }
0x581: {  	[tilespmem:s21], [sflag:$0x4] =	stream.indirect.gather @!p0 [hbm4b:s5+s22], $0x40, s19, s22, $0xb8;
	[tilespmem:$0x15C10] =	vst v63  }
0x582: {  	s19 =	simm.s32 @!p1 $0x8;
	v1, _, _ =	vpop (xrf0)  }
0x583: {  	_ =	swait.ge @!p1 [sflag:s19], $0xC8  }
0x584: {  	[sflag:s19] =	ssyncset.done @!p1 $0x0  }
0x585: {  	[sflag:s19] =	ssyncadd.s32 @!p1 $0xFFFFFF38  }
0x586: {  	v2 =	vld [tilespmem:$0x15800];
	_ =	sdelay $0x1  }
0x587: {  	v3 =	vld [tilespmem:$0x15810]  }
0x588: {  	v1 =	vbroadcast v1, $0xF  }
0x589: {  	v38 =	vld [tilespmem:$0x15820]  }
0x58a: {  	v2 =	vsub.f32 v2, v1  }
0x58b: {  	v39 =	vld [tilespmem:$0x15830]  }
0x58c: {  	v3 =	vsub.f32 v3, v1;
	v2 =	vmul.f32 $1.442695020e+00, v2  }
0x58d: {  	v40 =	vld [tilespmem:$0x15840]  }
0x58e: {  	(erf) = vpow2.f32 v2;
	v2 =	vmul.f32 $1.442695020e+00, v3;
	v3 =	vsub.f32 v38, v1  }
0x58f: {  	v41 =	vld [tilespmem:$0x15850]  }
0x590: {  	(erf) = vpow2.f32 v2;
	v2 =	vmul.f32 $1.442695020e+00, v3;
	v3 =	vsub.f32 v39, v1;
	_ =	sdelay $0x1  }
0x591: {  	(erf) = vpow2.f32 v2;
	v2 =	vmul.f32 $1.442695020e+00, v3;
	v3 =	vsub.f32 v40, v1  }
0x592: {  	v42 =	vld [tilespmem:$0x15860]  }
0x593: {  	(erf) = vpow2.f32 v2;
	v2 =	vmul.f32 $1.442695020e+00, v3;
	v3 =	vsub.f32 v41, v1  }
0x594: {  	v43 =	vld [tilespmem:$0x15870]  }
0x595: {  	(erf) = vpow2.f32 v2;
	v2 =	vmul.f32 $1.442695020e+00, v3;
	v3 =	vld [tilespmem:$0x15880];
	_ =	sdelay $0x1  }
0x596: {  	v5 =	vsub.f32 v42, v1;
	v44 =	vpop (erf);
	(erf) = vpow2.f32 v2;
	v2 =	vld [tilespmem:$0x15890];
	_ =	sdelay $0x1  }
0x597: {  	v47 =	vld [tilespmem:$0x158A0];
	v4 =	vsub.f32 v43, v1;
	v5 =	vmul.f32 $1.442695020e+00, v5;
	v45 =	vadd.f32 $0.0e+00, v44  }
0x598: {  	v46 =	vpop (erf);
	v3 =	vsub.f32 v3, v1  }
0x599: {  	v50 =	vld [tilespmem:$0x158B0];
	v4 =	vmul.f32 $1.442695020e+00, v4;
	(erf) = vpow2.f32 v5;
	v7 =	vadd.f32 v46, v45  }
0x59a: {  	v48 =	vpop (erf);
	v3 =	vmul.f32 $1.442695020e+00, v3;
	v2 =	vsub.f32 v2, v1  }
0x59b: {  	v53 =	vld [tilespmem:$0x158C0];
	(erf) = vpow2.f32 v4;
	v49 =	vadd.f32 v48, v7  }
0x59c: {  	v51 =	vpop (erf);
	(erf) = vpow2.f32 v3;
	v2 =	vmul.f32 $1.442695020e+00, v2;
	v3 =	vsub.f32 v47, v1  }
0x59d: {  	v52 =	vadd.f32 v51, v49;
	v54 =	vpop (erf)  }
0x59e: {  	v55 =	vpop (erf);
	(erf) = vpow2.f32 v2;
	v2 =	vmul.f32 $1.442695020e+00, v3;
	v3 =	vsub.f32 v50, v1  }
0x59f: {  	v4 =	vadd.f32 v54, v52  }
0x5a0: {  	v1 =	vsub.f32 v53, v1;
	(erf) = vpow2.f32 v2;
	v2 =	vmul.f32 $1.442695020e+00, v3  }
0x5a1: {  	v4 =	vadd.f32 v55, v4  }
0x5a2: {  	v1 =	vmul.f32 $1.442695020e+00, v1;
	v3 =	vpop (erf)  }
0x5a3: {  	(erf) = vpow2.f32 v2;
	v4 =	vadd.f32 v3, v4  }
0x5a4: {  	v2 =	vpop (erf)  }
0x5a5: {  	(erf) = vpow2.f32 v1;
	v4 =	vadd.f32 v2, v4  }
0x5a6: {  	v1 =	vpop (erf)  }
0x5a7: {  	v4 =	vadd.f32 v1, v4  }
0x5a8: {  	v56 =	vpop (erf)  }
0x5a9: {  	v4 =	vadd.f32 v56, v4  }
0x5aa: {  	v57 =	vpop (erf)  }
0x5ab: {  	v4 =	vadd.f32 v57, v4  }
0x5ac: {  	v58 =	vpop (erf)  }
0x5ad: {  	v4 =	vadd.f32 v58, v4  }
0x5ae: {  	v59 =	vpop (erf)  }
0x5af: {  	v4 =	vadd.f32 v59, v4;
	_ =	sdelay $0x1  }
0x5b0: {  	(xrf2) =	vadd.scan.msk.f32 $0xffff, v4;
	_ =	sdelay $0x9  }
0x5b1: {  	v4, _, _ =	vpop (xrf2)  }
0x5b2: {  	v4 =	vadd.f32 $0.0e+00, v4;
	_ =	sdelay $0x1  }
0x5b3: {  	v4 =	vbroadcast v4, $0xF;
	_ =	sdelay $0x1  }
0x5b4: {  	[tilespmem:$0x15B40] =	vst v44;
	(erf) = vrcp.f32 v4  }
0x5b5: {  	[tilespmem:$0x15B50] =	vst v46  }
0x5b6: {  	[tilespmem:$0x15B60] =	vst v48  }
0x5b7: {  	[tilespmem:$0x15B70] =	vst v51  }
0x5b8: {  	[tilespmem:$0x15B80] =	vst v54  }
0x5b9: {  	[tilespmem:$0x15B90] =	vst v55  }
0x5ba: {  	[tilespmem:$0x15BA0] =	vst v3  }
0x5bb: {  	[tilespmem:$0x15BB0] =	vst v2  }
0x5bc: {  	[tilespmem:$0x15BC0] =	vst v1  }
0x5bd: {  	[tilespmem:$0x15BD0] =	vst v56;
	v4 =	vpop (erf)  }
0x5be: {  	[tilespmem:$0x15BE0] =	vst v57;
	v6 =	vmul.f32 v44, v4  }
0x5bf: {  	[tilespmem:$0x15BF0] =	vst v58;
	v8 =	vmul.f32 v46, v4  }
0x5c0: {  	v60 =	vmul.f32 v48, v4;
	[tilespmem:$0x15B40] =	vst v6  }
0x5c1: {  	v61 =	vmul.f32 v51, v4;
	[tilespmem:$0x15B50] =	vst v8  }
0x5c2: {  	v62 =	vmul.f32 v54, v4;
	[tilespmem:$0x15B60] =	vst v60  }
0x5c3: {  	v63 =	vmul.f32 v55, v4;
	[tilespmem:$0x15B70] =	vst v61  }
0x5c4: {  	v3 =	vmul.f32 v3, v4;
	[tilespmem:$0x15B80] =	vst v62  }
0x5c5: {  	v2 =	vmul.f32 v2, v4;
	[tilespmem:$0x15B90] =	vst v63  }
0x5c6: {  	v1 =	vmul.f32 v1, v4;
	[tilespmem:$0x15BA0] =	vst v3  }
0x5c7: {  	s18 =	sadd.s32 $0x1, s18;
	[tilespmem:$0x15BB0] =	vst v2;
	v2 =	vmul.f32 v56, v4  }
0x5c8: {  	p0 =	sne.s32 s18, $0x20;
	[tilespmem:$0x15BC0] =	vst v1;
	v1 =	vmul.f32 v57, v4  }
.Ltmp6:
0x5c9: {  	s25 =	sadd.s32 s4, s20;
	[tilespmem:$0x15BD0] =	vst v2;
	v2 =	vmul.f32 v58, v4;
	(pc) =	sbr.rel @p0 .LBB2_2-.Ltmp6, $4  }
0x5ca: {  	s19 =	smul.u32 $0x19, s25;
	[tilespmem:$0x15BE0] =	vst v1;
	v1 =	vmul.f32 v59, v4  }
0x5cb: {  	[tilespmem:$0x15BF0] =	vst v2  }
0x5cc: {  	s19 =	sadd.s32 s2, s19;
	[tilespmem:$0x15C00] =	vst v1  }
0x5cd: {  	[hbm4b:s19+s3] =	stream.linear.scatter [tilespmem:s12], [sflag:$0x8], $0xC8, $0x38;
	[tilespmem:$0x15C10] =	vst v63  }
0x5ce: {  	_ =	swait.ge [sflag:s13], $0xC8  }
0x5cf: {  	[sflag:s13] =	ssyncset.done $0x0  }
0x5d0: {  	[sflag:s13] =	ssyncadd.s32 $0xFFFFFF38  }
0x5d1: {  	_ =	swait.ge [sflag:s14], $0xC8  }
0x5d2: {  	[sflag:s14] =	ssyncset.done $0x0  }
0x5d3: {  	s17 =	sadd.s32 $0x1, s17;
	[sflag:s14] =	ssyncadd.s32 $0xFFFFFF38  }
0x5d4: {  	p0 =	sne.s32 s17, s8;
	_ =	swait.ge [sflag:s15], $0xC8  }
.Ltmp7:
0x5d5: {  	[sflag:s15] =	ssyncset.done $0x0;
	(pc) =	sbr.rel @p0 .LBB2_1-.Ltmp7, $4  }
0x5d6: {  	[sflag:s15] =	ssyncadd.s32 $0xFFFFFF38  }
0x5d7: {  	_ =	swait.ge [sflag:s16], $0xC8  }
0x5d8: {  	[sflag:s16] =	ssyncset.done $0x0  }
0x5d9: {  	[sflag:s16] =	ssyncadd.s32 $0xFFFFFF38  }
0x5da: {  	_ =	sfence.sel $0x180000  }
0x5db: {  	[bflag:$0x0] =	sbarrier.arrive $0xFFFF  }
0x5dc: {  	_ =	strace $0x9000004A  }
0x5dd: {  	s0 =	stileid.u32;
	[bflag:$0x2] =	sbarrier.arrive $0xFFFF  }
0x5de: {  	p0 =	sne.s32 s0, $0x0;
	s0 =	rddreg [dreg:$0x2]  }
0x5df: {  	s0 =	sadd.s32 @!p0 $0x100000, s0  }
0x5e0: {  	[sflag:s0] =	ssyncadd.tile.s32 @!p0 $0x1;
	_ =	shalt  }
.Lfunc_end2:
_tile_overlayer_lowered:
.L_overlay_start_2:
0x5e1: {  	(tag) =	ssettag $0x2  }
0x5e2: {  	s0 =	rddreg [dreg:$0x0];
	s2 =	stileid.u32  }
0x5e3: {  	s1 =	rddreg [dreg:$0x1];
	p0 =	sne.s32 s2, $0x0  }
0x5e4: {  	s3 =	rddreg [dreg:$0x2];
	[bflag:$0x3] =	sbarrier.arrive $0xFFFF;
	s2 =	simm.s32 @!p0 $0x1C09  }
0x5e5: {  	[timem:s3], [sflag:s2] =	dma.local @!p0 [hbm:s0], s1  }
0x5e6: {  	s0 =	simm.s32 @!p0 $0x9  }
0x5e7: {  	_ =	swait.ge @!p0 [sflag:s0], s1  }
0x5e8: {  	s1 =	ssub.s32 @!p0 $0x0, s1;
	[sflag:s0] =	ssyncset.done @!p0 $0x0  }
0x5e9: {  	[sflag:s0] =	ssyncadd.s32 @!p0 s1  }
0x5ea: {  	[bflag:$0x3] =	sbarrier.arrive $0xFFFF  }
0x5eb: {  	_ =	shalt  }

// kernel: sparse-core-data-format-call.cloned.1.call-start
scs
called_computation_lowered:
.L_overlay_start_0:
0x0: {  	s2 =	sld [smem:$0x3FD9]  }
0x1: {  	s3 =	sld [smem:$0x3FFE];
	_ =	sdelay $0x1  }
0x2: {  	s1 =	srdreg.scid  }
0x3: {  	s0 =	sand.u32 $0x1, s1  }
0x4: {  	s18 =	sshll.u32 s0, $0xA;
	s2 =	sadd.s32 s3, s2  }
0x5: {  	s2 =	sadd.s32 s2, s18  }
0x6: {  	[smem:$0x3FC3] =	sst s2  }
0x7: {  	_ = 	snop  }
0x8: {  	s2 =	sld [smem:$0x3FC5];
	(tm) =	ssettm $0x1  }
0x9: {  	s19 =	sld [smem:$0x3FFB];
	_ =	sdelay $0x3  }
0xa: {  	_ =	strace s19  }
0xb: {  	s3 =	sld [smem:$0x3FFC];
	_ =	sdelay $0x3  }
0xc: {  	_ =	strace s3  }
0xd: {  	s3 =	sld [smem:$0x3FFD];
	_ =	sdelay $0x3  }
0xe: {  	_ =	strace s3  }
0xf: {  	_ =	strace $0x8FFFFFFF  }
0x10: {  	s20 =	sld [smem:$0x3FDB];
	_ =	sdelay $0x1  }
0x11: {  	s4 =	simm.s32 $_scs_section_size  }
0x12: {  	s5 =	simm.s32 $_size__tile_overlayer_lowered;
	s6 =	simm.s32 $_tile_overlayer_lowered  }
0x13: {  	s23 =	simm.s32 $0x1BFF;
	s22 =	sshll.u32 s6, $0x1;
	s3 =	sadd.s32 s4, s20  }
0x14: {  	s7 =	simm.s32 $0x0;
	s21 =	sshll.u32 s5, $0x1;
	s5 =	sadd.s32 s22, s3  }
0x15: {  	[timem:s7], [sflag:s23] =	dma.local [hbm:s5], s21  }
0x16: {  	_ =	swait.ge [sflag:s23], s21  }
0x17: {  	s4 =	ssub.s32 $0x0, s21;
	[sflag:s23] =	ssyncset.done $0x0  }
0x18: {  	[sflag:s23] =	ssyncadd.s32 s4;
	_ =	sdelay $0x1  }
0x19: {  	s24 =	simm.s32 $0x1B8B  }
0x1a: {  	_ =	swait.ge [sflag:s24], $0x1  }
0x1b: {  	[sflag:s24] =	ssyncset.done $0x0  }
0x1c: {  	s26 =	simm.s32 $0x1B8E;
	s25 =	sld [smem:$0x3FFE];
	[sflag:s24] =	ssyncadd.s32 $0xFFFFFFFF  }
0x1d: {  	s27 =	simm.s32 $execute0_lowered;
	[smem:$0x3FD2] =	sst s26  }
0x1e: {  	s5 =	sshll.u32 s27, $0x1;
	_ =	strace $0x80000046;
	[dreg:$0x1] =	wrdreg $0xFFFFFFFF  }
0x1f: {  	s28 =	simm.s32 $_size_execute0_lowered;
	s3 =	sadd.s32 s3, s5;
	[dreg:$0x0] =	wrdreg $0x0  }
0x20: {  	s5 =	sshll.u32 s28, $0x1;
	[dreg:$0x2] =	wrdreg s3  }
0x21: {  	[dreg:$0x3] =	wrdreg s5  }
0x22: {  	[dreg:$0x4] =	wrdreg $0xC0  }
0x23: {  	_ =	task [dreg:s7], $0x5FFFF  }
0x24: {  	[dreg:$0x1] =	wrdreg $0xFFFFFFFF  }
0x25: {  	[dreg:$0x0] =	wrdreg $0x60  }
0x26: {  	[dreg:$0x2] =	wrdreg s2  }
0x27: {  	[dreg:$0x3] =	wrdreg s25  }
0x28: {  	[dreg:$0x4] =	wrdreg $0x9  }
0x29: {  	_ =	task.clear_ibuf [dreg:s7], $0x5FFFF;
	_ =	strace $0x90000046  }
0x2a: {  	s29 =	simm.s32 $0x9;
	_ =	strace $0x80000048  }
0x2b: {  	_ =	swait.ge [sflag:s29], $0x1  }
0x2c: {  	[sflag:s29] =	ssyncadd.s32 $0xFFFFFFFF  }
0x2d: {  	_ =	strace $0x90000048  }
0x2e: {  	_ =	sfence  }
0x2f: {  	s30 =	sld [smem:$0x0];
	_ =	sdelay $0x2  }
0x30: {  	s31 =	sshll.u32 s1, $0xD;
	s1 =	sshrl.u32 s1, $0x2  }
0x31: {  	s3 =	sand.u32 $0x4000, s31;
	s1 =	sadd.s32 s1, s30  }
0x32: {  	s0 =	sor.u32 s3, s0;
	s1 =	sshll.u32 s1, $0x11  }
0x33: {  	s0 =	sor.u32 s1, s0  }
0x34: {  	s0 =	sadd.s32 $0x8F2B, s0  }
0x35: {  	[sflag:s0] =	ssyncadd.remote.s32 $0x1  }
0x36: {  	_ =	sfence.sel $0xFFFF  }
0x37: {  	[dreg:$0x0] =	wrdreg $0xFFFFFFFF;
	(pc) =	sbr.abs _section_cstart, $3  }
0x38: {  	[dreg:$0x1] =	wrdreg $0xFFFFFFFF  }
0x39: {  	_ =	task.clear_ibuf [dreg:s7], $0x2FFFF;
	_ =	strace $0x9FFFFFFF  }
0x3a: {  	(tm) =	ssettm $0x7FFFFFFF  }
0x3b: {  	_ =	shalt  }
tec
execute0_lowered:
.L_overlay_start_1:
0x0: {  	(tag) =	ssettag $0x1  }
0x1: {  	s0 =	srdreg.scid;
	s2 =	rddreg [dreg:$0x0]  }
0x2: {  	s5 =	rddreg [dreg:$0x1];
	s1 =	stileid.u32  }
0x3: {  	s4 =	simm.s32 $0x1;
	s6 =	simm.s32 $0x2;
	s15 =	simm.s32 $0x0  }
0x4: {  	p0 =	por $0x0, $0x0;
	s8 =	simm.s32 $0x80;
	s0 =	sshll.u32 s0, $0x4  }
0x5: {  	s14 =	simm.s32 $0x0;
	s9 =	simm.s32 $0x0;
	s3 =	sand.u32 $0x10, s0  }
.Ltmp0:
0x6: {  	s10 =	simm.s32 $0x0;
	s3 =	sor.u32 s1, s3;
	(pc) =	sbr.rel .LBB1_1-.Ltmp0, $4  }
0x7: {  	s0 =	rddreg [dreg:$0x2];
	_ =	strace $0x80000047;
	s3 =	sshll.u32 s3, $0x7  }
0x8: {  	s12 =	simm.s32 $0x0;
	[sflag:s4] =	ssyncpa.u1 $0x0;
	s7 =	ssub.s32 $0xF4200, s3  }
0x9: {  	s13 =	simm.s32 $0x0;
	[sflag:s6] =	ssyncpa.u1 $0x0;
	s6 =	sshrl.u32 s7, $0xC  }
0xa: {  	s5 =	sadd.s32 $0x1000, s5;
	s11 =	smov.u32 s3;
	s7 =	sadd.s32 $0x2, s6  }
.LBB1_5:
0xb: {  	p1 =	slt.u32 s13, $0x2  }
0xc: {  	s17 =	smov.u32 s15;
	p2 =	sgt.s32 @!p1 s15, $0xF41C0;
	s16 =	sshra.s32 @!p1 s15, $0x1F  }
0xd: {  	p3 =	sgt.s32 @!p1 s14, $0x40;
	s18 =	sshra.s32 @!p1 s14, $0x1F;
	p2 =	por !p2, p1  }
0xe: {  	s15 =	sand.u32 @!p1 s16, s15;
	p3 =	por !p3, p1;
	s16 =	smov.u32 s14  }
0xf: {  	s14 =	sand.u32 @!p1 s18, s14;
	s17 =	simm.s32 @p2 $0xF41C0;
	s16 =	simm.s32 @p3 $0x40  }
0x10: {  	s15 =	ssub.s32 @!p1 s17, s15;
	s14 =	ssub.s32 @!p1 s16, s14  }
0x11: {  	s18 =	smov.u32 s12;
	s16 =	sadd.s32 @!p1 $0xFFF0BE40, s15;
	s17 =	sadd.s32 @!p1 $0xFFFFFFC0, s14  }
0x12: {  	s15 =	ssub.s32 @!p1 $0xF4240, s15;
	p2 =	sgt.s32 @!p1 s16, $0x7F;
	p3 =	sgt.s32 @!p1 s17, $0x3F  }
0x13: {  	s14 =	ssub.s32 @!p1 $0x80, s14;
	p2 =	por !p2, p1;
	p3 =	por !p3, p1  }
0x14: {  	s16 =	sadd.s32 $0x1000, s11;
	s15 =	simm.s32 @!p2 $0x0;
	s14 =	simm.s32 @!p3 $0x0  }
0x15: {  	p2 =	sgt.s32 s16, $0xF423F;
	s14 =	smul.u32 @!p1 s14, s15;
	s15 =	sadd.s32 $0x40, s12  }
0x16: {  	s18 =	smov.u32 @p2 s15  }
0x17: {  	s16 =	smov.u32 @p2 s3;
	p2 =	sgt.s32 s18, $0x3F  }
0x18: {  	s18 =	simm.s32 @p2 $0x0;
	p2 =	sne.s32 s13, s7  }
.Ltmp1:
0x19: {  	p0 =	por !p0, !p0;
	s17 =	simm.s32 @!p1 $0x2;
	(pc) =	sbr.rel @!p2 .LBB1_6-.Ltmp1, $4  }
0x1a: {  	s15 =	smov.u32 s9;
	s9 =	smov.u32 s11;
	s14 =	sand.u32 @!p1 $0x3FFFFFFF, s14  }
0x1b: {  	s11 =	smov.u32 s16;
	_ =	swait.ge @!p1 [sflag:s17], s14;
	s19 =	ssub.s32 @!p1 $0x0, s14  }
0x1c: {  	s14 =	smov.u32 s10;
	s13 =	sadd.s32 $0x1, s13;
	[sflag:s17] =	ssyncset.done @!p1 $0x0  }
0x1d: {  	s10 =	smov.u32 s12;
	s12 =	smov.u32 s18;
	[sflag:s17] =	ssyncadd.s32 @!p1 s19  }
.LBB1_1:
0x1e: {  	p1 =	sgt.u32 s13, s6  }
0x1f: {  	s16 =	sshrl.u32 @!p1 s12, $0x3  }
0x20: {  	s17 =	sshll.u32 @!p1 s11, $0x3;
	s16 =	smul.u32 @!p1 $0x7A1400, s16  }
0x21: {  	s18 =	sshll.u32 @!p1 s12, $0x7;
	s17 =	sand.u32 @!p1 $0xFFFFFC00, s17  }
0x22: {  	s16 =	sadd.s32 @!p1 s16, s17;
	s17 =	sand.u32 @!p1 $0x380, s18  }
0x23: {  	s18 =	sand.u32 @!p1 $0x7F, s11;
	s16 =	sor.u32 @!p1 s17, s16  }
0x24: {  	s17 =	sor.u32 @!p1 s18, s16  }
0x25: {  	s18 =	smulhi.u32 @!p1 $0x218D6287, s17;
	_ =	sdelay $0x1  }
0x26: {  	s16 =	smulhi.u32 @!p1 $0x218D6287, s16;
	s18 =	sshrl.u32 @!p1 s18, $0x11  }
0x27: {  	s18 =	smul.u32 @!p1 $0xF4280, s18  }
0x28: {  	s19 =	sxor.u32 @!p1 $0xFFFFFFFF, s13;
	s16 =	sshrl.u32 @!p1 s16, $0x11  }
0x29: {  	s19 =	sshll.u32 @!p1 s19, $0xD;
	s16 =	sand.u32 @!p1 $0x3F, s16;
	s17 =	ssub.s32 @!p1 s17, s18  }
0x2a: {  	s16 =	smul.u32 @!p1 $0x1E850, s16;
	s18 =	sshrl.u32 @!p1 s17, $0x3;
	s17 =	sand.u32 @!p1 $0x7, s17  }
0x2b: {  	s19 =	sand.u32 @!p1 $0x2000, s19;
	s18 =	sadd.s32 @!p1 s2, s18;
	s17 =	sshll.u32 @!p1 s17, $0x12  }
0x2c: {  	s16 =	sadd.s32 @!p1 s16, s18;
	s17 =	sor.u32 @!p1 $0x400, s17;
	s18 =	simm.s32 @!p1 $0x7A1400  }
0x2d: {  	[tilespmem:s19], [sflag:$0x1] =	stream.strided.gather @!p1 [hbm4b:s16+s17], $0x2000, s18, s17, $0x38;
	[tilespmem:$0x8100] =	vst v63  }
0x2e: {  	p1 =	seq.s32 s13, $0x0  }
0x2f: {  	p2 =	sge.u32 @!p1 s13, s7  }
0x30: {  	p1 =	por p1, p2  }
.Ltmp2:
0x31: {  	_ = 	snop;
	(pc) =	sbr.rel @p1 .LBB1_5-.Ltmp2, $1  }
0x32: {  	_ =	sdelay $0x3  }
0x33: {  	s16 =	simm.s32 $0x1  }
0x34: {  	_ =	swait.ge [sflag:s4], $0x2000;
	s16 =	simm.s32 @!p0 $0x0  }
0x35: {  	[sflag:s4] =	ssyncset.done $0x0;
	s17 =	sshll.u32 s16, $0xD  }
0x36: {  	[sflag:s4] =	ssyncadd.s32 $0xFFFFE000;
	s17 =	sor.u32 $0x40, s17  }
0x37: {  	s16 =	smul.u32 $0x8200, s16;
	v0 =	vld [tilespmem:s17+$0x30]  }
0x38: {  	v1 =	vld [tilespmem:s17+$0xFFFFFFD0]  }
0x39: {  	s16 =	sshrl.u32 s16, $0x2;
	v5 =	vld [tilespmem:s17+$0xFFFFFFE0]  }
0x3a: {  	v6 =	vld [tilespmem:s17+$0xFFFFFFF0];
	s19 =	sor.u32 $0x4000, s16  }
0x3b: {  	s31 =	sand.u32 $0x1, s13;
	v4 =	vld [tilespmem:s17+$0x0];
	s18 =	sadd.s32 $0x0, s19  }
0x3c: {  	v3 =	vld [tilespmem:s17+$0x10];
	s16 =	smul.u32 $0x8200, s31;
	[tilespmem:s18+$0x1C70 ss:$0x41] =	vst.msk $0xffff, v0  }
0x3d: {  	v2 =	vld [tilespmem:s17+$0x20];
	[tilespmem:s18+$0x410 ss:$0x41] =	vst.msk $0xffff, v1  }
0x3e: {  	s16 =	sshrl.u32 s16, $0x2;
	v1 =	vld [tilespmem:s17+$0xFFFFFFC0];
	[tilespmem:s18+$0x820 ss:$0x41] =	vst.msk $0xffff, v5;
	s17 =	sadd.s32 $0x80, s17  }
0x3f: {  	s20 =	simm.s32 $0x4;
	s21 =	simm.s32 $0x8;
	s16 =	sor.u32 $0x4000, s16;
	[tilespmem:s18+$0xC30 ss:$0x41] =	vst.msk $0xffff, v6;
	v0 =	vld [tilespmem:s17+$0x30]  }
.LBB1_3:
0x40: {  	p1 =	sne.s32 s21, $0xFC;
	v5 =	vld [tilespmem:s17+$0xFFFFFFD0];
	[tilespmem:s18+$0x1040 ss:$0x41] =	vst.msk $0xffff, v4  }
0x41: {  	v6 =	vld [tilespmem:s17+$0xFFFFFFE0];
	[tilespmem:s18+$0x1450 ss:$0x41] =	vst.msk $0xffff, v3  }
0x42: {  	s22 =	sshra.s32 s20, $0x2;
	s20 =	smov.u32 s21;
	v7 =	vld [tilespmem:s17+$0xFFFFFFF0];
	[tilespmem:s18+$0x1860 ss:$0x41] =	vst.msk $0xffff, v2  }
.Ltmp3:
0x43: {  	v4 =	vld [tilespmem:s17+$0x0];
	[tilespmem:s18+$0x0 ss:$0x41] =	vst.msk $0xffff, v1;
	s18 =	sadd.s32 s22, s19;
	(pc) =	sbr.rel @p1 .LBB1_3-.Ltmp3, $4  }
0x44: {  	v3 =	vld [tilespmem:s17+$0x10];
	[tilespmem:s18+$0x1C70 ss:$0x41] =	vst.msk $0xffff, v0  }
0x45: {  	[tilespmem:s18+$0x410 ss:$0x41] =	vst.msk $0xffff, v5;
	v2 =	vld [tilespmem:s17+$0x20]  }
0x46: {  	v1 =	vld [tilespmem:s17+$0xFFFFFFC0];
	[tilespmem:s18+$0x820 ss:$0x41] =	vst.msk $0xffff, v6;
	s17 =	sadd.s32 $0x80, s17  }
0x47: {  	s21 =	sadd.s32 $0x4, s21;
	v0 =	vld [tilespmem:s17+$0x30];
	[tilespmem:s18+$0xC30 ss:$0x41] =	vst.msk $0xffff, v7  }
0x48: {  	s21 =	sshll.u32 s9, $0x7;
	s22 =	sshll.u32 s10, $0x3;
	s20 =	sshra.s32 s20, $0x2  }
0x49: {  	p1 =	sgt.s32 s9, $0xF41C0;
	s30 =	sshra.s32 s9, $0x1F;
	s25 =	sshra.s32 s10, $0x1F  }
0x4a: {  	v5 =	vld [tilespmem:s17+$0xFFFFFFD0];
	s28 =	sshrl.u32 s10, $0x3;
	s23 =	sand.u32 $0xFFFFFC00, s21;
	s22 =	sand.u32 $0xFFFFFC00, s22  }
0x4b: {  	[tilespmem:s18+$0x1040 ss:$0x41] =	vst.msk $0xffff, v4;
	v58 =	vld [tilespmem:s17+$0xFFFFFFE0];
	s21 =	sand.u32 $0x380, s21;
	s19 =	sadd.s32 s20, s19;
	s22 =	sadd.s32 s22, s23  }
0x4c: {  	v59 =	vld [tilespmem:s17+$0xFFFFFFF0];
	[tilespmem:s18+$0x1450 ss:$0x41] =	vst.msk $0xffff, v3;
	s29 =	sor.u32 s21, s22;
	s21 =	smov.u32 s9;
	s22 =	sand.u32 s30, s9  }
0x4d: {  	v60 =	vld [tilespmem:s17+$0x0];
	[tilespmem:s18+$0x1860 ss:$0x41] =	vst.msk $0xffff, v2;
	s30 =	sand.u32 $0x7, s10;
	s20 =	sshrl.u32 s29, $0x7;
	s21 =	simm.s32 @!p1 $0xF41C0  }
0x4e: {  	v61 =	vld [tilespmem:s17+$0x10];
	[tilespmem:s18+$0x0 ss:$0x41] =	vst.msk $0xffff, v1;
	p1 =	sgt.s32 s10, $0x40;
	s24 =	ssub.s32 s21, s22;
	s21 =	smov.u32 s10  }
0x4f: {  	v62 =	vld [tilespmem:s17+$0x20];
	[tilespmem:s19+$0x1C70 ss:$0x41] =	vst.msk $0xffff, v0;
	s31 =	smulhi.u32 $0x218DEF5, s20;
	s22 =	sand.u32 s25, s10;
	s21 =	simm.s32 @!p1 $0x40  }
0x50: {  	v63 =	vld [tilespmem:s17+$0xFFFFFFC0];
	[tilespmem:s19+$0x410 ss:$0x41] =	vst.msk $0xffff, v5;
	s26 =	sadd.s32 $0xFFF0BE40, s24;
	s17 =	ssub.s32 $0xF4240, s24;
	s21 =	ssub.s32 s21, s22  }
0x51: {  	[tilespmem:s19+$0x820 ss:$0x41] =	vst.msk $0xffff, v58;
	s23 =	sshrl.u32 s31, $0xD;
	p1 =	sgt.s32 s26, $0x7F;
	s27 =	sadd.s32 $0xFFFFFFC0, s21  }
0x52: {  	[tilespmem:s19+$0xC30 ss:$0x41] =	vst.msk $0xffff, v59;
	s23 =	smul.u32 $0xF4240, s23;
	s18 =	ssub.s32 $0x80, s21;
	p2 =	sgt.s32 s27, $0x3F  }
.Ltmp4:
0x53: {  	[tilespmem:s19+$0x1040 ss:$0x41] =	vst.msk $0xffff, v60;
	s17 =	simm.s32 @p1 $0x0;
	s18 =	simm.s32 @p2 $0x0;
	(pc) =	sbr.rel .LBB1_5-.Ltmp4, $4  }
0x54: {  	s29 =	sand.u32 $0xF, s28;
	[tilespmem:s19+$0x1450 ss:$0x41] =	vst.msk $0xffff, v61;
	s20 =	ssub.s32 s20, s23;
	s17 =	smul.u32 s18, s17  }
0x55: {  	[tilespmem:s19+$0x1860 ss:$0x41] =	vst.msk $0xffff, v62;
	s21 =	sshll.u32 s30, $0x12;
	s20 =	sshll.u32 s20, $0x4;
	s18 =	sadd.s32 s5, s29  }
0x56: {  	[tilespmem:s19+$0x0 ss:$0x41] =	vst.msk $0xffff, v63;
	s31 =	sor.u32 $0x40, s21;
	s18 =	sadd.s32 s20, s18;
	s17 =	sand.u32 $0x3FFFFFFF, s17  }
0x57: {  	[hbm4b:s18+s31] =	stream.strided.scatter [tilespmem:s16], [sflag:$0x2], s17, s8, s31, $0x18;
	[tilespmem:$0x8100] =	vst v63  }
.LBB1_6:
0x58: {  	_ =	sfence.sel $0x180000  }
0x59: {  	s2 =	simm.s32 $0x1;
	[bflag:$0x0] =	sbarrier.arrive $0xFFFF  }
0x5a: {  	s31 =	simm.s32 $0x2;
	[sflag:s2] =	ssyncpa.u1 $0x1  }
0x5b: {  	[sflag:s31] =	ssyncpa.u1 $0x1  }
0x5c: {  	p0 =	sne.s32 s1, $0x0;
	_ =	strace $0x90000047  }
0x5d: {  	s0 =	sadd.s32 @!p0 $0x100000, s0;
	[bflag:$0x2] =	sbarrier.arrive $0xFFFF  }
0x5e: {  	[sflag:s0] =	ssyncadd.tile.s32 @!p0 $0x1;
	_ =	shalt  }
.Lfunc_end1:
_tile_overlayer_lowered:
.L_overlay_start_2:
0x5f: {  	(tag) =	ssettag $0x2  }
0x60: {  	s0 =	rddreg [dreg:$0x0];
	s2 =	stileid.u32  }
0x61: {  	s1 =	rddreg [dreg:$0x1];
	p0 =	sne.s32 s2, $0x0  }
0x62: {  	s3 =	rddreg [dreg:$0x2];
	[bflag:$0x3] =	sbarrier.arrive $0xFFFF;
	s2 =	simm.s32 @!p0 $0x1C01  }
0x63: {  	[timem:s3], [sflag:s2] =	dma.local @!p0 [hbm:s0], s1  }
0x64: {  	s0 =	simm.s32 @!p0 $0x1  }
0x65: {  	_ =	swait.ge @!p0 [sflag:s0], s1  }
0x66: {  	s1 =	ssub.s32 @!p0 $0x0, s1;
	[sflag:s0] =	ssyncset.done @!p0 $0x0  }
0x67: {  	[sflag:s0] =	ssyncadd.s32 @!p0 s1  }
0x68: {  	[bflag:$0x3] =	sbarrier.arrive $0xFFFF  }
0x69: {  	_ =	shalt  }

</sc_bundles>
